<compile_context>
chip_gen: v7x
topology: tpu7x:2x2x1
jax: 0.10.2.dev20260603
libtpu: 0.0.44.dev20260713+nightly
codegen_flags: <defaults>
</compile_context>

<pallas_src>
import functools

import jax
import jax.numpy as jnp
from jax import lax
from jax.experimental import pallas as pl
from jax.experimental.pallas import tpu as pltpu
from jax.experimental.pallas import tpu_sc as plsc

N = 10000
E = 160000
D = 256
DE = 16
H = 128
DH = 128

NTILES = 16
EPT = E // NTILES
CH = 80
NCHUNK = EPT // CH
ROWS_A = 640
ROWS_B = N - 15 * ROWS_A



_EBLK = 1280


def _prompt_body(ef_ref, g_ref, b_ref, w1_ref, b1_ref, w2_ref, b2_ref, pv_ref,
                 lo_ref):
    ef = ef_ref[...]
    mu = jnp.mean(ef, axis=1, keepdims=True)
    xc = ef - mu
    var = jnp.mean(xc * xc, axis=1, keepdims=True)
    h = xc * lax.rsqrt(var + 1e-5) * g_ref[...] + b_ref[...]
    h1 = jnp.maximum(
        jnp.dot(h, w1_ref[...], preferred_element_type=jnp.float32) + b1_ref[...],
        0.0)
    p = pv_ref[...] + 0.5 * (
        jnp.dot(h1, w2_ref[...], preferred_element_type=jnp.float32) + b2_ref[...])
    lo_ref[0] = p[:, :DH]
    lo_ref[1] = p[:, DH:]


def _edge_prompt(ef, ln_g, ln_b, W1, b1, W2, b2, p_vec):
    grid = (E // _EBLK,)
    return pl.pallas_call(
        _prompt_body,
        grid=grid,
        in_specs=[
            pl.BlockSpec((_EBLK, DE), lambda i: (i, 0)),
            pl.BlockSpec((1, DE), lambda i: (0, 0)),
            pl.BlockSpec((1, DE), lambda i: (0, 0)),
            pl.BlockSpec((DE, H), lambda i: (0, 0)),
            pl.BlockSpec((1, H), lambda i: (0, 0)),
            pl.BlockSpec((H, D), lambda i: (0, 0)),
            pl.BlockSpec((1, D), lambda i: (0, 0)),
            pl.BlockSpec((1, D), lambda i: (0, 0)),
        ],
        out_specs=pl.BlockSpec((2, _EBLK, DH), lambda i: (0, i, 0)),
        out_shape=jax.ShapeDtypeStruct((2, E, DH), jnp.float32),
    )(ef, ln_g.reshape(1, DE), ln_b.reshape(1, DE), W1, b1.reshape(1, H), W2,
      b2.reshape(1, D), p_vec.reshape(1, D))



@functools.cache
def _make_sc_agg():
    mesh = plsc.VectorSubcoreMesh(core_axis_name="c", subcore_axis_name="s")

    @functools.partial(
        pl.kernel,
        mesh=mesh,
        out_type=[
            jax.ShapeDtypeStruct((2 * N, DH), jnp.float32),
            jax.ShapeDtypeStruct((N, 128), jnp.float32),
        ],
        scratch_types=[
            pltpu.VMEM((CH,), jnp.int32),
            pltpu.VMEM((CH,), jnp.int32),
            pltpu.VMEM((CH,), jnp.int32),
            pltpu.VMEM((CH,), jnp.int32),
            pltpu.VMEM((CH, DH), jnp.float32),
            pltpu.VMEM((CH, DH), jnp.float32),
            pltpu.VMEM((CH, DH), jnp.float32),
            pltpu.VMEM((CH, DH), jnp.float32),
            pltpu.VMEM_SHARED((N, DH), jnp.float32),
            pltpu.SemaphoreType.DMA,
            pltpu.SemaphoreType.DMA,
            pltpu.SemaphoreType.DMA,
            pltpu.SemaphoreType.DMA,
        ],
    )
    def _sc_agg(x_cat, src_hbm, dst_hbm, p_cat,
                out_cat, deg_out,
                src_v0, src_v1, dst_v0, dst_v1, xr0, xr1, pr0, pr1,
                acc, semL0, semL1, semG0, semG1):
        c = lax.axis_index("c")
        s = lax.axis_index("s")
        xoff = c * N
        poff = c * E

        B = [(src_v0, dst_v0, xr0, pr0, semL0, semG0),
             (src_v1, dst_v1, xr1, pr1, semL1, semG1)]

        zv = jnp.zeros((16,), jnp.float32)

        def fill_rows(ref, val):
            def body(e, carry):
                for j in range(DH // 16):
                    ref[e, pl.ds(j * 16, 16)] = val
                return carry
            lax.fori_loop(0, CH, body, 0)

        def zero_acc_span():
            def span(nspan):
                for j in range(nspan):
                    sl = pl.ds(s * ROWS_A + j * CH, CH)
                    pltpu.sync_copy(xr0, acc.at[sl])

            @pl.when(s < NTILES - 1)
            def _():
                span(ROWS_A // CH)

            @pl.when(s == NTILES - 1)
            def _():
                span(ROWS_B // CH)

        def issue_loads(ch, b):
            src_v, dst_v, _, p_rows, semL, _ = B[b]
            base = s * EPT + ch * CH
            pltpu.async_copy(src_hbm.at[pl.ds(poff + base, CH)], src_v, semL)
            pltpu.async_copy(dst_hbm.at[pl.ds(base, CH)], dst_v, semL)
            pltpu.async_copy(p_cat.at[pl.ds(poff + base, CH)], p_rows, semL)

        def drain_loads(b):
            src_v, dst_v, _, p_rows, semL, _ = B[b]
            pltpu.make_async_copy(src_hbm.at[pl.ds(0, CH)], src_v, semL).wait()
            pltpu.make_async_copy(dst_hbm.at[pl.ds(0, CH)], dst_v, semL).wait()
            pltpu.make_async_copy(p_cat.at[pl.ds(0, CH)], p_rows, semL).wait()

        def issue_gather(b):
            src_v, _, x_rows, _, _, semG = B[b]
            pltpu.async_copy(x_cat.at[src_v], x_rows, semG)

        def drain_gather(b):
            _, _, x_rows, _, _, semG = B[b]
            pltpu.make_async_copy(x_cat.at[pl.ds(0, CH)], x_rows, semG).wait()

        def mul_scatter(b):
            _, dst_v, x_rows, p_rows, _, _ = B[b]

            def mrow(e, inner):
                for j in range(DH // 16):
                    sl = pl.ds(j * 16, 16)
                    x_rows[e, sl] = x_rows[e, sl] * p_rows[e, sl]
                return inner

            lax.fori_loop(0, CH, mrow, 0)
            pltpu.sync_copy(x_rows, acc.at[dst_v], add=True)

        fill_rows(xr0, zv)
        zero_acc_span()
        plsc.subcore_barrier()

        issue_loads(0, 0)

        def pair(m, carry):
            for b in (0, 1):
                ch = 2 * m + b

                @pl.when(ch < NCHUNK)
                def _():
                    drain_loads(b)
                    issue_gather(b)

                @pl.when(ch >= 1)
                def _():
                    drain_gather(1 - b)
                    mul_scatter(1 - b)

                @pl.when(ch < NCHUNK - 1)
                def _():
                    issue_loads(ch + 1, 1 - b)
            return carry

        lax.fori_loop(0, (NCHUNK + 2) // 2, pair, 0)

        plsc.subcore_barrier()

        def dump_agg(nspan):
            for j in range(nspan):
                sl = pl.ds(s * ROWS_A + j * CH, CH)
                osl = pl.ds(xoff + s * ROWS_A + j * CH, CH)
                pltpu.sync_copy(acc.at[sl], xr0)
                pltpu.sync_copy(xr0, out_cat.at[osl])

        @pl.when(s < NTILES - 1)
        def _():
            dump_agg(ROWS_A // CH)

        @pl.when(s == NTILES - 1)
        def _():
            dump_agg(ROWS_B // CH)

        plsc.subcore_barrier()

        fill_rows(xr0, zv)
        zero_acc_span()
        ov = jnp.full((16,), 1.0, jnp.float32)
        fill_rows(pr0, ov)
        plsc.subcore_barrier()

        def issue_dst(ch, b):
            dst_v, semL = B[b][1], B[b][4]
            pltpu.async_copy(dst_hbm.at[pl.ds(s * EPT + ch * CH, CH)],
                             dst_v, semL)

        def drain_dst(b):
            dst_v, semL = B[b][1], B[b][4]
            pltpu.make_async_copy(dst_hbm.at[pl.ds(0, CH)], dst_v, semL).wait()

        issue_dst(0, 0)

        def pair_deg(m, carry):
            for b in (0, 1):
                ch = 2 * m + b

                @pl.when(ch < NCHUNK)
                def _():
                    drain_dst(b)

                @pl.when(ch < NCHUNK - 1)
                def _():
                    issue_dst(ch + 1, 1 - b)

                @pl.when(ch < NCHUNK)
                def _():
                    pltpu.sync_copy(pr0, acc.at[B[b][1]], add=True)
            return carry

        lax.fori_loop(0, (NCHUNK + 1) // 2, pair_deg, 0)

        plsc.subcore_barrier()

        HN = N // 2
        DR_A = 320
        DR_B = HN - 15 * DR_A

        def dump_deg(spans):
            for (off, ln) in spans:
                pltpu.sync_copy(acc.at[pl.ds(c * HN + off, ln)],
                                xr0.at[pl.ds(0, ln)])
                pltpu.sync_copy(xr0.at[pl.ds(0, ln)],
                                deg_out.at[pl.ds(c * HN + off, ln)])

        @pl.when(s < NTILES - 1)
        def _():
            dump_deg([(s * DR_A + j * CH, CH) for j in range(DR_A // CH)])

        @pl.when(s == NTILES - 1)
        def _():
            dump_deg([(15 * DR_A, CH), (15 * DR_A + CH, CH),
                      (15 * DR_A + 2 * CH, DR_B - 2 * CH)])

    return _sc_agg



_NBLK = 1000


def _fin_body(x_ref, lo_ref, hi_ref, deg_ref, g_ref, b_ref, out_ref):
    x = x_ref[...]
    agg = jnp.concatenate([lo_ref[...], hi_ref[...]], axis=1)
    deg = jnp.maximum(deg_ref[:, 0:1], 1.0)
    h = x + 0.5 * agg / deg
    mu = jnp.mean(h, axis=1, keepdims=True)
    xc = h - mu
    var = jnp.mean(xc * xc, axis=1, keepdims=True)
    out_ref[...] = xc * lax.rsqrt(var + 1e-5) * g_ref[...] + b_ref[...]


def _finalize(x, agg_lo, agg_hi, deg, g, b):
    grid = (N // _NBLK,)
    return pl.pallas_call(
        _fin_body,
        grid=grid,
        in_specs=[
            pl.BlockSpec((_NBLK, D), lambda i: (i, 0)),
            pl.BlockSpec((_NBLK, DH), lambda i: (i, 0)),
            pl.BlockSpec((_NBLK, DH), lambda i: (N // _NBLK + i, 0)),
            pl.BlockSpec((_NBLK, 128), lambda i: (i, 0)),
            pl.BlockSpec((1, D), lambda i: (0, 0)),
            pl.BlockSpec((1, D), lambda i: (0, 0)),
        ],
        out_specs=pl.BlockSpec((_NBLK, D), lambda i: (i, 0)),
        out_shape=jax.ShapeDtypeStruct((N, D), jnp.float32),
    )(x, agg_lo, agg_hi, deg, g.reshape(1, D), b.reshape(1, D))



def kernel(x_user, x_item, edge_index_ui, edge_index_iu, edge_feat_ui,
           edge_feat_iu, p_ui, p_iu, ln_e_g, ln_e_b, W1, b1, W2, b2,
           ln_u_g, ln_u_b, ln_i_g, ln_i_b):
    src_ui, dst_ui = edge_index_ui[0], edge_index_ui[1]
    src_iu, dst_iu = edge_index_iu[0], edge_index_iu[1]

    p_ui_cat = _edge_prompt(edge_feat_ui, ln_e_g, ln_e_b, W1, b1, W2,
                            b2, p_ui).reshape(2 * E, DH)
    p_iu_cat = _edge_prompt(edge_feat_iu, ln_e_g, ln_e_b, W1, b1, W2,
                            b2, p_iu).reshape(2 * E, DH)

    xu_cat = jnp.concatenate([x_user[:, :DH], x_user[:, DH:]], axis=0)
    xi_cat = jnp.concatenate([x_item[:, :DH], x_item[:, DH:]], axis=0)

    src_ui2 = jnp.concatenate([src_ui, src_ui + N])
    src_iu2 = jnp.concatenate([src_iu, src_iu + N])

    sc_agg = _make_sc_agg()
    agg_i, deg_i = sc_agg(xu_cat, src_ui2, dst_ui, p_ui_cat)
    agg_u, deg_u = sc_agg(xi_cat, src_iu2, dst_iu, p_iu_cat)

    out_user = _finalize(x_user, agg_u, agg_u, deg_u, ln_u_g, ln_u_b)
    out_item = _finalize(x_item, agg_i, agg_i, deg_i, ln_i_g, ln_i_b)
    return (out_user, out_item)

# --- scband reference (transcript-rebuilt; emitter-appended) ---
"""Pipeline reference for scband-type-pair-relation-prompt-72206990180999 (READ-ONLY COPY).

The authoritative reference and input builder live on the scoring server;
editing this copy changes nothing except your own understanding.
"""

import jax, jax.numpy as jnp
import numpy as np


def _ln(x, g, b):
    mu = jnp.mean(x, axis=-1, keepdims=True)
    var = jnp.var(x, axis=-1, keepdims=True)
    return (x - mu) * jax.lax.rsqrt(var + 1e-5) * g + b


def setup_inputs(seed: int = 0) -> dict:
    key = jax.random.key(seed)
    ks = jax.random.split(key, 20)
    N = 10000
    E = 160000
    D = 256
    DE = 16
    H = 128
    return {
        "x_user": jax.random.normal(ks[0], (N, D), dtype=jnp.float32),
        "x_item": jax.random.normal(ks[1], (N, D), dtype=jnp.float32),
        "edge_index_ui": jax.random.randint(ks[2], (2, E), 0, N, dtype=jnp.int32),
        "edge_index_iu": jax.random.randint(ks[3], (2, E), 0, N, dtype=jnp.int32),
        "edge_feat_ui": jax.random.normal(ks[4], (E, DE), dtype=jnp.float32),
        "edge_feat_iu": jax.random.normal(ks[5], (E, DE), dtype=jnp.float32),
        "p_ui": 1.0 + 0.1 * jax.random.normal(ks[6], (D,), dtype=jnp.float32),
        "p_iu": 1.0 + 0.1 * jax.random.normal(ks[7], (D,), dtype=jnp.float32),
        "ln_e_g": 1.0 + 0.05 * jax.random.normal(ks[8], (DE,), dtype=jnp.float32),
        "ln_e_b": 0.05 * jax.random.normal(ks[9], (DE,), dtype=jnp.float32),
        "W1": jax.random.normal(ks[10], (DE, H), dtype=jnp.float32) / np.sqrt(DE),
        "b1": jnp.zeros((H,), dtype=jnp.float32),
        "W2": jax.random.normal(ks[11], (H, D), dtype=jnp.float32) / np.sqrt(H),
        "b2": jnp.zeros((D,), dtype=jnp.float32),
        "ln_u_g": 1.0 + 0.05 * jax.random.normal(ks[12], (D,), dtype=jnp.float32),
        "ln_u_b": 0.05 * jax.random.normal(ks[13], (D,), dtype=jnp.float32),
        "ln_i_g": 1.0 + 0.05 * jax.random.normal(ks[14], (D,), dtype=jnp.float32),
        "ln_i_b": 0.05 * jax.random.normal(ks[15], (D,), dtype=jnp.float32),
    }


def reference(x_user, x_item, edge_index_ui, edge_index_iu, edge_feat_ui, edge_feat_iu,
              p_ui, p_iu, ln_e_g, ln_e_b, W1, b1, W2, b2, ln_u_g, ln_u_b, ln_i_g, ln_i_b):
    alpha = 0.5
    ep_alpha = 0.5

    def edge_prompt_mlp(ef):
        h = _ln(ef, ln_e_g, ln_e_b)
        h = jnp.maximum(h @ W1 + b1, 0.0)
        return h @ W2 + b2

    # relation (user, rates, item): pair key user__TO__item
    src_ui = edge_index_ui[0]
    dst_ui = edge_index_ui[1]
    p1 = p_ui[None, :] + ep_alpha * edge_prompt_mlp(edge_feat_ui)  # fusion='add'
    msg1 = x_user[src_ui] * p1  # mode='mul'
    agg_item = jax.ops.segment_sum(msg1, dst_ui, num_segments=x_item.shape[0])
    deg_item = jax.ops.segment_sum(
        jnp.ones((dst_ui.shape[0],), dtype=x_item.dtype), dst_ui,
        num_segments=x_item.shape[0])[:, None]

    # relation (item, rated_by, user): pair key item__TO__user
    src_iu = edge_index_iu[0]
    dst_iu = edge_index_iu[1]
    p2 = p_iu[None, :] + ep_alpha * edge_prompt_mlp(edge_feat_iu)
    msg2 = x_item[src_iu] * p2
    agg_user = jax.ops.segment_sum(msg2, dst_iu, num_segments=x_user.shape[0])
    deg_user = jax.ops.segment_sum(
        jnp.ones((dst_iu.shape[0],), dtype=x_user.dtype), dst_iu,
        num_segments=x_user.shape[0])[:, None]

    # aggr='mean', residual, dropout(eval)=identity, per-type LayerNorm
    h_user = x_user + alpha * (agg_user / jnp.maximum(deg_user, 1.0))
    h_item = x_item + alpha * (agg_item / jnp.maximum(deg_item, 1.0))
    out_user = _ln(h_user, ln_u_g, ln_u_b)
    out_item = _ln(h_item, ln_i_g, ln_i_b)
    return (out_user, out_item)

if __name__ == "__main__":
    import jax
    _d = setup_inputs()
    print(jax.jit(kernel)(*tuple(_d.values())))

</pallas_src>

<mosaic_0001>
#map = affine_map<(d0, d1) -> (0, 0)>
#map1 = affine_map<(d0, d1) -> (0)>
module attributes {stable_mosaic.version = 14 : i64} {
  func.func @_sc_agg(%arg0: i32, %arg1: i32, %arg2: memref<20000x128xf32, #tpu.memory_space<hbm>>, %arg3: memref<320000xi32, #tpu.memory_space<hbm>>, %arg4: memref<160000xi32, #tpu.memory_space<hbm>>, %arg5: memref<320000x128xf32, #tpu.memory_space<hbm>>, %arg6: memref<20000x128xf32, #tpu.memory_space<hbm>>, %arg7: memref<10000x128xf32, #tpu.memory_space<hbm>>, %arg8: memref<80xi32, #tpu.memory_space<vmem>>, %arg9: memref<80xi32, #tpu.memory_space<vmem>>, %arg10: memref<80xi32, #tpu.memory_space<vmem>>, %arg11: memref<80xi32, #tpu.memory_space<vmem>>, %arg12: memref<80x128xf32, #tpu.memory_space<vmem>>, %arg13: memref<80x128xf32, #tpu.memory_space<vmem>>, %arg14: memref<80x128xf32, #tpu.memory_space<vmem>>, %arg15: memref<80x128xf32, #tpu.memory_space<vmem>>, %arg16: memref<10000x128xf32, #tpu.memory_space<vmem_shared>>, %arg17: memref<!tpu.dma_semaphore, #tpu.memory_space<semaphore_mem>>, %arg18: memref<!tpu.dma_semaphore, #tpu.memory_space<semaphore_mem>>, %arg19: memref<!tpu.dma_semaphore, #tpu.memory_space<semaphore_mem>>, %arg20: memref<!tpu.dma_semaphore, #tpu.memory_space<semaphore_mem>>) attributes {dimension_semantics = [#tpu.dimension_semantics<core_parallel>, #tpu.dimension_semantics<subcore_parallel>], iteration_bounds = array<i64: 2, 16>, scalar_prefetch = 0 : i64, scratch_operands = 13 : i64, tpu.core_type = #tpu.core_type<sc_vector_subcore>, window_params = [{transform_indices = #map}, {transform_indices = #map1}, {transform_indices = #map1}, {transform_indices = #map}, {transform_indices = #map}, {transform_indices = #map}]} {
    %mul3A = arith.constant 10000 : i32
    %mul3A_0 = arith.muli %arg0, %mul3A : i32
    %mul3A_1 = arith.constant 160000 : i32
    %mul3A_2 = arith.muli %arg0, %mul3A_1 : i32
    %broadcast_in_dim3A = arith.constant 0.000000e+00 : f32
    %broadcast_in_dim3A_3 = vector.broadcast %broadcast_in_dim3A : f32 to vector<16xf32>
    %scan3A = arith.constant 0 : i32
    %scan3A_4 = arith.constant 0 : i32
    %scan3A_5 = arith.constant 80 : i32
    %scan3A_6 = arith.addi %scan3A_4, %scan3A_5 : i32
    %scan3A_7 = arith.constant 1 : i32
    scf.for %scan3A_93 = %scan3A_4 to %scan3A_6 step %scan3A_7  : i32 {
      %swap3A = arith.index_cast %scan3A_93 : i32 to index
      %swap3A_94 = arith.constant 0 : index
      %swap3A_95 = tpu.vector_load %arg12[%swap3A, %swap3A_94] {strides = array<i32>} : memref<80x128xf32, #tpu.memory_space<vmem>>, vector<1x16xf32>,
      %swap3A_96 = vector.shape_cast %swap3A_95 : vector<1x16xf32> to vector<16xf32>
      %swap3A_97 = vector.shape_cast %broadcast_in_dim3A_3 : vector<16xf32> to vector<1x16xf32>
      tpu.vector_store %arg12[%swap3A, %swap3A_94], %swap3A_97 {strides = array<i32>} : memref<80x128xf32, #tpu.memory_space<vmem>>, vector<1x16xf32>,
      %swap3A_98 = arith.index_cast %scan3A_93 : i32 to index
      %swap3A_99 = arith.constant 16 : index
      %swap3A_100 = tpu.vector_load %arg12[%swap3A_98, %swap3A_99] {strides = array<i32>} : memref<80x128xf32, #tpu.memory_space<vmem>>, vector<1x16xf32>,
      %swap3A_101 = vector.shape_cast %swap3A_100 : vector<1x16xf32> to vector<16xf32>
      %swap3A_102 = vector.shape_cast %broadcast_in_dim3A_3 : vector<16xf32> to vector<1x16xf32>
      tpu.vector_store %arg12[%swap3A_98, %swap3A_99], %swap3A_102 {strides = array<i32>} : memref<80x128xf32, #tpu.memory_space<vmem>>, vector<1x16xf32>,
      %swap3A_103 = arith.index_cast %scan3A_93 : i32 to index
      %swap3A_104 = arith.constant 32 : index
      %swap3A_105 = tpu.vector_load %arg12[%swap3A_103, %swap3A_104] {strides = array<i32>} : memref<80x128xf32, #tpu.memory_space<vmem>>, vector<1x16xf32>,
      %swap3A_106 = vector.shape_cast %swap3A_105 : vector<1x16xf32> to vector<16xf32>
      %swap3A_107 = vector.shape_cast %broadcast_in_dim3A_3 : vector<16xf32> to vector<1x16xf32>
      tpu.vector_store %arg12[%swap3A_103, %swap3A_104], %swap3A_107 {strides = array<i32>} : memref<80x128xf32, #tpu.memory_space<vmem>>, vector<1x16xf32>,
      %swap3A_108 = arith.index_cast %scan3A_93 : i32 to index
      %swap3A_109 = arith.constant 48 : index
      %swap3A_110 = tpu.vector_load %arg12[%swap3A_108, %swap3A_109] {strides = array<i32>} : memref<80x128xf32, #tpu.memory_space<vmem>>, vector<1x16xf32>,
      %swap3A_111 = vector.shape_cast %swap3A_110 : vector<1x16xf32> to vector<16xf32>
      %swap3A_112 = vector.shape_cast %broadcast_in_dim3A_3 : vector<16xf32> to vector<1x16xf32>
      tpu.vector_store %arg12[%swap3A_108, %swap3A_109], %swap3A_112 {strides = array<i32>} : memref<80x128xf32, #tpu.memory_space<vmem>>, vector<1x16xf32>,
      %swap3A_113 = arith.index_cast %scan3A_93 : i32 to index
      %swap3A_114 = arith.constant 64 : index
      %swap3A_115 = tpu.vector_load %arg12[%swap3A_113, %swap3A_114] {strides = array<i32>} : memref<80x128xf32, #tpu.memory_space<vmem>>, vector<1x16xf32>,
      %swap3A_116 = vector.shape_cast %swap3A_115 : vector<1x16xf32> to vector<16xf32>
      %swap3A_117 = vector.shape_cast %broadcast_in_dim3A_3 : vector<16xf32> to vector<1x16xf32>
      tpu.vector_store %arg12[%swap3A_113, %swap3A_114], %swap3A_117 {strides = array<i32>} : memref<80x128xf32, #tpu.memory_space<vmem>>, vector<1x16xf32>,
      %swap3A_118 = arith.index_cast %scan3A_93 : i32 to index
      %swap3A_119 = arith.constant 80 : index
      %swap3A_120 = tpu.vector_load %arg12[%swap3A_118, %swap3A_119] {strides = array<i32>} : memref<80x128xf32, #tpu.memory_space<vmem>>, vector<1x16xf32>,
      %swap3A_121 = vector.shape_cast %swap3A_120 : vector<1x16xf32> to vector<16xf32>
      %swap3A_122 = vector.shape_cast %broadcast_in_dim3A_3 : vector<16xf32> to vector<1x16xf32>
      tpu.vector_store %arg12[%swap3A_118, %swap3A_119], %swap3A_122 {strides = array<i32>} : memref<80x128xf32, #tpu.memory_space<vmem>>, vector<1x16xf32>,
      %swap3A_123 = arith.index_cast %scan3A_93 : i32 to index
      %swap3A_124 = arith.constant 96 : index
      %swap3A_125 = tpu.vector_load %arg12[%swap3A_123, %swap3A_124] {strides = array<i32>} : memref<80x128xf32, #tpu.memory_space<vmem>>, vector<1x16xf32>,
      %swap3A_126 = vector.shape_cast %swap3A_125 : vector<1x16xf32> to vector<16xf32>
      %swap3A_127 = vector.shape_cast %broadcast_in_dim3A_3 : vector<16xf32> to vector<1x16xf32>
      tpu.vector_store %arg12[%swap3A_123, %swap3A_124], %swap3A_127 {strides = array<i32>} : memref<80x128xf32, #tpu.memory_space<vmem>>, vector<1x16xf32>,
      %swap3A_128 = arith.index_cast %scan3A_93 : i32 to index
      %swap3A_129 = arith.constant 112 : index
      %swap3A_130 = tpu.vector_load %arg12[%swap3A_128, %swap3A_129] {strides = array<i32>} : memref<80x128xf32, #tpu.memory_space<vmem>>, vector<1x16xf32>,
      %swap3A_131 = vector.shape_cast %swap3A_130 : vector<1x16xf32> to vector<16xf32>
      %swap3A_132 = vector.shape_cast %broadcast_in_dim3A_3 : vector<16xf32> to vector<1x16xf32>
      tpu.vector_store %arg12[%swap3A_128, %swap3A_129], %swap3A_132 {strides = array<i32>} : memref<80x128xf32, #tpu.memory_space<vmem>>, vector<1x16xf32>,
    }
    %scan3A_8 = arith.constant 80 : i32
    %lt3A = arith.constant 15 : i32
    %lt3A_9 = arith.cmpi slt, %arg1, %lt3A : i32
    %convert_element_type3A = arith.extui %lt3A_9 : i1 to i32
    %cond3A = arith.constant 0 : i32
    %cond3A_10 = arith.cmpi ne, %convert_element_type3A, %cond3A : i32
    scf.if %cond3A_10 {
      %mul3A_93 = arith.constant 640 : i32
      %mul3A_94 = arith.muli %arg1, %mul3A_93 : i32
      %add3A_95 = arith.constant 0 : i32
      %add3A_96 = arith.addi %mul3A_94, %add3A_95 : i32
      "tpu.region"() ({
        %run_scoped3A = tpu.sem_alloc : memref<!tpu.dma_semaphore, #tpu.memory_space<semaphore_mem>>
        %dma_start3A_125 = arith.constant 0 : i32
        %dma_start3A_126 = tpu.memref_slice %arg16[%add3A_96, %dma_start3A_125] : memref<10000x128xf32, #tpu.memory_space<vmem_shared>> -> memref<80x128xf32, #tpu.memory_space<vmem_shared>>
        %dma_start3A_127 = arith.constant 0 : i32
        %dma_start3A_128 = tpu.memref_slice %arg16[%add3A_96, %dma_start3A_127] : memref<10000x128xf32, #tpu.memory_space<vmem_shared>> -> memref<80x128xf32, #tpu.memory_space<vmem_shared>>
        tpu.enqueue_dma source(%arg12 : memref<80x128xf32, #tpu.memory_space<vmem>>) target(%dma_start3A_128 : memref<80x128xf32, #tpu.memory_space<vmem_shared>>) target_semaphore(%run_scoped3A : memref<!tpu.dma_semaphore, #tpu.memory_space<semaphore_mem>>)
        %dma_wait3A = arith.constant 0 : i32
        %dma_wait3A_129 = tpu.memref_slice %arg16[%add3A_96, %dma_wait3A] : memref<10000x128xf32, #tpu.memory_space<vmem_shared>> -> memref<80x128xf32, #tpu.memory_space<vmem_shared>>
        %dma_wait3A_130 = arith.constant 0 : i32
        %dma_wait3A_131 = tpu.memref_slice %arg16[%add3A_96, %dma_wait3A_130] : memref<10000x128xf32, #tpu.memory_space<vmem_shared>> -> memref<80x128xf32, #tpu.memory_space<vmem_shared>>
        tpu.wait_dma2 semaphore(%run_scoped3A : memref<!tpu.dma_semaphore, #tpu.memory_space<semaphore_mem>>) src(%arg12 : memref<80x128xf32, #tpu.memory_space<vmem>>) dst(%dma_wait3A_131 : memref<80x128xf32, #tpu.memory_space<vmem_shared>>)
        tpu.yield
      }) : () -> ()
      %mul3A_97 = arith.constant 640 : i32
      %mul3A_98 = arith.muli %arg1, %mul3A_97 : i32
      %add3A_99 = arith.constant 80 : i32
      %add3A_100 = arith.addi %mul3A_98, %add3A_99 : i32
      "tpu.region"() ({
        %run_scoped3A = tpu.sem_alloc : memref<!tpu.dma_semaphore, #tpu.memory_space<semaphore_mem>>
        %dma_start3A_125 = arith.constant 0 : i32
        %dma_start3A_126 = tpu.memref_slice %arg16[%add3A_100, %dma_start3A_125] : memref<10000x128xf32, #tpu.memory_space<vmem_shared>> -> memref<80x128xf32, #tpu.memory_space<vmem_shared>>
        %dma_start3A_127 = arith.constant 0 : i32
        %dma_start3A_128 = tpu.memref_slice %arg16[%add3A_100, %dma_start3A_127] : memref<10000x128xf32, #tpu.memory_space<vmem_shared>> -> memref<80x128xf32, #tpu.memory_space<vmem_shared>>
        tpu.enqueue_dma source(%arg12 : memref<80x128xf32, #tpu.memory_space<vmem>>) target(%dma_start3A_128 : memref<80x128xf32, #tpu.memory_space<vmem_shared>>) target_semaphore(%run_scoped3A : memref<!tpu.dma_semaphore, #tpu.memory_space<semaphore_mem>>)
        %dma_wait3A = arith.constant 0 : i32
        %dma_wait3A_129 = tpu.memref_slice %arg16[%add3A_100, %dma_wait3A] : memref<10000x128xf32, #tpu.memory_space<vmem_shared>> -> memref<80x128xf32, #tpu.memory_space<vmem_shared>>
        %dma_wait3A_130 = arith.constant 0 : i32
        %dma_wait3A_131 = tpu.memref_slice %arg16[%add3A_100, %dma_wait3A_130] : memref<10000x128xf32, #tpu.memory_space<vmem_shared>> -> memref<80x128xf32, #tpu.memory_space<vmem_shared>>
        tpu.wait_dma2 semaphore(%run_scoped3A : memref<!tpu.dma_semaphore, #tpu.memory_space<semaphore_mem>>) src(%arg12 : memref<80x128xf32, #tpu.memory_space<vmem>>) dst(%dma_wait3A_131 : memref<80x128xf32, #tpu.memory_space<vmem_shared>>)
        tpu.yield
      }) : () -> ()
      %mul3A_101 = arith.constant 640 : i32
      %mul3A_102 = arith.muli %arg1, %mul3A_101 : i32
      %add3A_103 = arith.constant 160 : i32
      %add3A_104 = arith.addi %mul3A_102, %add3A_103 : i32
      "tpu.region"() ({
        %run_scoped3A = tpu.sem_alloc : memref<!tpu.dma_semaphore, #tpu.memory_space<semaphore_mem>>
        %dma_start3A_125 = arith.constant 0 : i32
        %dma_start3A_126 = tpu.memref_slice %arg16[%add3A_104, %dma_start3A_125] : memref<10000x128xf32, #tpu.memory_space<vmem_shared>> -> memref<80x128xf32, #tpu.memory_space<vmem_shared>>
        %dma_start3A_127 = arith.constant 0 : i32
        %dma_start3A_128 = tpu.memref_slice %arg16[%add3A_104, %dma_start3A_127] : memref<10000x128xf32, #tpu.memory_space<vmem_shared>> -> memref<80x128xf32, #tpu.memory_space<vmem_shared>>
        tpu.enqueue_dma source(%arg12 : memref<80x128xf32, #tpu.memory_space<vmem>>) target(%dma_start3A_128 : memref<80x128xf32, #tpu.memory_space<vmem_shared>>) target_semaphore(%run_scoped3A : memref<!tpu.dma_semaphore, #tpu.memory_space<semaphore_mem>>)
        %dma_wait3A = arith.constant 0 : i32
        %dma_wait3A_129 = tpu.memref_slice %arg16[%add3A_104, %dma_wait3A] : memref<10000x128xf32, #tpu.memory_space<vmem_shared>> -> memref<80x128xf32, #tpu.memory_space<vmem_shared>>
        %dma_wait3A_130 = arith.constant 0 : i32
        %dma_wait3A_131 = tpu.memref_slice %arg16[%add3A_104, %dma_wait3A_130] : memref<10000x128xf32, #tpu.memory_space<vmem_shared>> -> memref<80x128xf32, #tpu.memory_space<vmem_shared>>
        tpu.wait_dma2 semaphore(%run_scoped3A : memref<!tpu.dma_semaphore, #tpu.memory_space<semaphore_mem>>) src(%arg12 : memref<80x128xf32, #tpu.memory_space<vmem>>) dst(%dma_wait3A_131 : memref<80x128xf32, #tpu.memory_space<vmem_shared>>)
        tpu.yield
      }) : () -> ()
      %mul3A_105 = arith.constant 640 : i32
      %mul3A_106 = arith.muli %arg1, %mul3A_105 : i32
      %add3A_107 = arith.constant 240 : i32
      %add3A_108 = arith.addi %mul3A_106, %add3A_107 : i32
      "tpu.region"() ({
        %run_scoped3A = tpu.sem_alloc : memref<!tpu.dma_semaphore, #tpu.memory_space<semaphore_mem>>
        %dma_start3A_125 = arith.constant 0 : i32
        %dma_start3A_126 = tpu.memref_slice %arg16[%add3A_108, %dma_start3A_125] : memref<10000x128xf32, #tpu.memory_space<vmem_shared>> -> memref<80x128xf32, #tpu.memory_space<vmem_shared>>
        %dma_start3A_127 = arith.constant 0 : i32
        %dma_start3A_128 = tpu.memref_slice %arg16[%add3A_108, %dma_start3A_127] : memref<10000x128xf32, #tpu.memory_space<vmem_shared>> -> memref<80x128xf32, #tpu.memory_space<vmem_shared>>
        tpu.enqueue_dma source(%arg12 : memref<80x128xf32, #tpu.memory_space<vmem>>) target(%dma_start3A_128 : memref<80x128xf32, #tpu.memory_space<vmem_shared>>) target_semaphore(%run_scoped3A : memref<!tpu.dma_semaphore, #tpu.memory_space<semaphore_mem>>)
        %dma_wait3A = arith.constant 0 : i32
        %dma_wait3A_129 = tpu.memref_slice %arg16[%add3A_108, %dma_wait3A] : memref<10000x128xf32, #tpu.memory_space<vmem_shared>> -> memref<80x128xf32, #tpu.memory_space<vmem_shared>>
        %dma_wait3A_130 = arith.constant 0 : i32
        %dma_wait3A_131 = tpu.memref_slice %arg16[%add3A_108, %dma_wait3A_130] : memref<10000x128xf32, #tpu.memory_space<vmem_shared>> -> memref<80x128xf32, #tpu.memory_space<vmem_shared>>
        tpu.wait_dma2 semaphore(%run_scoped3A : memref<!tpu.dma_semaphore, #tpu.memory_space<semaphore_mem>>) src(%arg12 : memref<80x128xf32, #tpu.memory_space<vmem>>) dst(%dma_wait3A_131 : memref<80x128xf32, #tpu.memory_space<vmem_shared>>)
        tpu.yield
      }) : () -> ()
      %mul3A_109 = arith.constant 640 : i32
      %mul3A_110 = arith.muli %arg1, %mul3A_109 : i32
      %add3A_111 = arith.constant 320 : i32
      %add3A_112 = arith.addi %mul3A_110, %add3A_111 : i32
      "tpu.region"() ({
        %run_scoped3A = tpu.sem_alloc : memref<!tpu.dma_semaphore, #tpu.memory_space<semaphore_mem>>
        %dma_start3A_125 = arith.constant 0 : i32
        %dma_start3A_126 = tpu.memref_slice %arg16[%add3A_112, %dma_start3A_125] : memref<10000x128xf32, #tpu.memory_space<vmem_shared>> -> memref<80x128xf32, #tpu.memory_space<vmem_shared>>
        %dma_start3A_127 = arith.constant 0 : i32
        %dma_start3A_128 = tpu.memref_slice %arg16[%add3A_112, %dma_start3A_127] : memref<10000x128xf32, #tpu.memory_space<vmem_shared>> -> memref<80x128xf32, #tpu.memory_space<vmem_shared>>
        tpu.enqueue_dma source(%arg12 : memref<80x128xf32, #tpu.memory_space<vmem>>) target(%dma_start3A_128 : memref<80x128xf32, #tpu.memory_space<vmem_shared>>) target_semaphore(%run_scoped3A : memref<!tpu.dma_semaphore, #tpu.memory_space<semaphore_mem>>)
        %dma_wait3A = arith.constant 0 : i32
        %dma_wait3A_129 = tpu.memref_slice %arg16[%add3A_112, %dma_wait3A] : memref<10000x128xf32, #tpu.memory_space<vmem_shared>> -> memref<80x128xf32, #tpu.memory_space<vmem_shared>>
        %dma_wait3A_130 = arith.constant 0 : i32
        %dma_wait3A_131 = tpu.memref_slice %arg16[%add3A_112, %dma_wait3A_130] : memref<10000x128xf32, #tpu.memory_space<vmem_shared>> -> memref<80x128xf32, #tpu.memory_space<vmem_shared>>
        tpu.wait_dma2 semaphore(%run_scoped3A : memref<!tpu.dma_semaphore, #tpu.memory_space<semaphore_mem>>) src(%arg12 : memref<80x128xf32, #tpu.memory_space<vmem>>) dst(%dma_wait3A_131 : memref<80x128xf32, #tpu.memory_space<vmem_shared>>)
        tpu.yield
      }) : () -> ()
      %mul3A_113 = arith.constant 640 : i32
      %mul3A_114 = arith.muli %arg1, %mul3A_113 : i32
      %add3A_115 = arith.constant 400 : i32
      %add3A_116 = arith.addi %mul3A_114, %add3A_115 : i32
      "tpu.region"() ({
        %run_scoped3A = tpu.sem_alloc : memref<!tpu.dma_semaphore, #tpu.memory_space<semaphore_mem>>
        %dma_start3A_125 = arith.constant 0 : i32
        %dma_start3A_126 = tpu.memref_slice %arg16[%add3A_116, %dma_start3A_125] : memref<10000x128xf32, #tpu.memory_space<vmem_shared>> -> memref<80x128xf32, #tpu.memory_space<vmem_shared>>
        %dma_start3A_127 = arith.constant 0 : i32
        %dma_start3A_128 = tpu.memref_slice %arg16[%add3A_116, %dma_start3A_127] : memref<10000x128xf32, #tpu.memory_space<vmem_shared>> -> memref<80x128xf32, #tpu.memory_space<vmem_shared>>
        tpu.enqueue_dma source(%arg12 : memref<80x128xf32, #tpu.memory_space<vmem>>) target(%dma_start3A_128 : memref<80x128xf32, #tpu.memory_space<vmem_shared>>) target_semaphore(%run_scoped3A : memref<!tpu.dma_semaphore, #tpu.memory_space<semaphore_mem>>)
        %dma_wait3A = arith.constant 0 : i32
        %dma_wait3A_129 = tpu.memref_slice %arg16[%add3A_116, %dma_wait3A] : memref<10000x128xf32, #tpu.memory_space<vmem_shared>> -> memref<80x128xf32, #tpu.memory_space<vmem_shared>>
        %dma_wait3A_130 = arith.constant 0 : i32
        %dma_wait3A_131 = tpu.memref_slice %arg16[%add3A_116, %dma_wait3A_130] : memref<10000x128xf32, #tpu.memory_space<vmem_shared>> -> memref<80x128xf32, #tpu.memory_space<vmem_shared>>
        tpu.wait_dma2 semaphore(%run_scoped3A : memref<!tpu.dma_semaphore, #tpu.memory_space<semaphore_mem>>) src(%arg12 : memref<80x128xf32, #tpu.memory_space<vmem>>) dst(%dma_wait3A_131 : memref<80x128xf32, #tpu.memory_space<vmem_shared>>)
        tpu.yield
      }) : () -> ()
      %mul3A_117 = arith.constant 640 : i32
      %mul3A_118 = arith.muli %arg1, %mul3A_117 : i32
      %add3A_119 = arith.constant 480 : i32
      %add3A_120 = arith.addi %mul3A_118, %add3A_119 : i32
      "tpu.region"() ({
        %run_scoped3A = tpu.sem_alloc : memref<!tpu.dma_semaphore, #tpu.memory_space<semaphore_mem>>
        %dma_start3A_125 = arith.constant 0 : i32
        %dma_start3A_126 = tpu.memref_slice %arg16[%add3A_120, %dma_start3A_125] : memref<10000x128xf32, #tpu.memory_space<vmem_shared>> -> memref<80x128xf32, #tpu.memory_space<vmem_shared>>
        %dma_start3A_127 = arith.constant 0 : i32
        %dma_start3A_128 = tpu.memref_slice %arg16[%add3A_120, %dma_start3A_127] : memref<10000x128xf32, #tpu.memory_space<vmem_shared>> -> memref<80x128xf32, #tpu.memory_space<vmem_shared>>
        tpu.enqueue_dma source(%arg12 : memref<80x128xf32, #tpu.memory_space<vmem>>) target(%dma_start3A_128 : memref<80x128xf32, #tpu.memory_space<vmem_shared>>) target_semaphore(%run_scoped3A : memref<!tpu.dma_semaphore, #tpu.memory_space<semaphore_mem>>)
        %dma_wait3A = arith.constant 0 : i32
        %dma_wait3A_129 = tpu.memref_slice %arg16[%add3A_120, %dma_wait3A] : memref<10000x128xf32, #tpu.memory_space<vmem_shared>> -> memref<80x128xf32, #tpu.memory_space<vmem_shared>>
        %dma_wait3A_130 = arith.constant 0 : i32
        %dma_wait3A_131 = tpu.memref_slice %arg16[%add3A_120, %dma_wait3A_130] : memref<10000x128xf32, #tpu.memory_space<vmem_shared>> -> memref<80x128xf32, #tpu.memory_space<vmem_shared>>
        tpu.wait_dma2 semaphore(%run_scoped3A : memref<!tpu.dma_semaphore, #tpu.memory_space<semaphore_mem>>) src(%arg12 : memref<80x128xf32, #tpu.memory_space<vmem>>) dst(%dma_wait3A_131 : memref<80x128xf32, #tpu.memory_space<vmem_shared>>)
        tpu.yield
      }) : () -> ()
      %mul3A_121 = arith.constant 640 : i32
      %mul3A_122 = arith.muli %arg1, %mul3A_121 : i32
      %add3A_123 = arith.constant 560 : i32
      %add3A_124 = arith.addi %mul3A_122, %add3A_123 : i32
      "tpu.region"() ({
        %run_scoped3A = tpu.sem_alloc : memref<!tpu.dma_semaphore, #tpu.memory_space<semaphore_mem>>
        %dma_start3A_125 = arith.constant 0 : i32
        %dma_start3A_126 = tpu.memref_slice %arg16[%add3A_124, %dma_start3A_125] : memref<10000x128xf32, #tpu.memory_space<vmem_shared>> -> memref<80x128xf32, #tpu.memory_space<vmem_shared>>
        %dma_start3A_127 = arith.constant 0 : i32
        %dma_start3A_128 = tpu.memref_slice %arg16[%add3A_124, %dma_start3A_127] : memref<10000x128xf32, #tpu.memory_space<vmem_shared>> -> memref<80x128xf32, #tpu.memory_space<vmem_shared>>
        tpu.enqueue_dma source(%arg12 : memref<80x128xf32, #tpu.memory_space<vmem>>) target(%dma_start3A_128 : memref<80x128xf32, #tpu.memory_space<vmem_shared>>) target_semaphore(%run_scoped3A : memref<!tpu.dma_semaphore, #tpu.memory_space<semaphore_mem>>)
        %dma_wait3A = arith.constant 0 : i32
        %dma_wait3A_129 = tpu.memref_slice %arg16[%add3A_124, %dma_wait3A] : memref<10000x128xf32, #tpu.memory_space<vmem_shared>> -> memref<80x128xf32, #tpu.memory_space<vmem_shared>>
        %dma_wait3A_130 = arith.constant 0 : i32
        %dma_wait3A_131 = tpu.memref_slice %arg16[%add3A_124, %dma_wait3A_130] : memref<10000x128xf32, #tpu.memory_space<vmem_shared>> -> memref<80x128xf32, #tpu.memory_space<vmem_shared>>
        tpu.wait_dma2 semaphore(%run_scoped3A : memref<!tpu.dma_semaphore, #tpu.memory_space<semaphore_mem>>) src(%arg12 : memref<80x128xf32, #tpu.memory_space<vmem>>) dst(%dma_wait3A_131 : memref<80x128xf32, #tpu.memory_space<vmem_shared>>)
        tpu.yield
      }) : () -> ()
    } else {
    }
    %eq3A = arith.constant 15 : i32
    %eq3A_11 = arith.cmpi eq, %arg1, %eq3A : i32
    %convert_element_type3A_12 = arith.extui %eq3A_11 : i1 to i32
    %cond3A_13 = arith.constant 0 : i32
    %cond3A_14 = arith.cmpi ne, %convert_element_type3A_12, %cond3A_13 : i32
    scf.if %cond3A_14 {
      %mul3A_93 = arith.constant 640 : i32
      %mul3A_94 = arith.muli %arg1, %mul3A_93 : i32
      %add3A_95 = arith.constant 0 : i32
      %add3A_96 = arith.addi %mul3A_94, %add3A_95 : i32
      "tpu.region"() ({
        %run_scoped3A = tpu.sem_alloc : memref<!tpu.dma_semaphore, #tpu.memory_space<semaphore_mem>>
        %dma_start3A_113 = arith.constant 0 : i32
        %dma_start3A_114 = tpu.memref_slice %arg16[%add3A_96, %dma_start3A_113] : memref<10000x128xf32, #tpu.memory_space<vmem_shared>> -> memref<80x128xf32, #tpu.memory_space<vmem_shared>>
        %dma_start3A_115 = arith.constant 0 : i32
        %dma_start3A_116 = tpu.memref_slice %arg16[%add3A_96, %dma_start3A_115] : memref<10000x128xf32, #tpu.memory_space<vmem_shared>> -> memref<80x128xf32, #tpu.memory_space<vmem_shared>>
        tpu.enqueue_dma source(%arg12 : memref<80x128xf32, #tpu.memory_space<vmem>>) target(%dma_start3A_116 : memref<80x128xf32, #tpu.memory_space<vmem_shared>>) target_semaphore(%run_scoped3A : memref<!tpu.dma_semaphore, #tpu.memory_space<semaphore_mem>>)
        %dma_wait3A = arith.constant 0 : i32
        %dma_wait3A_117 = tpu.memref_slice %arg16[%add3A_96, %dma_wait3A] : memref<10000x128xf32, #tpu.memory_space<vmem_shared>> -> memref<80x128xf32, #tpu.memory_space<vmem_shared>>
        %dma_wait3A_118 = arith.constant 0 : i32
        %dma_wait3A_119 = tpu.memref_slice %arg16[%add3A_96, %dma_wait3A_118] : memref<10000x128xf32, #tpu.memory_space<vmem_shared>> -> memref<80x128xf32, #tpu.memory_space<vmem_shared>>
        tpu.wait_dma2 semaphore(%run_scoped3A : memref<!tpu.dma_semaphore, #tpu.memory_space<semaphore_mem>>) src(%arg12 : memref<80x128xf32, #tpu.memory_space<vmem>>) dst(%dma_wait3A_119 : memref<80x128xf32, #tpu.memory_space<vmem_shared>>)
        tpu.yield
      }) : () -> ()
      %mul3A_97 = arith.constant 640 : i32
      %mul3A_98 = arith.muli %arg1, %mul3A_97 : i32
      %add3A_99 = arith.constant 80 : i32
      %add3A_100 = arith.addi %mul3A_98, %add3A_99 : i32
      "tpu.region"() ({
        %run_scoped3A = tpu.sem_alloc : memref<!tpu.dma_semaphore, #tpu.memory_space<semaphore_mem>>
        %dma_start3A_113 = arith.constant 0 : i32
        %dma_start3A_114 = tpu.memref_slice %arg16[%add3A_100, %dma_start3A_113] : memref<10000x128xf32, #tpu.memory_space<vmem_shared>> -> memref<80x128xf32, #tpu.memory_space<vmem_shared>>
        %dma_start3A_115 = arith.constant 0 : i32
        %dma_start3A_116 = tpu.memref_slice %arg16[%add3A_100, %dma_start3A_115] : memref<10000x128xf32, #tpu.memory_space<vmem_shared>> -> memref<80x128xf32, #tpu.memory_space<vmem_shared>>
        tpu.enqueue_dma source(%arg12 : memref<80x128xf32, #tpu.memory_space<vmem>>) target(%dma_start3A_116 : memref<80x128xf32, #tpu.memory_space<vmem_shared>>) target_semaphore(%run_scoped3A : memref<!tpu.dma_semaphore, #tpu.memory_space<semaphore_mem>>)
        %dma_wait3A = arith.constant 0 : i32
        %dma_wait3A_117 = tpu.memref_slice %arg16[%add3A_100, %dma_wait3A] : memref<10000x128xf32, #tpu.memory_space<vmem_shared>> -> memref<80x128xf32, #tpu.memory_space<vmem_shared>>
        %dma_wait3A_118 = arith.constant 0 : i32
        %dma_wait3A_119 = tpu.memref_slice %arg16[%add3A_100, %dma_wait3A_118] : memref<10000x128xf32, #tpu.memory_space<vmem_shared>> -> memref<80x128xf32, #tpu.memory_space<vmem_shared>>
        tpu.wait_dma2 semaphore(%run_scoped3A : memref<!tpu.dma_semaphore, #tpu.memory_space<semaphore_mem>>) src(%arg12 : memref<80x128xf32, #tpu.memory_space<vmem>>) dst(%dma_wait3A_119 : memref<80x128xf32, #tpu.memory_space<vmem_shared>>)
        tpu.yield
      }) : () -> ()
      %mul3A_101 = arith.constant 640 : i32
      %mul3A_102 = arith.muli %arg1, %mul3A_101 : i32
      %add3A_103 = arith.constant 160 : i32
      %add3A_104 = arith.addi %mul3A_102, %add3A_103 : i32
      "tpu.region"() ({
        %run_scoped3A = tpu.sem_alloc : memref<!tpu.dma_semaphore, #tpu.memory_space<semaphore_mem>>
        %dma_start3A_113 = arith.constant 0 : i32
        %dma_start3A_114 = tpu.memref_slice %arg16[%add3A_104, %dma_start3A_113] : memref<10000x128xf32, #tpu.memory_space<vmem_shared>> -> memref<80x128xf32, #tpu.memory_space<vmem_shared>>
        %dma_start3A_115 = arith.constant 0 : i32
        %dma_start3A_116 = tpu.memref_slice %arg16[%add3A_104, %dma_start3A_115] : memref<10000x128xf32, #tpu.memory_space<vmem_shared>> -> memref<80x128xf32, #tpu.memory_space<vmem_shared>>
        tpu.enqueue_dma source(%arg12 : memref<80x128xf32, #tpu.memory_space<vmem>>) target(%dma_start3A_116 : memref<80x128xf32, #tpu.memory_space<vmem_shared>>) target_semaphore(%run_scoped3A : memref<!tpu.dma_semaphore, #tpu.memory_space<semaphore_mem>>)
        %dma_wait3A = arith.constant 0 : i32
        %dma_wait3A_117 = tpu.memref_slice %arg16[%add3A_104, %dma_wait3A] : memref<10000x128xf32, #tpu.memory_space<vmem_shared>> -> memref<80x128xf32, #tpu.memory_space<vmem_shared>>
        %dma_wait3A_118 = arith.constant 0 : i32
        %dma_wait3A_119 = tpu.memref_slice %arg16[%add3A_104, %dma_wait3A_118] : memref<10000x128xf32, #tpu.memory_space<vmem_shared>> -> memref<80x128xf32, #tpu.memory_space<vmem_shared>>
        tpu.wait_dma2 semaphore(%run_scoped3A : memref<!tpu.dma_semaphore, #tpu.memory_space<semaphore_mem>>) src(%arg12 : memref<80x128xf32, #tpu.memory_space<vmem>>) dst(%dma_wait3A_119 : memref<80x128xf32, #tpu.memory_space<vmem_shared>>)
        tpu.yield
      }) : () -> ()
      %mul3A_105 = arith.constant 640 : i32
      %mul3A_106 = arith.muli %arg1, %mul3A_105 : i32
      %add3A_107 = arith.constant 240 : i32
      %add3A_108 = arith.addi %mul3A_106, %add3A_107 : i32
      "tpu.region"() ({
        %run_scoped3A = tpu.sem_alloc : memref<!tpu.dma_semaphore, #tpu.memory_space<semaphore_mem>>
        %dma_start3A_113 = arith.constant 0 : i32
        %dma_start3A_114 = tpu.memref_slice %arg16[%add3A_108, %dma_start3A_113] : memref<10000x128xf32, #tpu.memory_space<vmem_shared>> -> memref<80x128xf32, #tpu.memory_space<vmem_shared>>
        %dma_start3A_115 = arith.constant 0 : i32
        %dma_start3A_116 = tpu.memref_slice %arg16[%add3A_108, %dma_start3A_115] : memref<10000x128xf32, #tpu.memory_space<vmem_shared>> -> memref<80x128xf32, #tpu.memory_space<vmem_shared>>
        tpu.enqueue_dma source(%arg12 : memref<80x128xf32, #tpu.memory_space<vmem>>) target(%dma_start3A_116 : memref<80x128xf32, #tpu.memory_space<vmem_shared>>) target_semaphore(%run_scoped3A : memref<!tpu.dma_semaphore, #tpu.memory_space<semaphore_mem>>)
        %dma_wait3A = arith.constant 0 : i32
        %dma_wait3A_117 = tpu.memref_slice %arg16[%add3A_108, %dma_wait3A] : memref<10000x128xf32, #tpu.memory_space<vmem_shared>> -> memref<80x128xf32, #tpu.memory_space<vmem_shared>>
        %dma_wait3A_118 = arith.constant 0 : i32
        %dma_wait3A_119 = tpu.memref_slice %arg16[%add3A_108, %dma_wait3A_118] : memref<10000x128xf32, #tpu.memory_space<vmem_shared>> -> memref<80x128xf32, #tpu.memory_space<vmem_shared>>
        tpu.wait_dma2 semaphore(%run_scoped3A : memref<!tpu.dma_semaphore, #tpu.memory_space<semaphore_mem>>) src(%arg12 : memref<80x128xf32, #tpu.memory_space<vmem>>) dst(%dma_wait3A_119 : memref<80x128xf32, #tpu.memory_space<vmem_shared>>)
        tpu.yield
      }) : () -> ()
      %mul3A_109 = arith.constant 640 : i32
      %mul3A_110 = arith.muli %arg1, %mul3A_109 : i32
      %add3A_111 = arith.constant 320 : i32
      %add3A_112 = arith.addi %mul3A_110, %add3A_111 : i32
      "tpu.region"() ({
        %run_scoped3A = tpu.sem_alloc : memref<!tpu.dma_semaphore, #tpu.memory_space<semaphore_mem>>
        %dma_start3A_113 = arith.constant 0 : i32
        %dma_start3A_114 = tpu.memref_slice %arg16[%add3A_112, %dma_start3A_113] : memref<10000x128xf32, #tpu.memory_space<vmem_shared>> -> memref<80x128xf32, #tpu.memory_space<vmem_shared>>
        %dma_start3A_115 = arith.constant 0 : i32
        %dma_start3A_116 = tpu.memref_slice %arg16[%add3A_112, %dma_start3A_115] : memref<10000x128xf32, #tpu.memory_space<vmem_shared>> -> memref<80x128xf32, #tpu.memory_space<vmem_shared>>
        tpu.enqueue_dma source(%arg12 : memref<80x128xf32, #tpu.memory_space<vmem>>) target(%dma_start3A_116 : memref<80x128xf32, #tpu.memory_space<vmem_shared>>) target_semaphore(%run_scoped3A : memref<!tpu.dma_semaphore, #tpu.memory_space<semaphore_mem>>)
        %dma_wait3A = arith.constant 0 : i32
        %dma_wait3A_117 = tpu.memref_slice %arg16[%add3A_112, %dma_wait3A] : memref<10000x128xf32, #tpu.memory_space<vmem_shared>> -> memref<80x128xf32, #tpu.memory_space<vmem_shared>>
        %dma_wait3A_118 = arith.constant 0 : i32
        %dma_wait3A_119 = tpu.memref_slice %arg16[%add3A_112, %dma_wait3A_118] : memref<10000x128xf32, #tpu.memory_space<vmem_shared>> -> memref<80x128xf32, #tpu.memory_space<vmem_shared>>
        tpu.wait_dma2 semaphore(%run_scoped3A : memref<!tpu.dma_semaphore, #tpu.memory_space<semaphore_mem>>) src(%arg12 : memref<80x128xf32, #tpu.memory_space<vmem>>) dst(%dma_wait3A_119 : memref<80x128xf32, #tpu.memory_space<vmem_shared>>)
        tpu.yield
      }) : () -> ()
    } else {
    }
    %barrier3A = arith.constant 0 : index
    tpu.barrier barrier_id(%barrier3A)
    %mul3A_15 = arith.constant 10000 : i32
    %mul3A_16 = arith.muli %arg1, %mul3A_15 : i32
    %add3A = arith.constant 0 : i32
    %add3A_17 = arith.addi %mul3A_16, %add3A : i32
    %add3A_18 = arith.addi %mul3A_2, %add3A_17 : i32
    %dma_start3A = tpu.memref_slice %arg3[%add3A_18] : memref<320000xi32, #tpu.memory_space<hbm>> -> memref<80xi32, #tpu.memory_space<hbm>>
    %dma_start3A_19 = tpu.memref_slice %arg3[%add3A_18] : memref<320000xi32, #tpu.memory_space<hbm>> -> memref<80xi32, #tpu.memory_space<hbm>>
    tpu.enqueue_dma source(%dma_start3A_19 : memref<80xi32, #tpu.memory_space<hbm>>) target(%arg8 : memref<80xi32, #tpu.memory_space<vmem>>) target_semaphore(%arg17 : memref<!tpu.dma_semaphore, #tpu.memory_space<semaphore_mem>>)
    %dma_start3A_20 = tpu.memref_slice %arg4[%add3A_17] : memref<160000xi32, #tpu.memory_space<hbm>> -> memref<80xi32, #tpu.memory_space<hbm>>
    %dma_start3A_21 = tpu.memref_slice %arg4[%add3A_17] : memref<160000xi32, #tpu.memory_space<hbm>> -> memref<80xi32, #tpu.memory_space<hbm>>
    tpu.enqueue_dma source(%dma_start3A_21 : memref<80xi32, #tpu.memory_space<hbm>>) target(%arg10 : memref<80xi32, #tpu.memory_space<vmem>>) target_semaphore(%arg17 : memref<!tpu.dma_semaphore, #tpu.memory_space<semaphore_mem>>)
    %add3A_22 = arith.addi %mul3A_2, %add3A_17 : i32
    %dma_start3A_23 = arith.constant 0 : i32
    %dma_start3A_24 = tpu.memref_slice %arg5[%add3A_22, %dma_start3A_23] : memref<320000x128xf32, #tpu.memory_space<hbm>> -> memref<80x128xf32, #tpu.memory_space<hbm>>
    %dma_start3A_25 = arith.constant 0 : i32
    %dma_start3A_26 = tpu.memref_slice %arg5[%add3A_22, %dma_start3A_25] : memref<320000x128xf32, #tpu.memory_space<hbm>> -> memref<80x128xf32, #tpu.memory_space<hbm>>
    tpu.enqueue_dma source(%dma_start3A_26 : memref<80x128xf32, #tpu.memory_space<hbm>>) target(%arg14 : memref<80x128xf32, #tpu.memory_space<vmem>>) target_semaphore(%arg17 : memref<!tpu.dma_semaphore, #tpu.memory_space<semaphore_mem>>)
    %scan3A_27 = arith.constant 0 : i32
    %scan3A_28 = arith.constant 0 : i32
    %scan3A_29 = arith.constant 63 : i32
    %scan3A_30 = arith.addi %scan3A_28, %scan3A_29 : i32
    %scan3A_31 = arith.constant 1 : i32
    scf.for %scan3A_93 = %scan3A_28 to %scan3A_30 step %scan3A_31  : i32 {
      %mul3A_94 = arith.constant 2 : i32
      %mul3A_95 = arith.muli %mul3A_94, %scan3A_93 : i32
      %add3A_96 = arith.constant 0 : i32
      %add3A_97 = arith.addi %mul3A_95, %add3A_96 : i32
      %lt3A_98 = arith.constant 125 : i32
      %lt3A_99 = arith.cmpi slt, %add3A_97, %lt3A_98 : i32
      %convert_element_type3A_100 = arith.extui %lt3A_99 : i1 to i32
      %cond3A_101 = arith.constant 0 : i32
      %cond3A_102 = arith.cmpi ne, %convert_element_type3A_100, %cond3A_101 : i32
      scf.if %cond3A_102 {
        %dma_wait3A = arith.constant 0 : i32
        %dma_wait3A_131 = tpu.memref_slice %arg3[%dma_wait3A] : memref<320000xi32, #tpu.memory_space<hbm>> -> memref<80xi32, #tpu.memory_space<hbm>>
        %dma_wait3A_132 = arith.constant 0 : i32
        %dma_wait3A_133 = tpu.memref_slice %arg3[%dma_wait3A_132] : memref<320000xi32, #tpu.memory_space<hbm>> -> memref<80xi32, #tpu.memory_space<hbm>>
        tpu.wait_dma2 semaphore(%arg17 : memref<!tpu.dma_semaphore, #tpu.memory_space<semaphore_mem>>) src(%dma_wait3A_133 : memref<80xi32, #tpu.memory_space<hbm>>) dst(%arg8 : memref<80xi32, #tpu.memory_space<vmem>>)
        %dma_wait3A_134 = arith.constant 0 : i32
        %dma_wait3A_135 = tpu.memref_slice %arg4[%dma_wait3A_134] : memref<160000xi32, #tpu.memory_space<hbm>> -> memref<80xi32, #tpu.memory_space<hbm>>
        %dma_wait3A_136 = arith.constant 0 : i32
        %dma_wait3A_137 = tpu.memref_slice %arg4[%dma_wait3A_136] : memref<160000xi32, #tpu.memory_space<hbm>> -> memref<80xi32, #tpu.memory_space<hbm>>
        tpu.wait_dma2 semaphore(%arg17 : memref<!tpu.dma_semaphore, #tpu.memory_space<semaphore_mem>>) src(%dma_wait3A_137 : memref<80xi32, #tpu.memory_space<hbm>>) dst(%arg10 : memref<80xi32, #tpu.memory_space<vmem>>)
        %dma_wait3A_138 = arith.constant 0 : i32
        %dma_wait3A_139 = arith.constant 0 : i32
        %dma_wait3A_140 = tpu.memref_slice %arg5[%dma_wait3A_138, %dma_wait3A_139] : memref<320000x128xf32, #tpu.memory_space<hbm>> -> memref<80x128xf32, #tpu.memory_space<hbm>>
        %dma_wait3A_141 = arith.constant 0 : i32
        %dma_wait3A_142 = arith.constant 0 : i32
        %dma_wait3A_143 = tpu.memref_slice %arg5[%dma_wait3A_141, %dma_wait3A_142] : memref<320000x128xf32, #tpu.memory_space<hbm>> -> memref<80x128xf32, #tpu.memory_space<hbm>>
        tpu.wait_dma2 semaphore(%arg17 : memref<!tpu.dma_semaphore, #tpu.memory_space<semaphore_mem>>) src(%dma_wait3A_143 : memref<80x128xf32, #tpu.memory_space<hbm>>) dst(%arg14 : memref<80x128xf32, #tpu.memory_space<vmem>>)
        %dma_start3A_144 = arith.constant 0 : i32
        %dma_start3A_145 = arith.constant 0 : i32
        %dma_start3A_146 = tpu.memref_slice %arg2[%dma_start3A_144, %dma_start3A_145] : memref<20000x128xf32, #tpu.memory_space<hbm>> -> memref<20000x128xf32, #tpu.memory_space<hbm>>
        tpu.enqueue_indirect_dma source(%dma_start3A_146 : memref<20000x128xf32, #tpu.memory_space<hbm>>) target(%arg12 : memref<80x128xf32, #tpu.memory_space<vmem>>) offsets(%arg8 : memref<80xi32, #tpu.memory_space<vmem>>) semaphore(%arg19 : memref<!tpu.dma_semaphore, #tpu.memory_space<semaphore_mem>>)
      } else {
      }
      %ge3A = arith.constant 1 : i32
      %ge3A_103 = arith.cmpi sge, %add3A_97, %ge3A : i32
      %convert_element_type3A_104 = arith.extui %ge3A_103 : i1 to i32
      %cond3A_105 = arith.constant 0 : i32
      %cond3A_106 = arith.cmpi ne, %convert_element_type3A_104, %cond3A_105 : i32
      scf.if %cond3A_106 {
        %dma_wait3A = arith.constant 0 : i32
        %dma_wait3A_131 = arith.constant 0 : i32
        %dma_wait3A_132 = tpu.memref_slice %arg2[%dma_wait3A, %dma_wait3A_131] : memref<20000x128xf32, #tpu.memory_space<hbm>> -> memref<80x128xf32, #tpu.memory_space<hbm>>
        %dma_wait3A_133 = arith.constant 0 : i32
        %dma_wait3A_134 = arith.constant 0 : i32
        %dma_wait3A_135 = tpu.memref_slice %arg2[%dma_wait3A_133, %dma_wait3A_134] : memref<20000x128xf32, #tpu.memory_space<hbm>> -> memref<80x128xf32, #tpu.memory_space<hbm>>
        tpu.wait_dma2 semaphore(%arg20 : memref<!tpu.dma_semaphore, #tpu.memory_space<semaphore_mem>>) src(%dma_wait3A_135 : memref<80x128xf32, #tpu.memory_space<hbm>>) dst(%arg13 : memref<80x128xf32, #tpu.memory_space<vmem>>)
        %scan3A_136 = arith.constant 0 : i32
        %scan3A_137 = arith.constant 0 : i32
        %scan3A_138 = arith.constant 80 : i32
        %scan3A_139 = arith.addi %scan3A_137, %scan3A_138 : i32
        %scan3A_140 = arith.constant 1 : i32
        scf.for %scan3A_142 = %scan3A_137 to %scan3A_139 step %scan3A_140  : i32 {
          %get3A = arith.index_cast %scan3A_142 : i32 to index
          %get3A_143 = arith.constant 0 : index
          %get3A_144 = tpu.vector_load %arg13[%get3A, %get3A_143] {strides = array<i32>} : memref<80x128xf32, #tpu.memory_space<vmem>>, vector<1x16xf32>,
          %get3A_145 = vector.shape_cast %get3A_144 : vector<1x16xf32> to vector<16xf32>
          %get3A_146 = arith.index_cast %scan3A_142 : i32 to index
          %get3A_147 = arith.constant 0 : index
          %get3A_148 = tpu.vector_load %arg15[%get3A_146, %get3A_147] {strides = array<i32>} : memref<80x128xf32, #tpu.memory_space<vmem>>, vector<1x16xf32>,
          %get3A_149 = vector.shape_cast %get3A_148 : vector<1x16xf32> to vector<16xf32>
          %mul3A_150 = arith.mulf %get3A_145, %get3A_149 : vector<16xf32>
          %swap3A = arith.index_cast %scan3A_142 : i32 to index
          %swap3A_151 = arith.constant 0 : index
          %swap3A_152 = tpu.vector_load %arg13[%swap3A, %swap3A_151] {strides = array<i32>} : memref<80x128xf32, #tpu.memory_space<vmem>>, vector<1x16xf32>,
          %swap3A_153 = vector.shape_cast %swap3A_152 : vector<1x16xf32> to vector<16xf32>
          %swap3A_154 = vector.shape_cast %mul3A_150 : vector<16xf32> to vector<1x16xf32>
          tpu.vector_store %arg13[%swap3A, %swap3A_151], %swap3A_154 {strides = array<i32>} : memref<80x128xf32, #tpu.memory_space<vmem>>, vector<1x16xf32>,
          %get3A_155 = arith.index_cast %scan3A_142 : i32 to index
          %get3A_156 = arith.constant 16 : index
          %get3A_157 = tpu.vector_load %arg13[%get3A_155, %get3A_156] {strides = array<i32>} : memref<80x128xf32, #tpu.memory_space<vmem>>, vector<1x16xf32>,
          %get3A_158 = vector.shape_cast %get3A_157 : vector<1x16xf32> to vector<16xf32>
          %get3A_159 = arith.index_cast %scan3A_142 : i32 to index
          %get3A_160 = arith.constant 16 : index
          %get3A_161 = tpu.vector_load %arg15[%get3A_159, %get3A_160] {strides = array<i32>} : memref<80x128xf32, #tpu.memory_space<vmem>>, vector<1x16xf32>,
          %get3A_162 = vector.shape_cast %get3A_161 : vector<1x16xf32> to vector<16xf32>
          %mul3A_163 = arith.mulf %get3A_158, %get3A_162 : vector<16xf32>
          %swap3A_164 = arith.index_cast %scan3A_142 : i32 to index
          %swap3A_165 = arith.constant 16 : index
          %swap3A_166 = tpu.vector_load %arg13[%swap3A_164, %swap3A_165] {strides = array<i32>} : memref<80x128xf32, #tpu.memory_space<vmem>>, vector<1x16xf32>,
          %swap3A_167 = vector.shape_cast %swap3A_166 : vector<1x16xf32> to vector<16xf32>
          %swap3A_168 = vector.shape_cast %mul3A_163 : vector<16xf32> to vector<1x16xf32>
          tpu.vector_store %arg13[%swap3A_164, %swap3A_165], %swap3A_168 {strides = array<i32>} : memref<80x128xf32, #tpu.memory_space<vmem>>, vector<1x16xf32>,
          %get3A_169 = arith.index_cast %scan3A_142 : i32 to index
          %get3A_170 = arith.constant 32 : index
          %get3A_171 = tpu.vector_load %arg13[%get3A_169, %get3A_170] {strides = array<i32>} : memref<80x128xf32, #tpu.memory_space<vmem>>, vector<1x16xf32>,
          %get3A_172 = vector.shape_cast %get3A_171 : vector<1x16xf32> to vector<16xf32>
          %get3A_173 = arith.index_cast %scan3A_142 : i32 to index
          %get3A_174 = arith.constant 32 : index
          %get3A_175 = tpu.vector_load %arg15[%get3A_173, %get3A_174] {strides = array<i32>} : memref<80x128xf32, #tpu.memory_space<vmem>>, vector<1x16xf32>,
          %get3A_176 = vector.shape_cast %get3A_175 : vector<1x16xf32> to vector<16xf32>
          %mul3A_177 = arith.mulf %get3A_172, %get3A_176 : vector<16xf32>
          %swap3A_178 = arith.index_cast %scan3A_142 : i32 to index
          %swap3A_179 = arith.constant 32 : index
          %swap3A_180 = tpu.vector_load %arg13[%swap3A_178, %swap3A_179] {strides = array<i32>} : memref<80x128xf32, #tpu.memory_space<vmem>>, vector<1x16xf32>,
          %swap3A_181 = vector.shape_cast %swap3A_180 : vector<1x16xf32> to vector<16xf32>
          %swap3A_182 = vector.shape_cast %mul3A_177 : vector<16xf32> to vector<1x16xf32>
          tpu.vector_store %arg13[%swap3A_178, %swap3A_179], %swap3A_182 {strides = array<i32>} : memref<80x128xf32, #tpu.memory_space<vmem>>, vector<1x16xf32>,
          %get3A_183 = arith.index_cast %scan3A_142 : i32 to index
          %get3A_184 = arith.constant 48 : index
          %get3A_185 = tpu.vector_load %arg13[%get3A_183, %get3A_184] {strides = array<i32>} : memref<80x128xf32, #tpu.memory_space<vmem>>, vector<1x16xf32>,
          %get3A_186 = vector.shape_cast %get3A_185 : vector<1x16xf32> to vector<16xf32>
          %get3A_187 = arith.index_cast %scan3A_142 : i32 to index
          %get3A_188 = arith.constant 48 : index
          %get3A_189 = tpu.vector_load %arg15[%get3A_187, %get3A_188] {strides = array<i32>} : memref<80x128xf32, #tpu.memory_space<vmem>>, vector<1x16xf32>,
          %get3A_190 = vector.shape_cast %get3A_189 : vector<1x16xf32> to vector<16xf32>
          %mul3A_191 = arith.mulf %get3A_186, %get3A_190 : vector<16xf32>
          %swap3A_192 = arith.index_cast %scan3A_142 : i32 to index
          %swap3A_193 = arith.constant 48 : index
          %swap3A_194 = tpu.vector_load %arg13[%swap3A_192, %swap3A_193] {strides = array<i32>} : memref<80x128xf32, #tpu.memory_space<vmem>>, vector<1x16xf32>,
          %swap3A_195 = vector.shape_cast %swap3A_194 : vector<1x16xf32> to vector<16xf32>
          %swap3A_196 = vector.shape_cast %mul3A_191 : vector<16xf32> to vector<1x16xf32>
          tpu.vector_store %arg13[%swap3A_192, %swap3A_193], %swap3A_196 {strides = array<i32>} : memref<80x128xf32, #tpu.memory_space<vmem>>, vector<1x16xf32>,
          %get3A_197 = arith.index_cast %scan3A_142 : i32 to index
          %get3A_198 = arith.constant 64 : index
          %get3A_199 = tpu.vector_load %arg13[%get3A_197, %get3A_198] {strides = array<i32>} : memref<80x128xf32, #tpu.memory_space<vmem>>, vector<1x16xf32>,
          %get3A_200 = vector.shape_cast %get3A_199 : vector<1x16xf32> to vector<16xf32>
          %get3A_201 = arith.index_cast %scan3A_142 : i32 to index
          %get3A_202 = arith.constant 64 : index
          %get3A_203 = tpu.vector_load %arg15[%get3A_201, %get3A_202] {strides = array<i32>} : memref<80x128xf32, #tpu.memory_space<vmem>>, vector<1x16xf32>,
          %get3A_204 = vector.shape_cast %get3A_203 : vector<1x16xf32> to vector<16xf32>
          %mul3A_205 = arith.mulf %get3A_200, %get3A_204 : vector<16xf32>
          %swap3A_206 = arith.index_cast %scan3A_142 : i32 to index
          %swap3A_207 = arith.constant 64 : index
          %swap3A_208 = tpu.vector_load %arg13[%swap3A_206, %swap3A_207] {strides = array<i32>} : memref<80x128xf32, #tpu.memory_space<vmem>>, vector<1x16xf32>,
          %swap3A_209 = vector.shape_cast %swap3A_208 : vector<1x16xf32> to vector<16xf32>
          %swap3A_210 = vector.shape_cast %mul3A_205 : vector<16xf32> to vector<1x16xf32>
          tpu.vector_store %arg13[%swap3A_206, %swap3A_207], %swap3A_210 {strides = array<i32>} : memref<80x128xf32, #tpu.memory_space<vmem>>, vector<1x16xf32>,
          %get3A_211 = arith.index_cast %scan3A_142 : i32 to index
          %get3A_212 = arith.constant 80 : index
          %get3A_213 = tpu.vector_load %arg13[%get3A_211, %get3A_212] {strides = array<i32>} : memref<80x128xf32, #tpu.memory_space<vmem>>, vector<1x16xf32>,
          %get3A_214 = vector.shape_cast %get3A_213 : vector<1x16xf32> to vector<16xf32>
          %get3A_215 = arith.index_cast %scan3A_142 : i32 to index
          %get3A_216 = arith.constant 80 : index
          %get3A_217 = tpu.vector_load %arg15[%get3A_215, %get3A_216] {strides = array<i32>} : memref<80x128xf32, #tpu.memory_space<vmem>>, vector<1x16xf32>,
          %get3A_218 = vector.shape_cast %get3A_217 : vector<1x16xf32> to vector<16xf32>
          %mul3A_219 = arith.mulf %get3A_214, %get3A_218 : vector<16xf32>
          %swap3A_220 = arith.index_cast %scan3A_142 : i32 to index
          %swap3A_221 = arith.constant 80 : index
          %swap3A_222 = tpu.vector_load %arg13[%swap3A_220, %swap3A_221] {strides = array<i32>} : memref<80x128xf32, #tpu.memory_space<vmem>>, vector<1x16xf32>,
          %swap3A_223 = vector.shape_cast %swap3A_222 : vector<1x16xf32> to vector<16xf32>
          %swap3A_224 = vector.shape_cast %mul3A_219 : vector<16xf32> to vector<1x16xf32>
          tpu.vector_store %arg13[%swap3A_220, %swap3A_221], %swap3A_224 {strides = array<i32>} : memref<80x128xf32, #tpu.memory_space<vmem>>, vector<1x16xf32>,
          %get3A_225 = arith.index_cast %scan3A_142 : i32 to index
          %get3A_226 = arith.constant 96 : index
          %get3A_227 = tpu.vector_load %arg13[%get3A_225, %get3A_226] {strides = array<i32>} : memref<80x128xf32, #tpu.memory_space<vmem>>, vector<1x16xf32>,
          %get3A_228 = vector.shape_cast %get3A_227 : vector<1x16xf32> to vector<16xf32>
          %get3A_229 = arith.index_cast %scan3A_142 : i32 to index
          %get3A_230 = arith.constant 96 : index
          %get3A_231 = tpu.vector_load %arg15[%get3A_229, %get3A_230] {strides = array<i32>} : memref<80x128xf32, #tpu.memory_space<vmem>>, vector<1x16xf32>,
          %get3A_232 = vector.shape_cast %get3A_231 : vector<1x16xf32> to vector<16xf32>
          %mul3A_233 = arith.mulf %get3A_228, %get3A_232 : vector<16xf32>
          %swap3A_234 = arith.index_cast %scan3A_142 : i32 to index
          %swap3A_235 = arith.constant 96 : index
          %swap3A_236 = tpu.vector_load %arg13[%swap3A_234, %swap3A_235] {strides = array<i32>} : memref<80x128xf32, #tpu.memory_space<vmem>>, vector<1x16xf32>,
          %swap3A_237 = vector.shape_cast %swap3A_236 : vector<1x16xf32> to vector<16xf32>
          %swap3A_238 = vector.shape_cast %mul3A_233 : vector<16xf32> to vector<1x16xf32>
          tpu.vector_store %arg13[%swap3A_234, %swap3A_235], %swap3A_238 {strides = array<i32>} : memref<80x128xf32, #tpu.memory_space<vmem>>, vector<1x16xf32>,
          %get3A_239 = arith.index_cast %scan3A_142 : i32 to index
          %get3A_240 = arith.constant 112 : index
          %get3A_241 = tpu.vector_load %arg13[%get3A_239, %get3A_240] {strides = array<i32>} : memref<80x128xf32, #tpu.memory_space<vmem>>, vector<1x16xf32>,
          %get3A_242 = vector.shape_cast %get3A_241 : vector<1x16xf32> to vector<16xf32>
          %get3A_243 = arith.index_cast %scan3A_142 : i32 to index
          %get3A_244 = arith.constant 112 : index
          %get3A_245 = tpu.vector_load %arg15[%get3A_243, %get3A_244] {strides = array<i32>} : memref<80x128xf32, #tpu.memory_space<vmem>>, vector<1x16xf32>,
          %get3A_246 = vector.shape_cast %get3A_245 : vector<1x16xf32> to vector<16xf32>
          %mul3A_247 = arith.mulf %get3A_242, %get3A_246 : vector<16xf32>
          %swap3A_248 = arith.index_cast %scan3A_142 : i32 to index
          %swap3A_249 = arith.constant 112 : index
          %swap3A_250 = tpu.vector_load %arg13[%swap3A_248, %swap3A_249] {strides = array<i32>} : memref<80x128xf32, #tpu.memory_space<vmem>>, vector<1x16xf32>,
          %swap3A_251 = vector.shape_cast %swap3A_250 : vector<1x16xf32> to vector<16xf32>
          %swap3A_252 = vector.shape_cast %mul3A_247 : vector<16xf32> to vector<1x16xf32>
          tpu.vector_store %arg13[%swap3A_248, %swap3A_249], %swap3A_252 {strides = array<i32>} : memref<80x128xf32, #tpu.memory_space<vmem>>, vector<1x16xf32>,
        }
        %scan3A_141 = arith.constant 80 : i32
        "tpu.region"() ({
          %run_scoped3A = tpu.sem_alloc : memref<!tpu.dma_semaphore, #tpu.memory_space<semaphore_mem>>
          %dma_start3A_142 = arith.constant 0 : i32
          %dma_start3A_143 = arith.constant 0 : i32
          %dma_start3A_144 = tpu.memref_slice %arg16[%dma_start3A_142, %dma_start3A_143] : memref<10000x128xf32, #tpu.memory_space<vmem_shared>> -> memref<10000x128xf32, #tpu.memory_space<vmem_shared>>
          tpu.enqueue_indirect_dma source(%arg13 : memref<80x128xf32, #tpu.memory_space<vmem>>) target(%dma_start3A_144 : memref<10000x128xf32, #tpu.memory_space<vmem_shared>>) offsets(%arg11 : memref<80xi32, #tpu.memory_space<vmem>>) semaphore(%run_scoped3A : memref<!tpu.dma_semaphore, #tpu.memory_space<semaphore_mem>>) {add = true}
          %dma_wait3A_145 = arith.constant 0 : i32
          %dma_wait3A_146 = arith.constant 0 : i32
          %dma_wait3A_147 = tpu.memref_slice %arg16[%dma_wait3A_145, %dma_wait3A_146] : memref<10000x128xf32, #tpu.memory_space<vmem_shared>> -> memref<10000x128xf32, #tpu.memory_space<vmem_shared>>
          tpu.wait_indirect_dma semaphore(%run_scoped3A : memref<!tpu.dma_semaphore, #tpu.memory_space<semaphore_mem>>) src(%arg13 : memref<80x128xf32, #tpu.memory_space<vmem>>) dst(%dma_wait3A_147 : memref<10000x128xf32, #tpu.memory_space<vmem_shared>>)
          tpu.yield
        }) : () -> ()
      } else {
      }
      %lt3A_107 = arith.constant 124 : i32
      %lt3A_108 = arith.cmpi slt, %add3A_97, %lt3A_107 : i32
      %convert_element_type3A_109 = arith.extui %lt3A_108 : i1 to i32
      %cond3A_110 = arith.constant 0 : i32
      %cond3A_111 = arith.cmpi ne, %convert_element_type3A_109, %cond3A_110 : i32
      scf.if %cond3A_111 {
        %add3A_131 = arith.constant 1 : i32
        %add3A_132 = arith.addi %add3A_97, %add3A_131 : i32
        %mul3A_133 = arith.constant 10000 : i32
        %mul3A_134 = arith.muli %arg1, %mul3A_133 : i32
        %mul3A_135 = arith.constant 80 : i32
        %mul3A_136 = arith.muli %add3A_132, %mul3A_135 : i32
        %add3A_137 = arith.addi %mul3A_134, %mul3A_136 : i32
        %add3A_138 = arith.addi %mul3A_2, %add3A_137 : i32
        %dma_start3A_139 = tpu.memref_slice %arg3[%add3A_138] : memref<320000xi32, #tpu.memory_space<hbm>> -> memref<80xi32, #tpu.memory_space<hbm>>
        %dma_start3A_140 = tpu.memref_slice %arg3[%add3A_138] : memref<320000xi32, #tpu.memory_space<hbm>> -> memref<80xi32, #tpu.memory_space<hbm>>
        tpu.enqueue_dma source(%dma_start3A_140 : memref<80xi32, #tpu.memory_space<hbm>>) target(%arg9 : memref<80xi32, #tpu.memory_space<vmem>>) target_semaphore(%arg18 : memref<!tpu.dma_semaphore, #tpu.memory_space<semaphore_mem>>)
        %dma_start3A_141 = tpu.memref_slice %arg4[%add3A_137] : memref<160000xi32, #tpu.memory_space<hbm>> -> memref<80xi32, #tpu.memory_space<hbm>>
        %dma_start3A_142 = tpu.memref_slice %arg4[%add3A_137] : memref<160000xi32, #tpu.memory_space<hbm>> -> memref<80xi32, #tpu.memory_space<hbm>>
        tpu.enqueue_dma source(%dma_start3A_142 : memref<80xi32, #tpu.memory_space<hbm>>) target(%arg11 : memref<80xi32, #tpu.memory_space<vmem>>) target_semaphore(%arg18 : memref<!tpu.dma_semaphore, #tpu.memory_space<semaphore_mem>>)
        %add3A_143 = arith.addi %mul3A_2, %add3A_137 : i32
        %dma_start3A_144 = arith.constant 0 : i32
        %dma_start3A_145 = tpu.memref_slice %arg5[%add3A_143, %dma_start3A_144] : memref<320000x128xf32, #tpu.memory_space<hbm>> -> memref<80x128xf32, #tpu.memory_space<hbm>>
        %dma_start3A_146 = arith.constant 0 : i32
        %dma_start3A_147 = tpu.memref_slice %arg5[%add3A_143, %dma_start3A_146] : memref<320000x128xf32, #tpu.memory_space<hbm>> -> memref<80x128xf32, #tpu.memory_space<hbm>>
        tpu.enqueue_dma source(%dma_start3A_147 : memref<80x128xf32, #tpu.memory_space<hbm>>) target(%arg15 : memref<80x128xf32, #tpu.memory_space<vmem>>) target_semaphore(%arg18 : memref<!tpu.dma_semaphore, #tpu.memory_space<semaphore_mem>>)
      } else {
      }
      %mul3A_112 = arith.constant 2 : i32
      %mul3A_113 = arith.muli %mul3A_112, %scan3A_93 : i32
      %add3A_114 = arith.constant 1 : i32
      %add3A_115 = arith.addi %mul3A_113, %add3A_114 : i32
      %lt3A_116 = arith.constant 125 : i32
      %lt3A_117 = arith.cmpi slt, %add3A_115, %lt3A_116 : i32
      %convert_element_type3A_118 = arith.extui %lt3A_117 : i1 to i32
      %cond3A_119 = arith.constant 0 : i32
      %cond3A_120 = arith.cmpi ne, %convert_element_type3A_118, %cond3A_119 : i32
      scf.if %cond3A_120 {
        %dma_wait3A = arith.constant 0 : i32
        %dma_wait3A_131 = tpu.memref_slice %arg3[%dma_wait3A] : memref<320000xi32, #tpu.memory_space<hbm>> -> memref<80xi32, #tpu.memory_space<hbm>>
        %dma_wait3A_132 = arith.constant 0 : i32
        %dma_wait3A_133 = tpu.memref_slice %arg3[%dma_wait3A_132] : memref<320000xi32, #tpu.memory_space<hbm>> -> memref<80xi32, #tpu.memory_space<hbm>>
        tpu.wait_dma2 semaphore(%arg18 : memref<!tpu.dma_semaphore, #tpu.memory_space<semaphore_mem>>) src(%dma_wait3A_133 : memref<80xi32, #tpu.memory_space<hbm>>) dst(%arg9 : memref<80xi32, #tpu.memory_space<vmem>>)
        %dma_wait3A_134 = arith.constant 0 : i32
        %dma_wait3A_135 = tpu.memref_slice %arg4[%dma_wait3A_134] : memref<160000xi32, #tpu.memory_space<hbm>> -> memref<80xi32, #tpu.memory_space<hbm>>
        %dma_wait3A_136 = arith.constant 0 : i32
        %dma_wait3A_137 = tpu.memref_slice %arg4[%dma_wait3A_136] : memref<160000xi32, #tpu.memory_space<hbm>> -> memref<80xi32, #tpu.memory_space<hbm>>
        tpu.wait_dma2 semaphore(%arg18 : memref<!tpu.dma_semaphore, #tpu.memory_space<semaphore_mem>>) src(%dma_wait3A_137 : memref<80xi32, #tpu.memory_space<hbm>>) dst(%arg11 : memref<80xi32, #tpu.memory_space<vmem>>)
        %dma_wait3A_138 = arith.constant 0 : i32
        %dma_wait3A_139 = arith.constant 0 : i32
        %dma_wait3A_140 = tpu.memref_slice %arg5[%dma_wait3A_138, %dma_wait3A_139] : memref<320000x128xf32, #tpu.memory_space<hbm>> -> memref<80x128xf32, #tpu.memory_space<hbm>>
        %dma_wait3A_141 = arith.constant 0 : i32
        %dma_wait3A_142 = arith.constant 0 : i32
        %dma_wait3A_143 = tpu.memref_slice %arg5[%dma_wait3A_141, %dma_wait3A_142] : memref<320000x128xf32, #tpu.memory_space<hbm>> -> memref<80x128xf32, #tpu.memory_space<hbm>>
        tpu.wait_dma2 semaphore(%arg18 : memref<!tpu.dma_semaphore, #tpu.memory_space<semaphore_mem>>) src(%dma_wait3A_143 : memref<80x128xf32, #tpu.memory_space<hbm>>) dst(%arg15 : memref<80x128xf32, #tpu.memory_space<vmem>>)
        %dma_start3A_144 = arith.constant 0 : i32
        %dma_start3A_145 = arith.constant 0 : i32
        %dma_start3A_146 = tpu.memref_slice %arg2[%dma_start3A_144, %dma_start3A_145] : memref<20000x128xf32, #tpu.memory_space<hbm>> -> memref<20000x128xf32, #tpu.memory_space<hbm>>
        tpu.enqueue_indirect_dma source(%dma_start3A_146 : memref<20000x128xf32, #tpu.memory_space<hbm>>) target(%arg13 : memref<80x128xf32, #tpu.memory_space<vmem>>) offsets(%arg9 : memref<80xi32, #tpu.memory_space<vmem>>) semaphore(%arg20 : memref<!tpu.dma_semaphore, #tpu.memory_space<semaphore_mem>>)
      } else {
      }
      %ge3A_121 = arith.constant 1 : i32
      %ge3A_122 = arith.cmpi sge, %add3A_115, %ge3A_121 : i32
      %convert_element_type3A_123 = arith.extui %ge3A_122 : i1 to i32
      %cond3A_124 = arith.constant 0 : i32
      %cond3A_125 = arith.cmpi ne, %convert_element_type3A_123, %cond3A_124 : i32
      scf.if %cond3A_125 {
        %dma_wait3A = arith.constant 0 : i32
        %dma_wait3A_131 = arith.constant 0 : i32
        %dma_wait3A_132 = tpu.memref_slice %arg2[%dma_wait3A, %dma_wait3A_131] : memref<20000x128xf32, #tpu.memory_space<hbm>> -> memref<80x128xf32, #tpu.memory_space<hbm>>
        %dma_wait3A_133 = arith.constant 0 : i32
        %dma_wait3A_134 = arith.constant 0 : i32
        %dma_wait3A_135 = tpu.memref_slice %arg2[%dma_wait3A_133, %dma_wait3A_134] : memref<20000x128xf32, #tpu.memory_space<hbm>> -> memref<80x128xf32, #tpu.memory_space<hbm>>
        tpu.wait_dma2 semaphore(%arg19 : memref<!tpu.dma_semaphore, #tpu.memory_space<semaphore_mem>>) src(%dma_wait3A_135 : memref<80x128xf32, #tpu.memory_space<hbm>>) dst(%arg12 : memref<80x128xf32, #tpu.memory_space<vmem>>)
        %scan3A_136 = arith.constant 0 : i32
        %scan3A_137 = arith.constant 0 : i32
        %scan3A_138 = arith.constant 80 : i32
        %scan3A_139 = arith.addi %scan3A_137, %scan3A_138 : i32
        %scan3A_140 = arith.constant 1 : i32
        scf.for %scan3A_142 = %scan3A_137 to %scan3A_139 step %scan3A_140  : i32 {
          %get3A = arith.index_cast %scan3A_142 : i32 to index
          %get3A_143 = arith.constant 0 : index
          %get3A_144 = tpu.vector_load %arg12[%get3A, %get3A_143] {strides = array<i32>} : memref<80x128xf32, #tpu.memory_space<vmem>>, vector<1x16xf32>,
          %get3A_145 = vector.shape_cast %get3A_144 : vector<1x16xf32> to vector<16xf32>
          %get3A_146 = arith.index_cast %scan3A_142 : i32 to index
          %get3A_147 = arith.constant 0 : index
          %get3A_148 = tpu.vector_load %arg14[%get3A_146, %get3A_147] {strides = array<i32>} : memref<80x128xf32, #tpu.memory_space<vmem>>, vector<1x16xf32>,
          %get3A_149 = vector.shape_cast %get3A_148 : vector<1x16xf32> to vector<16xf32>
          %mul3A_150 = arith.mulf %get3A_145, %get3A_149 : vector<16xf32>
          %swap3A = arith.index_cast %scan3A_142 : i32 to index
          %swap3A_151 = arith.constant 0 : index
          %swap3A_152 = tpu.vector_load %arg12[%swap3A, %swap3A_151] {strides = array<i32>} : memref<80x128xf32, #tpu.memory_space<vmem>>, vector<1x16xf32>,
          %swap3A_153 = vector.shape_cast %swap3A_152 : vector<1x16xf32> to vector<16xf32>
          %swap3A_154 = vector.shape_cast %mul3A_150 : vector<16xf32> to vector<1x16xf32>
          tpu.vector_store %arg12[%swap3A, %swap3A_151], %swap3A_154 {strides = array<i32>} : memref<80x128xf32, #tpu.memory_space<vmem>>, vector<1x16xf32>,
          %get3A_155 = arith.index_cast %scan3A_142 : i32 to index
          %get3A_156 = arith.constant 16 : index
          %get3A_157 = tpu.vector_load %arg12[%get3A_155, %get3A_156] {strides = array<i32>} : memref<80x128xf32, #tpu.memory_space<vmem>>, vector<1x16xf32>,
          %get3A_158 = vector.shape_cast %get3A_157 : vector<1x16xf32> to vector<16xf32>
          %get3A_159 = arith.index_cast %scan3A_142 : i32 to index
          %get3A_160 = arith.constant 16 : index
          %get3A_161 = tpu.vector_load %arg14[%get3A_159, %get3A_160] {strides = array<i32>} : memref<80x128xf32, #tpu.memory_space<vmem>>, vector<1x16xf32>,
          %get3A_162 = vector.shape_cast %get3A_161 : vector<1x16xf32> to vector<16xf32>
          %mul3A_163 = arith.mulf %get3A_158, %get3A_162 : vector<16xf32>
          %swap3A_164 = arith.index_cast %scan3A_142 : i32 to index
          %swap3A_165 = arith.constant 16 : index
          %swap3A_166 = tpu.vector_load %arg12[%swap3A_164, %swap3A_165] {strides = array<i32>} : memref<80x128xf32, #tpu.memory_space<vmem>>, vector<1x16xf32>,
          %swap3A_167 = vector.shape_cast %swap3A_166 : vector<1x16xf32> to vector<16xf32>
          %swap3A_168 = vector.shape_cast %mul3A_163 : vector<16xf32> to vector<1x16xf32>
          tpu.vector_store %arg12[%swap3A_164, %swap3A_165], %swap3A_168 {strides = array<i32>} : memref<80x128xf32, #tpu.memory_space<vmem>>, vector<1x16xf32>,
          %get3A_169 = arith.index_cast %scan3A_142 : i32 to index
          %get3A_170 = arith.constant 32 : index
          %get3A_171 = tpu.vector_load %arg12[%get3A_169, %get3A_170] {strides = array<i32>} : memref<80x128xf32, #tpu.memory_space<vmem>>, vector<1x16xf32>,
          %get3A_172 = vector.shape_cast %get3A_171 : vector<1x16xf32> to vector<16xf32>
          %get3A_173 = arith.index_cast %scan3A_142 : i32 to index
          %get3A_174 = arith.constant 32 : index
          %get3A_175 = tpu.vector_load %arg14[%get3A_173, %get3A_174] {strides = array<i32>} : memref<80x128xf32, #tpu.memory_space<vmem>>, vector<1x16xf32>,
          %get3A_176 = vector.shape_cast %get3A_175 : vector<1x16xf32> to vector<16xf32>
          %mul3A_177 = arith.mulf %get3A_172, %get3A_176 : vector<16xf32>
          %swap3A_178 = arith.index_cast %scan3A_142 : i32 to index
          %swap3A_179 = arith.constant 32 : index
          %swap3A_180 = tpu.vector_load %arg12[%swap3A_178, %swap3A_179] {strides = array<i32>} : memref<80x128xf32, #tpu.memory_space<vmem>>, vector<1x16xf32>,
          %swap3A_181 = vector.shape_cast %swap3A_180 : vector<1x16xf32> to vector<16xf32>
          %swap3A_182 = vector.shape_cast %mul3A_177 : vector<16xf32> to vector<1x16xf32>
          tpu.vector_store %arg12[%swap3A_178, %swap3A_179], %swap3A_182 {strides = array<i32>} : memref<80x128xf32, #tpu.memory_space<vmem>>, vector<1x16xf32>,
          %get3A_183 = arith.index_cast %scan3A_142 : i32 to index
          %get3A_184 = arith.constant 48 : index
          %get3A_185 = tpu.vector_load %arg12[%get3A_183, %get3A_184] {strides = array<i32>} : memref<80x128xf32, #tpu.memory_space<vmem>>, vector<1x16xf32>,
          %get3A_186 = vector.shape_cast %get3A_185 : vector<1x16xf32> to vector<16xf32>
          %get3A_187 = arith.index_cast %scan3A_142 : i32 to index
          %get3A_188 = arith.constant 48 : index
          %get3A_189 = tpu.vector_load %arg14[%get3A_187, %get3A_188] {strides = array<i32>} : memref<80x128xf32, #tpu.memory_space<vmem>>, vector<1x16xf32>,
          %get3A_190 = vector.shape_cast %get3A_189 : vector<1x16xf32> to vector<16xf32>
          %mul3A_191 = arith.mulf %get3A_186, %get3A_190 : vector<16xf32>
          %swap3A_192 = arith.index_cast %scan3A_142 : i32 to index
          %swap3A_193 = arith.constant 48 : index
          %swap3A_194 = tpu.vector_load %arg12[%swap3A_192, %swap3A_193] {strides = array<i32>} : memref<80x128xf32, #tpu.memory_space<vmem>>, vector<1x16xf32>,
          %swap3A_195 = vector.shape_cast %swap3A_194 : vector<1x16xf32> to vector<16xf32>
          %swap3A_196 = vector.shape_cast %mul3A_191 : vector<16xf32> to vector<1x16xf32>
          tpu.vector_store %arg12[%swap3A_192, %swap3A_193], %swap3A_196 {strides = array<i32>} : memref<80x128xf32, #tpu.memory_space<vmem>>, vector<1x16xf32>,
          %get3A_197 = arith.index_cast %scan3A_142 : i32 to index
          %get3A_198 = arith.constant 64 : index
          %get3A_199 = tpu.vector_load %arg12[%get3A_197, %get3A_198] {strides = array<i32>} : memref<80x128xf32, #tpu.memory_space<vmem>>, vector<1x16xf32>,
          %get3A_200 = vector.shape_cast %get3A_199 : vector<1x16xf32> to vector<16xf32>
          %get3A_201 = arith.index_cast %scan3A_142 : i32 to index
          %get3A_202 = arith.constant 64 : index
          %get3A_203 = tpu.vector_load %arg14[%get3A_201, %get3A_202] {strides = array<i32>} : memref<80x128xf32, #tpu.memory_space<vmem>>, vector<1x16xf32>,
          %get3A_204 = vector.shape_cast %get3A_203 : vector<1x16xf32> to vector<16xf32>
          %mul3A_205 = arith.mulf %get3A_200, %get3A_204 : vector<16xf32>
          %swap3A_206 = arith.index_cast %scan3A_142 : i32 to index
          %swap3A_207 = arith.constant 64 : index
          %swap3A_208 = tpu.vector_load %arg12[%swap3A_206, %swap3A_207] {strides = array<i32>} : memref<80x128xf32, #tpu.memory_space<vmem>>, vector<1x16xf32>,
          %swap3A_209 = vector.shape_cast %swap3A_208 : vector<1x16xf32> to vector<16xf32>
          %swap3A_210 = vector.shape_cast %mul3A_205 : vector<16xf32> to vector<1x16xf32>
          tpu.vector_store %arg12[%swap3A_206, %swap3A_207], %swap3A_210 {strides = array<i32>} : memref<80x128xf32, #tpu.memory_space<vmem>>, vector<1x16xf32>,
          %get3A_211 = arith.index_cast %scan3A_142 : i32 to index
          %get3A_212 = arith.constant 80 : index
          %get3A_213 = tpu.vector_load %arg12[%get3A_211, %get3A_212] {strides = array<i32>} : memref<80x128xf32, #tpu.memory_space<vmem>>, vector<1x16xf32>,
          %get3A_214 = vector.shape_cast %get3A_213 : vector<1x16xf32> to vector<16xf32>
          %get3A_215 = arith.index_cast %scan3A_142 : i32 to index
          %get3A_216 = arith.constant 80 : index
          %get3A_217 = tpu.vector_load %arg14[%get3A_215, %get3A_216] {strides = array<i32>} : memref<80x128xf32, #tpu.memory_space<vmem>>, vector<1x16xf32>,
          %get3A_218 = vector.shape_cast %get3A_217 : vector<1x16xf32> to vector<16xf32>
          %mul3A_219 = arith.mulf %get3A_214, %get3A_218 : vector<16xf32>
          %swap3A_220 = arith.index_cast %scan3A_142 : i32 to index
          %swap3A_221 = arith.constant 80 : index
          %swap3A_222 = tpu.vector_load %arg12[%swap3A_220, %swap3A_221] {strides = array<i32>} : memref<80x128xf32, #tpu.memory_space<vmem>>, vector<1x16xf32>,
          %swap3A_223 = vector.shape_cast %swap3A_222 : vector<1x16xf32> to vector<16xf32>
          %swap3A_224 = vector.shape_cast %mul3A_219 : vector<16xf32> to vector<1x16xf32>
          tpu.vector_store %arg12[%swap3A_220, %swap3A_221], %swap3A_224 {strides = array<i32>} : memref<80x128xf32, #tpu.memory_space<vmem>>, vector<1x16xf32>,
          %get3A_225 = arith.index_cast %scan3A_142 : i32 to index
          %get3A_226 = arith.constant 96 : index
          %get3A_227 = tpu.vector_load %arg12[%get3A_225, %get3A_226] {strides = array<i32>} : memref<80x128xf32, #tpu.memory_space<vmem>>, vector<1x16xf32>,
          %get3A_228 = vector.shape_cast %get3A_227 : vector<1x16xf32> to vector<16xf32>
          %get3A_229 = arith.index_cast %scan3A_142 : i32 to index
          %get3A_230 = arith.constant 96 : index
          %get3A_231 = tpu.vector_load %arg14[%get3A_229, %get3A_230] {strides = array<i32>} : memref<80x128xf32, #tpu.memory_space<vmem>>, vector<1x16xf32>,
          %get3A_232 = vector.shape_cast %get3A_231 : vector<1x16xf32> to vector<16xf32>
          %mul3A_233 = arith.mulf %get3A_228, %get3A_232 : vector<16xf32>
          %swap3A_234 = arith.index_cast %scan3A_142 : i32 to index
          %swap3A_235 = arith.constant 96 : index
          %swap3A_236 = tpu.vector_load %arg12[%swap3A_234, %swap3A_235] {strides = array<i32>} : memref<80x128xf32, #tpu.memory_space<vmem>>, vector<1x16xf32>,
          %swap3A_237 = vector.shape_cast %swap3A_236 : vector<1x16xf32> to vector<16xf32>
          %swap3A_238 = vector.shape_cast %mul3A_233 : vector<16xf32> to vector<1x16xf32>
          tpu.vector_store %arg12[%swap3A_234, %swap3A_235], %swap3A_238 {strides = array<i32>} : memref<80x128xf32, #tpu.memory_space<vmem>>, vector<1x16xf32>,
          %get3A_239 = arith.index_cast %scan3A_142 : i32 to index
          %get3A_240 = arith.constant 112 : index
          %get3A_241 = tpu.vector_load %arg12[%get3A_239, %get3A_240] {strides = array<i32>} : memref<80x128xf32, #tpu.memory_space<vmem>>, vector<1x16xf32>,
          %get3A_242 = vector.shape_cast %get3A_241 : vector<1x16xf32> to vector<16xf32>
          %get3A_243 = arith.index_cast %scan3A_142 : i32 to index
          %get3A_244 = arith.constant 112 : index
          %get3A_245 = tpu.vector_load %arg14[%get3A_243, %get3A_244] {strides = array<i32>} : memref<80x128xf32, #tpu.memory_space<vmem>>, vector<1x16xf32>,
          %get3A_246 = vector.shape_cast %get3A_245 : vector<1x16xf32> to vector<16xf32>
          %mul3A_247 = arith.mulf %get3A_242, %get3A_246 : vector<16xf32>
          %swap3A_248 = arith.index_cast %scan3A_142 : i32 to index
          %swap3A_249 = arith.constant 112 : index
          %swap3A_250 = tpu.vector_load %arg12[%swap3A_248, %swap3A_249] {strides = array<i32>} : memref<80x128xf32, #tpu.memory_space<vmem>>, vector<1x16xf32>,
          %swap3A_251 = vector.shape_cast %swap3A_250 : vector<1x16xf32> to vector<16xf32>
          %swap3A_252 = vector.shape_cast %mul3A_247 : vector<16xf32> to vector<1x16xf32>
          tpu.vector_store %arg12[%swap3A_248, %swap3A_249], %swap3A_252 {strides = array<i32>} : memref<80x128xf32, #tpu.memory_space<vmem>>, vector<1x16xf32>,
        }
        %scan3A_141 = arith.constant 80 : i32
        "tpu.region"() ({
          %run_scoped3A = tpu.sem_alloc : memref<!tpu.dma_semaphore, #tpu.memory_space<semaphore_mem>>
          %dma_start3A_142 = arith.constant 0 : i32
          %dma_start3A_143 = arith.constant 0 : i32
          %dma_start3A_144 = tpu.memref_slice %arg16[%dma_start3A_142, %dma_start3A_143] : memref<10000x128xf32, #tpu.memory_space<vmem_shared>> -> memref<10000x128xf32, #tpu.memory_space<vmem_shared>>
          tpu.enqueue_indirect_dma source(%arg12 : memref<80x128xf32, #tpu.memory_space<vmem>>) target(%dma_start3A_144 : memref<10000x128xf32, #tpu.memory_space<vmem_shared>>) offsets(%arg10 : memref<80xi32, #tpu.memory_space<vmem>>) semaphore(%run_scoped3A : memref<!tpu.dma_semaphore, #tpu.memory_space<semaphore_mem>>) {add = true}
          %dma_wait3A_145 = arith.constant 0 : i32
          %dma_wait3A_146 = arith.constant 0 : i32
          %dma_wait3A_147 = tpu.memref_slice %arg16[%dma_wait3A_145, %dma_wait3A_146] : memref<10000x128xf32, #tpu.memory_space<vmem_shared>> -> memref<10000x128xf32, #tpu.memory_space<vmem_shared>>
          tpu.wait_indirect_dma semaphore(%run_scoped3A : memref<!tpu.dma_semaphore, #tpu.memory_space<semaphore_mem>>) src(%arg12 : memref<80x128xf32, #tpu.memory_space<vmem>>) dst(%dma_wait3A_147 : memref<10000x128xf32, #tpu.memory_space<vmem_shared>>)
          tpu.yield
        }) : () -> ()
      } else {
      }
      %lt3A_126 = arith.constant 124 : i32
      %lt3A_127 = arith.cmpi slt, %add3A_115, %lt3A_126 : i32
      %convert_element_type3A_128 = arith.extui %lt3A_127 : i1 to i32
      %cond3A_129 = arith.constant 0 : i32
      %cond3A_130 = arith.cmpi ne, %convert_element_type3A_128, %cond3A_129 : i32
      scf.if %cond3A_130 {
        %add3A_131 = arith.constant 1 : i32
        %add3A_132 = arith.addi %add3A_115, %add3A_131 : i32
        %mul3A_133 = arith.constant 10000 : i32
        %mul3A_134 = arith.muli %arg1, %mul3A_133 : i32
        %mul3A_135 = arith.constant 80 : i32
        %mul3A_136 = arith.muli %add3A_132, %mul3A_135 : i32
        %add3A_137 = arith.addi %mul3A_134, %mul3A_136 : i32
        %add3A_138 = arith.addi %mul3A_2, %add3A_137 : i32
        %dma_start3A_139 = tpu.memref_slice %arg3[%add3A_138] : memref<320000xi32, #tpu.memory_space<hbm>> -> memref<80xi32, #tpu.memory_space<hbm>>
        %dma_start3A_140 = tpu.memref_slice %arg3[%add3A_138] : memref<320000xi32, #tpu.memory_space<hbm>> -> memref<80xi32, #tpu.memory_space<hbm>>
        tpu.enqueue_dma source(%dma_start3A_140 : memref<80xi32, #tpu.memory_space<hbm>>) target(%arg8 : memref<80xi32, #tpu.memory_space<vmem>>) target_semaphore(%arg17 : memref<!tpu.dma_semaphore, #tpu.memory_space<semaphore_mem>>)
        %dma_start3A_141 = tpu.memref_slice %arg4[%add3A_137] : memref<160000xi32, #tpu.memory_space<hbm>> -> memref<80xi32, #tpu.memory_space<hbm>>
        %dma_start3A_142 = tpu.memref_slice %arg4[%add3A_137] : memref<160000xi32, #tpu.memory_space<hbm>> -> memref<80xi32, #tpu.memory_space<hbm>>
        tpu.enqueue_dma source(%dma_start3A_142 : memref<80xi32, #tpu.memory_space<hbm>>) target(%arg10 : memref<80xi32, #tpu.memory_space<vmem>>) target_semaphore(%arg17 : memref<!tpu.dma_semaphore, #tpu.memory_space<semaphore_mem>>)
        %add3A_143 = arith.addi %mul3A_2, %add3A_137 : i32
        %dma_start3A_144 = arith.constant 0 : i32
        %dma_start3A_145 = tpu.memref_slice %arg5[%add3A_143, %dma_start3A_144] : memref<320000x128xf32, #tpu.memory_space<hbm>> -> memref<80x128xf32, #tpu.memory_space<hbm>>
        %dma_start3A_146 = arith.constant 0 : i32
        %dma_start3A_147 = tpu.memref_slice %arg5[%add3A_143, %dma_start3A_146] : memref<320000x128xf32, #tpu.memory_space<hbm>> -> memref<80x128xf32, #tpu.memory_space<hbm>>
        tpu.enqueue_dma source(%dma_start3A_147 : memref<80x128xf32, #tpu.memory_space<hbm>>) target(%arg14 : memref<80x128xf32, #tpu.memory_space<vmem>>) target_semaphore(%arg17 : memref<!tpu.dma_semaphore, #tpu.memory_space<semaphore_mem>>)
      } else {
      }
    }
    %scan3A_32 = arith.constant 63 : i32
    %barrier3A_33 = arith.constant 0 : index
    tpu.barrier barrier_id(%barrier3A_33)
    %lt3A_34 = arith.constant 15 : i32
    %lt3A_35 = arith.cmpi slt, %arg1, %lt3A_34 : i32
    %convert_element_type3A_36 = arith.extui %lt3A_35 : i1 to i32
    %cond3A_37 = arith.constant 0 : i32
    %cond3A_38 = arith.cmpi ne, %convert_element_type3A_36, %cond3A_37 : i32
    scf.if %cond3A_38 {
      %mul3A_93 = arith.constant 640 : i32
      %mul3A_94 = arith.muli %arg1, %mul3A_93 : i32
      %add3A_95 = arith.constant 0 : i32
      %add3A_96 = arith.addi %mul3A_94, %add3A_95 : i32
      %mul3A_97 = arith.constant 640 : i32
      %mul3A_98 = arith.muli %arg1, %mul3A_97 : i32
      %add3A_99 = arith.addi %mul3A_0, %mul3A_98 : i32
      %add3A_100 = arith.constant 0 : i32
      %add3A_101 = arith.addi %add3A_99, %add3A_100 : i32
      "tpu.region"() ({
        %run_scoped3A = tpu.sem_alloc : memref<!tpu.dma_semaphore, #tpu.memory_space<semaphore_mem>>
        %dma_start3A_165 = arith.constant 0 : i32
        %dma_start3A_166 = tpu.memref_slice %arg16[%add3A_96, %dma_start3A_165] : memref<10000x128xf32, #tpu.memory_space<vmem_shared>> -> memref<80x128xf32, #tpu.memory_space<vmem_shared>>
        %dma_start3A_167 = arith.constant 0 : i32
        %dma_start3A_168 = tpu.memref_slice %arg16[%add3A_96, %dma_start3A_167] : memref<10000x128xf32, #tpu.memory_space<vmem_shared>> -> memref<80x128xf32, #tpu.memory_space<vmem_shared>>
        tpu.enqueue_dma source(%dma_start3A_168 : memref<80x128xf32, #tpu.memory_space<vmem_shared>>) target(%arg12 : memref<80x128xf32, #tpu.memory_space<vmem>>) target_semaphore(%run_scoped3A : memref<!tpu.dma_semaphore, #tpu.memory_space<semaphore_mem>>)
        %dma_wait3A = arith.constant 0 : i32
        %dma_wait3A_169 = tpu.memref_slice %arg16[%add3A_96, %dma_wait3A] : memref<10000x128xf32, #tpu.memory_space<vmem_shared>> -> memref<80x128xf32, #tpu.memory_space<vmem_shared>>
        %dma_wait3A_170 = arith.constant 0 : i32
        %dma_wait3A_171 = tpu.memref_slice %arg16[%add3A_96, %dma_wait3A_170] : memref<10000x128xf32, #tpu.memory_space<vmem_shared>> -> memref<80x128xf32, #tpu.memory_space<vmem_shared>>
        tpu.wait_dma2 semaphore(%run_scoped3A : memref<!tpu.dma_semaphore, #tpu.memory_space<semaphore_mem>>) src(%dma_wait3A_171 : memref<80x128xf32, #tpu.memory_space<vmem_shared>>) dst(%arg12 : memref<80x128xf32, #tpu.memory_space<vmem>>)
        tpu.yield
      }) : () -> ()
      "tpu.region"() ({
        %run_scoped3A = tpu.sem_alloc : memref<!tpu.dma_semaphore, #tpu.memory_space<semaphore_mem>>
        %dma_start3A_165 = arith.constant 0 : i32
        %dma_start3A_166 = tpu.memref_slice %arg6[%add3A_101, %dma_start3A_165] : memref<20000x128xf32, #tpu.memory_space<hbm>> -> memref<80x128xf32, #tpu.memory_space<hbm>>
        %dma_start3A_167 = arith.constant 0 : i32
        %dma_start3A_168 = tpu.memref_slice %arg6[%add3A_101, %dma_start3A_167] : memref<20000x128xf32, #tpu.memory_space<hbm>> -> memref<80x128xf32, #tpu.memory_space<hbm>>
        tpu.enqueue_dma source(%arg12 : memref<80x128xf32, #tpu.memory_space<vmem>>) target(%dma_start3A_168 : memref<80x128xf32, #tpu.memory_space<hbm>>) target_semaphore(%run_scoped3A : memref<!tpu.dma_semaphore, #tpu.memory_space<semaphore_mem>>)
        %dma_wait3A = arith.constant 0 : i32
        %dma_wait3A_169 = tpu.memref_slice %arg6[%add3A_101, %dma_wait3A] : memref<20000x128xf32, #tpu.memory_space<hbm>> -> memref<80x128xf32, #tpu.memory_space<hbm>>
        %dma_wait3A_170 = arith.constant 0 : i32
        %dma_wait3A_171 = tpu.memref_slice %arg6[%add3A_101, %dma_wait3A_170] : memref<20000x128xf32, #tpu.memory_space<hbm>> -> memref<80x128xf32, #tpu.memory_space<hbm>>
        tpu.wait_dma2 semaphore(%run_scoped3A : memref<!tpu.dma_semaphore, #tpu.memory_space<semaphore_mem>>) src(%arg12 : memref<80x128xf32, #tpu.memory_space<vmem>>) dst(%dma_wait3A_171 : memref<80x128xf32, #tpu.memory_space<hbm>>)
        tpu.yield
      }) : () -> ()
      %mul3A_102 = arith.constant 640 : i32
      %mul3A_103 = arith.muli %arg1, %mul3A_102 : i32
      %add3A_104 = arith.constant 80 : i32
      %add3A_105 = arith.addi %mul3A_103, %add3A_104 : i32
      %mul3A_106 = arith.constant 640 : i32
      %mul3A_107 = arith.muli %arg1, %mul3A_106 : i32
      %add3A_108 = arith.addi %mul3A_0, %mul3A_107 : i32
      %add3A_109 = arith.constant 80 : i32
      %add3A_110 = arith.addi %add3A_108, %add3A_109 : i32
      "tpu.region"() ({
        %run_scoped3A = tpu.sem_alloc : memref<!tpu.dma_semaphore, #tpu.memory_space<semaphore_mem>>
        %dma_start3A_165 = arith.constant 0 : i32
        %dma_start3A_166 = tpu.memref_slice %arg16[%add3A_105, %dma_start3A_165] : memref<10000x128xf32, #tpu.memory_space<vmem_shared>> -> memref<80x128xf32, #tpu.memory_space<vmem_shared>>
        %dma_start3A_167 = arith.constant 0 : i32
        %dma_start3A_168 = tpu.memref_slice %arg16[%add3A_105, %dma_start3A_167] : memref<10000x128xf32, #tpu.memory_space<vmem_shared>> -> memref<80x128xf32, #tpu.memory_space<vmem_shared>>
        tpu.enqueue_dma source(%dma_start3A_168 : memref<80x128xf32, #tpu.memory_space<vmem_shared>>) target(%arg12 : memref<80x128xf32, #tpu.memory_space<vmem>>) target_semaphore(%run_scoped3A : memref<!tpu.dma_semaphore, #tpu.memory_space<semaphore_mem>>)
        %dma_wait3A = arith.constant 0 : i32
        %dma_wait3A_169 = tpu.memref_slice %arg16[%add3A_105, %dma_wait3A] : memref<10000x128xf32, #tpu.memory_space<vmem_shared>> -> memref<80x128xf32, #tpu.memory_space<vmem_shared>>
        %dma_wait3A_170 = arith.constant 0 : i32
        %dma_wait3A_171 = tpu.memref_slice %arg16[%add3A_105, %dma_wait3A_170] : memref<10000x128xf32, #tpu.memory_space<vmem_shared>> -> memref<80x128xf32, #tpu.memory_space<vmem_shared>>
        tpu.wait_dma2 semaphore(%run_scoped3A : memref<!tpu.dma_semaphore, #tpu.memory_space<semaphore_mem>>) src(%dma_wait3A_171 : memref<80x128xf32, #tpu.memory_space<vmem_shared>>) dst(%arg12 : memref<80x128xf32, #tpu.memory_space<vmem>>)
        tpu.yield
      }) : () -> ()
      "tpu.region"() ({
        %run_scoped3A = tpu.sem_alloc : memref<!tpu.dma_semaphore, #tpu.memory_space<semaphore_mem>>
        %dma_start3A_165 = arith.constant 0 : i32
        %dma_start3A_166 = tpu.memref_slice %arg6[%add3A_110, %dma_start3A_165] : memref<20000x128xf32, #tpu.memory_space<hbm>> -> memref<80x128xf32, #tpu.memory_space<hbm>>
        %dma_start3A_167 = arith.constant 0 : i32
        %dma_start3A_168 = tpu.memref_slice %arg6[%add3A_110, %dma_start3A_167] : memref<20000x128xf32, #tpu.memory_space<hbm>> -> memref<80x128xf32, #tpu.memory_space<hbm>>
        tpu.enqueue_dma source(%arg12 : memref<80x128xf32, #tpu.memory_space<vmem>>) target(%dma_start3A_168 : memref<80x128xf32, #tpu.memory_space<hbm>>) target_semaphore(%run_scoped3A : memref<!tpu.dma_semaphore, #tpu.memory_space<semaphore_mem>>)
        %dma_wait3A = arith.constant 0 : i32
        %dma_wait3A_169 = tpu.memref_slice %arg6[%add3A_110, %dma_wait3A] : memref<20000x128xf32, #tpu.memory_space<hbm>> -> memref<80x128xf32, #tpu.memory_space<hbm>>
        %dma_wait3A_170 = arith.constant 0 : i32
        %dma_wait3A_171 = tpu.memref_slice %arg6[%add3A_110, %dma_wait3A_170] : memref<20000x128xf32, #tpu.memory_space<hbm>> -> memref<80x128xf32, #tpu.memory_space<hbm>>
        tpu.wait_dma2 semaphore(%run_scoped3A : memref<!tpu.dma_semaphore, #tpu.memory_space<semaphore_mem>>) src(%arg12 : memref<80x128xf32, #tpu.memory_space<vmem>>) dst(%dma_wait3A_171 : memref<80x128xf32, #tpu.memory_space<hbm>>)
        tpu.yield
      }) : () -> ()
      %mul3A_111 = arith.constant 640 : i32
      %mul3A_112 = arith.muli %arg1, %mul3A_111 : i32
      %add3A_113 = arith.constant 160 : i32
      %add3A_114 = arith.addi %mul3A_112, %add3A_113 : i32
      %mul3A_115 = arith.constant 640 : i32
      %mul3A_116 = arith.muli %arg1, %mul3A_115 : i32
      %add3A_117 = arith.addi %mul3A_0, %mul3A_116 : i32
      %add3A_118 = arith.constant 160 : i32
      %add3A_119 = arith.addi %add3A_117, %add3A_118 : i32
      "tpu.region"() ({
        %run_scoped3A = tpu.sem_alloc : memref<!tpu.dma_semaphore, #tpu.memory_space<semaphore_mem>>
        %dma_start3A_165 = arith.constant 0 : i32
        %dma_start3A_166 = tpu.memref_slice %arg16[%add3A_114, %dma_start3A_165] : memref<10000x128xf32, #tpu.memory_space<vmem_shared>> -> memref<80x128xf32, #tpu.memory_space<vmem_shared>>
        %dma_start3A_167 = arith.constant 0 : i32
        %dma_start3A_168 = tpu.memref_slice %arg16[%add3A_114, %dma_start3A_167] : memref<10000x128xf32, #tpu.memory_space<vmem_shared>> -> memref<80x128xf32, #tpu.memory_space<vmem_shared>>
        tpu.enqueue_dma source(%dma_start3A_168 : memref<80x128xf32, #tpu.memory_space<vmem_shared>>) target(%arg12 : memref<80x128xf32, #tpu.memory_space<vmem>>) target_semaphore(%run_scoped3A : memref<!tpu.dma_semaphore, #tpu.memory_space<semaphore_mem>>)
        %dma_wait3A = arith.constant 0 : i32
        %dma_wait3A_169 = tpu.memref_slice %arg16[%add3A_114, %dma_wait3A] : memref<10000x128xf32, #tpu.memory_space<vmem_shared>> -> memref<80x128xf32, #tpu.memory_space<vmem_shared>>
        %dma_wait3A_170 = arith.constant 0 : i32
        %dma_wait3A_171 = tpu.memref_slice %arg16[%add3A_114, %dma_wait3A_170] : memref<10000x128xf32, #tpu.memory_space<vmem_shared>> -> memref<80x128xf32, #tpu.memory_space<vmem_shared>>
        tpu.wait_dma2 semaphore(%run_scoped3A : memref<!tpu.dma_semaphore, #tpu.memory_space<semaphore_mem>>) src(%dma_wait3A_171 : memref<80x128xf32, #tpu.memory_space<vmem_shared>>) dst(%arg12 : memref<80x128xf32, #tpu.memory_space<vmem>>)
        tpu.yield
      }) : () -> ()
      "tpu.region"() ({
        %run_scoped3A = tpu.sem_alloc : memref<!tpu.dma_semaphore, #tpu.memory_space<semaphore_mem>>
        %dma_start3A_165 = arith.constant 0 : i32
        %dma_start3A_166 = tpu.memref_slice %arg6[%add3A_119, %dma_start3A_165] : memref<20000x128xf32, #tpu.memory_space<hbm>> -> memref<80x128xf32, #tpu.memory_space<hbm>>
        %dma_start3A_167 = arith.constant 0 : i32
        %dma_start3A_168 = tpu.memref_slice %arg6[%add3A_119, %dma_start3A_167] : memref<20000x128xf32, #tpu.memory_space<hbm>> -> memref<80x128xf32, #tpu.memory_space<hbm>>
        tpu.enqueue_dma source(%arg12 : memref<80x128xf32, #tpu.memory_space<vmem>>) target(%dma_start3A_168 : memref<80x128xf32, #tpu.memory_space<hbm>>) target_semaphore(%run_scoped3A : memref<!tpu.dma_semaphore, #tpu.memory_space<semaphore_mem>>)
        %dma_wait3A = arith.constant 0 : i32
        %dma_wait3A_169 = tpu.memref_slice %arg6[%add3A_119, %dma_wait3A] : memref<20000x128xf32, #tpu.memory_space<hbm>> -> memref<80x128xf32, #tpu.memory_space<hbm>>
        %dma_wait3A_170 = arith.constant 0 : i32
        %dma_wait3A_171 = tpu.memref_slice %arg6[%add3A_119, %dma_wait3A_170] : memref<20000x128xf32, #tpu.memory_space<hbm>> -> memref<80x128xf32, #tpu.memory_space<hbm>>
        tpu.wait_dma2 semaphore(%run_scoped3A : memref<!tpu.dma_semaphore, #tpu.memory_space<semaphore_mem>>) src(%arg12 : memref<80x128xf32, #tpu.memory_space<vmem>>) dst(%dma_wait3A_171 : memref<80x128xf32, #tpu.memory_space<hbm>>)
        tpu.yield
      }) : () -> ()
      %mul3A_120 = arith.constant 640 : i32
      %mul3A_121 = arith.muli %arg1, %mul3A_120 : i32
      %add3A_122 = arith.constant 240 : i32
      %add3A_123 = arith.addi %mul3A_121, %add3A_122 : i32
      %mul3A_124 = arith.constant 640 : i32
      %mul3A_125 = arith.muli %arg1, %mul3A_124 : i32
      %add3A_126 = arith.addi %mul3A_0, %mul3A_125 : i32
      %add3A_127 = arith.constant 240 : i32
      %add3A_128 = arith.addi %add3A_126, %add3A_127 : i32
      "tpu.region"() ({
        %run_scoped3A = tpu.sem_alloc : memref<!tpu.dma_semaphore, #tpu.memory_space<semaphore_mem>>
        %dma_start3A_165 = arith.constant 0 : i32
        %dma_start3A_166 = tpu.memref_slice %arg16[%add3A_123, %dma_start3A_165] : memref<10000x128xf32, #tpu.memory_space<vmem_shared>> -> memref<80x128xf32, #tpu.memory_space<vmem_shared>>
        %dma_start3A_167 = arith.constant 0 : i32
        %dma_start3A_168 = tpu.memref_slice %arg16[%add3A_123, %dma_start3A_167] : memref<10000x128xf32, #tpu.memory_space<vmem_shared>> -> memref<80x128xf32, #tpu.memory_space<vmem_shared>>
        tpu.enqueue_dma source(%dma_start3A_168 : memref<80x128xf32, #tpu.memory_space<vmem_shared>>) target(%arg12 : memref<80x128xf32, #tpu.memory_space<vmem>>) target_semaphore(%run_scoped3A : memref<!tpu.dma_semaphore, #tpu.memory_space<semaphore_mem>>)
        %dma_wait3A = arith.constant 0 : i32
        %dma_wait3A_169 = tpu.memref_slice %arg16[%add3A_123, %dma_wait3A] : memref<10000x128xf32, #tpu.memory_space<vmem_shared>> -> memref<80x128xf32, #tpu.memory_space<vmem_shared>>
        %dma_wait3A_170 = arith.constant 0 : i32
        %dma_wait3A_171 = tpu.memref_slice %arg16[%add3A_123, %dma_wait3A_170] : memref<10000x128xf32, #tpu.memory_space<vmem_shared>> -> memref<80x128xf32, #tpu.memory_space<vmem_shared>>
        tpu.wait_dma2 semaphore(%run_scoped3A : memref<!tpu.dma_semaphore, #tpu.memory_space<semaphore_mem>>) src(%dma_wait3A_171 : memref<80x128xf32, #tpu.memory_space<vmem_shared>>) dst(%arg12 : memref<80x128xf32, #tpu.memory_space<vmem>>)
        tpu.yield
      }) : () -> ()
      "tpu.region"() ({
        %run_scoped3A = tpu.sem_alloc : memref<!tpu.dma_semaphore, #tpu.memory_space<semaphore_mem>>
        %dma_start3A_165 = arith.constant 0 : i32
        %dma_start3A_166 = tpu.memref_slice %arg6[%add3A_128, %dma_start3A_165] : memref<20000x128xf32, #tpu.memory_space<hbm>> -> memref<80x128xf32, #tpu.memory_space<hbm>>
        %dma_start3A_167 = arith.constant 0 : i32
        %dma_start3A_168 = tpu.memref_slice %arg6[%add3A_128, %dma_start3A_167] : memref<20000x128xf32, #tpu.memory_space<hbm>> -> memref<80x128xf32, #tpu.memory_space<hbm>>
        tpu.enqueue_dma source(%arg12 : memref<80x128xf32, #tpu.memory_space<vmem>>) target(%dma_start3A_168 : memref<80x128xf32, #tpu.memory_space<hbm>>) target_semaphore(%run_scoped3A : memref<!tpu.dma_semaphore, #tpu.memory_space<semaphore_mem>>)
        %dma_wait3A = arith.constant 0 : i32
        %dma_wait3A_169 = tpu.memref_slice %arg6[%add3A_128, %dma_wait3A] : memref<20000x128xf32, #tpu.memory_space<hbm>> -> memref<80x128xf32, #tpu.memory_space<hbm>>
        %dma_wait3A_170 = arith.constant 0 : i32
        %dma_wait3A_171 = tpu.memref_slice %arg6[%add3A_128, %dma_wait3A_170] : memref<20000x128xf32, #tpu.memory_space<hbm>> -> memref<80x128xf32, #tpu.memory_space<hbm>>
        tpu.wait_dma2 semaphore(%run_scoped3A : memref<!tpu.dma_semaphore, #tpu.memory_space<semaphore_mem>>) src(%arg12 : memref<80x128xf32, #tpu.memory_space<vmem>>) dst(%dma_wait3A_171 : memref<80x128xf32, #tpu.memory_space<hbm>>)
        tpu.yield
      }) : () -> ()
      %mul3A_129 = arith.constant 640 : i32
      %mul3A_130 = arith.muli %arg1, %mul3A_129 : i32
      %add3A_131 = arith.constant 320 : i32
      %add3A_132 = arith.addi %mul3A_130, %add3A_131 : i32
      %mul3A_133 = arith.constant 640 : i32
      %mul3A_134 = arith.muli %arg1, %mul3A_133 : i32
      %add3A_135 = arith.addi %mul3A_0, %mul3A_134 : i32
      %add3A_136 = arith.constant 320 : i32
      %add3A_137 = arith.addi %add3A_135, %add3A_136 : i32
      "tpu.region"() ({
        %run_scoped3A = tpu.sem_alloc : memref<!tpu.dma_semaphore, #tpu.memory_space<semaphore_mem>>
        %dma_start3A_165 = arith.constant 0 : i32
        %dma_start3A_166 = tpu.memref_slice %arg16[%add3A_132, %dma_start3A_165] : memref<10000x128xf32, #tpu.memory_space<vmem_shared>> -> memref<80x128xf32, #tpu.memory_space<vmem_shared>>
        %dma_start3A_167 = arith.constant 0 : i32
        %dma_start3A_168 = tpu.memref_slice %arg16[%add3A_132, %dma_start3A_167] : memref<10000x128xf32, #tpu.memory_space<vmem_shared>> -> memref<80x128xf32, #tpu.memory_space<vmem_shared>>
        tpu.enqueue_dma source(%dma_start3A_168 : memref<80x128xf32, #tpu.memory_space<vmem_shared>>) target(%arg12 : memref<80x128xf32, #tpu.memory_space<vmem>>) target_semaphore(%run_scoped3A : memref<!tpu.dma_semaphore, #tpu.memory_space<semaphore_mem>>)
        %dma_wait3A = arith.constant 0 : i32
        %dma_wait3A_169 = tpu.memref_slice %arg16[%add3A_132, %dma_wait3A] : memref<10000x128xf32, #tpu.memory_space<vmem_shared>> -> memref<80x128xf32, #tpu.memory_space<vmem_shared>>
        %dma_wait3A_170 = arith.constant 0 : i32
        %dma_wait3A_171 = tpu.memref_slice %arg16[%add3A_132, %dma_wait3A_170] : memref<10000x128xf32, #tpu.memory_space<vmem_shared>> -> memref<80x128xf32, #tpu.memory_space<vmem_shared>>
        tpu.wait_dma2 semaphore(%run_scoped3A : memref<!tpu.dma_semaphore, #tpu.memory_space<semaphore_mem>>) src(%dma_wait3A_171 : memref<80x128xf32, #tpu.memory_space<vmem_shared>>) dst(%arg12 : memref<80x128xf32, #tpu.memory_space<vmem>>)
        tpu.yield
      }) : () -> ()
      "tpu.region"() ({
        %run_scoped3A = tpu.sem_alloc : memref<!tpu.dma_semaphore, #tpu.memory_space<semaphore_mem>>
        %dma_start3A_165 = arith.constant 0 : i32
        %dma_start3A_166 = tpu.memref_slice %arg6[%add3A_137, %dma_start3A_165] : memref<20000x128xf32, #tpu.memory_space<hbm>> -> memref<80x128xf32, #tpu.memory_space<hbm>>
        %dma_start3A_167 = arith.constant 0 : i32
        %dma_start3A_168 = tpu.memref_slice %arg6[%add3A_137, %dma_start3A_167] : memref<20000x128xf32, #tpu.memory_space<hbm>> -> memref<80x128xf32, #tpu.memory_space<hbm>>
        tpu.enqueue_dma source(%arg12 : memref<80x128xf32, #tpu.memory_space<vmem>>) target(%dma_start3A_168 : memref<80x128xf32, #tpu.memory_space<hbm>>) target_semaphore(%run_scoped3A : memref<!tpu.dma_semaphore, #tpu.memory_space<semaphore_mem>>)
        %dma_wait3A = arith.constant 0 : i32
        %dma_wait3A_169 = tpu.memref_slice %arg6[%add3A_137, %dma_wait3A] : memref<20000x128xf32, #tpu.memory_space<hbm>> -> memref<80x128xf32, #tpu.memory_space<hbm>>
        %dma_wait3A_170 = arith.constant 0 : i32
        %dma_wait3A_171 = tpu.memref_slice %arg6[%add3A_137, %dma_wait3A_170] : memref<20000x128xf32, #tpu.memory_space<hbm>> -> memref<80x128xf32, #tpu.memory_space<hbm>>
        tpu.wait_dma2 semaphore(%run_scoped3A : memref<!tpu.dma_semaphore, #tpu.memory_space<semaphore_mem>>) src(%arg12 : memref<80x128xf32, #tpu.memory_space<vmem>>) dst(%dma_wait3A_171 : memref<80x128xf32, #tpu.memory_space<hbm>>)
        tpu.yield
      }) : () -> ()
      %mul3A_138 = arith.constant 640 : i32
      %mul3A_139 = arith.muli %arg1, %mul3A_138 : i32
      %add3A_140 = arith.constant 400 : i32
      %add3A_141 = arith.addi %mul3A_139, %add3A_140 : i32
      %mul3A_142 = arith.constant 640 : i32
      %mul3A_143 = arith.muli %arg1, %mul3A_142 : i32
      %add3A_144 = arith.addi %mul3A_0, %mul3A_143 : i32
      %add3A_145 = arith.constant 400 : i32
      %add3A_146 = arith.addi %add3A_144, %add3A_145 : i32
      "tpu.region"() ({
        %run_scoped3A = tpu.sem_alloc : memref<!tpu.dma_semaphore, #tpu.memory_space<semaphore_mem>>
        %dma_start3A_165 = arith.constant 0 : i32
        %dma_start3A_166 = tpu.memref_slice %arg16[%add3A_141, %dma_start3A_165] : memref<10000x128xf32, #tpu.memory_space<vmem_shared>> -> memref<80x128xf32, #tpu.memory_space<vmem_shared>>
        %dma_start3A_167 = arith.constant 0 : i32
        %dma_start3A_168 = tpu.memref_slice %arg16[%add3A_141, %dma_start3A_167] : memref<10000x128xf32, #tpu.memory_space<vmem_shared>> -> memref<80x128xf32, #tpu.memory_space<vmem_shared>>
        tpu.enqueue_dma source(%dma_start3A_168 : memref<80x128xf32, #tpu.memory_space<vmem_shared>>) target(%arg12 : memref<80x128xf32, #tpu.memory_space<vmem>>) target_semaphore(%run_scoped3A : memref<!tpu.dma_semaphore, #tpu.memory_space<semaphore_mem>>)
        %dma_wait3A = arith.constant 0 : i32
        %dma_wait3A_169 = tpu.memref_slice %arg16[%add3A_141, %dma_wait3A] : memref<10000x128xf32, #tpu.memory_space<vmem_shared>> -> memref<80x128xf32, #tpu.memory_space<vmem_shared>>
        %dma_wait3A_170 = arith.constant 0 : i32
        %dma_wait3A_171 = tpu.memref_slice %arg16[%add3A_141, %dma_wait3A_170] : memref<10000x128xf32, #tpu.memory_space<vmem_shared>> -> memref<80x128xf32, #tpu.memory_space<vmem_shared>>
        tpu.wait_dma2 semaphore(%run_scoped3A : memref<!tpu.dma_semaphore, #tpu.memory_space<semaphore_mem>>) src(%dma_wait3A_171 : memref<80x128xf32, #tpu.memory_space<vmem_shared>>) dst(%arg12 : memref<80x128xf32, #tpu.memory_space<vmem>>)
        tpu.yield
      }) : () -> ()
      "tpu.region"() ({
        %run_scoped3A = tpu.sem_alloc : memref<!tpu.dma_semaphore, #tpu.memory_space<semaphore_mem>>
        %dma_start3A_165 = arith.constant 0 : i32
        %dma_start3A_166 = tpu.memref_slice %arg6[%add3A_146, %dma_start3A_165] : memref<20000x128xf32, #tpu.memory_space<hbm>> -> memref<80x128xf32, #tpu.memory_space<hbm>>
        %dma_start3A_167 = arith.constant 0 : i32
        %dma_start3A_168 = tpu.memref_slice %arg6[%add3A_146, %dma_start3A_167] : memref<20000x128xf32, #tpu.memory_space<hbm>> -> memref<80x128xf32, #tpu.memory_space<hbm>>
        tpu.enqueue_dma source(%arg12 : memref<80x128xf32, #tpu.memory_space<vmem>>) target(%dma_start3A_168 : memref<80x128xf32, #tpu.memory_space<hbm>>) target_semaphore(%run_scoped3A : memref<!tpu.dma_semaphore, #tpu.memory_space<semaphore_mem>>)
        %dma_wait3A = arith.constant 0 : i32
        %dma_wait3A_169 = tpu.memref_slice %arg6[%add3A_146, %dma_wait3A] : memref<20000x128xf32, #tpu.memory_space<hbm>> -> memref<80x128xf32, #tpu.memory_space<hbm>>
        %dma_wait3A_170 = arith.constant 0 : i32
        %dma_wait3A_171 = tpu.memref_slice %arg6[%add3A_146, %dma_wait3A_170] : memref<20000x128xf32, #tpu.memory_space<hbm>> -> memref<80x128xf32, #tpu.memory_space<hbm>>
        tpu.wait_dma2 semaphore(%run_scoped3A : memref<!tpu.dma_semaphore, #tpu.memory_space<semaphore_mem>>) src(%arg12 : memref<80x128xf32, #tpu.memory_space<vmem>>) dst(%dma_wait3A_171 : memref<80x128xf32, #tpu.memory_space<hbm>>)
        tpu.yield
      }) : () -> ()
      %mul3A_147 = arith.constant 640 : i32
      %mul3A_148 = arith.muli %arg1, %mul3A_147 : i32
      %add3A_149 = arith.constant 480 : i32
      %add3A_150 = arith.addi %mul3A_148, %add3A_149 : i32
      %mul3A_151 = arith.constant 640 : i32
      %mul3A_152 = arith.muli %arg1, %mul3A_151 : i32
      %add3A_153 = arith.addi %mul3A_0, %mul3A_152 : i32
      %add3A_154 = arith.constant 480 : i32
      %add3A_155 = arith.addi %add3A_153, %add3A_154 : i32
      "tpu.region"() ({
        %run_scoped3A = tpu.sem_alloc : memref<!tpu.dma_semaphore, #tpu.memory_space<semaphore_mem>>
        %dma_start3A_165 = arith.constant 0 : i32
        %dma_start3A_166 = tpu.memref_slice %arg16[%add3A_150, %dma_start3A_165] : memref<10000x128xf32, #tpu.memory_space<vmem_shared>> -> memref<80x128xf32, #tpu.memory_space<vmem_shared>>
        %dma_start3A_167 = arith.constant 0 : i32
        %dma_start3A_168 = tpu.memref_slice %arg16[%add3A_150, %dma_start3A_167] : memref<10000x128xf32, #tpu.memory_space<vmem_shared>> -> memref<80x128xf32, #tpu.memory_space<vmem_shared>>
        tpu.enqueue_dma source(%dma_start3A_168 : memref<80x128xf32, #tpu.memory_space<vmem_shared>>) target(%arg12 : memref<80x128xf32, #tpu.memory_space<vmem>>) target_semaphore(%run_scoped3A : memref<!tpu.dma_semaphore, #tpu.memory_space<semaphore_mem>>)
        %dma_wait3A = arith.constant 0 : i32
        %dma_wait3A_169 = tpu.memref_slice %arg16[%add3A_150, %dma_wait3A] : memref<10000x128xf32, #tpu.memory_space<vmem_shared>> -> memref<80x128xf32, #tpu.memory_space<vmem_shared>>
        %dma_wait3A_170 = arith.constant 0 : i32
        %dma_wait3A_171 = tpu.memref_slice %arg16[%add3A_150, %dma_wait3A_170] : memref<10000x128xf32, #tpu.memory_space<vmem_shared>> -> memref<80x128xf32, #tpu.memory_space<vmem_shared>>
        tpu.wait_dma2 semaphore(%run_scoped3A : memref<!tpu.dma_semaphore, #tpu.memory_space<semaphore_mem>>) src(%dma_wait3A_171 : memref<80x128xf32, #tpu.memory_space<vmem_shared>>) dst(%arg12 : memref<80x128xf32, #tpu.memory_space<vmem>>)
        tpu.yield
      }) : () -> ()
      "tpu.region"() ({
        %run_scoped3A = tpu.sem_alloc : memref<!tpu.dma_semaphore, #tpu.memory_space<semaphore_mem>>
        %dma_start3A_165 = arith.constant 0 : i32
        %dma_start3A_166 = tpu.memref_slice %arg6[%add3A_155, %dma_start3A_165] : memref<20000x128xf32, #tpu.memory_space<hbm>> -> memref<80x128xf32, #tpu.memory_space<hbm>>
        %dma_start3A_167 = arith.constant 0 : i32
        %dma_start3A_168 = tpu.memref_slice %arg6[%add3A_155, %dma_start3A_167] : memref<20000x128xf32, #tpu.memory_space<hbm>> -> memref<80x128xf32, #tpu.memory_space<hbm>>
        tpu.enqueue_dma source(%arg12 : memref<80x128xf32, #tpu.memory_space<vmem>>) target(%dma_start3A_168 : memref<80x128xf32, #tpu.memory_space<hbm>>) target_semaphore(%run_scoped3A : memref<!tpu.dma_semaphore, #tpu.memory_space<semaphore_mem>>)
        %dma_wait3A = arith.constant 0 : i32
        %dma_wait3A_169 = tpu.memref_slice %arg6[%add3A_155, %dma_wait3A] : memref<20000x128xf32, #tpu.memory_space<hbm>> -> memref<80x128xf32, #tpu.memory_space<hbm>>
        %dma_wait3A_170 = arith.constant 0 : i32
        %dma_wait3A_171 = tpu.memref_slice %arg6[%add3A_155, %dma_wait3A_170] : memref<20000x128xf32, #tpu.memory_space<hbm>> -> memref<80x128xf32, #tpu.memory_space<hbm>>
        tpu.wait_dma2 semaphore(%run_scoped3A : memref<!tpu.dma_semaphore, #tpu.memory_space<semaphore_mem>>) src(%arg12 : memref<80x128xf32, #tpu.memory_space<vmem>>) dst(%dma_wait3A_171 : memref<80x128xf32, #tpu.memory_space<hbm>>)
        tpu.yield
      }) : () -> ()
      %mul3A_156 = arith.constant 640 : i32
      %mul3A_157 = arith.muli %arg1, %mul3A_156 : i32
      %add3A_158 = arith.constant 560 : i32
      %add3A_159 = arith.addi %mul3A_157, %add3A_158 : i32
      %mul3A_160 = arith.constant 640 : i32
      %mul3A_161 = arith.muli %arg1, %mul3A_160 : i32
      %add3A_162 = arith.addi %mul3A_0, %mul3A_161 : i32
      %add3A_163 = arith.constant 560 : i32
      %add3A_164 = arith.addi %add3A_162, %add3A_163 : i32
      "tpu.region"() ({
        %run_scoped3A = tpu.sem_alloc : memref<!tpu.dma_semaphore, #tpu.memory_space<semaphore_mem>>
        %dma_start3A_165 = arith.constant 0 : i32
        %dma_start3A_166 = tpu.memref_slice %arg16[%add3A_159, %dma_start3A_165] : memref<10000x128xf32, #tpu.memory_space<vmem_shared>> -> memref<80x128xf32, #tpu.memory_space<vmem_shared>>
        %dma_start3A_167 = arith.constant 0 : i32
        %dma_start3A_168 = tpu.memref_slice %arg16[%add3A_159, %dma_start3A_167] : memref<10000x128xf32, #tpu.memory_space<vmem_shared>> -> memref<80x128xf32, #tpu.memory_space<vmem_shared>>
        tpu.enqueue_dma source(%dma_start3A_168 : memref<80x128xf32, #tpu.memory_space<vmem_shared>>) target(%arg12 : memref<80x128xf32, #tpu.memory_space<vmem>>) target_semaphore(%run_scoped3A : memref<!tpu.dma_semaphore, #tpu.memory_space<semaphore_mem>>)
        %dma_wait3A = arith.constant 0 : i32
        %dma_wait3A_169 = tpu.memref_slice %arg16[%add3A_159, %dma_wait3A] : memref<10000x128xf32, #tpu.memory_space<vmem_shared>> -> memref<80x128xf32, #tpu.memory_space<vmem_shared>>
        %dma_wait3A_170 = arith.constant 0 : i32
        %dma_wait3A_171 = tpu.memref_slice %arg16[%add3A_159, %dma_wait3A_170] : memref<10000x128xf32, #tpu.memory_space<vmem_shared>> -> memref<80x128xf32, #tpu.memory_space<vmem_shared>>
        tpu.wait_dma2 semaphore(%run_scoped3A : memref<!tpu.dma_semaphore, #tpu.memory_space<semaphore_mem>>) src(%dma_wait3A_171 : memref<80x128xf32, #tpu.memory_space<vmem_shared>>) dst(%arg12 : memref<80x128xf32, #tpu.memory_space<vmem>>)
        tpu.yield
      }) : () -> ()
      "tpu.region"() ({
        %run_scoped3A = tpu.sem_alloc : memref<!tpu.dma_semaphore, #tpu.memory_space<semaphore_mem>>
        %dma_start3A_165 = arith.constant 0 : i32
        %dma_start3A_166 = tpu.memref_slice %arg6[%add3A_164, %dma_start3A_165] : memref<20000x128xf32, #tpu.memory_space<hbm>> -> memref<80x128xf32, #tpu.memory_space<hbm>>
        %dma_start3A_167 = arith.constant 0 : i32
        %dma_start3A_168 = tpu.memref_slice %arg6[%add3A_164, %dma_start3A_167] : memref<20000x128xf32, #tpu.memory_space<hbm>> -> memref<80x128xf32, #tpu.memory_space<hbm>>
        tpu.enqueue_dma source(%arg12 : memref<80x128xf32, #tpu.memory_space<vmem>>) target(%dma_start3A_168 : memref<80x128xf32, #tpu.memory_space<hbm>>) target_semaphore(%run_scoped3A : memref<!tpu.dma_semaphore, #tpu.memory_space<semaphore_mem>>)
        %dma_wait3A = arith.constant 0 : i32
        %dma_wait3A_169 = tpu.memref_slice %arg6[%add3A_164, %dma_wait3A] : memref<20000x128xf32, #tpu.memory_space<hbm>> -> memref<80x128xf32, #tpu.memory_space<hbm>>
        %dma_wait3A_170 = arith.constant 0 : i32
        %dma_wait3A_171 = tpu.memref_slice %arg6[%add3A_164, %dma_wait3A_170] : memref<20000x128xf32, #tpu.memory_space<hbm>> -> memref<80x128xf32, #tpu.memory_space<hbm>>
        tpu.wait_dma2 semaphore(%run_scoped3A : memref<!tpu.dma_semaphore, #tpu.memory_space<semaphore_mem>>) src(%arg12 : memref<80x128xf32, #tpu.memory_space<vmem>>) dst(%dma_wait3A_171 : memref<80x128xf32, #tpu.memory_space<hbm>>)
        tpu.yield
      }) : () -> ()
    } else {
    }
    %eq3A_39 = arith.constant 15 : i32
    %eq3A_40 = arith.cmpi eq, %arg1, %eq3A_39 : i32
    %convert_element_type3A_41 = arith.extui %eq3A_40 : i1 to i32
    %cond3A_42 = arith.constant 0 : i32
    %cond3A_43 = arith.cmpi ne, %convert_element_type3A_41, %cond3A_42 : i32
    scf.if %cond3A_43 {
      %mul3A_93 = arith.constant 640 : i32
      %mul3A_94 = arith.muli %arg1, %mul3A_93 : i32
      %add3A_95 = arith.constant 0 : i32
      %add3A_96 = arith.addi %mul3A_94, %add3A_95 : i32
      %mul3A_97 = arith.constant 640 : i32
      %mul3A_98 = arith.muli %arg1, %mul3A_97 : i32
      %add3A_99 = arith.addi %mul3A_0, %mul3A_98 : i32
      %add3A_100 = arith.constant 0 : i32
      %add3A_101 = arith.addi %add3A_99, %add3A_100 : i32
      "tpu.region"() ({
        %run_scoped3A = tpu.sem_alloc : memref<!tpu.dma_semaphore, #tpu.memory_space<semaphore_mem>>
        %dma_start3A_138 = arith.constant 0 : i32
        %dma_start3A_139 = tpu.memref_slice %arg16[%add3A_96, %dma_start3A_138] : memref<10000x128xf32, #tpu.memory_space<vmem_shared>> -> memref<80x128xf32, #tpu.memory_space<vmem_shared>>
        %dma_start3A_140 = arith.constant 0 : i32
        %dma_start3A_141 = tpu.memref_slice %arg16[%add3A_96, %dma_start3A_140] : memref<10000x128xf32, #tpu.memory_space<vmem_shared>> -> memref<80x128xf32, #tpu.memory_space<vmem_shared>>
        tpu.enqueue_dma source(%dma_start3A_141 : memref<80x128xf32, #tpu.memory_space<vmem_shared>>) target(%arg12 : memref<80x128xf32, #tpu.memory_space<vmem>>) target_semaphore(%run_scoped3A : memref<!tpu.dma_semaphore, #tpu.memory_space<semaphore_mem>>)
        %dma_wait3A = arith.constant 0 : i32
        %dma_wait3A_142 = tpu.memref_slice %arg16[%add3A_96, %dma_wait3A] : memref<10000x128xf32, #tpu.memory_space<vmem_shared>> -> memref<80x128xf32, #tpu.memory_space<vmem_shared>>
        %dma_wait3A_143 = arith.constant 0 : i32
        %dma_wait3A_144 = tpu.memref_slice %arg16[%add3A_96, %dma_wait3A_143] : memref<10000x128xf32, #tpu.memory_space<vmem_shared>> -> memref<80x128xf32, #tpu.memory_space<vmem_shared>>
        tpu.wait_dma2 semaphore(%run_scoped3A : memref<!tpu.dma_semaphore, #tpu.memory_space<semaphore_mem>>) src(%dma_wait3A_144 : memref<80x128xf32, #tpu.memory_space<vmem_shared>>) dst(%arg12 : memref<80x128xf32, #tpu.memory_space<vmem>>)
        tpu.yield
      }) : () -> ()
      "tpu.region"() ({
        %run_scoped3A = tpu.sem_alloc : memref<!tpu.dma_semaphore, #tpu.memory_space<semaphore_mem>>
        %dma_start3A_138 = arith.constant 0 : i32
        %dma_start3A_139 = tpu.memref_slice %arg6[%add3A_101, %dma_start3A_138] : memref<20000x128xf32, #tpu.memory_space<hbm>> -> memref<80x128xf32, #tpu.memory_space<hbm>>
        %dma_start3A_140 = arith.constant 0 : i32
        %dma_start3A_141 = tpu.memref_slice %arg6[%add3A_101, %dma_start3A_140] : memref<20000x128xf32, #tpu.memory_space<hbm>> -> memref<80x128xf32, #tpu.memory_space<hbm>>
        tpu.enqueue_dma source(%arg12 : memref<80x128xf32, #tpu.memory_space<vmem>>) target(%dma_start3A_141 : memref<80x128xf32, #tpu.memory_space<hbm>>) target_semaphore(%run_scoped3A : memref<!tpu.dma_semaphore, #tpu.memory_space<semaphore_mem>>)
        %dma_wait3A = arith.constant 0 : i32
        %dma_wait3A_142 = tpu.memref_slice %arg6[%add3A_101, %dma_wait3A] : memref<20000x128xf32, #tpu.memory_space<hbm>> -> memref<80x128xf32, #tpu.memory_space<hbm>>
        %dma_wait3A_143 = arith.constant 0 : i32
        %dma_wait3A_144 = tpu.memref_slice %arg6[%add3A_101, %dma_wait3A_143] : memref<20000x128xf32, #tpu.memory_space<hbm>> -> memref<80x128xf32, #tpu.memory_space<hbm>>
        tpu.wait_dma2 semaphore(%run_scoped3A : memref<!tpu.dma_semaphore, #tpu.memory_space<semaphore_mem>>) src(%arg12 : memref<80x128xf32, #tpu.memory_space<vmem>>) dst(%dma_wait3A_144 : memref<80x128xf32, #tpu.memory_space<hbm>>)
        tpu.yield
      }) : () -> ()
      %mul3A_102 = arith.constant 640 : i32
      %mul3A_103 = arith.muli %arg1, %mul3A_102 : i32
      %add3A_104 = arith.constant 80 : i32
      %add3A_105 = arith.addi %mul3A_103, %add3A_104 : i32
      %mul3A_106 = arith.constant 640 : i32
      %mul3A_107 = arith.muli %arg1, %mul3A_106 : i32
      %add3A_108 = arith.addi %mul3A_0, %mul3A_107 : i32
      %add3A_109 = arith.constant 80 : i32
      %add3A_110 = arith.addi %add3A_108, %add3A_109 : i32
      "tpu.region"() ({
        %run_scoped3A = tpu.sem_alloc : memref<!tpu.dma_semaphore, #tpu.memory_space<semaphore_mem>>
        %dma_start3A_138 = arith.constant 0 : i32
        %dma_start3A_139 = tpu.memref_slice %arg16[%add3A_105, %dma_start3A_138] : memref<10000x128xf32, #tpu.memory_space<vmem_shared>> -> memref<80x128xf32, #tpu.memory_space<vmem_shared>>
        %dma_start3A_140 = arith.constant 0 : i32
        %dma_start3A_141 = tpu.memref_slice %arg16[%add3A_105, %dma_start3A_140] : memref<10000x128xf32, #tpu.memory_space<vmem_shared>> -> memref<80x128xf32, #tpu.memory_space<vmem_shared>>
        tpu.enqueue_dma source(%dma_start3A_141 : memref<80x128xf32, #tpu.memory_space<vmem_shared>>) target(%arg12 : memref<80x128xf32, #tpu.memory_space<vmem>>) target_semaphore(%run_scoped3A : memref<!tpu.dma_semaphore, #tpu.memory_space<semaphore_mem>>)
        %dma_wait3A = arith.constant 0 : i32
        %dma_wait3A_142 = tpu.memref_slice %arg16[%add3A_105, %dma_wait3A] : memref<10000x128xf32, #tpu.memory_space<vmem_shared>> -> memref<80x128xf32, #tpu.memory_space<vmem_shared>>
        %dma_wait3A_143 = arith.constant 0 : i32
        %dma_wait3A_144 = tpu.memref_slice %arg16[%add3A_105, %dma_wait3A_143] : memref<10000x128xf32, #tpu.memory_space<vmem_shared>> -> memref<80x128xf32, #tpu.memory_space<vmem_shared>>
        tpu.wait_dma2 semaphore(%run_scoped3A : memref<!tpu.dma_semaphore, #tpu.memory_space<semaphore_mem>>) src(%dma_wait3A_144 : memref<80x128xf32, #tpu.memory_space<vmem_shared>>) dst(%arg12 : memref<80x128xf32, #tpu.memory_space<vmem>>)
        tpu.yield
      }) : () -> ()
      "tpu.region"() ({
        %run_scoped3A = tpu.sem_alloc : memref<!tpu.dma_semaphore, #tpu.memory_space<semaphore_mem>>
        %dma_start3A_138 = arith.constant 0 : i32
        %dma_start3A_139 = tpu.memref_slice %arg6[%add3A_110, %dma_start3A_138] : memref<20000x128xf32, #tpu.memory_space<hbm>> -> memref<80x128xf32, #tpu.memory_space<hbm>>
        %dma_start3A_140 = arith.constant 0 : i32
        %dma_start3A_141 = tpu.memref_slice %arg6[%add3A_110, %dma_start3A_140] : memref<20000x128xf32, #tpu.memory_space<hbm>> -> memref<80x128xf32, #tpu.memory_space<hbm>>
        tpu.enqueue_dma source(%arg12 : memref<80x128xf32, #tpu.memory_space<vmem>>) target(%dma_start3A_141 : memref<80x128xf32, #tpu.memory_space<hbm>>) target_semaphore(%run_scoped3A : memref<!tpu.dma_semaphore, #tpu.memory_space<semaphore_mem>>)
        %dma_wait3A = arith.constant 0 : i32
        %dma_wait3A_142 = tpu.memref_slice %arg6[%add3A_110, %dma_wait3A] : memref<20000x128xf32, #tpu.memory_space<hbm>> -> memref<80x128xf32, #tpu.memory_space<hbm>>
        %dma_wait3A_143 = arith.constant 0 : i32
        %dma_wait3A_144 = tpu.memref_slice %arg6[%add3A_110, %dma_wait3A_143] : memref<20000x128xf32, #tpu.memory_space<hbm>> -> memref<80x128xf32, #tpu.memory_space<hbm>>
        tpu.wait_dma2 semaphore(%run_scoped3A : memref<!tpu.dma_semaphore, #tpu.memory_space<semaphore_mem>>) src(%arg12 : memref<80x128xf32, #tpu.memory_space<vmem>>) dst(%dma_wait3A_144 : memref<80x128xf32, #tpu.memory_space<hbm>>)
        tpu.yield
      }) : () -> ()
      %mul3A_111 = arith.constant 640 : i32
      %mul3A_112 = arith.muli %arg1, %mul3A_111 : i32
      %add3A_113 = arith.constant 160 : i32
      %add3A_114 = arith.addi %mul3A_112, %add3A_113 : i32
      %mul3A_115 = arith.constant 640 : i32
      %mul3A_116 = arith.muli %arg1, %mul3A_115 : i32
      %add3A_117 = arith.addi %mul3A_0, %mul3A_116 : i32
      %add3A_118 = arith.constant 160 : i32
      %add3A_119 = arith.addi %add3A_117, %add3A_118 : i32
      "tpu.region"() ({
        %run_scoped3A = tpu.sem_alloc : memref<!tpu.dma_semaphore, #tpu.memory_space<semaphore_mem>>
        %dma_start3A_138 = arith.constant 0 : i32
        %dma_start3A_139 = tpu.memref_slice %arg16[%add3A_114, %dma_start3A_138] : memref<10000x128xf32, #tpu.memory_space<vmem_shared>> -> memref<80x128xf32, #tpu.memory_space<vmem_shared>>
        %dma_start3A_140 = arith.constant 0 : i32
        %dma_start3A_141 = tpu.memref_slice %arg16[%add3A_114, %dma_start3A_140] : memref<10000x128xf32, #tpu.memory_space<vmem_shared>> -> memref<80x128xf32, #tpu.memory_space<vmem_shared>>
        tpu.enqueue_dma source(%dma_start3A_141 : memref<80x128xf32, #tpu.memory_space<vmem_shared>>) target(%arg12 : memref<80x128xf32, #tpu.memory_space<vmem>>) target_semaphore(%run_scoped3A : memref<!tpu.dma_semaphore, #tpu.memory_space<semaphore_mem>>)
        %dma_wait3A = arith.constant 0 : i32
        %dma_wait3A_142 = tpu.memref_slice %arg16[%add3A_114, %dma_wait3A] : memref<10000x128xf32, #tpu.memory_space<vmem_shared>> -> memref<80x128xf32, #tpu.memory_space<vmem_shared>>
        %dma_wait3A_143 = arith.constant 0 : i32
        %dma_wait3A_144 = tpu.memref_slice %arg16[%add3A_114, %dma_wait3A_143] : memref<10000x128xf32, #tpu.memory_space<vmem_shared>> -> memref<80x128xf32, #tpu.memory_space<vmem_shared>>
        tpu.wait_dma2 semaphore(%run_scoped3A : memref<!tpu.dma_semaphore, #tpu.memory_space<semaphore_mem>>) src(%dma_wait3A_144 : memref<80x128xf32, #tpu.memory_space<vmem_shared>>) dst(%arg12 : memref<80x128xf32, #tpu.memory_space<vmem>>)
        tpu.yield
      }) : () -> ()
      "tpu.region"() ({
        %run_scoped3A = tpu.sem_alloc : memref<!tpu.dma_semaphore, #tpu.memory_space<semaphore_mem>>
        %dma_start3A_138 = arith.constant 0 : i32
        %dma_start3A_139 = tpu.memref_slice %arg6[%add3A_119, %dma_start3A_138] : memref<20000x128xf32, #tpu.memory_space<hbm>> -> memref<80x128xf32, #tpu.memory_space<hbm>>
        %dma_start3A_140 = arith.constant 0 : i32
        %dma_start3A_141 = tpu.memref_slice %arg6[%add3A_119, %dma_start3A_140] : memref<20000x128xf32, #tpu.memory_space<hbm>> -> memref<80x128xf32, #tpu.memory_space<hbm>>
        tpu.enqueue_dma source(%arg12 : memref<80x128xf32, #tpu.memory_space<vmem>>) target(%dma_start3A_141 : memref<80x128xf32, #tpu.memory_space<hbm>>) target_semaphore(%run_scoped3A : memref<!tpu.dma_semaphore, #tpu.memory_space<semaphore_mem>>)
        %dma_wait3A = arith.constant 0 : i32
        %dma_wait3A_142 = tpu.memref_slice %arg6[%add3A_119, %dma_wait3A] : memref<20000x128xf32, #tpu.memory_space<hbm>> -> memref<80x128xf32, #tpu.memory_space<hbm>>
        %dma_wait3A_143 = arith.constant 0 : i32
        %dma_wait3A_144 = tpu.memref_slice %arg6[%add3A_119, %dma_wait3A_143] : memref<20000x128xf32, #tpu.memory_space<hbm>> -> memref<80x128xf32, #tpu.memory_space<hbm>>
        tpu.wait_dma2 semaphore(%run_scoped3A : memref<!tpu.dma_semaphore, #tpu.memory_space<semaphore_mem>>) src(%arg12 : memref<80x128xf32, #tpu.memory_space<vmem>>) dst(%dma_wait3A_144 : memref<80x128xf32, #tpu.memory_space<hbm>>)
        tpu.yield
      }) : () -> ()
      %mul3A_120 = arith.constant 640 : i32
      %mul3A_121 = arith.muli %arg1, %mul3A_120 : i32
      %add3A_122 = arith.constant 240 : i32
      %add3A_123 = arith.addi %mul3A_121, %add3A_122 : i32
      %mul3A_124 = arith.constant 640 : i32
      %mul3A_125 = arith.muli %arg1, %mul3A_124 : i32
      %add3A_126 = arith.addi %mul3A_0, %mul3A_125 : i32
      %add3A_127 = arith.constant 240 : i32
      %add3A_128 = arith.addi %add3A_126, %add3A_127 : i32
      "tpu.region"() ({
        %run_scoped3A = tpu.sem_alloc : memref<!tpu.dma_semaphore, #tpu.memory_space<semaphore_mem>>
        %dma_start3A_138 = arith.constant 0 : i32
        %dma_start3A_139 = tpu.memref_slice %arg16[%add3A_123, %dma_start3A_138] : memref<10000x128xf32, #tpu.memory_space<vmem_shared>> -> memref<80x128xf32, #tpu.memory_space<vmem_shared>>
        %dma_start3A_140 = arith.constant 0 : i32
        %dma_start3A_141 = tpu.memref_slice %arg16[%add3A_123, %dma_start3A_140] : memref<10000x128xf32, #tpu.memory_space<vmem_shared>> -> memref<80x128xf32, #tpu.memory_space<vmem_shared>>
        tpu.enqueue_dma source(%dma_start3A_141 : memref<80x128xf32, #tpu.memory_space<vmem_shared>>) target(%arg12 : memref<80x128xf32, #tpu.memory_space<vmem>>) target_semaphore(%run_scoped3A : memref<!tpu.dma_semaphore, #tpu.memory_space<semaphore_mem>>)
        %dma_wait3A = arith.constant 0 : i32
        %dma_wait3A_142 = tpu.memref_slice %arg16[%add3A_123, %dma_wait3A] : memref<10000x128xf32, #tpu.memory_space<vmem_shared>> -> memref<80x128xf32, #tpu.memory_space<vmem_shared>>
        %dma_wait3A_143 = arith.constant 0 : i32
        %dma_wait3A_144 = tpu.memref_slice %arg16[%add3A_123, %dma_wait3A_143] : memref<10000x128xf32, #tpu.memory_space<vmem_shared>> -> memref<80x128xf32, #tpu.memory_space<vmem_shared>>
        tpu.wait_dma2 semaphore(%run_scoped3A : memref<!tpu.dma_semaphore, #tpu.memory_space<semaphore_mem>>) src(%dma_wait3A_144 : memref<80x128xf32, #tpu.memory_space<vmem_shared>>) dst(%arg12 : memref<80x128xf32, #tpu.memory_space<vmem>>)
        tpu.yield
      }) : () -> ()
      "tpu.region"() ({
        %run_scoped3A = tpu.sem_alloc : memref<!tpu.dma_semaphore, #tpu.memory_space<semaphore_mem>>
        %dma_start3A_138 = arith.constant 0 : i32
        %dma_start3A_139 = tpu.memref_slice %arg6[%add3A_128, %dma_start3A_138] : memref<20000x128xf32, #tpu.memory_space<hbm>> -> memref<80x128xf32, #tpu.memory_space<hbm>>
        %dma_start3A_140 = arith.constant 0 : i32
        %dma_start3A_141 = tpu.memref_slice %arg6[%add3A_128, %dma_start3A_140] : memref<20000x128xf32, #tpu.memory_space<hbm>> -> memref<80x128xf32, #tpu.memory_space<hbm>>
        tpu.enqueue_dma source(%arg12 : memref<80x128xf32, #tpu.memory_space<vmem>>) target(%dma_start3A_141 : memref<80x128xf32, #tpu.memory_space<hbm>>) target_semaphore(%run_scoped3A : memref<!tpu.dma_semaphore, #tpu.memory_space<semaphore_mem>>)
        %dma_wait3A = arith.constant 0 : i32
        %dma_wait3A_142 = tpu.memref_slice %arg6[%add3A_128, %dma_wait3A] : memref<20000x128xf32, #tpu.memory_space<hbm>> -> memref<80x128xf32, #tpu.memory_space<hbm>>
        %dma_wait3A_143 = arith.constant 0 : i32
        %dma_wait3A_144 = tpu.memref_slice %arg6[%add3A_128, %dma_wait3A_143] : memref<20000x128xf32, #tpu.memory_space<hbm>> -> memref<80x128xf32, #tpu.memory_space<hbm>>
        tpu.wait_dma2 semaphore(%run_scoped3A : memref<!tpu.dma_semaphore, #tpu.memory_space<semaphore_mem>>) src(%arg12 : memref<80x128xf32, #tpu.memory_space<vmem>>) dst(%dma_wait3A_144 : memref<80x128xf32, #tpu.memory_space<hbm>>)
        tpu.yield
      }) : () -> ()
      %mul3A_129 = arith.constant 640 : i32
      %mul3A_130 = arith.muli %arg1, %mul3A_129 : i32
      %add3A_131 = arith.constant 320 : i32
      %add3A_132 = arith.addi %mul3A_130, %add3A_131 : i32
      %mul3A_133 = arith.constant 640 : i32
      %mul3A_134 = arith.muli %arg1, %mul3A_133 : i32
      %add3A_135 = arith.addi %mul3A_0, %mul3A_134 : i32
      %add3A_136 = arith.constant 320 : i32
      %add3A_137 = arith.addi %add3A_135, %add3A_136 : i32
      "tpu.region"() ({
        %run_scoped3A = tpu.sem_alloc : memref<!tpu.dma_semaphore, #tpu.memory_space<semaphore_mem>>
        %dma_start3A_138 = arith.constant 0 : i32
        %dma_start3A_139 = tpu.memref_slice %arg16[%add3A_132, %dma_start3A_138] : memref<10000x128xf32, #tpu.memory_space<vmem_shared>> -> memref<80x128xf32, #tpu.memory_space<vmem_shared>>
        %dma_start3A_140 = arith.constant 0 : i32
        %dma_start3A_141 = tpu.memref_slice %arg16[%add3A_132, %dma_start3A_140] : memref<10000x128xf32, #tpu.memory_space<vmem_shared>> -> memref<80x128xf32, #tpu.memory_space<vmem_shared>>
        tpu.enqueue_dma source(%dma_start3A_141 : memref<80x128xf32, #tpu.memory_space<vmem_shared>>) target(%arg12 : memref<80x128xf32, #tpu.memory_space<vmem>>) target_semaphore(%run_scoped3A : memref<!tpu.dma_semaphore, #tpu.memory_space<semaphore_mem>>)
        %dma_wait3A = arith.constant 0 : i32
        %dma_wait3A_142 = tpu.memref_slice %arg16[%add3A_132, %dma_wait3A] : memref<10000x128xf32, #tpu.memory_space<vmem_shared>> -> memref<80x128xf32, #tpu.memory_space<vmem_shared>>
        %dma_wait3A_143 = arith.constant 0 : i32
        %dma_wait3A_144 = tpu.memref_slice %arg16[%add3A_132, %dma_wait3A_143] : memref<10000x128xf32, #tpu.memory_space<vmem_shared>> -> memref<80x128xf32, #tpu.memory_space<vmem_shared>>
        tpu.wait_dma2 semaphore(%run_scoped3A : memref<!tpu.dma_semaphore, #tpu.memory_space<semaphore_mem>>) src(%dma_wait3A_144 : memref<80x128xf32, #tpu.memory_space<vmem_shared>>) dst(%arg12 : memref<80x128xf32, #tpu.memory_space<vmem>>)
        tpu.yield
      }) : () -> ()
      "tpu.region"() ({
        %run_scoped3A = tpu.sem_alloc : memref<!tpu.dma_semaphore, #tpu.memory_space<semaphore_mem>>
        %dma_start3A_138 = arith.constant 0 : i32
        %dma_start3A_139 = tpu.memref_slice %arg6[%add3A_137, %dma_start3A_138] : memref<20000x128xf32, #tpu.memory_space<hbm>> -> memref<80x128xf32, #tpu.memory_space<hbm>>
        %dma_start3A_140 = arith.constant 0 : i32
        %dma_start3A_141 = tpu.memref_slice %arg6[%add3A_137, %dma_start3A_140] : memref<20000x128xf32, #tpu.memory_space<hbm>> -> memref<80x128xf32, #tpu.memory_space<hbm>>
        tpu.enqueue_dma source(%arg12 : memref<80x128xf32, #tpu.memory_space<vmem>>) target(%dma_start3A_141 : memref<80x128xf32, #tpu.memory_space<hbm>>) target_semaphore(%run_scoped3A : memref<!tpu.dma_semaphore, #tpu.memory_space<semaphore_mem>>)
        %dma_wait3A = arith.constant 0 : i32
        %dma_wait3A_142 = tpu.memref_slice %arg6[%add3A_137, %dma_wait3A] : memref<20000x128xf32, #tpu.memory_space<hbm>> -> memref<80x128xf32, #tpu.memory_space<hbm>>
        %dma_wait3A_143 = arith.constant 0 : i32
        %dma_wait3A_144 = tpu.memref_slice %arg6[%add3A_137, %dma_wait3A_143] : memref<20000x128xf32, #tpu.memory_space<hbm>> -> memref<80x128xf32, #tpu.memory_space<hbm>>
        tpu.wait_dma2 semaphore(%run_scoped3A : memref<!tpu.dma_semaphore, #tpu.memory_space<semaphore_mem>>) src(%arg12 : memref<80x128xf32, #tpu.memory_space<vmem>>) dst(%dma_wait3A_144 : memref<80x128xf32, #tpu.memory_space<hbm>>)
        tpu.yield
      }) : () -> ()
    } else {
    }
    %barrier3A_44 = arith.constant 0 : index
    tpu.barrier barrier_id(%barrier3A_44)
    %scan3A_45 = arith.constant 0 : i32
    %scan3A_46 = arith.constant 0 : i32
    %scan3A_47 = arith.constant 80 : i32
    %scan3A_48 = arith.addi %scan3A_46, %scan3A_47 : i32
    %scan3A_49 = arith.constant 1 : i32
    scf.for %scan3A_93 = %scan3A_46 to %scan3A_48 step %scan3A_49  : i32 {
      %swap3A = arith.index_cast %scan3A_93 : i32 to index
      %swap3A_94 = arith.constant 0 : index
      %swap3A_95 = tpu.vector_load %arg12[%swap3A, %swap3A_94] {strides = array<i32>} : memref<80x128xf32, #tpu.memory_space<vmem>>, vector<1x16xf32>,
      %swap3A_96 = vector.shape_cast %swap3A_95 : vector<1x16xf32> to vector<16xf32>
      %swap3A_97 = vector.shape_cast %broadcast_in_dim3A_3 : vector<16xf32> to vector<1x16xf32>
      tpu.vector_store %arg12[%swap3A, %swap3A_94], %swap3A_97 {strides = array<i32>} : memref<80x128xf32, #tpu.memory_space<vmem>>, vector<1x16xf32>,
      %swap3A_98 = arith.index_cast %scan3A_93 : i32 to index
      %swap3A_99 = arith.constant 16 : index
      %swap3A_100 = tpu.vector_load %arg12[%swap3A_98, %swap3A_99] {strides = array<i32>} : memref<80x128xf32, #tpu.memory_space<vmem>>, vector<1x16xf32>,
      %swap3A_101 = vector.shape_cast %swap3A_100 : vector<1x16xf32> to vector<16xf32>
      %swap3A_102 = vector.shape_cast %broadcast_in_dim3A_3 : vector<16xf32> to vector<1x16xf32>
      tpu.vector_store %arg12[%swap3A_98, %swap3A_99], %swap3A_102 {strides = array<i32>} : memref<80x128xf32, #tpu.memory_space<vmem>>, vector<1x16xf32>,
      %swap3A_103 = arith.index_cast %scan3A_93 : i32 to index
      %swap3A_104 = arith.constant 32 : index
      %swap3A_105 = tpu.vector_load %arg12[%swap3A_103, %swap3A_104] {strides = array<i32>} : memref<80x128xf32, #tpu.memory_space<vmem>>, vector<1x16xf32>,
      %swap3A_106 = vector.shape_cast %swap3A_105 : vector<1x16xf32> to vector<16xf32>
      %swap3A_107 = vector.shape_cast %broadcast_in_dim3A_3 : vector<16xf32> to vector<1x16xf32>
      tpu.vector_store %arg12[%swap3A_103, %swap3A_104], %swap3A_107 {strides = array<i32>} : memref<80x128xf32, #tpu.memory_space<vmem>>, vector<1x16xf32>,
      %swap3A_108 = arith.index_cast %scan3A_93 : i32 to index
      %swap3A_109 = arith.constant 48 : index
      %swap3A_110 = tpu.vector_load %arg12[%swap3A_108, %swap3A_109] {strides = array<i32>} : memref<80x128xf32, #tpu.memory_space<vmem>>, vector<1x16xf32>,
      %swap3A_111 = vector.shape_cast %swap3A_110 : vector<1x16xf32> to vector<16xf32>
      %swap3A_112 = vector.shape_cast %broadcast_in_dim3A_3 : vector<16xf32> to vector<1x16xf32>
      tpu.vector_store %arg12[%swap3A_108, %swap3A_109], %swap3A_112 {strides = array<i32>} : memref<80x128xf32, #tpu.memory_space<vmem>>, vector<1x16xf32>,
      %swap3A_113 = arith.index_cast %scan3A_93 : i32 to index
      %swap3A_114 = arith.constant 64 : index
      %swap3A_115 = tpu.vector_load %arg12[%swap3A_113, %swap3A_114] {strides = array<i32>} : memref<80x128xf32, #tpu.memory_space<vmem>>, vector<1x16xf32>,
      %swap3A_116 = vector.shape_cast %swap3A_115 : vector<1x16xf32> to vector<16xf32>
      %swap3A_117 = vector.shape_cast %broadcast_in_dim3A_3 : vector<16xf32> to vector<1x16xf32>
      tpu.vector_store %arg12[%swap3A_113, %swap3A_114], %swap3A_117 {strides = array<i32>} : memref<80x128xf32, #tpu.memory_space<vmem>>, vector<1x16xf32>,
      %swap3A_118 = arith.index_cast %scan3A_93 : i32 to index
      %swap3A_119 = arith.constant 80 : index
      %swap3A_120 = tpu.vector_load %arg12[%swap3A_118, %swap3A_119] {strides = array<i32>} : memref<80x128xf32, #tpu.memory_space<vmem>>, vector<1x16xf32>,
      %swap3A_121 = vector.shape_cast %swap3A_120 : vector<1x16xf32> to vector<16xf32>
      %swap3A_122 = vector.shape_cast %broadcast_in_dim3A_3 : vector<16xf32> to vector<1x16xf32>
      tpu.vector_store %arg12[%swap3A_118, %swap3A_119], %swap3A_122 {strides = array<i32>} : memref<80x128xf32, #tpu.memory_space<vmem>>, vector<1x16xf32>,
      %swap3A_123 = arith.index_cast %scan3A_93 : i32 to index
      %swap3A_124 = arith.constant 96 : index
      %swap3A_125 = tpu.vector_load %arg12[%swap3A_123, %swap3A_124] {strides = array<i32>} : memref<80x128xf32, #tpu.memory_space<vmem>>, vector<1x16xf32>,
      %swap3A_126 = vector.shape_cast %swap3A_125 : vector<1x16xf32> to vector<16xf32>
      %swap3A_127 = vector.shape_cast %broadcast_in_dim3A_3 : vector<16xf32> to vector<1x16xf32>
      tpu.vector_store %arg12[%swap3A_123, %swap3A_124], %swap3A_127 {strides = array<i32>} : memref<80x128xf32, #tpu.memory_space<vmem>>, vector<1x16xf32>,
      %swap3A_128 = arith.index_cast %scan3A_93 : i32 to index
      %swap3A_129 = arith.constant 112 : index
      %swap3A_130 = tpu.vector_load %arg12[%swap3A_128, %swap3A_129] {strides = array<i32>} : memref<80x128xf32, #tpu.memory_space<vmem>>, vector<1x16xf32>,
      %swap3A_131 = vector.shape_cast %swap3A_130 : vector<1x16xf32> to vector<16xf32>
      %swap3A_132 = vector.shape_cast %broadcast_in_dim3A_3 : vector<16xf32> to vector<1x16xf32>
      tpu.vector_store %arg12[%swap3A_128, %swap3A_129], %swap3A_132 {strides = array<i32>} : memref<80x128xf32, #tpu.memory_space<vmem>>, vector<1x16xf32>,
    }
    %scan3A_50 = arith.constant 80 : i32
    %lt3A_51 = arith.constant 15 : i32
    %lt3A_52 = arith.cmpi slt, %arg1, %lt3A_51 : i32
    %convert_element_type3A_53 = arith.extui %lt3A_52 : i1 to i32
    %cond3A_54 = arith.constant 0 : i32
    %cond3A_55 = arith.cmpi ne, %convert_element_type3A_53, %cond3A_54 : i32
    scf.if %cond3A_55 {
      %mul3A_93 = arith.constant 640 : i32
      %mul3A_94 = arith.muli %arg1, %mul3A_93 : i32
      %add3A_95 = arith.constant 0 : i32
      %add3A_96 = arith.addi %mul3A_94, %add3A_95 : i32
      "tpu.region"() ({
        %run_scoped3A = tpu.sem_alloc : memref<!tpu.dma_semaphore, #tpu.memory_space<semaphore_mem>>
        %dma_start3A_125 = arith.constant 0 : i32
        %dma_start3A_126 = tpu.memref_slice %arg16[%add3A_96, %dma_start3A_125] : memref<10000x128xf32, #tpu.memory_space<vmem_shared>> -> memref<80x128xf32, #tpu.memory_space<vmem_shared>>
        %dma_start3A_127 = arith.constant 0 : i32
        %dma_start3A_128 = tpu.memref_slice %arg16[%add3A_96, %dma_start3A_127] : memref<10000x128xf32, #tpu.memory_space<vmem_shared>> -> memref<80x128xf32, #tpu.memory_space<vmem_shared>>
        tpu.enqueue_dma source(%arg12 : memref<80x128xf32, #tpu.memory_space<vmem>>) target(%dma_start3A_128 : memref<80x128xf32, #tpu.memory_space<vmem_shared>>) target_semaphore(%run_scoped3A : memref<!tpu.dma_semaphore, #tpu.memory_space<semaphore_mem>>)
        %dma_wait3A = arith.constant 0 : i32
        %dma_wait3A_129 = tpu.memref_slice %arg16[%add3A_96, %dma_wait3A] : memref<10000x128xf32, #tpu.memory_space<vmem_shared>> -> memref<80x128xf32, #tpu.memory_space<vmem_shared>>
        %dma_wait3A_130 = arith.constant 0 : i32
        %dma_wait3A_131 = tpu.memref_slice %arg16[%add3A_96, %dma_wait3A_130] : memref<10000x128xf32, #tpu.memory_space<vmem_shared>> -> memref<80x128xf32, #tpu.memory_space<vmem_shared>>
        tpu.wait_dma2 semaphore(%run_scoped3A : memref<!tpu.dma_semaphore, #tpu.memory_space<semaphore_mem>>) src(%arg12 : memref<80x128xf32, #tpu.memory_space<vmem>>) dst(%dma_wait3A_131 : memref<80x128xf32, #tpu.memory_space<vmem_shared>>)
        tpu.yield
      }) : () -> ()
      %mul3A_97 = arith.constant 640 : i32
      %mul3A_98 = arith.muli %arg1, %mul3A_97 : i32
      %add3A_99 = arith.constant 80 : i32
      %add3A_100 = arith.addi %mul3A_98, %add3A_99 : i32
      "tpu.region"() ({
        %run_scoped3A = tpu.sem_alloc : memref<!tpu.dma_semaphore, #tpu.memory_space<semaphore_mem>>
        %dma_start3A_125 = arith.constant 0 : i32
        %dma_start3A_126 = tpu.memref_slice %arg16[%add3A_100, %dma_start3A_125] : memref<10000x128xf32, #tpu.memory_space<vmem_shared>> -> memref<80x128xf32, #tpu.memory_space<vmem_shared>>
        %dma_start3A_127 = arith.constant 0 : i32
        %dma_start3A_128 = tpu.memref_slice %arg16[%add3A_100, %dma_start3A_127] : memref<10000x128xf32, #tpu.memory_space<vmem_shared>> -> memref<80x128xf32, #tpu.memory_space<vmem_shared>>
        tpu.enqueue_dma source(%arg12 : memref<80x128xf32, #tpu.memory_space<vmem>>) target(%dma_start3A_128 : memref<80x128xf32, #tpu.memory_space<vmem_shared>>) target_semaphore(%run_scoped3A : memref<!tpu.dma_semaphore, #tpu.memory_space<semaphore_mem>>)
        %dma_wait3A = arith.constant 0 : i32
        %dma_wait3A_129 = tpu.memref_slice %arg16[%add3A_100, %dma_wait3A] : memref<10000x128xf32, #tpu.memory_space<vmem_shared>> -> memref<80x128xf32, #tpu.memory_space<vmem_shared>>
        %dma_wait3A_130 = arith.constant 0 : i32
        %dma_wait3A_131 = tpu.memref_slice %arg16[%add3A_100, %dma_wait3A_130] : memref<10000x128xf32, #tpu.memory_space<vmem_shared>> -> memref<80x128xf32, #tpu.memory_space<vmem_shared>>
        tpu.wait_dma2 semaphore(%run_scoped3A : memref<!tpu.dma_semaphore, #tpu.memory_space<semaphore_mem>>) src(%arg12 : memref<80x128xf32, #tpu.memory_space<vmem>>) dst(%dma_wait3A_131 : memref<80x128xf32, #tpu.memory_space<vmem_shared>>)
        tpu.yield
      }) : () -> ()
      %mul3A_101 = arith.constant 640 : i32
      %mul3A_102 = arith.muli %arg1, %mul3A_101 : i32
      %add3A_103 = arith.constant 160 : i32
      %add3A_104 = arith.addi %mul3A_102, %add3A_103 : i32
      "tpu.region"() ({
        %run_scoped3A = tpu.sem_alloc : memref<!tpu.dma_semaphore, #tpu.memory_space<semaphore_mem>>
        %dma_start3A_125 = arith.constant 0 : i32
        %dma_start3A_126 = tpu.memref_slice %arg16[%add3A_104, %dma_start3A_125] : memref<10000x128xf32, #tpu.memory_space<vmem_shared>> -> memref<80x128xf32, #tpu.memory_space<vmem_shared>>
        %dma_start3A_127 = arith.constant 0 : i32
        %dma_start3A_128 = tpu.memref_slice %arg16[%add3A_104, %dma_start3A_127] : memref<10000x128xf32, #tpu.memory_space<vmem_shared>> -> memref<80x128xf32, #tpu.memory_space<vmem_shared>>
        tpu.enqueue_dma source(%arg12 : memref<80x128xf32, #tpu.memory_space<vmem>>) target(%dma_start3A_128 : memref<80x128xf32, #tpu.memory_space<vmem_shared>>) target_semaphore(%run_scoped3A : memref<!tpu.dma_semaphore, #tpu.memory_space<semaphore_mem>>)
        %dma_wait3A = arith.constant 0 : i32
        %dma_wait3A_129 = tpu.memref_slice %arg16[%add3A_104, %dma_wait3A] : memref<10000x128xf32, #tpu.memory_space<vmem_shared>> -> memref<80x128xf32, #tpu.memory_space<vmem_shared>>
        %dma_wait3A_130 = arith.constant 0 : i32
        %dma_wait3A_131 = tpu.memref_slice %arg16[%add3A_104, %dma_wait3A_130] : memref<10000x128xf32, #tpu.memory_space<vmem_shared>> -> memref<80x128xf32, #tpu.memory_space<vmem_shared>>
        tpu.wait_dma2 semaphore(%run_scoped3A : memref<!tpu.dma_semaphore, #tpu.memory_space<semaphore_mem>>) src(%arg12 : memref<80x128xf32, #tpu.memory_space<vmem>>) dst(%dma_wait3A_131 : memref<80x128xf32, #tpu.memory_space<vmem_shared>>)
        tpu.yield
      }) : () -> ()
      %mul3A_105 = arith.constant 640 : i32
      %mul3A_106 = arith.muli %arg1, %mul3A_105 : i32
      %add3A_107 = arith.constant 240 : i32
      %add3A_108 = arith.addi %mul3A_106, %add3A_107 : i32
      "tpu.region"() ({
        %run_scoped3A = tpu.sem_alloc : memref<!tpu.dma_semaphore, #tpu.memory_space<semaphore_mem>>
        %dma_start3A_125 = arith.constant 0 : i32
        %dma_start3A_126 = tpu.memref_slice %arg16[%add3A_108, %dma_start3A_125] : memref<10000x128xf32, #tpu.memory_space<vmem_shared>> -> memref<80x128xf32, #tpu.memory_space<vmem_shared>>
        %dma_start3A_127 = arith.constant 0 : i32
        %dma_start3A_128 = tpu.memref_slice %arg16[%add3A_108, %dma_start3A_127] : memref<10000x128xf32, #tpu.memory_space<vmem_shared>> -> memref<80x128xf32, #tpu.memory_space<vmem_shared>>
        tpu.enqueue_dma source(%arg12 : memref<80x128xf32, #tpu.memory_space<vmem>>) target(%dma_start3A_128 : memref<80x128xf32, #tpu.memory_space<vmem_shared>>) target_semaphore(%run_scoped3A : memref<!tpu.dma_semaphore, #tpu.memory_space<semaphore_mem>>)
        %dma_wait3A = arith.constant 0 : i32
        %dma_wait3A_129 = tpu.memref_slice %arg16[%add3A_108, %dma_wait3A] : memref<10000x128xf32, #tpu.memory_space<vmem_shared>> -> memref<80x128xf32, #tpu.memory_space<vmem_shared>>
        %dma_wait3A_130 = arith.constant 0 : i32
        %dma_wait3A_131 = tpu.memref_slice %arg16[%add3A_108, %dma_wait3A_130] : memref<10000x128xf32, #tpu.memory_space<vmem_shared>> -> memref<80x128xf32, #tpu.memory_space<vmem_shared>>
        tpu.wait_dma2 semaphore(%run_scoped3A : memref<!tpu.dma_semaphore, #tpu.memory_space<semaphore_mem>>) src(%arg12 : memref<80x128xf32, #tpu.memory_space<vmem>>) dst(%dma_wait3A_131 : memref<80x128xf32, #tpu.memory_space<vmem_shared>>)
        tpu.yield
      }) : () -> ()
      %mul3A_109 = arith.constant 640 : i32
      %mul3A_110 = arith.muli %arg1, %mul3A_109 : i32
      %add3A_111 = arith.constant 320 : i32
      %add3A_112 = arith.addi %mul3A_110, %add3A_111 : i32
      "tpu.region"() ({
        %run_scoped3A = tpu.sem_alloc : memref<!tpu.dma_semaphore, #tpu.memory_space<semaphore_mem>>
        %dma_start3A_125 = arith.constant 0 : i32
        %dma_start3A_126 = tpu.memref_slice %arg16[%add3A_112, %dma_start3A_125] : memref<10000x128xf32, #tpu.memory_space<vmem_shared>> -> memref<80x128xf32, #tpu.memory_space<vmem_shared>>
        %dma_start3A_127 = arith.constant 0 : i32
        %dma_start3A_128 = tpu.memref_slice %arg16[%add3A_112, %dma_start3A_127] : memref<10000x128xf32, #tpu.memory_space<vmem_shared>> -> memref<80x128xf32, #tpu.memory_space<vmem_shared>>
        tpu.enqueue_dma source(%arg12 : memref<80x128xf32, #tpu.memory_space<vmem>>) target(%dma_start3A_128 : memref<80x128xf32, #tpu.memory_space<vmem_shared>>) target_semaphore(%run_scoped3A : memref<!tpu.dma_semaphore, #tpu.memory_space<semaphore_mem>>)
        %dma_wait3A = arith.constant 0 : i32
        %dma_wait3A_129 = tpu.memref_slice %arg16[%add3A_112, %dma_wait3A] : memref<10000x128xf32, #tpu.memory_space<vmem_shared>> -> memref<80x128xf32, #tpu.memory_space<vmem_shared>>
        %dma_wait3A_130 = arith.constant 0 : i32
        %dma_wait3A_131 = tpu.memref_slice %arg16[%add3A_112, %dma_wait3A_130] : memref<10000x128xf32, #tpu.memory_space<vmem_shared>> -> memref<80x128xf32, #tpu.memory_space<vmem_shared>>
        tpu.wait_dma2 semaphore(%run_scoped3A : memref<!tpu.dma_semaphore, #tpu.memory_space<semaphore_mem>>) src(%arg12 : memref<80x128xf32, #tpu.memory_space<vmem>>) dst(%dma_wait3A_131 : memref<80x128xf32, #tpu.memory_space<vmem_shared>>)
        tpu.yield
      }) : () -> ()
      %mul3A_113 = arith.constant 640 : i32
      %mul3A_114 = arith.muli %arg1, %mul3A_113 : i32
      %add3A_115 = arith.constant 400 : i32
      %add3A_116 = arith.addi %mul3A_114, %add3A_115 : i32
      "tpu.region"() ({
        %run_scoped3A = tpu.sem_alloc : memref<!tpu.dma_semaphore, #tpu.memory_space<semaphore_mem>>
        %dma_start3A_125 = arith.constant 0 : i32
        %dma_start3A_126 = tpu.memref_slice %arg16[%add3A_116, %dma_start3A_125] : memref<10000x128xf32, #tpu.memory_space<vmem_shared>> -> memref<80x128xf32, #tpu.memory_space<vmem_shared>>
        %dma_start3A_127 = arith.constant 0 : i32
        %dma_start3A_128 = tpu.memref_slice %arg16[%add3A_116, %dma_start3A_127] : memref<10000x128xf32, #tpu.memory_space<vmem_shared>> -> memref<80x128xf32, #tpu.memory_space<vmem_shared>>
        tpu.enqueue_dma source(%arg12 : memref<80x128xf32, #tpu.memory_space<vmem>>) target(%dma_start3A_128 : memref<80x128xf32, #tpu.memory_space<vmem_shared>>) target_semaphore(%run_scoped3A : memref<!tpu.dma_semaphore, #tpu.memory_space<semaphore_mem>>)
        %dma_wait3A = arith.constant 0 : i32
        %dma_wait3A_129 = tpu.memref_slice %arg16[%add3A_116, %dma_wait3A] : memref<10000x128xf32, #tpu.memory_space<vmem_shared>> -> memref<80x128xf32, #tpu.memory_space<vmem_shared>>
        %dma_wait3A_130 = arith.constant 0 : i32
        %dma_wait3A_131 = tpu.memref_slice %arg16[%add3A_116, %dma_wait3A_130] : memref<10000x128xf32, #tpu.memory_space<vmem_shared>> -> memref<80x128xf32, #tpu.memory_space<vmem_shared>>
        tpu.wait_dma2 semaphore(%run_scoped3A : memref<!tpu.dma_semaphore, #tpu.memory_space<semaphore_mem>>) src(%arg12 : memref<80x128xf32, #tpu.memory_space<vmem>>) dst(%dma_wait3A_131 : memref<80x128xf32, #tpu.memory_space<vmem_shared>>)
        tpu.yield
      }) : () -> ()
      %mul3A_117 = arith.constant 640 : i32
      %mul3A_118 = arith.muli %arg1, %mul3A_117 : i32
      %add3A_119 = arith.constant 480 : i32
      %add3A_120 = arith.addi %mul3A_118, %add3A_119 : i32
      "tpu.region"() ({
        %run_scoped3A = tpu.sem_alloc : memref<!tpu.dma_semaphore, #tpu.memory_space<semaphore_mem>>
        %dma_start3A_125 = arith.constant 0 : i32
        %dma_start3A_126 = tpu.memref_slice %arg16[%add3A_120, %dma_start3A_125] : memref<10000x128xf32, #tpu.memory_space<vmem_shared>> -> memref<80x128xf32, #tpu.memory_space<vmem_shared>>
        %dma_start3A_127 = arith.constant 0 : i32
        %dma_start3A_128 = tpu.memref_slice %arg16[%add3A_120, %dma_start3A_127] : memref<10000x128xf32, #tpu.memory_space<vmem_shared>> -> memref<80x128xf32, #tpu.memory_space<vmem_shared>>
        tpu.enqueue_dma source(%arg12 : memref<80x128xf32, #tpu.memory_space<vmem>>) target(%dma_start3A_128 : memref<80x128xf32, #tpu.memory_space<vmem_shared>>) target_semaphore(%run_scoped3A : memref<!tpu.dma_semaphore, #tpu.memory_space<semaphore_mem>>)
        %dma_wait3A = arith.constant 0 : i32
        %dma_wait3A_129 = tpu.memref_slice %arg16[%add3A_120, %dma_wait3A] : memref<10000x128xf32, #tpu.memory_space<vmem_shared>> -> memref<80x128xf32, #tpu.memory_space<vmem_shared>>
        %dma_wait3A_130 = arith.constant 0 : i32
        %dma_wait3A_131 = tpu.memref_slice %arg16[%add3A_120, %dma_wait3A_130] : memref<10000x128xf32, #tpu.memory_space<vmem_shared>> -> memref<80x128xf32, #tpu.memory_space<vmem_shared>>
        tpu.wait_dma2 semaphore(%run_scoped3A : memref<!tpu.dma_semaphore, #tpu.memory_space<semaphore_mem>>) src(%arg12 : memref<80x128xf32, #tpu.memory_space<vmem>>) dst(%dma_wait3A_131 : memref<80x128xf32, #tpu.memory_space<vmem_shared>>)
        tpu.yield
      }) : () -> ()
      %mul3A_121 = arith.constant 640 : i32
      %mul3A_122 = arith.muli %arg1, %mul3A_121 : i32
      %add3A_123 = arith.constant 560 : i32
      %add3A_124 = arith.addi %mul3A_122, %add3A_123 : i32
      "tpu.region"() ({
        %run_scoped3A = tpu.sem_alloc : memref<!tpu.dma_semaphore, #tpu.memory_space<semaphore_mem>>
        %dma_start3A_125 = arith.constant 0 : i32
        %dma_start3A_126 = tpu.memref_slice %arg16[%add3A_124, %dma_start3A_125] : memref<10000x128xf32, #tpu.memory_space<vmem_shared>> -> memref<80x128xf32, #tpu.memory_space<vmem_shared>>
        %dma_start3A_127 = arith.constant 0 : i32
        %dma_start3A_128 = tpu.memref_slice %arg16[%add3A_124, %dma_start3A_127] : memref<10000x128xf32, #tpu.memory_space<vmem_shared>> -> memref<80x128xf32, #tpu.memory_space<vmem_shared>>
        tpu.enqueue_dma source(%arg12 : memref<80x128xf32, #tpu.memory_space<vmem>>) target(%dma_start3A_128 : memref<80x128xf32, #tpu.memory_space<vmem_shared>>) target_semaphore(%run_scoped3A : memref<!tpu.dma_semaphore, #tpu.memory_space<semaphore_mem>>)
        %dma_wait3A = arith.constant 0 : i32
        %dma_wait3A_129 = tpu.memref_slice %arg16[%add3A_124, %dma_wait3A] : memref<10000x128xf32, #tpu.memory_space<vmem_shared>> -> memref<80x128xf32, #tpu.memory_space<vmem_shared>>
        %dma_wait3A_130 = arith.constant 0 : i32
        %dma_wait3A_131 = tpu.memref_slice %arg16[%add3A_124, %dma_wait3A_130] : memref<10000x128xf32, #tpu.memory_space<vmem_shared>> -> memref<80x128xf32, #tpu.memory_space<vmem_shared>>
        tpu.wait_dma2 semaphore(%run_scoped3A : memref<!tpu.dma_semaphore, #tpu.memory_space<semaphore_mem>>) src(%arg12 : memref<80x128xf32, #tpu.memory_space<vmem>>) dst(%dma_wait3A_131 : memref<80x128xf32, #tpu.memory_space<vmem_shared>>)
        tpu.yield
      }) : () -> ()
    } else {
    }
    %eq3A_56 = arith.constant 15 : i32
    %eq3A_57 = arith.cmpi eq, %arg1, %eq3A_56 : i32
    %convert_element_type3A_58 = arith.extui %eq3A_57 : i1 to i32
    %cond3A_59 = arith.constant 0 : i32
    %cond3A_60 = arith.cmpi ne, %convert_element_type3A_58, %cond3A_59 : i32
    scf.if %cond3A_60 {
      %mul3A_93 = arith.constant 640 : i32
      %mul3A_94 = arith.muli %arg1, %mul3A_93 : i32
      %add3A_95 = arith.constant 0 : i32
      %add3A_96 = arith.addi %mul3A_94, %add3A_95 : i32
      "tpu.region"() ({
        %run_scoped3A = tpu.sem_alloc : memref<!tpu.dma_semaphore, #tpu.memory_space<semaphore_mem>>
        %dma_start3A_113 = arith.constant 0 : i32
        %dma_start3A_114 = tpu.memref_slice %arg16[%add3A_96, %dma_start3A_113] : memref<10000x128xf32, #tpu.memory_space<vmem_shared>> -> memref<80x128xf32, #tpu.memory_space<vmem_shared>>
        %dma_start3A_115 = arith.constant 0 : i32
        %dma_start3A_116 = tpu.memref_slice %arg16[%add3A_96, %dma_start3A_115] : memref<10000x128xf32, #tpu.memory_space<vmem_shared>> -> memref<80x128xf32, #tpu.memory_space<vmem_shared>>
        tpu.enqueue_dma source(%arg12 : memref<80x128xf32, #tpu.memory_space<vmem>>) target(%dma_start3A_116 : memref<80x128xf32, #tpu.memory_space<vmem_shared>>) target_semaphore(%run_scoped3A : memref<!tpu.dma_semaphore, #tpu.memory_space<semaphore_mem>>)
        %dma_wait3A = arith.constant 0 : i32
        %dma_wait3A_117 = tpu.memref_slice %arg16[%add3A_96, %dma_wait3A] : memref<10000x128xf32, #tpu.memory_space<vmem_shared>> -> memref<80x128xf32, #tpu.memory_space<vmem_shared>>
        %dma_wait3A_118 = arith.constant 0 : i32
        %dma_wait3A_119 = tpu.memref_slice %arg16[%add3A_96, %dma_wait3A_118] : memref<10000x128xf32, #tpu.memory_space<vmem_shared>> -> memref<80x128xf32, #tpu.memory_space<vmem_shared>>
        tpu.wait_dma2 semaphore(%run_scoped3A : memref<!tpu.dma_semaphore, #tpu.memory_space<semaphore_mem>>) src(%arg12 : memref<80x128xf32, #tpu.memory_space<vmem>>) dst(%dma_wait3A_119 : memref<80x128xf32, #tpu.memory_space<vmem_shared>>)
        tpu.yield
      }) : () -> ()
      %mul3A_97 = arith.constant 640 : i32
      %mul3A_98 = arith.muli %arg1, %mul3A_97 : i32
      %add3A_99 = arith.constant 80 : i32
      %add3A_100 = arith.addi %mul3A_98, %add3A_99 : i32
      "tpu.region"() ({
        %run_scoped3A = tpu.sem_alloc : memref<!tpu.dma_semaphore, #tpu.memory_space<semaphore_mem>>
        %dma_start3A_113 = arith.constant 0 : i32
        %dma_start3A_114 = tpu.memref_slice %arg16[%add3A_100, %dma_start3A_113] : memref<10000x128xf32, #tpu.memory_space<vmem_shared>> -> memref<80x128xf32, #tpu.memory_space<vmem_shared>>
        %dma_start3A_115 = arith.constant 0 : i32
        %dma_start3A_116 = tpu.memref_slice %arg16[%add3A_100, %dma_start3A_115] : memref<10000x128xf32, #tpu.memory_space<vmem_shared>> -> memref<80x128xf32, #tpu.memory_space<vmem_shared>>
        tpu.enqueue_dma source(%arg12 : memref<80x128xf32, #tpu.memory_space<vmem>>) target(%dma_start3A_116 : memref<80x128xf32, #tpu.memory_space<vmem_shared>>) target_semaphore(%run_scoped3A : memref<!tpu.dma_semaphore, #tpu.memory_space<semaphore_mem>>)
        %dma_wait3A = arith.constant 0 : i32
        %dma_wait3A_117 = tpu.memref_slice %arg16[%add3A_100, %dma_wait3A] : memref<10000x128xf32, #tpu.memory_space<vmem_shared>> -> memref<80x128xf32, #tpu.memory_space<vmem_shared>>
        %dma_wait3A_118 = arith.constant 0 : i32
        %dma_wait3A_119 = tpu.memref_slice %arg16[%add3A_100, %dma_wait3A_118] : memref<10000x128xf32, #tpu.memory_space<vmem_shared>> -> memref<80x128xf32, #tpu.memory_space<vmem_shared>>
        tpu.wait_dma2 semaphore(%run_scoped3A : memref<!tpu.dma_semaphore, #tpu.memory_space<semaphore_mem>>) src(%arg12 : memref<80x128xf32, #tpu.memory_space<vmem>>) dst(%dma_wait3A_119 : memref<80x128xf32, #tpu.memory_space<vmem_shared>>)
        tpu.yield
      }) : () -> ()
      %mul3A_101 = arith.constant 640 : i32
      %mul3A_102 = arith.muli %arg1, %mul3A_101 : i32
      %add3A_103 = arith.constant 160 : i32
      %add3A_104 = arith.addi %mul3A_102, %add3A_103 : i32
      "tpu.region"() ({
        %run_scoped3A = tpu.sem_alloc : memref<!tpu.dma_semaphore, #tpu.memory_space<semaphore_mem>>
        %dma_start3A_113 = arith.constant 0 : i32
        %dma_start3A_114 = tpu.memref_slice %arg16[%add3A_104, %dma_start3A_113] : memref<10000x128xf32, #tpu.memory_space<vmem_shared>> -> memref<80x128xf32, #tpu.memory_space<vmem_shared>>
        %dma_start3A_115 = arith.constant 0 : i32
        %dma_start3A_116 = tpu.memref_slice %arg16[%add3A_104, %dma_start3A_115] : memref<10000x128xf32, #tpu.memory_space<vmem_shared>> -> memref<80x128xf32, #tpu.memory_space<vmem_shared>>
        tpu.enqueue_dma source(%arg12 : memref<80x128xf32, #tpu.memory_space<vmem>>) target(%dma_start3A_116 : memref<80x128xf32, #tpu.memory_space<vmem_shared>>) target_semaphore(%run_scoped3A : memref<!tpu.dma_semaphore, #tpu.memory_space<semaphore_mem>>)
        %dma_wait3A = arith.constant 0 : i32
        %dma_wait3A_117 = tpu.memref_slice %arg16[%add3A_104, %dma_wait3A] : memref<10000x128xf32, #tpu.memory_space<vmem_shared>> -> memref<80x128xf32, #tpu.memory_space<vmem_shared>>
        %dma_wait3A_118 = arith.constant 0 : i32
        %dma_wait3A_119 = tpu.memref_slice %arg16[%add3A_104, %dma_wait3A_118] : memref<10000x128xf32, #tpu.memory_space<vmem_shared>> -> memref<80x128xf32, #tpu.memory_space<vmem_shared>>
        tpu.wait_dma2 semaphore(%run_scoped3A : memref<!tpu.dma_semaphore, #tpu.memory_space<semaphore_mem>>) src(%arg12 : memref<80x128xf32, #tpu.memory_space<vmem>>) dst(%dma_wait3A_119 : memref<80x128xf32, #tpu.memory_space<vmem_shared>>)
        tpu.yield
      }) : () -> ()
      %mul3A_105 = arith.constant 640 : i32
      %mul3A_106 = arith.muli %arg1, %mul3A_105 : i32
      %add3A_107 = arith.constant 240 : i32
      %add3A_108 = arith.addi %mul3A_106, %add3A_107 : i32
      "tpu.region"() ({
        %run_scoped3A = tpu.sem_alloc : memref<!tpu.dma_semaphore, #tpu.memory_space<semaphore_mem>>
        %dma_start3A_113 = arith.constant 0 : i32
        %dma_start3A_114 = tpu.memref_slice %arg16[%add3A_108, %dma_start3A_113] : memref<10000x128xf32, #tpu.memory_space<vmem_shared>> -> memref<80x128xf32, #tpu.memory_space<vmem_shared>>
        %dma_start3A_115 = arith.constant 0 : i32
        %dma_start3A_116 = tpu.memref_slice %arg16[%add3A_108, %dma_start3A_115] : memref<10000x128xf32, #tpu.memory_space<vmem_shared>> -> memref<80x128xf32, #tpu.memory_space<vmem_shared>>
        tpu.enqueue_dma source(%arg12 : memref<80x128xf32, #tpu.memory_space<vmem>>) target(%dma_start3A_116 : memref<80x128xf32, #tpu.memory_space<vmem_shared>>) target_semaphore(%run_scoped3A : memref<!tpu.dma_semaphore, #tpu.memory_space<semaphore_mem>>)
        %dma_wait3A = arith.constant 0 : i32
        %dma_wait3A_117 = tpu.memref_slice %arg16[%add3A_108, %dma_wait3A] : memref<10000x128xf32, #tpu.memory_space<vmem_shared>> -> memref<80x128xf32, #tpu.memory_space<vmem_shared>>
        %dma_wait3A_118 = arith.constant 0 : i32
        %dma_wait3A_119 = tpu.memref_slice %arg16[%add3A_108, %dma_wait3A_118] : memref<10000x128xf32, #tpu.memory_space<vmem_shared>> -> memref<80x128xf32, #tpu.memory_space<vmem_shared>>
        tpu.wait_dma2 semaphore(%run_scoped3A : memref<!tpu.dma_semaphore, #tpu.memory_space<semaphore_mem>>) src(%arg12 : memref<80x128xf32, #tpu.memory_space<vmem>>) dst(%dma_wait3A_119 : memref<80x128xf32, #tpu.memory_space<vmem_shared>>)
        tpu.yield
      }) : () -> ()
      %mul3A_109 = arith.constant 640 : i32
      %mul3A_110 = arith.muli %arg1, %mul3A_109 : i32
      %add3A_111 = arith.constant 320 : i32
      %add3A_112 = arith.addi %mul3A_110, %add3A_111 : i32
      "tpu.region"() ({
        %run_scoped3A = tpu.sem_alloc : memref<!tpu.dma_semaphore, #tpu.memory_space<semaphore_mem>>
        %dma_start3A_113 = arith.constant 0 : i32
        %dma_start3A_114 = tpu.memref_slice %arg16[%add3A_112, %dma_start3A_113] : memref<10000x128xf32, #tpu.memory_space<vmem_shared>> -> memref<80x128xf32, #tpu.memory_space<vmem_shared>>
        %dma_start3A_115 = arith.constant 0 : i32
        %dma_start3A_116 = tpu.memref_slice %arg16[%add3A_112, %dma_start3A_115] : memref<10000x128xf32, #tpu.memory_space<vmem_shared>> -> memref<80x128xf32, #tpu.memory_space<vmem_shared>>
        tpu.enqueue_dma source(%arg12 : memref<80x128xf32, #tpu.memory_space<vmem>>) target(%dma_start3A_116 : memref<80x128xf32, #tpu.memory_space<vmem_shared>>) target_semaphore(%run_scoped3A : memref<!tpu.dma_semaphore, #tpu.memory_space<semaphore_mem>>)
        %dma_wait3A = arith.constant 0 : i32
        %dma_wait3A_117 = tpu.memref_slice %arg16[%add3A_112, %dma_wait3A] : memref<10000x128xf32, #tpu.memory_space<vmem_shared>> -> memref<80x128xf32, #tpu.memory_space<vmem_shared>>
        %dma_wait3A_118 = arith.constant 0 : i32
        %dma_wait3A_119 = tpu.memref_slice %arg16[%add3A_112, %dma_wait3A_118] : memref<10000x128xf32, #tpu.memory_space<vmem_shared>> -> memref<80x128xf32, #tpu.memory_space<vmem_shared>>
        tpu.wait_dma2 semaphore(%run_scoped3A : memref<!tpu.dma_semaphore, #tpu.memory_space<semaphore_mem>>) src(%arg12 : memref<80x128xf32, #tpu.memory_space<vmem>>) dst(%dma_wait3A_119 : memref<80x128xf32, #tpu.memory_space<vmem_shared>>)
        tpu.yield
      }) : () -> ()
    } else {
    }
    %broadcast_in_dim3A_61 = arith.constant 1.000000e+00 : f32
    %broadcast_in_dim3A_62 = vector.broadcast %broadcast_in_dim3A_61 : f32 to vector<16xf32>
    %scan3A_63 = arith.constant 0 : i32
    %scan3A_64 = arith.constant 0 : i32
    %scan3A_65 = arith.constant 80 : i32
    %scan3A_66 = arith.addi %scan3A_64, %scan3A_65 : i32
    %scan3A_67 = arith.constant 1 : i32
    scf.for %scan3A_93 = %scan3A_64 to %scan3A_66 step %scan3A_67  : i32 {
      %swap3A = arith.index_cast %scan3A_93 : i32 to index
      %swap3A_94 = arith.constant 0 : index
      %swap3A_95 = tpu.vector_load %arg14[%swap3A, %swap3A_94] {strides = array<i32>} : memref<80x128xf32, #tpu.memory_space<vmem>>, vector<1x16xf32>,
      %swap3A_96 = vector.shape_cast %swap3A_95 : vector<1x16xf32> to vector<16xf32>
      %swap3A_97 = vector.shape_cast %broadcast_in_dim3A_62 : vector<16xf32> to vector<1x16xf32>
      tpu.vector_store %arg14[%swap3A, %swap3A_94], %swap3A_97 {strides = array<i32>} : memref<80x128xf32, #tpu.memory_space<vmem>>, vector<1x16xf32>,
      %swap3A_98 = arith.index_cast %scan3A_93 : i32 to index
      %swap3A_99 = arith.constant 16 : index
      %swap3A_100 = tpu.vector_load %arg14[%swap3A_98, %swap3A_99] {strides = array<i32>} : memref<80x128xf32, #tpu.memory_space<vmem>>, vector<1x16xf32>,
      %swap3A_101 = vector.shape_cast %swap3A_100 : vector<1x16xf32> to vector<16xf32>
      %swap3A_102 = vector.shape_cast %broadcast_in_dim3A_62 : vector<16xf32> to vector<1x16xf32>
      tpu.vector_store %arg14[%swap3A_98, %swap3A_99], %swap3A_102 {strides = array<i32>} : memref<80x128xf32, #tpu.memory_space<vmem>>, vector<1x16xf32>,
      %swap3A_103 = arith.index_cast %scan3A_93 : i32 to index
      %swap3A_104 = arith.constant 32 : index
      %swap3A_105 = tpu.vector_load %arg14[%swap3A_103, %swap3A_104] {strides = array<i32>} : memref<80x128xf32, #tpu.memory_space<vmem>>, vector<1x16xf32>,
      %swap3A_106 = vector.shape_cast %swap3A_105 : vector<1x16xf32> to vector<16xf32>
      %swap3A_107 = vector.shape_cast %broadcast_in_dim3A_62 : vector<16xf32> to vector<1x16xf32>
      tpu.vector_store %arg14[%swap3A_103, %swap3A_104], %swap3A_107 {strides = array<i32>} : memref<80x128xf32, #tpu.memory_space<vmem>>, vector<1x16xf32>,
      %swap3A_108 = arith.index_cast %scan3A_93 : i32 to index
      %swap3A_109 = arith.constant 48 : index
      %swap3A_110 = tpu.vector_load %arg14[%swap3A_108, %swap3A_109] {strides = array<i32>} : memref<80x128xf32, #tpu.memory_space<vmem>>, vector<1x16xf32>,
      %swap3A_111 = vector.shape_cast %swap3A_110 : vector<1x16xf32> to vector<16xf32>
      %swap3A_112 = vector.shape_cast %broadcast_in_dim3A_62 : vector<16xf32> to vector<1x16xf32>
      tpu.vector_store %arg14[%swap3A_108, %swap3A_109], %swap3A_112 {strides = array<i32>} : memref<80x128xf32, #tpu.memory_space<vmem>>, vector<1x16xf32>,
      %swap3A_113 = arith.index_cast %scan3A_93 : i32 to index
      %swap3A_114 = arith.constant 64 : index
      %swap3A_115 = tpu.vector_load %arg14[%swap3A_113, %swap3A_114] {strides = array<i32>} : memref<80x128xf32, #tpu.memory_space<vmem>>, vector<1x16xf32>,
      %swap3A_116 = vector.shape_cast %swap3A_115 : vector<1x16xf32> to vector<16xf32>
      %swap3A_117 = vector.shape_cast %broadcast_in_dim3A_62 : vector<16xf32> to vector<1x16xf32>
      tpu.vector_store %arg14[%swap3A_113, %swap3A_114], %swap3A_117 {strides = array<i32>} : memref<80x128xf32, #tpu.memory_space<vmem>>, vector<1x16xf32>,
      %swap3A_118 = arith.index_cast %scan3A_93 : i32 to index
      %swap3A_119 = arith.constant 80 : index
      %swap3A_120 = tpu.vector_load %arg14[%swap3A_118, %swap3A_119] {strides = array<i32>} : memref<80x128xf32, #tpu.memory_space<vmem>>, vector<1x16xf32>,
      %swap3A_121 = vector.shape_cast %swap3A_120 : vector<1x16xf32> to vector<16xf32>
      %swap3A_122 = vector.shape_cast %broadcast_in_dim3A_62 : vector<16xf32> to vector<1x16xf32>
      tpu.vector_store %arg14[%swap3A_118, %swap3A_119], %swap3A_122 {strides = array<i32>} : memref<80x128xf32, #tpu.memory_space<vmem>>, vector<1x16xf32>,
      %swap3A_123 = arith.index_cast %scan3A_93 : i32 to index
      %swap3A_124 = arith.constant 96 : index
      %swap3A_125 = tpu.vector_load %arg14[%swap3A_123, %swap3A_124] {strides = array<i32>} : memref<80x128xf32, #tpu.memory_space<vmem>>, vector<1x16xf32>,
      %swap3A_126 = vector.shape_cast %swap3A_125 : vector<1x16xf32> to vector<16xf32>
      %swap3A_127 = vector.shape_cast %broadcast_in_dim3A_62 : vector<16xf32> to vector<1x16xf32>
      tpu.vector_store %arg14[%swap3A_123, %swap3A_124], %swap3A_127 {strides = array<i32>} : memref<80x128xf32, #tpu.memory_space<vmem>>, vector<1x16xf32>,
      %swap3A_128 = arith.index_cast %scan3A_93 : i32 to index
      %swap3A_129 = arith.constant 112 : index
      %swap3A_130 = tpu.vector_load %arg14[%swap3A_128, %swap3A_129] {strides = array<i32>} : memref<80x128xf32, #tpu.memory_space<vmem>>, vector<1x16xf32>,
      %swap3A_131 = vector.shape_cast %swap3A_130 : vector<1x16xf32> to vector<16xf32>
      %swap3A_132 = vector.shape_cast %broadcast_in_dim3A_62 : vector<16xf32> to vector<1x16xf32>
      tpu.vector_store %arg14[%swap3A_128, %swap3A_129], %swap3A_132 {strides = array<i32>} : memref<80x128xf32, #tpu.memory_space<vmem>>, vector<1x16xf32>,
    }
    %scan3A_68 = arith.constant 80 : i32
    %barrier3A_69 = arith.constant 0 : index
    tpu.barrier barrier_id(%barrier3A_69)
    %mul3A_70 = arith.constant 10000 : i32
    %mul3A_71 = arith.muli %arg1, %mul3A_70 : i32
    %add3A_72 = arith.constant 0 : i32
    %add3A_73 = arith.addi %mul3A_71, %add3A_72 : i32
    %dma_start3A_74 = tpu.memref_slice %arg4[%add3A_73] : memref<160000xi32, #tpu.memory_space<hbm>> -> memref<80xi32, #tpu.memory_space<hbm>>
    %dma_start3A_75 = tpu.memref_slice %arg4[%add3A_73] : memref<160000xi32, #tpu.memory_space<hbm>> -> memref<80xi32, #tpu.memory_space<hbm>>
    tpu.enqueue_dma source(%dma_start3A_75 : memref<80xi32, #tpu.memory_space<hbm>>) target(%arg10 : memref<80xi32, #tpu.memory_space<vmem>>) target_semaphore(%arg17 : memref<!tpu.dma_semaphore, #tpu.memory_space<semaphore_mem>>)
    %scan3A_76 = arith.constant 0 : i32
    %scan3A_77 = arith.constant 0 : i32
    %scan3A_78 = arith.constant 63 : i32
    %scan3A_79 = arith.addi %scan3A_77, %scan3A_78 : i32
    %scan3A_80 = arith.constant 1 : i32
    scf.for %scan3A_93 = %scan3A_77 to %scan3A_79 step %scan3A_80  : i32 {
      %mul3A_94 = arith.constant 2 : i32
      %mul3A_95 = arith.muli %mul3A_94, %scan3A_93 : i32
      %add3A_96 = arith.constant 0 : i32
      %add3A_97 = arith.addi %mul3A_95, %add3A_96 : i32
      %lt3A_98 = arith.constant 125 : i32
      %lt3A_99 = arith.cmpi slt, %add3A_97, %lt3A_98 : i32
      %convert_element_type3A_100 = arith.extui %lt3A_99 : i1 to i32
      %cond3A_101 = arith.constant 0 : i32
      %cond3A_102 = arith.cmpi ne, %convert_element_type3A_100, %cond3A_101 : i32
      scf.if %cond3A_102 {
        %dma_wait3A = arith.constant 0 : i32
        %dma_wait3A_132 = tpu.memref_slice %arg4[%dma_wait3A] : memref<160000xi32, #tpu.memory_space<hbm>> -> memref<80xi32, #tpu.memory_space<hbm>>
        %dma_wait3A_133 = arith.constant 0 : i32
        %dma_wait3A_134 = tpu.memref_slice %arg4[%dma_wait3A_133] : memref<160000xi32, #tpu.memory_space<hbm>> -> memref<80xi32, #tpu.memory_space<hbm>>
        tpu.wait_dma2 semaphore(%arg17 : memref<!tpu.dma_semaphore, #tpu.memory_space<semaphore_mem>>) src(%dma_wait3A_134 : memref<80xi32, #tpu.memory_space<hbm>>) dst(%arg10 : memref<80xi32, #tpu.memory_space<vmem>>)
      } else {
      }
      %lt3A_103 = arith.constant 124 : i32
      %lt3A_104 = arith.cmpi slt, %add3A_97, %lt3A_103 : i32
      %convert_element_type3A_105 = arith.extui %lt3A_104 : i1 to i32
      %cond3A_106 = arith.constant 0 : i32
      %cond3A_107 = arith.cmpi ne, %convert_element_type3A_105, %cond3A_106 : i32
      scf.if %cond3A_107 {
        %add3A_132 = arith.constant 1 : i32
        %add3A_133 = arith.addi %add3A_97, %add3A_132 : i32
        %mul3A_134 = arith.constant 10000 : i32
        %mul3A_135 = arith.muli %arg1, %mul3A_134 : i32
        %mul3A_136 = arith.constant 80 : i32
        %mul3A_137 = arith.muli %add3A_133, %mul3A_136 : i32
        %add3A_138 = arith.addi %mul3A_135, %mul3A_137 : i32
        %dma_start3A_139 = tpu.memref_slice %arg4[%add3A_138] : memref<160000xi32, #tpu.memory_space<hbm>> -> memref<80xi32, #tpu.memory_space<hbm>>
        %dma_start3A_140 = tpu.memref_slice %arg4[%add3A_138] : memref<160000xi32, #tpu.memory_space<hbm>> -> memref<80xi32, #tpu.memory_space<hbm>>
        tpu.enqueue_dma source(%dma_start3A_140 : memref<80xi32, #tpu.memory_space<hbm>>) target(%arg11 : memref<80xi32, #tpu.memory_space<vmem>>) target_semaphore(%arg18 : memref<!tpu.dma_semaphore, #tpu.memory_space<semaphore_mem>>)
      } else {
      }
      %lt3A_108 = arith.constant 125 : i32
      %lt3A_109 = arith.cmpi slt, %add3A_97, %lt3A_108 : i32
      %convert_element_type3A_110 = arith.extui %lt3A_109 : i1 to i32
      %cond3A_111 = arith.constant 0 : i32
      %cond3A_112 = arith.cmpi ne, %convert_element_type3A_110, %cond3A_111 : i32
      scf.if %cond3A_112 {
        "tpu.region"() ({
          %run_scoped3A = tpu.sem_alloc : memref<!tpu.dma_semaphore, #tpu.memory_space<semaphore_mem>>
          %dma_start3A_132 = arith.constant 0 : i32
          %dma_start3A_133 = arith.constant 0 : i32
          %dma_start3A_134 = tpu.memref_slice %arg16[%dma_start3A_132, %dma_start3A_133] : memref<10000x128xf32, #tpu.memory_space<vmem_shared>> -> memref<10000x128xf32, #tpu.memory_space<vmem_shared>>
          tpu.enqueue_indirect_dma source(%arg14 : memref<80x128xf32, #tpu.memory_space<vmem>>) target(%dma_start3A_134 : memref<10000x128xf32, #tpu.memory_space<vmem_shared>>) offsets(%arg10 : memref<80xi32, #tpu.memory_space<vmem>>) semaphore(%run_scoped3A : memref<!tpu.dma_semaphore, #tpu.memory_space<semaphore_mem>>) {add = true}
          %dma_wait3A = arith.constant 0 : i32
          %dma_wait3A_135 = arith.constant 0 : i32
          %dma_wait3A_136 = tpu.memref_slice %arg16[%dma_wait3A, %dma_wait3A_135] : memref<10000x128xf32, #tpu.memory_space<vmem_shared>> -> memref<10000x128xf32, #tpu.memory_space<vmem_shared>>
          tpu.wait_indirect_dma semaphore(%run_scoped3A : memref<!tpu.dma_semaphore, #tpu.memory_space<semaphore_mem>>) src(%arg14 : memref<80x128xf32, #tpu.memory_space<vmem>>) dst(%dma_wait3A_136 : memref<10000x128xf32, #tpu.memory_space<vmem_shared>>)
          tpu.yield
        }) : () -> ()
      } else {
      }
      %mul3A_113 = arith.constant 2 : i32
      %mul3A_114 = arith.muli %mul3A_113, %scan3A_93 : i32
      %add3A_115 = arith.constant 1 : i32
      %add3A_116 = arith.addi %mul3A_114, %add3A_115 : i32
      %lt3A_117 = arith.constant 125 : i32
      %lt3A_118 = arith.cmpi slt, %add3A_116, %lt3A_117 : i32
      %convert_element_type3A_119 = arith.extui %lt3A_118 : i1 to i32
      %cond3A_120 = arith.constant 0 : i32
      %cond3A_121 = arith.cmpi ne, %convert_element_type3A_119, %cond3A_120 : i32
      scf.if %cond3A_121 {
        %dma_wait3A = arith.constant 0 : i32
        %dma_wait3A_132 = tpu.memref_slice %arg4[%dma_wait3A] : memref<160000xi32, #tpu.memory_space<hbm>> -> memref<80xi32, #tpu.memory_space<hbm>>
        %dma_wait3A_133 = arith.constant 0 : i32
        %dma_wait3A_134 = tpu.memref_slice %arg4[%dma_wait3A_133] : memref<160000xi32, #tpu.memory_space<hbm>> -> memref<80xi32, #tpu.memory_space<hbm>>
        tpu.wait_dma2 semaphore(%arg18 : memref<!tpu.dma_semaphore, #tpu.memory_space<semaphore_mem>>) src(%dma_wait3A_134 : memref<80xi32, #tpu.memory_space<hbm>>) dst(%arg11 : memref<80xi32, #tpu.memory_space<vmem>>)
      } else {
      }
      %lt3A_122 = arith.constant 124 : i32
      %lt3A_123 = arith.cmpi slt, %add3A_116, %lt3A_122 : i32
      %convert_element_type3A_124 = arith.extui %lt3A_123 : i1 to i32
      %cond3A_125 = arith.constant 0 : i32
      %cond3A_126 = arith.cmpi ne, %convert_element_type3A_124, %cond3A_125 : i32
      scf.if %cond3A_126 {
        %add3A_132 = arith.constant 1 : i32
        %add3A_133 = arith.addi %add3A_116, %add3A_132 : i32
        %mul3A_134 = arith.constant 10000 : i32
        %mul3A_135 = arith.muli %arg1, %mul3A_134 : i32
        %mul3A_136 = arith.constant 80 : i32
        %mul3A_137 = arith.muli %add3A_133, %mul3A_136 : i32
        %add3A_138 = arith.addi %mul3A_135, %mul3A_137 : i32
        %dma_start3A_139 = tpu.memref_slice %arg4[%add3A_138] : memref<160000xi32, #tpu.memory_space<hbm>> -> memref<80xi32, #tpu.memory_space<hbm>>
        %dma_start3A_140 = tpu.memref_slice %arg4[%add3A_138] : memref<160000xi32, #tpu.memory_space<hbm>> -> memref<80xi32, #tpu.memory_space<hbm>>
        tpu.enqueue_dma source(%dma_start3A_140 : memref<80xi32, #tpu.memory_space<hbm>>) target(%arg10 : memref<80xi32, #tpu.memory_space<vmem>>) target_semaphore(%arg17 : memref<!tpu.dma_semaphore, #tpu.memory_space<semaphore_mem>>)
      } else {
      }
      %lt3A_127 = arith.constant 125 : i32
      %lt3A_128 = arith.cmpi slt, %add3A_116, %lt3A_127 : i32
      %convert_element_type3A_129 = arith.extui %lt3A_128 : i1 to i32
      %cond3A_130 = arith.constant 0 : i32
      %cond3A_131 = arith.cmpi ne, %convert_element_type3A_129, %cond3A_130 : i32
      scf.if %cond3A_131 {
        "tpu.region"() ({
          %run_scoped3A = tpu.sem_alloc : memref<!tpu.dma_semaphore, #tpu.memory_space<semaphore_mem>>
          %dma_start3A_132 = arith.constant 0 : i32
          %dma_start3A_133 = arith.constant 0 : i32
          %dma_start3A_134 = tpu.memref_slice %arg16[%dma_start3A_132, %dma_start3A_133] : memref<10000x128xf32, #tpu.memory_space<vmem_shared>> -> memref<10000x128xf32, #tpu.memory_space<vmem_shared>>
          tpu.enqueue_indirect_dma source(%arg14 : memref<80x128xf32, #tpu.memory_space<vmem>>) target(%dma_start3A_134 : memref<10000x128xf32, #tpu.memory_space<vmem_shared>>) offsets(%arg11 : memref<80xi32, #tpu.memory_space<vmem>>) semaphore(%run_scoped3A : memref<!tpu.dma_semaphore, #tpu.memory_space<semaphore_mem>>) {add = true}
          %dma_wait3A = arith.constant 0 : i32
          %dma_wait3A_135 = arith.constant 0 : i32
          %dma_wait3A_136 = tpu.memref_slice %arg16[%dma_wait3A, %dma_wait3A_135] : memref<10000x128xf32, #tpu.memory_space<vmem_shared>> -> memref<10000x128xf32, #tpu.memory_space<vmem_shared>>
          tpu.wait_indirect_dma semaphore(%run_scoped3A : memref<!tpu.dma_semaphore, #tpu.memory_space<semaphore_mem>>) src(%arg14 : memref<80x128xf32, #tpu.memory_space<vmem>>) dst(%dma_wait3A_136 : memref<10000x128xf32, #tpu.memory_space<vmem_shared>>)
          tpu.yield
        }) : () -> ()
      } else {
      }
    }
    %scan3A_81 = arith.constant 63 : i32
    %barrier3A_82 = arith.constant 0 : index
    tpu.barrier barrier_id(%barrier3A_82)
    %lt3A_83 = arith.constant 15 : i32
    %lt3A_84 = arith.cmpi slt, %arg1, %lt3A_83 : i32
    %convert_element_type3A_85 = arith.extui %lt3A_84 : i1 to i32
    %cond3A_86 = arith.constant 0 : i32
    %cond3A_87 = arith.cmpi ne, %convert_element_type3A_85, %cond3A_86 : i32
    scf.if %cond3A_87 {
      %mul3A_93 = arith.constant 320 : i32
      %mul3A_94 = arith.muli %arg1, %mul3A_93 : i32
      %add3A_95 = arith.constant 0 : i32
      %add3A_96 = arith.addi %mul3A_94, %add3A_95 : i32
      %mul3A_97 = arith.constant 320 : i32
      %mul3A_98 = arith.muli %arg1, %mul3A_97 : i32
      %add3A_99 = arith.constant 80 : i32
      %add3A_100 = arith.addi %mul3A_98, %add3A_99 : i32
      %mul3A_101 = arith.constant 320 : i32
      %mul3A_102 = arith.muli %arg1, %mul3A_101 : i32
      %add3A_103 = arith.constant 160 : i32
      %add3A_104 = arith.addi %mul3A_102, %add3A_103 : i32
      %mul3A_105 = arith.constant 320 : i32
      %mul3A_106 = arith.muli %arg1, %mul3A_105 : i32
      %add3A_107 = arith.constant 240 : i32
      %add3A_108 = arith.addi %mul3A_106, %add3A_107 : i32
      %mul3A_109 = arith.constant 5000 : i32
      %mul3A_110 = arith.muli %arg0, %mul3A_109 : i32
      %add3A_111 = arith.addi %mul3A_110, %add3A_96 : i32
      "tpu.region"() ({
        %run_scoped3A = tpu.sem_alloc : memref<!tpu.dma_semaphore, #tpu.memory_space<semaphore_mem>>
        %dma_start3A_133 = arith.constant 0 : i32
        %dma_start3A_134 = arith.constant 0 : i32
        %dma_start3A_135 = tpu.memref_slice %arg12[%dma_start3A_133, %dma_start3A_134] : memref<80x128xf32, #tpu.memory_space<vmem>> -> memref<80x128xf32, #tpu.memory_space<vmem>>
        %dma_start3A_136 = arith.constant 0 : i32
        %dma_start3A_137 = tpu.memref_slice %arg16[%add3A_111, %dma_start3A_136] : memref<10000x128xf32, #tpu.memory_space<vmem_shared>> -> memref<80x128xf32, #tpu.memory_space<vmem_shared>>
        %dma_start3A_138 = arith.constant 0 : i32
        %dma_start3A_139 = arith.constant 0 : i32
        %dma_start3A_140 = tpu.memref_slice %arg12[%dma_start3A_138, %dma_start3A_139] : memref<80x128xf32, #tpu.memory_space<vmem>> -> memref<80x128xf32, #tpu.memory_space<vmem>>
        %dma_start3A_141 = arith.constant 0 : i32
        %dma_start3A_142 = tpu.memref_slice %arg16[%add3A_111, %dma_start3A_141] : memref<10000x128xf32, #tpu.memory_space<vmem_shared>> -> memref<80x128xf32, #tpu.memory_space<vmem_shared>>
        tpu.enqueue_dma source(%dma_start3A_142 : memref<80x128xf32, #tpu.memory_space<vmem_shared>>) target(%dma_start3A_140 : memref<80x128xf32, #tpu.memory_space<vmem>>) target_semaphore(%run_scoped3A : memref<!tpu.dma_semaphore, #tpu.memory_space<semaphore_mem>>)
        %dma_wait3A = arith.constant 0 : i32
        %dma_wait3A_143 = arith.constant 0 : i32
        %dma_wait3A_144 = tpu.memref_slice %arg12[%dma_wait3A, %dma_wait3A_143] : memref<80x128xf32, #tpu.memory_space<vmem>> -> memref<80x128xf32, #tpu.memory_space<vmem>>
        %dma_wait3A_145 = arith.constant 0 : i32
        %dma_wait3A_146 = tpu.memref_slice %arg16[%add3A_111, %dma_wait3A_145] : memref<10000x128xf32, #tpu.memory_space<vmem_shared>> -> memref<80x128xf32, #tpu.memory_space<vmem_shared>>
        %dma_wait3A_147 = arith.constant 0 : i32
        %dma_wait3A_148 = arith.constant 0 : i32
        %dma_wait3A_149 = tpu.memref_slice %arg12[%dma_wait3A_147, %dma_wait3A_148] : memref<80x128xf32, #tpu.memory_space<vmem>> -> memref<80x128xf32, #tpu.memory_space<vmem>>
        %dma_wait3A_150 = arith.constant 0 : i32
        %dma_wait3A_151 = tpu.memref_slice %arg16[%add3A_111, %dma_wait3A_150] : memref<10000x128xf32, #tpu.memory_space<vmem_shared>> -> memref<80x128xf32, #tpu.memory_space<vmem_shared>>
        tpu.wait_dma2 semaphore(%run_scoped3A : memref<!tpu.dma_semaphore, #tpu.memory_space<semaphore_mem>>) src(%dma_wait3A_151 : memref<80x128xf32, #tpu.memory_space<vmem_shared>>) dst(%dma_wait3A_149 : memref<80x128xf32, #tpu.memory_space<vmem>>)
        tpu.yield
      }) : () -> ()
      %mul3A_112 = arith.constant 5000 : i32
      %mul3A_113 = arith.muli %arg0, %mul3A_112 : i32
      %add3A_114 = arith.addi %mul3A_113, %add3A_96 : i32
      "tpu.region"() ({
        %run_scoped3A = tpu.sem_alloc : memref<!tpu.dma_semaphore, #tpu.memory_space<semaphore_mem>>
        %dma_start3A_133 = arith.constant 0 : i32
        %dma_start3A_134 = arith.constant 0 : i32
        %dma_start3A_135 = tpu.memref_slice %arg12[%dma_start3A_133, %dma_start3A_134] : memref<80x128xf32, #tpu.memory_space<vmem>> -> memref<80x128xf32, #tpu.memory_space<vmem>>
        %dma_start3A_136 = arith.constant 0 : i32
        %dma_start3A_137 = tpu.memref_slice %arg7[%add3A_114, %dma_start3A_136] : memref<10000x128xf32, #tpu.memory_space<hbm>> -> memref<80x128xf32, #tpu.memory_space<hbm>>
        %dma_start3A_138 = arith.constant 0 : i32
        %dma_start3A_139 = tpu.memref_slice %arg7[%add3A_114, %dma_start3A_138] : memref<10000x128xf32, #tpu.memory_space<hbm>> -> memref<80x128xf32, #tpu.memory_space<hbm>>
        %dma_start3A_140 = arith.constant 0 : i32
        %dma_start3A_141 = arith.constant 0 : i32
        %dma_start3A_142 = tpu.memref_slice %arg12[%dma_start3A_140, %dma_start3A_141] : memref<80x128xf32, #tpu.memory_space<vmem>> -> memref<80x128xf32, #tpu.memory_space<vmem>>
        tpu.enqueue_dma source(%dma_start3A_142 : memref<80x128xf32, #tpu.memory_space<vmem>>) target(%dma_start3A_139 : memref<80x128xf32, #tpu.memory_space<hbm>>) target_semaphore(%run_scoped3A : memref<!tpu.dma_semaphore, #tpu.memory_space<semaphore_mem>>)
        %dma_wait3A = arith.constant 0 : i32
        %dma_wait3A_143 = arith.constant 0 : i32
        %dma_wait3A_144 = tpu.memref_slice %arg12[%dma_wait3A, %dma_wait3A_143] : memref<80x128xf32, #tpu.memory_space<vmem>> -> memref<80x128xf32, #tpu.memory_space<vmem>>
        %dma_wait3A_145 = arith.constant 0 : i32
        %dma_wait3A_146 = tpu.memref_slice %arg7[%add3A_114, %dma_wait3A_145] : memref<10000x128xf32, #tpu.memory_space<hbm>> -> memref<80x128xf32, #tpu.memory_space<hbm>>
        %dma_wait3A_147 = arith.constant 0 : i32
        %dma_wait3A_148 = tpu.memref_slice %arg7[%add3A_114, %dma_wait3A_147] : memref<10000x128xf32, #tpu.memory_space<hbm>> -> memref<80x128xf32, #tpu.memory_space<hbm>>
        %dma_wait3A_149 = arith.constant 0 : i32
        %dma_wait3A_150 = arith.constant 0 : i32
        %dma_wait3A_151 = tpu.memref_slice %arg12[%dma_wait3A_149, %dma_wait3A_150] : memref<80x128xf32, #tpu.memory_space<vmem>> -> memref<80x128xf32, #tpu.memory_space<vmem>>
        tpu.wait_dma2 semaphore(%run_scoped3A : memref<!tpu.dma_semaphore, #tpu.memory_space<semaphore_mem>>) src(%dma_wait3A_151 : memref<80x128xf32, #tpu.memory_space<vmem>>) dst(%dma_wait3A_148 : memref<80x128xf32, #tpu.memory_space<hbm>>)
        tpu.yield
      }) : () -> ()
      %mul3A_115 = arith.constant 5000 : i32
      %mul3A_116 = arith.muli %arg0, %mul3A_115 : i32
      %add3A_117 = arith.addi %mul3A_116, %add3A_100 : i32
      "tpu.region"() ({
        %run_scoped3A = tpu.sem_alloc : memref<!tpu.dma_semaphore, #tpu.memory_space<semaphore_mem>>
        %dma_start3A_133 = arith.constant 0 : i32
        %dma_start3A_134 = arith.constant 0 : i32
        %dma_start3A_135 = tpu.memref_slice %arg12[%dma_start3A_133, %dma_start3A_134] : memref<80x128xf32, #tpu.memory_space<vmem>> -> memref<80x128xf32, #tpu.memory_space<vmem>>
        %dma_start3A_136 = arith.constant 0 : i32
        %dma_start3A_137 = tpu.memref_slice %arg16[%add3A_117, %dma_start3A_136] : memref<10000x128xf32, #tpu.memory_space<vmem_shared>> -> memref<80x128xf32, #tpu.memory_space<vmem_shared>>
        %dma_start3A_138 = arith.constant 0 : i32
        %dma_start3A_139 = arith.constant 0 : i32
        %dma_start3A_140 = tpu.memref_slice %arg12[%dma_start3A_138, %dma_start3A_139] : memref<80x128xf32, #tpu.memory_space<vmem>> -> memref<80x128xf32, #tpu.memory_space<vmem>>
        %dma_start3A_141 = arith.constant 0 : i32
        %dma_start3A_142 = tpu.memref_slice %arg16[%add3A_117, %dma_start3A_141] : memref<10000x128xf32, #tpu.memory_space<vmem_shared>> -> memref<80x128xf32, #tpu.memory_space<vmem_shared>>
        tpu.enqueue_dma source(%dma_start3A_142 : memref<80x128xf32, #tpu.memory_space<vmem_shared>>) target(%dma_start3A_140 : memref<80x128xf32, #tpu.memory_space<vmem>>) target_semaphore(%run_scoped3A : memref<!tpu.dma_semaphore, #tpu.memory_space<semaphore_mem>>)
        %dma_wait3A = arith.constant 0 : i32
        %dma_wait3A_143 = arith.constant 0 : i32
        %dma_wait3A_144 = tpu.memref_slice %arg12[%dma_wait3A, %dma_wait3A_143] : memref<80x128xf32, #tpu.memory_space<vmem>> -> memref<80x128xf32, #tpu.memory_space<vmem>>
        %dma_wait3A_145 = arith.constant 0 : i32
        %dma_wait3A_146 = tpu.memref_slice %arg16[%add3A_117, %dma_wait3A_145] : memref<10000x128xf32, #tpu.memory_space<vmem_shared>> -> memref<80x128xf32, #tpu.memory_space<vmem_shared>>
        %dma_wait3A_147 = arith.constant 0 : i32
        %dma_wait3A_148 = arith.constant 0 : i32
        %dma_wait3A_149 = tpu.memref_slice %arg12[%dma_wait3A_147, %dma_wait3A_148] : memref<80x128xf32, #tpu.memory_space<vmem>> -> memref<80x128xf32, #tpu.memory_space<vmem>>
        %dma_wait3A_150 = arith.constant 0 : i32
        %dma_wait3A_151 = tpu.memref_slice %arg16[%add3A_117, %dma_wait3A_150] : memref<10000x128xf32, #tpu.memory_space<vmem_shared>> -> memref<80x128xf32, #tpu.memory_space<vmem_shared>>
        tpu.wait_dma2 semaphore(%run_scoped3A : memref<!tpu.dma_semaphore, #tpu.memory_space<semaphore_mem>>) src(%dma_wait3A_151 : memref<80x128xf32, #tpu.memory_space<vmem_shared>>) dst(%dma_wait3A_149 : memref<80x128xf32, #tpu.memory_space<vmem>>)
        tpu.yield
      }) : () -> ()
      %mul3A_118 = arith.constant 5000 : i32
      %mul3A_119 = arith.muli %arg0, %mul3A_118 : i32
      %add3A_120 = arith.addi %mul3A_119, %add3A_100 : i32
      "tpu.region"() ({
        %run_scoped3A = tpu.sem_alloc : memref<!tpu.dma_semaphore, #tpu.memory_space<semaphore_mem>>
        %dma_start3A_133 = arith.constant 0 : i32
        %dma_start3A_134 = arith.constant 0 : i32
        %dma_start3A_135 = tpu.memref_slice %arg12[%dma_start3A_133, %dma_start3A_134] : memref<80x128xf32, #tpu.memory_space<vmem>> -> memref<80x128xf32, #tpu.memory_space<vmem>>
        %dma_start3A_136 = arith.constant 0 : i32
        %dma_start3A_137 = tpu.memref_slice %arg7[%add3A_120, %dma_start3A_136] : memref<10000x128xf32, #tpu.memory_space<hbm>> -> memref<80x128xf32, #tpu.memory_space<hbm>>
        %dma_start3A_138 = arith.constant 0 : i32
        %dma_start3A_139 = tpu.memref_slice %arg7[%add3A_120, %dma_start3A_138] : memref<10000x128xf32, #tpu.memory_space<hbm>> -> memref<80x128xf32, #tpu.memory_space<hbm>>
        %dma_start3A_140 = arith.constant 0 : i32
        %dma_start3A_141 = arith.constant 0 : i32
        %dma_start3A_142 = tpu.memref_slice %arg12[%dma_start3A_140, %dma_start3A_141] : memref<80x128xf32, #tpu.memory_space<vmem>> -> memref<80x128xf32, #tpu.memory_space<vmem>>
        tpu.enqueue_dma source(%dma_start3A_142 : memref<80x128xf32, #tpu.memory_space<vmem>>) target(%dma_start3A_139 : memref<80x128xf32, #tpu.memory_space<hbm>>) target_semaphore(%run_scoped3A : memref<!tpu.dma_semaphore, #tpu.memory_space<semaphore_mem>>)
        %dma_wait3A = arith.constant 0 : i32
        %dma_wait3A_143 = arith.constant 0 : i32
        %dma_wait3A_144 = tpu.memref_slice %arg12[%dma_wait3A, %dma_wait3A_143] : memref<80x128xf32, #tpu.memory_space<vmem>> -> memref<80x128xf32, #tpu.memory_space<vmem>>
        %dma_wait3A_145 = arith.constant 0 : i32
        %dma_wait3A_146 = tpu.memref_slice %arg7[%add3A_120, %dma_wait3A_145] : memref<10000x128xf32, #tpu.memory_space<hbm>> -> memref<80x128xf32, #tpu.memory_space<hbm>>
        %dma_wait3A_147 = arith.constant 0 : i32
        %dma_wait3A_148 = tpu.memref_slice %arg7[%add3A_120, %dma_wait3A_147] : memref<10000x128xf32, #tpu.memory_space<hbm>> -> memref<80x128xf32, #tpu.memory_space<hbm>>
        %dma_wait3A_149 = arith.constant 0 : i32
        %dma_wait3A_150 = arith.constant 0 : i32
        %dma_wait3A_151 = tpu.memref_slice %arg12[%dma_wait3A_149, %dma_wait3A_150] : memref<80x128xf32, #tpu.memory_space<vmem>> -> memref<80x128xf32, #tpu.memory_space<vmem>>
        tpu.wait_dma2 semaphore(%run_scoped3A : memref<!tpu.dma_semaphore, #tpu.memory_space<semaphore_mem>>) src(%dma_wait3A_151 : memref<80x128xf32, #tpu.memory_space<vmem>>) dst(%dma_wait3A_148 : memref<80x128xf32, #tpu.memory_space<hbm>>)
        tpu.yield
      }) : () -> ()
      %mul3A_121 = arith.constant 5000 : i32
      %mul3A_122 = arith.muli %arg0, %mul3A_121 : i32
      %add3A_123 = arith.addi %mul3A_122, %add3A_104 : i32
      "tpu.region"() ({
        %run_scoped3A = tpu.sem_alloc : memref<!tpu.dma_semaphore, #tpu.memory_space<semaphore_mem>>
        %dma_start3A_133 = arith.constant 0 : i32
        %dma_start3A_134 = arith.constant 0 : i32
        %dma_start3A_135 = tpu.memref_slice %arg12[%dma_start3A_133, %dma_start3A_134] : memref<80x128xf32, #tpu.memory_space<vmem>> -> memref<80x128xf32, #tpu.memory_space<vmem>>
        %dma_start3A_136 = arith.constant 0 : i32
        %dma_start3A_137 = tpu.memref_slice %arg16[%add3A_123, %dma_start3A_136] : memref<10000x128xf32, #tpu.memory_space<vmem_shared>> -> memref<80x128xf32, #tpu.memory_space<vmem_shared>>
        %dma_start3A_138 = arith.constant 0 : i32
        %dma_start3A_139 = arith.constant 0 : i32
        %dma_start3A_140 = tpu.memref_slice %arg12[%dma_start3A_138, %dma_start3A_139] : memref<80x128xf32, #tpu.memory_space<vmem>> -> memref<80x128xf32, #tpu.memory_space<vmem>>
        %dma_start3A_141 = arith.constant 0 : i32
        %dma_start3A_142 = tpu.memref_slice %arg16[%add3A_123, %dma_start3A_141] : memref<10000x128xf32, #tpu.memory_space<vmem_shared>> -> memref<80x128xf32, #tpu.memory_space<vmem_shared>>
        tpu.enqueue_dma source(%dma_start3A_142 : memref<80x128xf32, #tpu.memory_space<vmem_shared>>) target(%dma_start3A_140 : memref<80x128xf32, #tpu.memory_space<vmem>>) target_semaphore(%run_scoped3A : memref<!tpu.dma_semaphore, #tpu.memory_space<semaphore_mem>>)
        %dma_wait3A = arith.constant 0 : i32
        %dma_wait3A_143 = arith.constant 0 : i32
        %dma_wait3A_144 = tpu.memref_slice %arg12[%dma_wait3A, %dma_wait3A_143] : memref<80x128xf32, #tpu.memory_space<vmem>> -> memref<80x128xf32, #tpu.memory_space<vmem>>
        %dma_wait3A_145 = arith.constant 0 : i32
        %dma_wait3A_146 = tpu.memref_slice %arg16[%add3A_123, %dma_wait3A_145] : memref<10000x128xf32, #tpu.memory_space<vmem_shared>> -> memref<80x128xf32, #tpu.memory_space<vmem_shared>>
        %dma_wait3A_147 = arith.constant 0 : i32
        %dma_wait3A_148 = arith.constant 0 : i32
        %dma_wait3A_149 = tpu.memref_slice %arg12[%dma_wait3A_147, %dma_wait3A_148] : memref<80x128xf32, #tpu.memory_space<vmem>> -> memref<80x128xf32, #tpu.memory_space<vmem>>
        %dma_wait3A_150 = arith.constant 0 : i32
        %dma_wait3A_151 = tpu.memref_slice %arg16[%add3A_123, %dma_wait3A_150] : memref<10000x128xf32, #tpu.memory_space<vmem_shared>> -> memref<80x128xf32, #tpu.memory_space<vmem_shared>>
        tpu.wait_dma2 semaphore(%run_scoped3A : memref<!tpu.dma_semaphore, #tpu.memory_space<semaphore_mem>>) src(%dma_wait3A_151 : memref<80x128xf32, #tpu.memory_space<vmem_shared>>) dst(%dma_wait3A_149 : memref<80x128xf32, #tpu.memory_space<vmem>>)
        tpu.yield
      }) : () -> ()
      %mul3A_124 = arith.constant 5000 : i32
      %mul3A_125 = arith.muli %arg0, %mul3A_124 : i32
      %add3A_126 = arith.addi %mul3A_125, %add3A_104 : i32
      "tpu.region"() ({
        %run_scoped3A = tpu.sem_alloc : memref<!tpu.dma_semaphore, #tpu.memory_space<semaphore_mem>>
        %dma_start3A_133 = arith.constant 0 : i32
        %dma_start3A_134 = arith.constant 0 : i32
        %dma_start3A_135 = tpu.memref_slice %arg12[%dma_start3A_133, %dma_start3A_134] : memref<80x128xf32, #tpu.memory_space<vmem>> -> memref<80x128xf32, #tpu.memory_space<vmem>>
        %dma_start3A_136 = arith.constant 0 : i32
        %dma_start3A_137 = tpu.memref_slice %arg7[%add3A_126, %dma_start3A_136] : memref<10000x128xf32, #tpu.memory_space<hbm>> -> memref<80x128xf32, #tpu.memory_space<hbm>>
        %dma_start3A_138 = arith.constant 0 : i32
        %dma_start3A_139 = tpu.memref_slice %arg7[%add3A_126, %dma_start3A_138] : memref<10000x128xf32, #tpu.memory_space<hbm>> -> memref<80x128xf32, #tpu.memory_space<hbm>>
        %dma_start3A_140 = arith.constant 0 : i32
        %dma_start3A_141 = arith.constant 0 : i32
        %dma_start3A_142 = tpu.memref_slice %arg12[%dma_start3A_140, %dma_start3A_141] : memref<80x128xf32, #tpu.memory_space<vmem>> -> memref<80x128xf32, #tpu.memory_space<vmem>>
        tpu.enqueue_dma source(%dma_start3A_142 : memref<80x128xf32, #tpu.memory_space<vmem>>) target(%dma_start3A_139 : memref<80x128xf32, #tpu.memory_space<hbm>>) target_semaphore(%run_scoped3A : memref<!tpu.dma_semaphore, #tpu.memory_space<semaphore_mem>>)
        %dma_wait3A = arith.constant 0 : i32
        %dma_wait3A_143 = arith.constant 0 : i32
        %dma_wait3A_144 = tpu.memref_slice %arg12[%dma_wait3A, %dma_wait3A_143] : memref<80x128xf32, #tpu.memory_space<vmem>> -> memref<80x128xf32, #tpu.memory_space<vmem>>
        %dma_wait3A_145 = arith.constant 0 : i32
        %dma_wait3A_146 = tpu.memref_slice %arg7[%add3A_126, %dma_wait3A_145] : memref<10000x128xf32, #tpu.memory_space<hbm>> -> memref<80x128xf32, #tpu.memory_space<hbm>>
        %dma_wait3A_147 = arith.constant 0 : i32
        %dma_wait3A_148 = tpu.memref_slice %arg7[%add3A_126, %dma_wait3A_147] : memref<10000x128xf32, #tpu.memory_space<hbm>> -> memref<80x128xf32, #tpu.memory_space<hbm>>
        %dma_wait3A_149 = arith.constant 0 : i32
        %dma_wait3A_150 = arith.constant 0 : i32
        %dma_wait3A_151 = tpu.memref_slice %arg12[%dma_wait3A_149, %dma_wait3A_150] : memref<80x128xf32, #tpu.memory_space<vmem>> -> memref<80x128xf32, #tpu.memory_space<vmem>>
        tpu.wait_dma2 semaphore(%run_scoped3A : memref<!tpu.dma_semaphore, #tpu.memory_space<semaphore_mem>>) src(%dma_wait3A_151 : memref<80x128xf32, #tpu.memory_space<vmem>>) dst(%dma_wait3A_148 : memref<80x128xf32, #tpu.memory_space<hbm>>)
        tpu.yield
      }) : () -> ()
      %mul3A_127 = arith.constant 5000 : i32
      %mul3A_128 = arith.muli %arg0, %mul3A_127 : i32
      %add3A_129 = arith.addi %mul3A_128, %add3A_108 : i32
      "tpu.region"() ({
        %run_scoped3A = tpu.sem_alloc : memref<!tpu.dma_semaphore, #tpu.memory_space<semaphore_mem>>
        %dma_start3A_133 = arith.constant 0 : i32
        %dma_start3A_134 = arith.constant 0 : i32
        %dma_start3A_135 = tpu.memref_slice %arg12[%dma_start3A_133, %dma_start3A_134] : memref<80x128xf32, #tpu.memory_space<vmem>> -> memref<80x128xf32, #tpu.memory_space<vmem>>
        %dma_start3A_136 = arith.constant 0 : i32
        %dma_start3A_137 = tpu.memref_slice %arg16[%add3A_129, %dma_start3A_136] : memref<10000x128xf32, #tpu.memory_space<vmem_shared>> -> memref<80x128xf32, #tpu.memory_space<vmem_shared>>
        %dma_start3A_138 = arith.constant 0 : i32
        %dma_start3A_139 = arith.constant 0 : i32
        %dma_start3A_140 = tpu.memref_slice %arg12[%dma_start3A_138, %dma_start3A_139] : memref<80x128xf32, #tpu.memory_space<vmem>> -> memref<80x128xf32, #tpu.memory_space<vmem>>
        %dma_start3A_141 = arith.constant 0 : i32
        %dma_start3A_142 = tpu.memref_slice %arg16[%add3A_129, %dma_start3A_141] : memref<10000x128xf32, #tpu.memory_space<vmem_shared>> -> memref<80x128xf32, #tpu.memory_space<vmem_shared>>
        tpu.enqueue_dma source(%dma_start3A_142 : memref<80x128xf32, #tpu.memory_space<vmem_shared>>) target(%dma_start3A_140 : memref<80x128xf32, #tpu.memory_space<vmem>>) target_semaphore(%run_scoped3A : memref<!tpu.dma_semaphore, #tpu.memory_space<semaphore_mem>>)
        %dma_wait3A = arith.constant 0 : i32
        %dma_wait3A_143 = arith.constant 0 : i32
        %dma_wait3A_144 = tpu.memref_slice %arg12[%dma_wait3A, %dma_wait3A_143] : memref<80x128xf32, #tpu.memory_space<vmem>> -> memref<80x128xf32, #tpu.memory_space<vmem>>
        %dma_wait3A_145 = arith.constant 0 : i32
        %dma_wait3A_146 = tpu.memref_slice %arg16[%add3A_129, %dma_wait3A_145] : memref<10000x128xf32, #tpu.memory_space<vmem_shared>> -> memref<80x128xf32, #tpu.memory_space<vmem_shared>>
        %dma_wait3A_147 = arith.constant 0 : i32
        %dma_wait3A_148 = arith.constant 0 : i32
        %dma_wait3A_149 = tpu.memref_slice %arg12[%dma_wait3A_147, %dma_wait3A_148] : memref<80x128xf32, #tpu.memory_space<vmem>> -> memref<80x128xf32, #tpu.memory_space<vmem>>
        %dma_wait3A_150 = arith.constant 0 : i32
        %dma_wait3A_151 = tpu.memref_slice %arg16[%add3A_129, %dma_wait3A_150] : memref<10000x128xf32, #tpu.memory_space<vmem_shared>> -> memref<80x128xf32, #tpu.memory_space<vmem_shared>>
        tpu.wait_dma2 semaphore(%run_scoped3A : memref<!tpu.dma_semaphore, #tpu.memory_space<semaphore_mem>>) src(%dma_wait3A_151 : memref<80x128xf32, #tpu.memory_space<vmem_shared>>) dst(%dma_wait3A_149 : memref<80x128xf32, #tpu.memory_space<vmem>>)
        tpu.yield
      }) : () -> ()
      %mul3A_130 = arith.constant 5000 : i32
      %mul3A_131 = arith.muli %arg0, %mul3A_130 : i32
      %add3A_132 = arith.addi %mul3A_131, %add3A_108 : i32
      "tpu.region"() ({
        %run_scoped3A = tpu.sem_alloc : memref<!tpu.dma_semaphore, #tpu.memory_space<semaphore_mem>>
        %dma_start3A_133 = arith.constant 0 : i32
        %dma_start3A_134 = arith.constant 0 : i32
        %dma_start3A_135 = tpu.memref_slice %arg12[%dma_start3A_133, %dma_start3A_134] : memref<80x128xf32, #tpu.memory_space<vmem>> -> memref<80x128xf32, #tpu.memory_space<vmem>>
        %dma_start3A_136 = arith.constant 0 : i32
        %dma_start3A_137 = tpu.memref_slice %arg7[%add3A_132, %dma_start3A_136] : memref<10000x128xf32, #tpu.memory_space<hbm>> -> memref<80x128xf32, #tpu.memory_space<hbm>>
        %dma_start3A_138 = arith.constant 0 : i32
        %dma_start3A_139 = tpu.memref_slice %arg7[%add3A_132, %dma_start3A_138] : memref<10000x128xf32, #tpu.memory_space<hbm>> -> memref<80x128xf32, #tpu.memory_space<hbm>>
        %dma_start3A_140 = arith.constant 0 : i32
        %dma_start3A_141 = arith.constant 0 : i32
        %dma_start3A_142 = tpu.memref_slice %arg12[%dma_start3A_140, %dma_start3A_141] : memref<80x128xf32, #tpu.memory_space<vmem>> -> memref<80x128xf32, #tpu.memory_space<vmem>>
        tpu.enqueue_dma source(%dma_start3A_142 : memref<80x128xf32, #tpu.memory_space<vmem>>) target(%dma_start3A_139 : memref<80x128xf32, #tpu.memory_space<hbm>>) target_semaphore(%run_scoped3A : memref<!tpu.dma_semaphore, #tpu.memory_space<semaphore_mem>>)
        %dma_wait3A = arith.constant 0 : i32
        %dma_wait3A_143 = arith.constant 0 : i32
        %dma_wait3A_144 = tpu.memref_slice %arg12[%dma_wait3A, %dma_wait3A_143] : memref<80x128xf32, #tpu.memory_space<vmem>> -> memref<80x128xf32, #tpu.memory_space<vmem>>
        %dma_wait3A_145 = arith.constant 0 : i32
        %dma_wait3A_146 = tpu.memref_slice %arg7[%add3A_132, %dma_wait3A_145] : memref<10000x128xf32, #tpu.memory_space<hbm>> -> memref<80x128xf32, #tpu.memory_space<hbm>>
        %dma_wait3A_147 = arith.constant 0 : i32
        %dma_wait3A_148 = tpu.memref_slice %arg7[%add3A_132, %dma_wait3A_147] : memref<10000x128xf32, #tpu.memory_space<hbm>> -> memref<80x128xf32, #tpu.memory_space<hbm>>
        %dma_wait3A_149 = arith.constant 0 : i32
        %dma_wait3A_150 = arith.constant 0 : i32
        %dma_wait3A_151 = tpu.memref_slice %arg12[%dma_wait3A_149, %dma_wait3A_150] : memref<80x128xf32, #tpu.memory_space<vmem>> -> memref<80x128xf32, #tpu.memory_space<vmem>>
        tpu.wait_dma2 semaphore(%run_scoped3A : memref<!tpu.dma_semaphore, #tpu.memory_space<semaphore_mem>>) src(%dma_wait3A_151 : memref<80x128xf32, #tpu.memory_space<vmem>>) dst(%dma_wait3A_148 : memref<80x128xf32, #tpu.memory_space<hbm>>)
        tpu.yield
      }) : () -> ()
    } else {
    }
    %eq3A_88 = arith.constant 15 : i32
    %eq3A_89 = arith.cmpi eq, %arg1, %eq3A_88 : i32
    %convert_element_type3A_90 = arith.extui %eq3A_89 : i1 to i32
    %cond3A_91 = arith.constant 0 : i32
    %cond3A_92 = arith.cmpi ne, %convert_element_type3A_90, %cond3A_91 : i32
    scf.if %cond3A_92 {
      %mul3A_93 = arith.constant 5000 : i32
      %mul3A_94 = arith.muli %arg0, %mul3A_93 : i32
      %add3A_95 = arith.constant 4800 : i32
      %add3A_96 = arith.addi %mul3A_94, %add3A_95 : i32
      "tpu.region"() ({
        %run_scoped3A = tpu.sem_alloc : memref<!tpu.dma_semaphore, #tpu.memory_space<semaphore_mem>>
        %dma_start3A_117 = arith.constant 0 : i32
        %dma_start3A_118 = arith.constant 0 : i32
        %dma_start3A_119 = tpu.memref_slice %arg12[%dma_start3A_117, %dma_start3A_118] : memref<80x128xf32, #tpu.memory_space<vmem>> -> memref<80x128xf32, #tpu.memory_space<vmem>>
        %dma_start3A_120 = arith.constant 0 : i32
        %dma_start3A_121 = tpu.memref_slice %arg16[%add3A_96, %dma_start3A_120] : memref<10000x128xf32, #tpu.memory_space<vmem_shared>> -> memref<80x128xf32, #tpu.memory_space<vmem_shared>>
        %dma_start3A_122 = arith.constant 0 : i32
        %dma_start3A_123 = arith.constant 0 : i32
        %dma_start3A_124 = tpu.memref_slice %arg12[%dma_start3A_122, %dma_start3A_123] : memref<80x128xf32, #tpu.memory_space<vmem>> -> memref<80x128xf32, #tpu.memory_space<vmem>>
        %dma_start3A_125 = arith.constant 0 : i32
        %dma_start3A_126 = tpu.memref_slice %arg16[%add3A_96, %dma_start3A_125] : memref<10000x128xf32, #tpu.memory_space<vmem_shared>> -> memref<80x128xf32, #tpu.memory_space<vmem_shared>>
        tpu.enqueue_dma source(%dma_start3A_126 : memref<80x128xf32, #tpu.memory_space<vmem_shared>>) target(%dma_start3A_124 : memref<80x128xf32, #tpu.memory_space<vmem>>) target_semaphore(%run_scoped3A : memref<!tpu.dma_semaphore, #tpu.memory_space<semaphore_mem>>)
        %dma_wait3A = arith.constant 0 : i32
        %dma_wait3A_127 = arith.constant 0 : i32
        %dma_wait3A_128 = tpu.memref_slice %arg12[%dma_wait3A, %dma_wait3A_127] : memref<80x128xf32, #tpu.memory_space<vmem>> -> memref<80x128xf32, #tpu.memory_space<vmem>>
        %dma_wait3A_129 = arith.constant 0 : i32
        %dma_wait3A_130 = tpu.memref_slice %arg16[%add3A_96, %dma_wait3A_129] : memref<10000x128xf32, #tpu.memory_space<vmem_shared>> -> memref<80x128xf32, #tpu.memory_space<vmem_shared>>
        %dma_wait3A_131 = arith.constant 0 : i32
        %dma_wait3A_132 = arith.constant 0 : i32
        %dma_wait3A_133 = tpu.memref_slice %arg12[%dma_wait3A_131, %dma_wait3A_132] : memref<80x128xf32, #tpu.memory_space<vmem>> -> memref<80x128xf32, #tpu.memory_space<vmem>>
        %dma_wait3A_134 = arith.constant 0 : i32
        %dma_wait3A_135 = tpu.memref_slice %arg16[%add3A_96, %dma_wait3A_134] : memref<10000x128xf32, #tpu.memory_space<vmem_shared>> -> memref<80x128xf32, #tpu.memory_space<vmem_shared>>
        tpu.wait_dma2 semaphore(%run_scoped3A : memref<!tpu.dma_semaphore, #tpu.memory_space<semaphore_mem>>) src(%dma_wait3A_135 : memref<80x128xf32, #tpu.memory_space<vmem_shared>>) dst(%dma_wait3A_133 : memref<80x128xf32, #tpu.memory_space<vmem>>)
        tpu.yield
      }) : () -> ()
      %mul3A_97 = arith.constant 5000 : i32
      %mul3A_98 = arith.muli %arg0, %mul3A_97 : i32
      %add3A_99 = arith.constant 4800 : i32
      %add3A_100 = arith.addi %mul3A_98, %add3A_99 : i32
      "tpu.region"() ({
        %run_scoped3A = tpu.sem_alloc : memref<!tpu.dma_semaphore, #tpu.memory_space<semaphore_mem>>
        %dma_start3A_117 = arith.constant 0 : i32
        %dma_start3A_118 = arith.constant 0 : i32
        %dma_start3A_119 = tpu.memref_slice %arg12[%dma_start3A_117, %dma_start3A_118] : memref<80x128xf32, #tpu.memory_space<vmem>> -> memref<80x128xf32, #tpu.memory_space<vmem>>
        %dma_start3A_120 = arith.constant 0 : i32
        %dma_start3A_121 = tpu.memref_slice %arg7[%add3A_100, %dma_start3A_120] : memref<10000x128xf32, #tpu.memory_space<hbm>> -> memref<80x128xf32, #tpu.memory_space<hbm>>
        %dma_start3A_122 = arith.constant 0 : i32
        %dma_start3A_123 = tpu.memref_slice %arg7[%add3A_100, %dma_start3A_122] : memref<10000x128xf32, #tpu.memory_space<hbm>> -> memref<80x128xf32, #tpu.memory_space<hbm>>
        %dma_start3A_124 = arith.constant 0 : i32
        %dma_start3A_125 = arith.constant 0 : i32
        %dma_start3A_126 = tpu.memref_slice %arg12[%dma_start3A_124, %dma_start3A_125] : memref<80x128xf32, #tpu.memory_space<vmem>> -> memref<80x128xf32, #tpu.memory_space<vmem>>
        tpu.enqueue_dma source(%dma_start3A_126 : memref<80x128xf32, #tpu.memory_space<vmem>>) target(%dma_start3A_123 : memref<80x128xf32, #tpu.memory_space<hbm>>) target_semaphore(%run_scoped3A : memref<!tpu.dma_semaphore, #tpu.memory_space<semaphore_mem>>)
        %dma_wait3A = arith.constant 0 : i32
        %dma_wait3A_127 = arith.constant 0 : i32
        %dma_wait3A_128 = tpu.memref_slice %arg12[%dma_wait3A, %dma_wait3A_127] : memref<80x128xf32, #tpu.memory_space<vmem>> -> memref<80x128xf32, #tpu.memory_space<vmem>>
        %dma_wait3A_129 = arith.constant 0 : i32
        %dma_wait3A_130 = tpu.memref_slice %arg7[%add3A_100, %dma_wait3A_129] : memref<10000x128xf32, #tpu.memory_space<hbm>> -> memref<80x128xf32, #tpu.memory_space<hbm>>
        %dma_wait3A_131 = arith.constant 0 : i32
        %dma_wait3A_132 = tpu.memref_slice %arg7[%add3A_100, %dma_wait3A_131] : memref<10000x128xf32, #tpu.memory_space<hbm>> -> memref<80x128xf32, #tpu.memory_space<hbm>>
        %dma_wait3A_133 = arith.constant 0 : i32
        %dma_wait3A_134 = arith.constant 0 : i32
        %dma_wait3A_135 = tpu.memref_slice %arg12[%dma_wait3A_133, %dma_wait3A_134] : memref<80x128xf32, #tpu.memory_space<vmem>> -> memref<80x128xf32, #tpu.memory_space<vmem>>
        tpu.wait_dma2 semaphore(%run_scoped3A : memref<!tpu.dma_semaphore, #tpu.memory_space<semaphore_mem>>) src(%dma_wait3A_135 : memref<80x128xf32, #tpu.memory_space<vmem>>) dst(%dma_wait3A_132 : memref<80x128xf32, #tpu.memory_space<hbm>>)
        tpu.yield
      }) : () -> ()
      %mul3A_101 = arith.constant 5000 : i32
      %mul3A_102 = arith.muli %arg0, %mul3A_101 : i32
      %add3A_103 = arith.constant 4880 : i32
      %add3A_104 = arith.addi %mul3A_102, %add3A_103 : i32
      "tpu.region"() ({
        %run_scoped3A = tpu.sem_alloc : memref<!tpu.dma_semaphore, #tpu.memory_space<semaphore_mem>>
        %dma_start3A_117 = arith.constant 0 : i32
        %dma_start3A_118 = arith.constant 0 : i32
        %dma_start3A_119 = tpu.memref_slice %arg12[%dma_start3A_117, %dma_start3A_118] : memref<80x128xf32, #tpu.memory_space<vmem>> -> memref<80x128xf32, #tpu.memory_space<vmem>>
        %dma_start3A_120 = arith.constant 0 : i32
        %dma_start3A_121 = tpu.memref_slice %arg16[%add3A_104, %dma_start3A_120] : memref<10000x128xf32, #tpu.memory_space<vmem_shared>> -> memref<80x128xf32, #tpu.memory_space<vmem_shared>>
        %dma_start3A_122 = arith.constant 0 : i32
        %dma_start3A_123 = arith.constant 0 : i32
        %dma_start3A_124 = tpu.memref_slice %arg12[%dma_start3A_122, %dma_start3A_123] : memref<80x128xf32, #tpu.memory_space<vmem>> -> memref<80x128xf32, #tpu.memory_space<vmem>>
        %dma_start3A_125 = arith.constant 0 : i32
        %dma_start3A_126 = tpu.memref_slice %arg16[%add3A_104, %dma_start3A_125] : memref<10000x128xf32, #tpu.memory_space<vmem_shared>> -> memref<80x128xf32, #tpu.memory_space<vmem_shared>>
        tpu.enqueue_dma source(%dma_start3A_126 : memref<80x128xf32, #tpu.memory_space<vmem_shared>>) target(%dma_start3A_124 : memref<80x128xf32, #tpu.memory_space<vmem>>) target_semaphore(%run_scoped3A : memref<!tpu.dma_semaphore, #tpu.memory_space<semaphore_mem>>)
        %dma_wait3A = arith.constant 0 : i32
        %dma_wait3A_127 = arith.constant 0 : i32
        %dma_wait3A_128 = tpu.memref_slice %arg12[%dma_wait3A, %dma_wait3A_127] : memref<80x128xf32, #tpu.memory_space<vmem>> -> memref<80x128xf32, #tpu.memory_space<vmem>>
        %dma_wait3A_129 = arith.constant 0 : i32
        %dma_wait3A_130 = tpu.memref_slice %arg16[%add3A_104, %dma_wait3A_129] : memref<10000x128xf32, #tpu.memory_space<vmem_shared>> -> memref<80x128xf32, #tpu.memory_space<vmem_shared>>
        %dma_wait3A_131 = arith.constant 0 : i32
        %dma_wait3A_132 = arith.constant 0 : i32
        %dma_wait3A_133 = tpu.memref_slice %arg12[%dma_wait3A_131, %dma_wait3A_132] : memref<80x128xf32, #tpu.memory_space<vmem>> -> memref<80x128xf32, #tpu.memory_space<vmem>>
        %dma_wait3A_134 = arith.constant 0 : i32
        %dma_wait3A_135 = tpu.memref_slice %arg16[%add3A_104, %dma_wait3A_134] : memref<10000x128xf32, #tpu.memory_space<vmem_shared>> -> memref<80x128xf32, #tpu.memory_space<vmem_shared>>
        tpu.wait_dma2 semaphore(%run_scoped3A : memref<!tpu.dma_semaphore, #tpu.memory_space<semaphore_mem>>) src(%dma_wait3A_135 : memref<80x128xf32, #tpu.memory_space<vmem_shared>>) dst(%dma_wait3A_133 : memref<80x128xf32, #tpu.memory_space<vmem>>)
        tpu.yield
      }) : () -> ()
      %mul3A_105 = arith.constant 5000 : i32
      %mul3A_106 = arith.muli %arg0, %mul3A_105 : i32
      %add3A_107 = arith.constant 4880 : i32
      %add3A_108 = arith.addi %mul3A_106, %add3A_107 : i32
      "tpu.region"() ({
        %run_scoped3A = tpu.sem_alloc : memref<!tpu.dma_semaphore, #tpu.memory_space<semaphore_mem>>
        %dma_start3A_117 = arith.constant 0 : i32
        %dma_start3A_118 = arith.constant 0 : i32
        %dma_start3A_119 = tpu.memref_slice %arg12[%dma_start3A_117, %dma_start3A_118] : memref<80x128xf32, #tpu.memory_space<vmem>> -> memref<80x128xf32, #tpu.memory_space<vmem>>
        %dma_start3A_120 = arith.constant 0 : i32
        %dma_start3A_121 = tpu.memref_slice %arg7[%add3A_108, %dma_start3A_120] : memref<10000x128xf32, #tpu.memory_space<hbm>> -> memref<80x128xf32, #tpu.memory_space<hbm>>
        %dma_start3A_122 = arith.constant 0 : i32
        %dma_start3A_123 = tpu.memref_slice %arg7[%add3A_108, %dma_start3A_122] : memref<10000x128xf32, #tpu.memory_space<hbm>> -> memref<80x128xf32, #tpu.memory_space<hbm>>
        %dma_start3A_124 = arith.constant 0 : i32
        %dma_start3A_125 = arith.constant 0 : i32
        %dma_start3A_126 = tpu.memref_slice %arg12[%dma_start3A_124, %dma_start3A_125] : memref<80x128xf32, #tpu.memory_space<vmem>> -> memref<80x128xf32, #tpu.memory_space<vmem>>
        tpu.enqueue_dma source(%dma_start3A_126 : memref<80x128xf32, #tpu.memory_space<vmem>>) target(%dma_start3A_123 : memref<80x128xf32, #tpu.memory_space<hbm>>) target_semaphore(%run_scoped3A : memref<!tpu.dma_semaphore, #tpu.memory_space<semaphore_mem>>)
        %dma_wait3A = arith.constant 0 : i32
        %dma_wait3A_127 = arith.constant 0 : i32
        %dma_wait3A_128 = tpu.memref_slice %arg12[%dma_wait3A, %dma_wait3A_127] : memref<80x128xf32, #tpu.memory_space<vmem>> -> memref<80x128xf32, #tpu.memory_space<vmem>>
        %dma_wait3A_129 = arith.constant 0 : i32
        %dma_wait3A_130 = tpu.memref_slice %arg7[%add3A_108, %dma_wait3A_129] : memref<10000x128xf32, #tpu.memory_space<hbm>> -> memref<80x128xf32, #tpu.memory_space<hbm>>
        %dma_wait3A_131 = arith.constant 0 : i32
        %dma_wait3A_132 = tpu.memref_slice %arg7[%add3A_108, %dma_wait3A_131] : memref<10000x128xf32, #tpu.memory_space<hbm>> -> memref<80x128xf32, #tpu.memory_space<hbm>>
        %dma_wait3A_133 = arith.constant 0 : i32
        %dma_wait3A_134 = arith.constant 0 : i32
        %dma_wait3A_135 = tpu.memref_slice %arg12[%dma_wait3A_133, %dma_wait3A_134] : memref<80x128xf32, #tpu.memory_space<vmem>> -> memref<80x128xf32, #tpu.memory_space<vmem>>
        tpu.wait_dma2 semaphore(%run_scoped3A : memref<!tpu.dma_semaphore, #tpu.memory_space<semaphore_mem>>) src(%dma_wait3A_135 : memref<80x128xf32, #tpu.memory_space<vmem>>) dst(%dma_wait3A_132 : memref<80x128xf32, #tpu.memory_space<hbm>>)
        tpu.yield
      }) : () -> ()
      %mul3A_109 = arith.constant 5000 : i32
      %mul3A_110 = arith.muli %arg0, %mul3A_109 : i32
      %add3A_111 = arith.constant 4960 : i32
      %add3A_112 = arith.addi %mul3A_110, %add3A_111 : i32
      "tpu.region"() ({
        %run_scoped3A = tpu.sem_alloc : memref<!tpu.dma_semaphore, #tpu.memory_space<semaphore_mem>>
        %dma_start3A_117 = arith.constant 0 : i32
        %dma_start3A_118 = arith.constant 0 : i32
        %dma_start3A_119 = tpu.memref_slice %arg12[%dma_start3A_117, %dma_start3A_118] : memref<80x128xf32, #tpu.memory_space<vmem>> -> memref<40x128xf32, #tpu.memory_space<vmem>>
        %dma_start3A_120 = arith.constant 0 : i32
        %dma_start3A_121 = tpu.memref_slice %arg16[%add3A_112, %dma_start3A_120] : memref<10000x128xf32, #tpu.memory_space<vmem_shared>> -> memref<40x128xf32, #tpu.memory_space<vmem_shared>>
        %dma_start3A_122 = arith.constant 0 : i32
        %dma_start3A_123 = arith.constant 0 : i32
        %dma_start3A_124 = tpu.memref_slice %arg12[%dma_start3A_122, %dma_start3A_123] : memref<80x128xf32, #tpu.memory_space<vmem>> -> memref<40x128xf32, #tpu.memory_space<vmem>>
        %dma_start3A_125 = arith.constant 0 : i32
        %dma_start3A_126 = tpu.memref_slice %arg16[%add3A_112, %dma_start3A_125] : memref<10000x128xf32, #tpu.memory_space<vmem_shared>> -> memref<40x128xf32, #tpu.memory_space<vmem_shared>>
        tpu.enqueue_dma source(%dma_start3A_126 : memref<40x128xf32, #tpu.memory_space<vmem_shared>>) target(%dma_start3A_124 : memref<40x128xf32, #tpu.memory_space<vmem>>) target_semaphore(%run_scoped3A : memref<!tpu.dma_semaphore, #tpu.memory_space<semaphore_mem>>)
        %dma_wait3A = arith.constant 0 : i32
        %dma_wait3A_127 = arith.constant 0 : i32
        %dma_wait3A_128 = tpu.memref_slice %arg12[%dma_wait3A, %dma_wait3A_127] : memref<80x128xf32, #tpu.memory_space<vmem>> -> memref<40x128xf32, #tpu.memory_space<vmem>>
        %dma_wait3A_129 = arith.constant 0 : i32
        %dma_wait3A_130 = tpu.memref_slice %arg16[%add3A_112, %dma_wait3A_129] : memref<10000x128xf32, #tpu.memory_space<vmem_shared>> -> memref<40x128xf32, #tpu.memory_space<vmem_shared>>
        %dma_wait3A_131 = arith.constant 0 : i32
        %dma_wait3A_132 = arith.constant 0 : i32
        %dma_wait3A_133 = tpu.memref_slice %arg12[%dma_wait3A_131, %dma_wait3A_132] : memref<80x128xf32, #tpu.memory_space<vmem>> -> memref<40x128xf32, #tpu.memory_space<vmem>>
        %dma_wait3A_134 = arith.constant 0 : i32
        %dma_wait3A_135 = tpu.memref_slice %arg16[%add3A_112, %dma_wait3A_134] : memref<10000x128xf32, #tpu.memory_space<vmem_shared>> -> memref<40x128xf32, #tpu.memory_space<vmem_shared>>
        tpu.wait_dma2 semaphore(%run_scoped3A : memref<!tpu.dma_semaphore, #tpu.memory_space<semaphore_mem>>) src(%dma_wait3A_135 : memref<40x128xf32, #tpu.memory_space<vmem_shared>>) dst(%dma_wait3A_133 : memref<40x128xf32, #tpu.memory_space<vmem>>)
        tpu.yield
      }) : () -> ()
      %mul3A_113 = arith.constant 5000 : i32
      %mul3A_114 = arith.muli %arg0, %mul3A_113 : i32
      %add3A_115 = arith.constant 4960 : i32
      %add3A_116 = arith.addi %mul3A_114, %add3A_115 : i32
      "tpu.region"() ({
        %run_scoped3A = tpu.sem_alloc : memref<!tpu.dma_semaphore, #tpu.memory_space<semaphore_mem>>
        %dma_start3A_117 = arith.constant 0 : i32
        %dma_start3A_118 = arith.constant 0 : i32
        %dma_start3A_119 = tpu.memref_slice %arg12[%dma_start3A_117, %dma_start3A_118] : memref<80x128xf32, #tpu.memory_space<vmem>> -> memref<40x128xf32, #tpu.memory_space<vmem>>
        %dma_start3A_120 = arith.constant 0 : i32
        %dma_start3A_121 = tpu.memref_slice %arg7[%add3A_116, %dma_start3A_120] : memref<10000x128xf32, #tpu.memory_space<hbm>> -> memref<40x128xf32, #tpu.memory_space<hbm>>
        %dma_start3A_122 = arith.constant 0 : i32
        %dma_start3A_123 = tpu.memref_slice %arg7[%add3A_116, %dma_start3A_122] : memref<10000x128xf32, #tpu.memory_space<hbm>> -> memref<40x128xf32, #tpu.memory_space<hbm>>
        %dma_start3A_124 = arith.constant 0 : i32
        %dma_start3A_125 = arith.constant 0 : i32
        %dma_start3A_126 = tpu.memref_slice %arg12[%dma_start3A_124, %dma_start3A_125] : memref<80x128xf32, #tpu.memory_space<vmem>> -> memref<40x128xf32, #tpu.memory_space<vmem>>
        tpu.enqueue_dma source(%dma_start3A_126 : memref<40x128xf32, #tpu.memory_space<vmem>>) target(%dma_start3A_123 : memref<40x128xf32, #tpu.memory_space<hbm>>) target_semaphore(%run_scoped3A : memref<!tpu.dma_semaphore, #tpu.memory_space<semaphore_mem>>)
        %dma_wait3A = arith.constant 0 : i32
        %dma_wait3A_127 = arith.constant 0 : i32
        %dma_wait3A_128 = tpu.memref_slice %arg12[%dma_wait3A, %dma_wait3A_127] : memref<80x128xf32, #tpu.memory_space<vmem>> -> memref<40x128xf32, #tpu.memory_space<vmem>>
        %dma_wait3A_129 = arith.constant 0 : i32
        %dma_wait3A_130 = tpu.memref_slice %arg7[%add3A_116, %dma_wait3A_129] : memref<10000x128xf32, #tpu.memory_space<hbm>> -> memref<40x128xf32, #tpu.memory_space<hbm>>
        %dma_wait3A_131 = arith.constant 0 : i32
        %dma_wait3A_132 = tpu.memref_slice %arg7[%add3A_116, %dma_wait3A_131] : memref<10000x128xf32, #tpu.memory_space<hbm>> -> memref<40x128xf32, #tpu.memory_space<hbm>>
        %dma_wait3A_133 = arith.constant 0 : i32
        %dma_wait3A_134 = arith.constant 0 : i32
        %dma_wait3A_135 = tpu.memref_slice %arg12[%dma_wait3A_133, %dma_wait3A_134] : memref<80x128xf32, #tpu.memory_space<vmem>> -> memref<40x128xf32, #tpu.memory_space<vmem>>
        tpu.wait_dma2 semaphore(%run_scoped3A : memref<!tpu.dma_semaphore, #tpu.memory_space<semaphore_mem>>) src(%dma_wait3A_135 : memref<40x128xf32, #tpu.memory_space<vmem>>) dst(%dma_wait3A_132 : memref<40x128xf32, #tpu.memory_space<hbm>>)
        tpu.yield
      }) : () -> ()
    } else {
    }
    return
  }
}

#map = affine_map<(d0, d1) -> (0, 0)>
#map1 = affine_map<(d0, d1) -> (0)>
module attributes {stable_mosaic.version = 14 : i64} {
  func.func @_sc_agg(%arg0: i32, %arg1: i32, %arg2: memref<20000x128xf32, #tpu.memory_space<hbm>>, %arg3: memref<320000xi32, #tpu.memory_space<hbm>>, %arg4: memref<160000xi32, #tpu.memory_space<hbm>>, %arg5: memref<320000x128xf32, #tpu.memory_space<hbm>>, %arg6: memref<20000x128xf32, #tpu.memory_space<hbm>>, %arg7: memref<10000x128xf32, #tpu.memory_space<hbm>>, %arg8: memref<80xi32, #tpu.memory_space<vmem>>, %arg9: memref<80xi32, #tpu.memory_space<vmem>>, %arg10: memref<80xi32, #tpu.memory_space<vmem>>, %arg11: memref<80xi32, #tpu.memory_space<vmem>>, %arg12: memref<80x128xf32, #tpu.memory_space<vmem>>, %arg13: memref<80x128xf32, #tpu.memory_space<vmem>>, %arg14: memref<80x128xf32, #tpu.memory_space<vmem>>, %arg15: memref<80x128xf32, #tpu.memory_space<vmem>>, %arg16: memref<10000x128xf32, #tpu.memory_space<vmem_shared>>, %arg17: memref<!tpu.dma_semaphore, #tpu.memory_space<semaphore_mem>>, %arg18: memref<!tpu.dma_semaphore, #tpu.memory_space<semaphore_mem>>, %arg19: memref<!tpu.dma_semaphore, #tpu.memory_space<semaphore_mem>>, %arg20: memref<!tpu.dma_semaphore, #tpu.memory_space<semaphore_mem>>) attributes {dimension_semantics = [#tpu.dimension_semantics<core_parallel>, #tpu.dimension_semantics<subcore_parallel>], iteration_bounds = array<i64: 2, 16>, scalar_prefetch = 0 : i64, scratch_operands = 13 : i64, tpu.core_type = #tpu.core_type<sc_vector_subcore>, window_params = [{transform_indices = #map}, {transform_indices = #map1}, {transform_indices = #map1}, {transform_indices = #map}, {transform_indices = #map}, {transform_indices = #map}]} {
    %mul3A = arith.constant 10000 : i32
    %mul3A_0 = arith.muli %arg0, %mul3A : i32
    %mul3A_1 = arith.constant 160000 : i32
    %mul3A_2 = arith.muli %arg0, %mul3A_1 : i32
    %broadcast_in_dim3A = arith.constant 0.000000e+00 : f32
    %broadcast_in_dim3A_3 = vector.broadcast %broadcast_in_dim3A : f32 to vector<16xf32>
    %scan3A = arith.constant 0 : i32
    %scan3A_4 = arith.constant 0 : i32
    %scan3A_5 = arith.constant 80 : i32
    %scan3A_6 = arith.addi %scan3A_4, %scan3A_5 : i32
    %scan3A_7 = arith.constant 1 : i32
    scf.for %scan3A_93 = %scan3A_4 to %scan3A_6 step %scan3A_7  : i32 {
      %swap3A = arith.index_cast %scan3A_93 : i32 to index
      %swap3A_94 = arith.constant 0 : index
      %swap3A_95 = tpu.vector_load %arg12[%swap3A, %swap3A_94] {strides = array<i32>} : memref<80x128xf32, #tpu.memory_space<vmem>>, vector<1x16xf32>,
      %swap3A_96 = vector.shape_cast %swap3A_95 : vector<1x16xf32> to vector<16xf32>
      %swap3A_97 = vector.shape_cast %broadcast_in_dim3A_3 : vector<16xf32> to vector<1x16xf32>
      tpu.vector_store %arg12[%swap3A, %swap3A_94], %swap3A_97 {strides = array<i32>} : memref<80x128xf32, #tpu.memory_space<vmem>>, vector<1x16xf32>,
      %swap3A_98 = arith.index_cast %scan3A_93 : i32 to index
      %swap3A_99 = arith.constant 16 : index
      %swap3A_100 = tpu.vector_load %arg12[%swap3A_98, %swap3A_99] {strides = array<i32>} : memref<80x128xf32, #tpu.memory_space<vmem>>, vector<1x16xf32>,
      %swap3A_101 = vector.shape_cast %swap3A_100 : vector<1x16xf32> to vector<16xf32>
      %swap3A_102 = vector.shape_cast %broadcast_in_dim3A_3 : vector<16xf32> to vector<1x16xf32>
      tpu.vector_store %arg12[%swap3A_98, %swap3A_99], %swap3A_102 {strides = array<i32>} : memref<80x128xf32, #tpu.memory_space<vmem>>, vector<1x16xf32>,
      %swap3A_103 = arith.index_cast %scan3A_93 : i32 to index
      %swap3A_104 = arith.constant 32 : index
      %swap3A_105 = tpu.vector_load %arg12[%swap3A_103, %swap3A_104] {strides = array<i32>} : memref<80x128xf32, #tpu.memory_space<vmem>>, vector<1x16xf32>,
      %swap3A_106 = vector.shape_cast %swap3A_105 : vector<1x16xf32> to vector<16xf32>
      %swap3A_107 = vector.shape_cast %broadcast_in_dim3A_3 : vector<16xf32> to vector<1x16xf32>
      tpu.vector_store %arg12[%swap3A_103, %swap3A_104], %swap3A_107 {strides = array<i32>} : memref<80x128xf32, #tpu.memory_space<vmem>>, vector<1x16xf32>,
      %swap3A_108 = arith.index_cast %scan3A_93 : i32 to index
      %swap3A_109 = arith.constant 48 : index
      %swap3A_110 = tpu.vector_load %arg12[%swap3A_108, %swap3A_109] {strides = array<i32>} : memref<80x128xf32, #tpu.memory_space<vmem>>, vector<1x16xf32>,
      %swap3A_111 = vector.shape_cast %swap3A_110 : vector<1x16xf32> to vector<16xf32>
      %swap3A_112 = vector.shape_cast %broadcast_in_dim3A_3 : vector<16xf32> to vector<1x16xf32>
      tpu.vector_store %arg12[%swap3A_108, %swap3A_109], %swap3A_112 {strides = array<i32>} : memref<80x128xf32, #tpu.memory_space<vmem>>, vector<1x16xf32>,
      %swap3A_113 = arith.index_cast %scan3A_93 : i32 to index
      %swap3A_114 = arith.constant 64 : index
      %swap3A_115 = tpu.vector_load %arg12[%swap3A_113, %swap3A_114] {strides = array<i32>} : memref<80x128xf32, #tpu.memory_space<vmem>>, vector<1x16xf32>,
      %swap3A_116 = vector.shape_cast %swap3A_115 : vector<1x16xf32> to vector<16xf32>
      %swap3A_117 = vector.shape_cast %broadcast_in_dim3A_3 : vector<16xf32> to vector<1x16xf32>
      tpu.vector_store %arg12[%swap3A_113, %swap3A_114], %swap3A_117 {strides = array<i32>} : memref<80x128xf32, #tpu.memory_space<vmem>>, vector<1x16xf32>,
      %swap3A_118 = arith.index_cast %scan3A_93 : i32 to index
      %swap3A_119 = arith.constant 80 : index
      %swap3A_120 = tpu.vector_load %arg12[%swap3A_118, %swap3A_119] {strides = array<i32>} : memref<80x128xf32, #tpu.memory_space<vmem>>, vector<1x16xf32>,
      %swap3A_121 = vector.shape_cast %swap3A_120 : vector<1x16xf32> to vector<16xf32>
      %swap3A_122 = vector.shape_cast %broadcast_in_dim3A_3 : vector<16xf32> to vector<1x16xf32>
      tpu.vector_store %arg12[%swap3A_118, %swap3A_119], %swap3A_122 {strides = array<i32>} : memref<80x128xf32, #tpu.memory_space<vmem>>, vector<1x16xf32>,
      %swap3A_123 = arith.index_cast %scan3A_93 : i32 to index
      %swap3A_124 = arith.constant 96 : index
      %swap3A_125 = tpu.vector_load %arg12[%swap3A_123, %swap3A_124] {strides = array<i32>} : memref<80x128xf32, #tpu.memory_space<vmem>>, vector<1x16xf32>,
      %swap3A_126 = vector.shape_cast %swap3A_125 : vector<1x16xf32> to vector<16xf32>
      %swap3A_127 = vector.shape_cast %broadcast_in_dim3A_3 : vector<16xf32> to vector<1x16xf32>
      tpu.vector_store %arg12[%swap3A_123, %swap3A_124], %swap3A_127 {strides = array<i32>} : memref<80x128xf32, #tpu.memory_space<vmem>>, vector<1x16xf32>,
      %swap3A_128 = arith.index_cast %scan3A_93 : i32 to index
      %swap3A_129 = arith.constant 112 : index
      %swap3A_130 = tpu.vector_load %arg12[%swap3A_128, %swap3A_129] {strides = array<i32>} : memref<80x128xf32, #tpu.memory_space<vmem>>, vector<1x16xf32>,
      %swap3A_131 = vector.shape_cast %swap3A_130 : vector<1x16xf32> to vector<16xf32>
      %swap3A_132 = vector.shape_cast %broadcast_in_dim3A_3 : vector<16xf32> to vector<1x16xf32>
      tpu.vector_store %arg12[%swap3A_128, %swap3A_129], %swap3A_132 {strides = array<i32>} : memref<80x128xf32, #tpu.memory_space<vmem>>, vector<1x16xf32>,
    }
    %scan3A_8 = arith.constant 80 : i32
    %lt3A = arith.constant 15 : i32
    %lt3A_9 = arith.cmpi slt, %arg1, %lt3A : i32
    %convert_element_type3A = arith.extui %lt3A_9 : i1 to i32
    %cond3A = arith.constant 0 : i32
    %cond3A_10 = arith.cmpi ne, %convert_element_type3A, %cond3A : i32
    scf.if %cond3A_10 {
      %mul3A_93 = arith.constant 640 : i32
      %mul3A_94 = arith.muli %arg1, %mul3A_93 : i32
      %add3A_95 = arith.constant 0 : i32
      %add3A_96 = arith.addi %mul3A_94, %add3A_95 : i32
      "tpu.region"() ({
        %run_scoped3A = tpu.sem_alloc : memref<!tpu.dma_semaphore, #tpu.memory_space<semaphore_mem>>
        %dma_start3A_125 = arith.constant 0 : i32
        %dma_start3A_126 = tpu.memref_slice %arg16[%add3A_96, %dma_start3A_125] : memref<10000x128xf32, #tpu.memory_space<vmem_shared>> -> memref<80x128xf32, #tpu.memory_space<vmem_shared>>
        %dma_start3A_127 = arith.constant 0 : i32
        %dma_start3A_128 = tpu.memref_slice %arg16[%add3A_96, %dma_start3A_127] : memref<10000x128xf32, #tpu.memory_space<vmem_shared>> -> memref<80x128xf32, #tpu.memory_space<vmem_shared>>
        tpu.enqueue_dma source(%arg12 : memref<80x128xf32, #tpu.memory_space<vmem>>) target(%dma_start3A_128 : memref<80x128xf32, #tpu.memory_space<vmem_shared>>) target_semaphore(%run_scoped3A : memref<!tpu.dma_semaphore, #tpu.memory_space<semaphore_mem>>)
        %dma_wait3A = arith.constant 0 : i32
        %dma_wait3A_129 = tpu.memref_slice %arg16[%add3A_96, %dma_wait3A] : memref<10000x128xf32, #tpu.memory_space<vmem_shared>> -> memref<80x128xf32, #tpu.memory_space<vmem_shared>>
        %dma_wait3A_130 = arith.constant 0 : i32
        %dma_wait3A_131 = tpu.memref_slice %arg16[%add3A_96, %dma_wait3A_130] : memref<10000x128xf32, #tpu.memory_space<vmem_shared>> -> memref<80x128xf32, #tpu.memory_space<vmem_shared>>
        tpu.wait_dma2 semaphore(%run_scoped3A : memref<!tpu.dma_semaphore, #tpu.memory_space<semaphore_mem>>) src(%arg12 : memref<80x128xf32, #tpu.memory_space<vmem>>) dst(%dma_wait3A_131 : memref<80x128xf32, #tpu.memory_space<vmem_shared>>)
        tpu.yield
      }) : () -> ()
      %mul3A_97 = arith.constant 640 : i32
      %mul3A_98 = arith.muli %arg1, %mul3A_97 : i32
      %add3A_99 = arith.constant 80 : i32
      %add3A_100 = arith.addi %mul3A_98, %add3A_99 : i32
      "tpu.region"() ({
        %run_scoped3A = tpu.sem_alloc : memref<!tpu.dma_semaphore, #tpu.memory_space<semaphore_mem>>
        %dma_start3A_125 = arith.constant 0 : i32
        %dma_start3A_126 = tpu.memref_slice %arg16[%add3A_100, %dma_start3A_125] : memref<10000x128xf32, #tpu.memory_space<vmem_shared>> -> memref<80x128xf32, #tpu.memory_space<vmem_shared>>
        %dma_start3A_127 = arith.constant 0 : i32
        %dma_start3A_128 = tpu.memref_slice %arg16[%add3A_100, %dma_start3A_127] : memref<10000x128xf32, #tpu.memory_space<vmem_shared>> -> memref<80x128xf32, #tpu.memory_space<vmem_shared>>
        tpu.enqueue_dma source(%arg12 : memref<80x128xf32, #tpu.memory_space<vmem>>) target(%dma_start3A_128 : memref<80x128xf32, #tpu.memory_space<vmem_shared>>) target_semaphore(%run_scoped3A : memref<!tpu.dma_semaphore, #tpu.memory_space<semaphore_mem>>)
        %dma_wait3A = arith.constant 0 : i32
        %dma_wait3A_129 = tpu.memref_slice %arg16[%add3A_100, %dma_wait3A] : memref<10000x128xf32, #tpu.memory_space<vmem_shared>> -> memref<80x128xf32, #tpu.memory_space<vmem_shared>>
        %dma_wait3A_130 = arith.constant 0 : i32
        %dma_wait3A_131 = tpu.memref_slice %arg16[%add3A_100, %dma_wait3A_130] : memref<10000x128xf32, #tpu.memory_space<vmem_shared>> -> memref<80x128xf32, #tpu.memory_space<vmem_shared>>
        tpu.wait_dma2 semaphore(%run_scoped3A : memref<!tpu.dma_semaphore, #tpu.memory_space<semaphore_mem>>) src(%arg12 : memref<80x128xf32, #tpu.memory_space<vmem>>) dst(%dma_wait3A_131 : memref<80x128xf32, #tpu.memory_space<vmem_shared>>)
        tpu.yield
      }) : () -> ()
      %mul3A_101 = arith.constant 640 : i32
      %mul3A_102 = arith.muli %arg1, %mul3A_101 : i32
      %add3A_103 = arith.constant 160 : i32
      %add3A_104 = arith.addi %mul3A_102, %add3A_103 : i32
      "tpu.region"() ({
        %run_scoped3A = tpu.sem_alloc : memref<!tpu.dma_semaphore, #tpu.memory_space<semaphore_mem>>
        %dma_start3A_125 = arith.constant 0 : i32
        %dma_start3A_126 = tpu.memref_slice %arg16[%add3A_104, %dma_start3A_125] : memref<10000x128xf32, #tpu.memory_space<vmem_shared>> -> memref<80x128xf32, #tpu.memory_space<vmem_shared>>
        %dma_start3A_127 = arith.constant 0 : i32
        %dma_start3A_128 = tpu.memref_slice %arg16[%add3A_104, %dma_start3A_127] : memref<10000x128xf32, #tpu.memory_space<vmem_shared>> -> memref<80x128xf32, #tpu.memory_space<vmem_shared>>
        tpu.enqueue_dma source(%arg12 : memref<80x128xf32, #tpu.memory_space<vmem>>) target(%dma_start3A_128 : memref<80x128xf32, #tpu.memory_space<vmem_shared>>) target_semaphore(%run_scoped3A : memref<!tpu.dma_semaphore, #tpu.memory_space<semaphore_mem>>)
        %dma_wait3A = arith.constant 0 : i32
        %dma_wait3A_129 = tpu.memref_slice %arg16[%add3A_104, %dma_wait3A] : memref<10000x128xf32, #tpu.memory_space<vmem_shared>> -> memref<80x128xf32, #tpu.memory_space<vmem_shared>>
        %dma_wait3A_130 = arith.constant 0 : i32
        %dma_wait3A_131 = tpu.memref_slice %arg16[%add3A_104, %dma_wait3A_130] : memref<10000x128xf32, #tpu.memory_space<vmem_shared>> -> memref<80x128xf32, #tpu.memory_space<vmem_shared>>
        tpu.wait_dma2 semaphore(%run_scoped3A : memref<!tpu.dma_semaphore, #tpu.memory_space<semaphore_mem>>) src(%arg12 : memref<80x128xf32, #tpu.memory_space<vmem>>) dst(%dma_wait3A_131 : memref<80x128xf32, #tpu.memory_space<vmem_shared>>)
        tpu.yield
      }) : () -> ()
      %mul3A_105 = arith.constant 640 : i32
      %mul3A_106 = arith.muli %arg1, %mul3A_105 : i32
      %add3A_107 = arith.constant 240 : i32
      %add3A_108 = arith.addi %mul3A_106, %add3A_107 : i32
      "tpu.region"() ({
        %run_scoped3A = tpu.sem_alloc : memref<!tpu.dma_semaphore, #tpu.memory_space<semaphore_mem>>
        %dma_start3A_125 = arith.constant 0 : i32
        %dma_start3A_126 = tpu.memref_slice %arg16[%add3A_108, %dma_start3A_125] : memref<10000x128xf32, #tpu.memory_space<vmem_shared>> -> memref<80x128xf32, #tpu.memory_space<vmem_shared>>
        %dma_start3A_127 = arith.constant 0 : i32
        %dma_start3A_128 = tpu.memref_slice %arg16[%add3A_108, %dma_start3A_127] : memref<10000x128xf32, #tpu.memory_space<vmem_shared>> -> memref<80x128xf32, #tpu.memory_space<vmem_shared>>
        tpu.enqueue_dma source(%arg12 : memref<80x128xf32, #tpu.memory_space<vmem>>) target(%dma_start3A_128 : memref<80x128xf32, #tpu.memory_space<vmem_shared>>) target_semaphore(%run_scoped3A : memref<!tpu.dma_semaphore, #tpu.memory_space<semaphore_mem>>)
        %dma_wait3A = arith.constant 0 : i32
        %dma_wait3A_129 = tpu.memref_slice %arg16[%add3A_108, %dma_wait3A] : memref<10000x128xf32, #tpu.memory_space<vmem_shared>> -> memref<80x128xf32, #tpu.memory_space<vmem_shared>>
        %dma_wait3A_130 = arith.constant 0 : i32
        %dma_wait3A_131 = tpu.memref_slice %arg16[%add3A_108, %dma_wait3A_130] : memref<10000x128xf32, #tpu.memory_space<vmem_shared>> -> memref<80x128xf32, #tpu.memory_space<vmem_shared>>
        tpu.wait_dma2 semaphore(%run_scoped3A : memref<!tpu.dma_semaphore, #tpu.memory_space<semaphore_mem>>) src(%arg12 : memref<80x128xf32, #tpu.memory_space<vmem>>) dst(%dma_wait3A_131 : memref<80x128xf32, #tpu.memory_space<vmem_shared>>)
        tpu.yield
      }) : () -> ()
      %mul3A_109 = arith.constant 640 : i32
      %mul3A_110 = arith.muli %arg1, %mul3A_109 : i32
      %add3A_111 = arith.constant 320 : i32
      %add3A_112 = arith.addi %mul3A_110, %add3A_111 : i32
      "tpu.region"() ({
        %run_scoped3A = tpu.sem_alloc : memref<!tpu.dma_semaphore, #tpu.memory_space<semaphore_mem>>
        %dma_start3A_125 = arith.constant 0 : i32
        %dma_start3A_126 = tpu.memref_slice %arg16[%add3A_112, %dma_start3A_125] : memref<10000x128xf32, #tpu.memory_space<vmem_shared>> -> memref<80x128xf32, #tpu.memory_space<vmem_shared>>
        %dma_start3A_127 = arith.constant 0 : i32
        %dma_start3A_128 = tpu.memref_slice %arg16[%add3A_112, %dma_start3A_127] : memref<10000x128xf32, #tpu.memory_space<vmem_shared>> -> memref<80x128xf32, #tpu.memory_space<vmem_shared>>
        tpu.enqueue_dma source(%arg12 : memref<80x128xf32, #tpu.memory_space<vmem>>) target(%dma_start3A_128 : memref<80x128xf32, #tpu.memory_space<vmem_shared>>) target_semaphore(%run_scoped3A : memref<!tpu.dma_semaphore, #tpu.memory_space<semaphore_mem>>)
        %dma_wait3A = arith.constant 0 : i32
        %dma_wait3A_129 = tpu.memref_slice %arg16[%add3A_112, %dma_wait3A] : memref<10000x128xf32, #tpu.memory_space<vmem_shared>> -> memref<80x128xf32, #tpu.memory_space<vmem_shared>>
        %dma_wait3A_130 = arith.constant 0 : i32
        %dma_wait3A_131 = tpu.memref_slice %arg16[%add3A_112, %dma_wait3A_130] : memref<10000x128xf32, #tpu.memory_space<vmem_shared>> -> memref<80x128xf32, #tpu.memory_space<vmem_shared>>
        tpu.wait_dma2 semaphore(%run_scoped3A : memref<!tpu.dma_semaphore, #tpu.memory_space<semaphore_mem>>) src(%arg12 : memref<80x128xf32, #tpu.memory_space<vmem>>) dst(%dma_wait3A_131 : memref<80x128xf32, #tpu.memory_space<vmem_shared>>)
        tpu.yield
      }) : () -> ()
      %mul3A_113 = arith.constant 640 : i32
      %mul3A_114 = arith.muli %arg1, %mul3A_113 : i32
      %add3A_115 = arith.constant 400 : i32
      %add3A_116 = arith.addi %mul3A_114, %add3A_115 : i32
      "tpu.region"() ({
        %run_scoped3A = tpu.sem_alloc : memref<!tpu.dma_semaphore, #tpu.memory_space<semaphore_mem>>
        %dma_start3A_125 = arith.constant 0 : i32
        %dma_start3A_126 = tpu.memref_slice %arg16[%add3A_116, %dma_start3A_125] : memref<10000x128xf32, #tpu.memory_space<vmem_shared>> -> memref<80x128xf32, #tpu.memory_space<vmem_shared>>
        %dma_start3A_127 = arith.constant 0 : i32
        %dma_start3A_128 = tpu.memref_slice %arg16[%add3A_116, %dma_start3A_127] : memref<10000x128xf32, #tpu.memory_space<vmem_shared>> -> memref<80x128xf32, #tpu.memory_space<vmem_shared>>
        tpu.enqueue_dma source(%arg12 : memref<80x128xf32, #tpu.memory_space<vmem>>) target(%dma_start3A_128 : memref<80x128xf32, #tpu.memory_space<vmem_shared>>) target_semaphore(%run_scoped3A : memref<!tpu.dma_semaphore, #tpu.memory_space<semaphore_mem>>)
        %dma_wait3A = arith.constant 0 : i32
        %dma_wait3A_129 = tpu.memref_slice %arg16[%add3A_116, %dma_wait3A] : memref<10000x128xf32, #tpu.memory_space<vmem_shared>> -> memref<80x128xf32, #tpu.memory_space<vmem_shared>>
        %dma_wait3A_130 = arith.constant 0 : i32
        %dma_wait3A_131 = tpu.memref_slice %arg16[%add3A_116, %dma_wait3A_130] : memref<10000x128xf32, #tpu.memory_space<vmem_shared>> -> memref<80x128xf32, #tpu.memory_space<vmem_shared>>
        tpu.wait_dma2 semaphore(%run_scoped3A : memref<!tpu.dma_semaphore, #tpu.memory_space<semaphore_mem>>) src(%arg12 : memref<80x128xf32, #tpu.memory_space<vmem>>) dst(%dma_wait3A_131 : memref<80x128xf32, #tpu.memory_space<vmem_shared>>)
        tpu.yield
      }) : () -> ()
      %mul3A_117 = arith.constant 640 : i32
      %mul3A_118 = arith.muli %arg1, %mul3A_117 : i32
      %add3A_119 = arith.constant 480 : i32
      %add3A_120 = arith.addi %mul3A_118, %add3A_119 : i32
      "tpu.region"() ({
        %run_scoped3A = tpu.sem_alloc : memref<!tpu.dma_semaphore, #tpu.memory_space<semaphore_mem>>
        %dma_start3A_125 = arith.constant 0 : i32
        %dma_start3A_126 = tpu.memref_slice %arg16[%add3A_120, %dma_start3A_125] : memref<10000x128xf32, #tpu.memory_space<vmem_shared>> -> memref<80x128xf32, #tpu.memory_space<vmem_shared>>
        %dma_start3A_127 = arith.constant 0 : i32
        %dma_start3A_128 = tpu.memref_slice %arg16[%add3A_120, %dma_start3A_127] : memref<10000x128xf32, #tpu.memory_space<vmem_shared>> -> memref<80x128xf32, #tpu.memory_space<vmem_shared>>
        tpu.enqueue_dma source(%arg12 : memref<80x128xf32, #tpu.memory_space<vmem>>) target(%dma_start3A_128 : memref<80x128xf32, #tpu.memory_space<vmem_shared>>) target_semaphore(%run_scoped3A : memref<!tpu.dma_semaphore, #tpu.memory_space<semaphore_mem>>)
        %dma_wait3A = arith.constant 0 : i32
        %dma_wait3A_129 = tpu.memref_slice %arg16[%add3A_120, %dma_wait3A] : memref<10000x128xf32, #tpu.memory_space<vmem_shared>> -> memref<80x128xf32, #tpu.memory_space<vmem_shared>>
        %dma_wait3A_130 = arith.constant 0 : i32
        %dma_wait3A_131 = tpu.memref_slice %arg16[%add3A_120, %dma_wait3A_130] : memref<10000x128xf32, #tpu.memory_space<vmem_shared>> -> memref<80x128xf32, #tpu.memory_space<vmem_shared>>
        tpu.wait_dma2 semaphore(%run_scoped3A : memref<!tpu.dma_semaphore, #tpu.memory_space<semaphore_mem>>) src(%arg12 : memref<80x128xf32, #tpu.memory_space<vmem>>) dst(%dma_wait3A_131 : memref<80x128xf32, #tpu.memory_space<vmem_shared>>)
        tpu.yield
      }) : () -> ()
      %mul3A_121 = arith.constant 640 : i32
      %mul3A_122 = arith.muli %arg1, %mul3A_121 : i32
      %add3A_123 = arith.constant 560 : i32
      %add3A_124 = arith.addi %mul3A_122, %add3A_123 : i32
      "tpu.region"() ({
        %run_scoped3A = tpu.sem_alloc : memref<!tpu.dma_semaphore, #tpu.memory_space<semaphore_mem>>
        %dma_start3A_125 = arith.constant 0 : i32
        %dma_start3A_126 = tpu.memref_slice %arg16[%add3A_124, %dma_start3A_125] : memref<10000x128xf32, #tpu.memory_space<vmem_shared>> -> memref<80x128xf32, #tpu.memory_space<vmem_shared>>
        %dma_start3A_127 = arith.constant 0 : i32
        %dma_start3A_128 = tpu.memref_slice %arg16[%add3A_124, %dma_start3A_127] : memref<10000x128xf32, #tpu.memory_space<vmem_shared>> -> memref<80x128xf32, #tpu.memory_space<vmem_shared>>
        tpu.enqueue_dma source(%arg12 : memref<80x128xf32, #tpu.memory_space<vmem>>) target(%dma_start3A_128 : memref<80x128xf32, #tpu.memory_space<vmem_shared>>) target_semaphore(%run_scoped3A : memref<!tpu.dma_semaphore, #tpu.memory_space<semaphore_mem>>)
        %dma_wait3A = arith.constant 0 : i32
        %dma_wait3A_129 = tpu.memref_slice %arg16[%add3A_124, %dma_wait3A] : memref<10000x128xf32, #tpu.memory_space<vmem_shared>> -> memref<80x128xf32, #tpu.memory_space<vmem_shared>>
        %dma_wait3A_130 = arith.constant 0 : i32
        %dma_wait3A_131 = tpu.memref_slice %arg16[%add3A_124, %dma_wait3A_130] : memref<10000x128xf32, #tpu.memory_space<vmem_shared>> -> memref<80x128xf32, #tpu.memory_space<vmem_shared>>
        tpu.wait_dma2 semaphore(%run_scoped3A : memref<!tpu.dma_semaphore, #tpu.memory_space<semaphore_mem>>) src(%arg12 : memref<80x128xf32, #tpu.memory_space<vmem>>) dst(%dma_wait3A_131 : memref<80x128xf32, #tpu.memory_space<vmem_shared>>)
        tpu.yield
      }) : () -> ()
    } else {
    }
    %eq3A = arith.constant 15 : i32
    %eq3A_11 = arith.cmpi eq, %arg1, %eq3A : i32
    %convert_element_type3A_12 = arith.extui %eq3A_11 : i1 to i32
    %cond3A_13 = arith.constant 0 : i32
    %cond3A_14 = arith.cmpi ne, %convert_element_type3A_12, %cond3A_13 : i32
    scf.if %cond3A_14 {
      %mul3A_93 = arith.constant 640 : i32
      %mul3A_94 = arith.muli %arg1, %mul3A_93 : i32
      %add3A_95 = arith.constant 0 : i32
      %add3A_96 = arith.addi %mul3A_94, %add3A_95 : i32
      "tpu.region"() ({
        %run_scoped3A = tpu.sem_alloc : memref<!tpu.dma_semaphore, #tpu.memory_space<semaphore_mem>>
        %dma_start3A_113 = arith.constant 0 : i32
        %dma_start3A_114 = tpu.memref_slice %arg16[%add3A_96, %dma_start3A_113] : memref<10000x128xf32, #tpu.memory_space<vmem_shared>> -> memref<80x128xf32, #tpu.memory_space<vmem_shared>>
        %dma_start3A_115 = arith.constant 0 : i32
        %dma_start3A_116 = tpu.memref_slice %arg16[%add3A_96, %dma_start3A_115] : memref<10000x128xf32, #tpu.memory_space<vmem_shared>> -> memref<80x128xf32, #tpu.memory_space<vmem_shared>>
        tpu.enqueue_dma source(%arg12 : memref<80x128xf32, #tpu.memory_space<vmem>>) target(%dma_start3A_116 : memref<80x128xf32, #tpu.memory_space<vmem_shared>>) target_semaphore(%run_scoped3A : memref<!tpu.dma_semaphore, #tpu.memory_space<semaphore_mem>>)
        %dma_wait3A = arith.constant 0 : i32
        %dma_wait3A_117 = tpu.memref_slice %arg16[%add3A_96, %dma_wait3A] : memref<10000x128xf32, #tpu.memory_space<vmem_shared>> -> memref<80x128xf32, #tpu.memory_space<vmem_shared>>
        %dma_wait3A_118 = arith.constant 0 : i32
        %dma_wait3A_119 = tpu.memref_slice %arg16[%add3A_96, %dma_wait3A_118] : memref<10000x128xf32, #tpu.memory_space<vmem_shared>> -> memref<80x128xf32, #tpu.memory_space<vmem_shared>>
        tpu.wait_dma2 semaphore(%run_scoped3A : memref<!tpu.dma_semaphore, #tpu.memory_space<semaphore_mem>>) src(%arg12 : memref<80x128xf32, #tpu.memory_space<vmem>>) dst(%dma_wait3A_119 : memref<80x128xf32, #tpu.memory_space<vmem_shared>>)
        tpu.yield
      }) : () -> ()
      %mul3A_97 = arith.constant 640 : i32
      %mul3A_98 = arith.muli %arg1, %mul3A_97 : i32
      %add3A_99 = arith.constant 80 : i32
      %add3A_100 = arith.addi %mul3A_98, %add3A_99 : i32
      "tpu.region"() ({
        %run_scoped3A = tpu.sem_alloc : memref<!tpu.dma_semaphore, #tpu.memory_space<semaphore_mem>>
        %dma_start3A_113 = arith.constant 0 : i32
        %dma_start3A_114 = tpu.memref_slice %arg16[%add3A_100, %dma_start3A_113] : memref<10000x128xf32, #tpu.memory_space<vmem_shared>> -> memref<80x128xf32, #tpu.memory_space<vmem_shared>>
        %dma_start3A_115 = arith.constant 0 : i32
        %dma_start3A_116 = tpu.memref_slice %arg16[%add3A_100, %dma_start3A_115] : memref<10000x128xf32, #tpu.memory_space<vmem_shared>> -> memref<80x128xf32, #tpu.memory_space<vmem_shared>>
        tpu.enqueue_dma source(%arg12 : memref<80x128xf32, #tpu.memory_space<vmem>>) target(%dma_start3A_116 : memref<80x128xf32, #tpu.memory_space<vmem_shared>>) target_semaphore(%run_scoped3A : memref<!tpu.dma_semaphore, #tpu.memory_space<semaphore_mem>>)
        %dma_wait3A = arith.constant 0 : i32
        %dma_wait3A_117 = tpu.memref_slice %arg16[%add3A_100, %dma_wait3A] : memref<10000x128xf32, #tpu.memory_space<vmem_shared>> -> memref<80x128xf32, #tpu.memory_space<vmem_shared>>
        %dma_wait3A_118 = arith.constant 0 : i32
        %dma_wait3A_119 = tpu.memref_slice %arg16[%add3A_100, %dma_wait3A_118] : memref<10000x128xf32, #tpu.memory_space<vmem_shared>> -> memref<80x128xf32, #tpu.memory_space<vmem_shared>>
        tpu.wait_dma2 semaphore(%run_scoped3A : memref<!tpu.dma_semaphore, #tpu.memory_space<semaphore_mem>>) src(%arg12 : memref<80x128xf32, #tpu.memory_space<vmem>>) dst(%dma_wait3A_119 : memref<80x128xf32, #tpu.memory_space<vmem_shared>>)
        tpu.yield
      }) : () -> ()
      %mul3A_101 = arith.constant 640 : i32
      %mul3A_102 = arith.muli %arg1, %mul3A_101 : i32
      %add3A_103 = arith.constant 160 : i32
      %add3A_104 = arith.addi %mul3A_102, %add3A_103 : i32
      "tpu.region"() ({
        %run_scoped3A = tpu.sem_alloc : memref<!tpu.dma_semaphore, #tpu.memory_space<semaphore_mem>>
        %dma_start3A_113 = arith.constant 0 : i32
        %dma_start3A_114 = tpu.memref_slice %arg16[%add3A_104, %dma_start3A_113] : memref<10000x128xf32, #tpu.memory_space<vmem_shared>> -> memref<80x128xf32, #tpu.memory_space<vmem_shared>>
        %dma_start3A_115 = arith.constant 0 : i32
        %dma_start3A_116 = tpu.memref_slice %arg16[%add3A_104, %dma_start3A_115] : memref<10000x128xf32, #tpu.memory_space<vmem_shared>> -> memref<80x128xf32, #tpu.memory_space<vmem_shared>>
        tpu.enqueue_dma source(%arg12 : memref<80x128xf32, #tpu.memory_space<vmem>>) target(%dma_start3A_116 : memref<80x128xf32, #tpu.memory_space<vmem_shared>>) target_semaphore(%run_scoped3A : memref<!tpu.dma_semaphore, #tpu.memory_space<semaphore_mem>>)
        %dma_wait3A = arith.constant 0 : i32
        %dma_wait3A_117 = tpu.memref_slice %arg16[%add3A_104, %dma_wait3A] : memref<10000x128xf32, #tpu.memory_space<vmem_shared>> -> memref<80x128xf32, #tpu.memory_space<vmem_shared>>
        %dma_wait3A_118 = arith.constant 0 : i32
        %dma_wait3A_119 = tpu.memref_slice %arg16[%add3A_104, %dma_wait3A_118] : memref<10000x128xf32, #tpu.memory_space<vmem_shared>> -> memref<80x128xf32, #tpu.memory_space<vmem_shared>>
        tpu.wait_dma2 semaphore(%run_scoped3A : memref<!tpu.dma_semaphore, #tpu.memory_space<semaphore_mem>>) src(%arg12 : memref<80x128xf32, #tpu.memory_space<vmem>>) dst(%dma_wait3A_119 : memref<80x128xf32, #tpu.memory_space<vmem_shared>>)
        tpu.yield
      }) : () -> ()
      %mul3A_105 = arith.constant 640 : i32
      %mul3A_106 = arith.muli %arg1, %mul3A_105 : i32
      %add3A_107 = arith.constant 240 : i32
      %add3A_108 = arith.addi %mul3A_106, %add3A_107 : i32
      "tpu.region"() ({
        %run_scoped3A = tpu.sem_alloc : memref<!tpu.dma_semaphore, #tpu.memory_space<semaphore_mem>>
        %dma_start3A_113 = arith.constant 0 : i32
        %dma_start3A_114 = tpu.memref_slice %arg16[%add3A_108, %dma_start3A_113] : memref<10000x128xf32, #tpu.memory_space<vmem_shared>> -> memref<80x128xf32, #tpu.memory_space<vmem_shared>>
        %dma_start3A_115 = arith.constant 0 : i32
        %dma_start3A_116 = tpu.memref_slice %arg16[%add3A_108, %dma_start3A_115] : memref<10000x128xf32, #tpu.memory_space<vmem_shared>> -> memref<80x128xf32, #tpu.memory_space<vmem_shared>>
        tpu.enqueue_dma source(%arg12 : memref<80x128xf32, #tpu.memory_space<vmem>>) target(%dma_start3A_116 : memref<80x128xf32, #tpu.memory_space<vmem_shared>>) target_semaphore(%run_scoped3A : memref<!tpu.dma_semaphore, #tpu.memory_space<semaphore_mem>>)
        %dma_wait3A = arith.constant 0 : i32
        %dma_wait3A_117 = tpu.memref_slice %arg16[%add3A_108, %dma_wait3A] : memref<10000x128xf32, #tpu.memory_space<vmem_shared>> -> memref<80x128xf32, #tpu.memory_space<vmem_shared>>
        %dma_wait3A_118 = arith.constant 0 : i32
        %dma_wait3A_119 = tpu.memref_slice %arg16[%add3A_108, %dma_wait3A_118] : memref<10000x128xf32, #tpu.memory_space<vmem_shared>> -> memref<80x128xf32, #tpu.memory_space<vmem_shared>>
        tpu.wait_dma2 semaphore(%run_scoped3A : memref<!tpu.dma_semaphore, #tpu.memory_space<semaphore_mem>>) src(%arg12 : memref<80x128xf32, #tpu.memory_space<vmem>>) dst(%dma_wait3A_119 : memref<80x128xf32, #tpu.memory_space<vmem_shared>>)
        tpu.yield
      }) : () -> ()
      %mul3A_109 = arith.constant 640 : i32
      %mul3A_110 = arith.muli %arg1, %mul3A_109 : i32
      %add3A_111 = arith.constant 320 : i32
      %add3A_112 = arith.addi %mul3A_110, %add3A_111 : i32
      "tpu.region"() ({
        %run_scoped3A = tpu.sem_alloc : memref<!tpu.dma_semaphore, #tpu.memory_space<semaphore_mem>>
        %dma_start3A_113 = arith.constant 0 : i32
        %dma_start3A_114 = tpu.memref_slice %arg16[%add3A_112, %dma_start3A_113] : memref<10000x128xf32, #tpu.memory_space<vmem_shared>> -> memref<80x128xf32, #tpu.memory_space<vmem_shared>>
        %dma_start3A_115 = arith.constant 0 : i32
        %dma_start3A_116 = tpu.memref_slice %arg16[%add3A_112, %dma_start3A_115] : memref<10000x128xf32, #tpu.memory_space<vmem_shared>> -> memref<80x128xf32, #tpu.memory_space<vmem_shared>>
        tpu.enqueue_dma source(%arg12 : memref<80x128xf32, #tpu.memory_space<vmem>>) target(%dma_start3A_116 : memref<80x128xf32, #tpu.memory_space<vmem_shared>>) target_semaphore(%run_scoped3A : memref<!tpu.dma_semaphore, #tpu.memory_space<semaphore_mem>>)
        %dma_wait3A = arith.constant 0 : i32
        %dma_wait3A_117 = tpu.memref_slice %arg16[%add3A_112, %dma_wait3A] : memref<10000x128xf32, #tpu.memory_space<vmem_shared>> -> memref<80x128xf32, #tpu.memory_space<vmem_shared>>
        %dma_wait3A_118 = arith.constant 0 : i32
        %dma_wait3A_119 = tpu.memref_slice %arg16[%add3A_112, %dma_wait3A_118] : memref<10000x128xf32, #tpu.memory_space<vmem_shared>> -> memref<80x128xf32, #tpu.memory_space<vmem_shared>>
        tpu.wait_dma2 semaphore(%run_scoped3A : memref<!tpu.dma_semaphore, #tpu.memory_space<semaphore_mem>>) src(%arg12 : memref<80x128xf32, #tpu.memory_space<vmem>>) dst(%dma_wait3A_119 : memref<80x128xf32, #tpu.memory_space<vmem_shared>>)
        tpu.yield
      }) : () -> ()
    } else {
    }
    %barrier3A = arith.constant 0 : index
    tpu.barrier barrier_id(%barrier3A)
    %mul3A_15 = arith.constant 10000 : i32
    %mul3A_16 = arith.muli %arg1, %mul3A_15 : i32
    %add3A = arith.constant 0 : i32
    %add3A_17 = arith.addi %mul3A_16, %add3A : i32
    %add3A_18 = arith.addi %mul3A_2, %add3A_17 : i32
    %dma_start3A = tpu.memref_slice %arg3[%add3A_18] : memref<320000xi32, #tpu.memory_space<hbm>> -> memref<80xi32, #tpu.memory_space<hbm>>
    %dma_start3A_19 = tpu.memref_slice %arg3[%add3A_18] : memref<320000xi32, #tpu.memory_space<hbm>> -> memref<80xi32, #tpu.memory_space<hbm>>
    tpu.enqueue_dma source(%dma_start3A_19 : memref<80xi32, #tpu.memory_space<hbm>>) target(%arg8 : memref<80xi32, #tpu.memory_space<vmem>>) target_semaphore(%arg17 : memref<!tpu.dma_semaphore, #tpu.memory_space<semaphore_mem>>)
    %dma_start3A_20 = tpu.memref_slice %arg4[%add3A_17] : memref<160000xi32, #tpu.memory_space<hbm>> -> memref<80xi32, #tpu.memory_space<hbm>>
    %dma_start3A_21 = tpu.memref_slice %arg4[%add3A_17] : memref<160000xi32, #tpu.memory_space<hbm>> -> memref<80xi32, #tpu.memory_space<hbm>>
    tpu.enqueue_dma source(%dma_start3A_21 : memref<80xi32, #tpu.memory_space<hbm>>) target(%arg10 : memref<80xi32, #tpu.memory_space<vmem>>) target_semaphore(%arg17 : memref<!tpu.dma_semaphore, #tpu.memory_space<semaphore_mem>>)
    %add3A_22 = arith.addi %mul3A_2, %add3A_17 : i32
    %dma_start3A_23 = arith.constant 0 : i32
    %dma_start3A_24 = tpu.memref_slice %arg5[%add3A_22, %dma_start3A_23] : memref<320000x128xf32, #tpu.memory_space<hbm>> -> memref<80x128xf32, #tpu.memory_space<hbm>>
    %dma_start3A_25 = arith.constant 0 : i32
    %dma_start3A_26 = tpu.memref_slice %arg5[%add3A_22, %dma_start3A_25] : memref<320000x128xf32, #tpu.memory_space<hbm>> -> memref<80x128xf32, #tpu.memory_space<hbm>>
    tpu.enqueue_dma source(%dma_start3A_26 : memref<80x128xf32, #tpu.memory_space<hbm>>) target(%arg14 : memref<80x128xf32, #tpu.memory_space<vmem>>) target_semaphore(%arg17 : memref<!tpu.dma_semaphore, #tpu.memory_space<semaphore_mem>>)
    %scan3A_27 = arith.constant 0 : i32
    %scan3A_28 = arith.constant 0 : i32
    %scan3A_29 = arith.constant 63 : i32
    %scan3A_30 = arith.addi %scan3A_28, %scan3A_29 : i32
    %scan3A_31 = arith.constant 1 : i32
    scf.for %scan3A_93 = %scan3A_28 to %scan3A_30 step %scan3A_31  : i32 {
      %mul3A_94 = arith.constant 2 : i32
      %mul3A_95 = arith.muli %mul3A_94, %scan3A_93 : i32
      %add3A_96 = arith.constant 0 : i32
      %add3A_97 = arith.addi %mul3A_95, %add3A_96 : i32
      %lt3A_98 = arith.constant 125 : i32
      %lt3A_99 = arith.cmpi slt, %add3A_97, %lt3A_98 : i32
      %convert_element_type3A_100 = arith.extui %lt3A_99 : i1 to i32
      %cond3A_101 = arith.constant 0 : i32
      %cond3A_102 = arith.cmpi ne, %convert_element_type3A_100, %cond3A_101 : i32
      scf.if %cond3A_102 {
        %dma_wait3A = arith.constant 0 : i32
        %dma_wait3A_131 = tpu.memref_slice %arg3[%dma_wait3A] : memref<320000xi32, #tpu.memory_space<hbm>> -> memref<80xi32, #tpu.memory_space<hbm>>
        %dma_wait3A_132 = arith.constant 0 : i32
        %dma_wait3A_133 = tpu.memref_slice %arg3[%dma_wait3A_132] : memref<320000xi32, #tpu.memory_space<hbm>> -> memref<80xi32, #tpu.memory_space<hbm>>
        tpu.wait_dma2 semaphore(%arg17 : memref<!tpu.dma_semaphore, #tpu.memory_space<semaphore_mem>>) src(%dma_wait3A_133 : memref<80xi32, #tpu.memory_space<hbm>>) dst(%arg8 : memref<80xi32, #tpu.memory_space<vmem>>)
        %dma_wait3A_134 = arith.constant 0 : i32
        %dma_wait3A_135 = tpu.memref_slice %arg4[%dma_wait3A_134] : memref<160000xi32, #tpu.memory_space<hbm>> -> memref<80xi32, #tpu.memory_space<hbm>>
        %dma_wait3A_136 = arith.constant 0 : i32
        %dma_wait3A_137 = tpu.memref_slice %arg4[%dma_wait3A_136] : memref<160000xi32, #tpu.memory_space<hbm>> -> memref<80xi32, #tpu.memory_space<hbm>>
        tpu.wait_dma2 semaphore(%arg17 : memref<!tpu.dma_semaphore, #tpu.memory_space<semaphore_mem>>) src(%dma_wait3A_137 : memref<80xi32, #tpu.memory_space<hbm>>) dst(%arg10 : memref<80xi32, #tpu.memory_space<vmem>>)
        %dma_wait3A_138 = arith.constant 0 : i32
        %dma_wait3A_139 = arith.constant 0 : i32
        %dma_wait3A_140 = tpu.memref_slice %arg5[%dma_wait3A_138, %dma_wait3A_139] : memref<320000x128xf32, #tpu.memory_space<hbm>> -> memref<80x128xf32, #tpu.memory_space<hbm>>
        %dma_wait3A_141 = arith.constant 0 : i32
        %dma_wait3A_142 = arith.constant 0 : i32
        %dma_wait3A_143 = tpu.memref_slice %arg5[%dma_wait3A_141, %dma_wait3A_142] : memref<320000x128xf32, #tpu.memory_space<hbm>> -> memref<80x128xf32, #tpu.memory_space<hbm>>
        tpu.wait_dma2 semaphore(%arg17 : memref<!tpu.dma_semaphore, #tpu.memory_space<semaphore_mem>>) src(%dma_wait3A_143 : memref<80x128xf32, #tpu.memory_space<hbm>>) dst(%arg14 : memref<80x128xf32, #tpu.memory_space<vmem>>)
        %dma_start3A_144 = arith.constant 0 : i32
        %dma_start3A_145 = arith.constant 0 : i32
        %dma_start3A_146 = tpu.memref_slice %arg2[%dma_start3A_144, %dma_start3A_145] : memref<20000x128xf32, #tpu.memory_space<hbm>> -> memref<20000x128xf32, #tpu.memory_space<hbm>>
        tpu.enqueue_indirect_dma source(%dma_start3A_146 : memref<20000x128xf32, #tpu.memory_space<hbm>>) target(%arg12 : memref<80x128xf32, #tpu.memory_space<vmem>>) offsets(%arg8 : memref<80xi32, #tpu.memory_space<vmem>>) semaphore(%arg19 : memref<!tpu.dma_semaphore, #tpu.memory_space<semaphore_mem>>)
      } else {
      }
      %ge3A = arith.constant 1 : i32
      %ge3A_103 = arith.cmpi sge, %add3A_97, %ge3A : i32
      %convert_element_type3A_104 = arith.extui %ge3A_103 : i1 to i32
      %cond3A_105 = arith.constant 0 : i32
      %cond3A_106 = arith.cmpi ne, %convert_element_type3A_104, %cond3A_105 : i32
      scf.if %cond3A_106 {
        %dma_wait3A = arith.constant 0 : i32
        %dma_wait3A_131 = arith.constant 0 : i32
        %dma_wait3A_132 = tpu.memref_slice %arg2[%dma_wait3A, %dma_wait3A_131] : memref<20000x128xf32, #tpu.memory_space<hbm>> -> memref<80x128xf32, #tpu.memory_space<hbm>>
        %dma_wait3A_133 = arith.constant 0 : i32
        %dma_wait3A_134 = arith.constant 0 : i32
        %dma_wait3A_135 = tpu.memref_slice %arg2[%dma_wait3A_133, %dma_wait3A_134] : memref<20000x128xf32, #tpu.memory_space<hbm>> -> memref<80x128xf32, #tpu.memory_space<hbm>>
        tpu.wait_dma2 semaphore(%arg20 : memref<!tpu.dma_semaphore, #tpu.memory_space<semaphore_mem>>) src(%dma_wait3A_135 : memref<80x128xf32, #tpu.memory_space<hbm>>) dst(%arg13 : memref<80x128xf32, #tpu.memory_space<vmem>>)
        %scan3A_136 = arith.constant 0 : i32
        %scan3A_137 = arith.constant 0 : i32
        %scan3A_138 = arith.constant 80 : i32
        %scan3A_139 = arith.addi %scan3A_137, %scan3A_138 : i32
        %scan3A_140 = arith.constant 1 : i32
        scf.for %scan3A_142 = %scan3A_137 to %scan3A_139 step %scan3A_140  : i32 {
          %get3A = arith.index_cast %scan3A_142 : i32 to index
          %get3A_143 = arith.constant 0 : index
          %get3A_144 = tpu.vector_load %arg13[%get3A, %get3A_143] {strides = array<i32>} : memref<80x128xf32, #tpu.memory_space<vmem>>, vector<1x16xf32>,
          %get3A_145 = vector.shape_cast %get3A_144 : vector<1x16xf32> to vector<16xf32>
          %get3A_146 = arith.index_cast %scan3A_142 : i32 to index
          %get3A_147 = arith.constant 0 : index
          %get3A_148 = tpu.vector_load %arg15[%get3A_146, %get3A_147] {strides = array<i32>} : memref<80x128xf32, #tpu.memory_space<vmem>>, vector<1x16xf32>,
          %get3A_149 = vector.shape_cast %get3A_148 : vector<1x16xf32> to vector<16xf32>
          %mul3A_150 = arith.mulf %get3A_145, %get3A_149 : vector<16xf32>
          %swap3A = arith.index_cast %scan3A_142 : i32 to index
          %swap3A_151 = arith.constant 0 : index
          %swap3A_152 = tpu.vector_load %arg13[%swap3A, %swap3A_151] {strides = array<i32>} : memref<80x128xf32, #tpu.memory_space<vmem>>, vector<1x16xf32>,
          %swap3A_153 = vector.shape_cast %swap3A_152 : vector<1x16xf32> to vector<16xf32>
          %swap3A_154 = vector.shape_cast %mul3A_150 : vector<16xf32> to vector<1x16xf32>
          tpu.vector_store %arg13[%swap3A, %swap3A_151], %swap3A_154 {strides = array<i32>} : memref<80x128xf32, #tpu.memory_space<vmem>>, vector<1x16xf32>,
          %get3A_155 = arith.index_cast %scan3A_142 : i32 to index
          %get3A_156 = arith.constant 16 : index
          %get3A_157 = tpu.vector_load %arg13[%get3A_155, %get3A_156] {strides = array<i32>} : memref<80x128xf32, #tpu.memory_space<vmem>>, vector<1x16xf32>,
          %get3A_158 = vector.shape_cast %get3A_157 : vector<1x16xf32> to vector<16xf32>
          %get3A_159 = arith.index_cast %scan3A_142 : i32 to index
          %get3A_160 = arith.constant 16 : index
          %get3A_161 = tpu.vector_load %arg15[%get3A_159, %get3A_160] {strides = array<i32>} : memref<80x128xf32, #tpu.memory_space<vmem>>, vector<1x16xf32>,
          %get3A_162 = vector.shape_cast %get3A_161 : vector<1x16xf32> to vector<16xf32>
          %mul3A_163 = arith.mulf %get3A_158, %get3A_162 : vector<16xf32>
          %swap3A_164 = arith.index_cast %scan3A_142 : i32 to index
          %swap3A_165 = arith.constant 16 : index
          %swap3A_166 = tpu.vector_load %arg13[%swap3A_164, %swap3A_165] {strides = array<i32>} : memref<80x128xf32, #tpu.memory_space<vmem>>, vector<1x16xf32>,
          %swap3A_167 = vector.shape_cast %swap3A_166 : vector<1x16xf32> to vector<16xf32>
          %swap3A_168 = vector.shape_cast %mul3A_163 : vector<16xf32> to vector<1x16xf32>
          tpu.vector_store %arg13[%swap3A_164, %swap3A_165], %swap3A_168 {strides = array<i32>} : memref<80x128xf32, #tpu.memory_space<vmem>>, vector<1x16xf32>,
          %get3A_169 = arith.index_cast %scan3A_142 : i32 to index
          %get3A_170 = arith.constant 32 : index
          %get3A_171 = tpu.vector_load %arg13[%get3A_169, %get3A_170] {strides = array<i32>} : memref<80x128xf32, #tpu.memory_space<vmem>>, vector<1x16xf32>,
          %get3A_172 = vector.shape_cast %get3A_171 : vector<1x16xf32> to vector<16xf32>
          %get3A_173 = arith.index_cast %scan3A_142 : i32 to index
          %get3A_174 = arith.constant 32 : index
          %get3A_175 = tpu.vector_load %arg15[%get3A_173, %get3A_174] {strides = array<i32>} : memref<80x128xf32, #tpu.memory_space<vmem>>, vector<1x16xf32>,
          %get3A_176 = vector.shape_cast %get3A_175 : vector<1x16xf32> to vector<16xf32>
          %mul3A_177 = arith.mulf %get3A_172, %get3A_176 : vector<16xf32>
          %swap3A_178 = arith.index_cast %scan3A_142 : i32 to index
          %swap3A_179 = arith.constant 32 : index
          %swap3A_180 = tpu.vector_load %arg13[%swap3A_178, %swap3A_179] {strides = array<i32>} : memref<80x128xf32, #tpu.memory_space<vmem>>, vector<1x16xf32>,
          %swap3A_181 = vector.shape_cast %swap3A_180 : vector<1x16xf32> to vector<16xf32>
          %swap3A_182 = vector.shape_cast %mul3A_177 : vector<16xf32> to vector<1x16xf32>
          tpu.vector_store %arg13[%swap3A_178, %swap3A_179], %swap3A_182 {strides = array<i32>} : memref<80x128xf32, #tpu.memory_space<vmem>>, vector<1x16xf32>,
          %get3A_183 = arith.index_cast %scan3A_142 : i32 to index
          %get3A_184 = arith.constant 48 : index
          %get3A_185 = tpu.vector_load %arg13[%get3A_183, %get3A_184] {strides = array<i32>} : memref<80x128xf32, #tpu.memory_space<vmem>>, vector<1x16xf32>,
          %get3A_186 = vector.shape_cast %get3A_185 : vector<1x16xf32> to vector<16xf32>
          %get3A_187 = arith.index_cast %scan3A_142 : i32 to index
          %get3A_188 = arith.constant 48 : index
          %get3A_189 = tpu.vector_load %arg15[%get3A_187, %get3A_188] {strides = array<i32>} : memref<80x128xf32, #tpu.memory_space<vmem>>, vector<1x16xf32>,
          %get3A_190 = vector.shape_cast %get3A_189 : vector<1x16xf32> to vector<16xf32>
          %mul3A_191 = arith.mulf %get3A_186, %get3A_190 : vector<16xf32>
          %swap3A_192 = arith.index_cast %scan3A_142 : i32 to index
          %swap3A_193 = arith.constant 48 : index
          %swap3A_194 = tpu.vector_load %arg13[%swap3A_192, %swap3A_193] {strides = array<i32>} : memref<80x128xf32, #tpu.memory_space<vmem>>, vector<1x16xf32>,
          %swap3A_195 = vector.shape_cast %swap3A_194 : vector<1x16xf32> to vector<16xf32>
          %swap3A_196 = vector.shape_cast %mul3A_191 : vector<16xf32> to vector<1x16xf32>
          tpu.vector_store %arg13[%swap3A_192, %swap3A_193], %swap3A_196 {strides = array<i32>} : memref<80x128xf32, #tpu.memory_space<vmem>>, vector<1x16xf32>,
          %get3A_197 = arith.index_cast %scan3A_142 : i32 to index
          %get3A_198 = arith.constant 64 : index
          %get3A_199 = tpu.vector_load %arg13[%get3A_197, %get3A_198] {strides = array<i32>} : memref<80x128xf32, #tpu.memory_space<vmem>>, vector<1x16xf32>,
          %get3A_200 = vector.shape_cast %get3A_199 : vector<1x16xf32> to vector<16xf32>
          %get3A_201 = arith.index_cast %scan3A_142 : i32 to index
          %get3A_202 = arith.constant 64 : index
          %get3A_203 = tpu.vector_load %arg15[%get3A_201, %get3A_202] {strides = array<i32>} : memref<80x128xf32, #tpu.memory_space<vmem>>, vector<1x16xf32>,
          %get3A_204 = vector.shape_cast %get3A_203 : vector<1x16xf32> to vector<16xf32>
          %mul3A_205 = arith.mulf %get3A_200, %get3A_204 : vector<16xf32>
          %swap3A_206 = arith.index_cast %scan3A_142 : i32 to index
          %swap3A_207 = arith.constant 64 : index
          %swap3A_208 = tpu.vector_load %arg13[%swap3A_206, %swap3A_207] {strides = array<i32>} : memref<80x128xf32, #tpu.memory_space<vmem>>, vector<1x16xf32>,
          %swap3A_209 = vector.shape_cast %swap3A_208 : vector<1x16xf32> to vector<16xf32>
          %swap3A_210 = vector.shape_cast %mul3A_205 : vector<16xf32> to vector<1x16xf32>
          tpu.vector_store %arg13[%swap3A_206, %swap3A_207], %swap3A_210 {strides = array<i32>} : memref<80x128xf32, #tpu.memory_space<vmem>>, vector<1x16xf32>,
          %get3A_211 = arith.index_cast %scan3A_142 : i32 to index
          %get3A_212 = arith.constant 80 : index
          %get3A_213 = tpu.vector_load %arg13[%get3A_211, %get3A_212] {strides = array<i32>} : memref<80x128xf32, #tpu.memory_space<vmem>>, vector<1x16xf32>,
          %get3A_214 = vector.shape_cast %get3A_213 : vector<1x16xf32> to vector<16xf32>
          %get3A_215 = arith.index_cast %scan3A_142 : i32 to index
          %get3A_216 = arith.constant 80 : index
          %get3A_217 = tpu.vector_load %arg15[%get3A_215, %get3A_216] {strides = array<i32>} : memref<80x128xf32, #tpu.memory_space<vmem>>, vector<1x16xf32>,
          %get3A_218 = vector.shape_cast %get3A_217 : vector<1x16xf32> to vector<16xf32>
          %mul3A_219 = arith.mulf %get3A_214, %get3A_218 : vector<16xf32>
          %swap3A_220 = arith.index_cast %scan3A_142 : i32 to index
          %swap3A_221 = arith.constant 80 : index
          %swap3A_222 = tpu.vector_load %arg13[%swap3A_220, %swap3A_221] {strides = array<i32>} : memref<80x128xf32, #tpu.memory_space<vmem>>, vector<1x16xf32>,
          %swap3A_223 = vector.shape_cast %swap3A_222 : vector<1x16xf32> to vector<16xf32>
          %swap3A_224 = vector.shape_cast %mul3A_219 : vector<16xf32> to vector<1x16xf32>
          tpu.vector_store %arg13[%swap3A_220, %swap3A_221], %swap3A_224 {strides = array<i32>} : memref<80x128xf32, #tpu.memory_space<vmem>>, vector<1x16xf32>,
          %get3A_225 = arith.index_cast %scan3A_142 : i32 to index
          %get3A_226 = arith.constant 96 : index
          %get3A_227 = tpu.vector_load %arg13[%get3A_225, %get3A_226] {strides = array<i32>} : memref<80x128xf32, #tpu.memory_space<vmem>>, vector<1x16xf32>,
          %get3A_228 = vector.shape_cast %get3A_227 : vector<1x16xf32> to vector<16xf32>
          %get3A_229 = arith.index_cast %scan3A_142 : i32 to index
          %get3A_230 = arith.constant 96 : index
          %get3A_231 = tpu.vector_load %arg15[%get3A_229, %get3A_230] {strides = array<i32>} : memref<80x128xf32, #tpu.memory_space<vmem>>, vector<1x16xf32>,
          %get3A_232 = vector.shape_cast %get3A_231 : vector<1x16xf32> to vector<16xf32>
          %mul3A_233 = arith.mulf %get3A_228, %get3A_232 : vector<16xf32>
          %swap3A_234 = arith.index_cast %scan3A_142 : i32 to index
          %swap3A_235 = arith.constant 96 : index
          %swap3A_236 = tpu.vector_load %arg13[%swap3A_234, %swap3A_235] {strides = array<i32>} : memref<80x128xf32, #tpu.memory_space<vmem>>, vector<1x16xf32>,
          %swap3A_237 = vector.shape_cast %swap3A_236 : vector<1x16xf32> to vector<16xf32>
          %swap3A_238 = vector.shape_cast %mul3A_233 : vector<16xf32> to vector<1x16xf32>
          tpu.vector_store %arg13[%swap3A_234, %swap3A_235], %swap3A_238 {strides = array<i32>} : memref<80x128xf32, #tpu.memory_space<vmem>>, vector<1x16xf32>,
          %get3A_239 = arith.index_cast %scan3A_142 : i32 to index
          %get3A_240 = arith.constant 112 : index
          %get3A_241 = tpu.vector_load %arg13[%get3A_239, %get3A_240] {strides = array<i32>} : memref<80x128xf32, #tpu.memory_space<vmem>>, vector<1x16xf32>,
          %get3A_242 = vector.shape_cast %get3A_241 : vector<1x16xf32> to vector<16xf32>
          %get3A_243 = arith.index_cast %scan3A_142 : i32 to index
          %get3A_244 = arith.constant 112 : index
          %get3A_245 = tpu.vector_load %arg15[%get3A_243, %get3A_244] {strides = array<i32>} : memref<80x128xf32, #tpu.memory_space<vmem>>, vector<1x16xf32>,
          %get3A_246 = vector.shape_cast %get3A_245 : vector<1x16xf32> to vector<16xf32>
          %mul3A_247 = arith.mulf %get3A_242, %get3A_246 : vector<16xf32>
          %swap3A_248 = arith.index_cast %scan3A_142 : i32 to index
          %swap3A_249 = arith.constant 112 : index
          %swap3A_250 = tpu.vector_load %arg13[%swap3A_248, %swap3A_249] {strides = array<i32>} : memref<80x128xf32, #tpu.memory_space<vmem>>, vector<1x16xf32>,
          %swap3A_251 = vector.shape_cast %swap3A_250 : vector<1x16xf32> to vector<16xf32>
          %swap3A_252 = vector.shape_cast %mul3A_247 : vector<16xf32> to vector<1x16xf32>
          tpu.vector_store %arg13[%swap3A_248, %swap3A_249], %swap3A_252 {strides = array<i32>} : memref<80x128xf32, #tpu.memory_space<vmem>>, vector<1x16xf32>,
        }
        %scan3A_141 = arith.constant 80 : i32
        "tpu.region"() ({
          %run_scoped3A = tpu.sem_alloc : memref<!tpu.dma_semaphore, #tpu.memory_space<semaphore_mem>>
          %dma_start3A_142 = arith.constant 0 : i32
          %dma_start3A_143 = arith.constant 0 : i32
          %dma_start3A_144 = tpu.memref_slice %arg16[%dma_start3A_142, %dma_start3A_143] : memref<10000x128xf32, #tpu.memory_space<vmem_shared>> -> memref<10000x128xf32, #tpu.memory_space<vmem_shared>>
          tpu.enqueue_indirect_dma source(%arg13 : memref<80x128xf32, #tpu.memory_space<vmem>>) target(%dma_start3A_144 : memref<10000x128xf32, #tpu.memory_space<vmem_shared>>) offsets(%arg11 : memref<80xi32, #tpu.memory_space<vmem>>) semaphore(%run_scoped3A : memref<!tpu.dma_semaphore, #tpu.memory_space<semaphore_mem>>) {add = true}
          %dma_wait3A_145 = arith.constant 0 : i32
          %dma_wait3A_146 = arith.constant 0 : i32
          %dma_wait3A_147 = tpu.memref_slice %arg16[%dma_wait3A_145, %dma_wait3A_146] : memref<10000x128xf32, #tpu.memory_space<vmem_shared>> -> memref<10000x128xf32, #tpu.memory_space<vmem_shared>>
          tpu.wait_indirect_dma semaphore(%run_scoped3A : memref<!tpu.dma_semaphore, #tpu.memory_space<semaphore_mem>>) src(%arg13 : memref<80x128xf32, #tpu.memory_space<vmem>>) dst(%dma_wait3A_147 : memref<10000x128xf32, #tpu.memory_space<vmem_shared>>)
          tpu.yield
        }) : () -> ()
      } else {
      }
      %lt3A_107 = arith.constant 124 : i32
      %lt3A_108 = arith.cmpi slt, %add3A_97, %lt3A_107 : i32
      %convert_element_type3A_109 = arith.extui %lt3A_108 : i1 to i32
      %cond3A_110 = arith.constant 0 : i32
      %cond3A_111 = arith.cmpi ne, %convert_element_type3A_109, %cond3A_110 : i32
      scf.if %cond3A_111 {
        %add3A_131 = arith.constant 1 : i32
        %add3A_132 = arith.addi %add3A_97, %add3A_131 : i32
        %mul3A_133 = arith.constant 10000 : i32
        %mul3A_134 = arith.muli %arg1, %mul3A_133 : i32
        %mul3A_135 = arith.constant 80 : i32
        %mul3A_136 = arith.muli %add3A_132, %mul3A_135 : i32
        %add3A_137 = arith.addi %mul3A_134, %mul3A_136 : i32
        %add3A_138 = arith.addi %mul3A_2, %add3A_137 : i32
        %dma_start3A_139 = tpu.memref_slice %arg3[%add3A_138] : memref<320000xi32, #tpu.memory_space<hbm>> -> memref<80xi32, #tpu.memory_space<hbm>>
        %dma_start3A_140 = tpu.memref_slice %arg3[%add3A_138] : memref<320000xi32, #tpu.memory_space<hbm>> -> memref<80xi32, #tpu.memory_space<hbm>>
        tpu.enqueue_dma source(%dma_start3A_140 : memref<80xi32, #tpu.memory_space<hbm>>) target(%arg9 : memref<80xi32, #tpu.memory_space<vmem>>) target_semaphore(%arg18 : memref<!tpu.dma_semaphore, #tpu.memory_space<semaphore_mem>>)
        %dma_start3A_141 = tpu.memref_slice %arg4[%add3A_137] : memref<160000xi32, #tpu.memory_space<hbm>> -> memref<80xi32, #tpu.memory_space<hbm>>
        %dma_start3A_142 = tpu.memref_slice %arg4[%add3A_137] : memref<160000xi32, #tpu.memory_space<hbm>> -> memref<80xi32, #tpu.memory_space<hbm>>
        tpu.enqueue_dma source(%dma_start3A_142 : memref<80xi32, #tpu.memory_space<hbm>>) target(%arg11 : memref<80xi32, #tpu.memory_space<vmem>>) target_semaphore(%arg18 : memref<!tpu.dma_semaphore, #tpu.memory_space<semaphore_mem>>)
        %add3A_143 = arith.addi %mul3A_2, %add3A_137 : i32
        %dma_start3A_144 = arith.constant 0 : i32
        %dma_start3A_145 = tpu.memref_slice %arg5[%add3A_143, %dma_start3A_144] : memref<320000x128xf32, #tpu.memory_space<hbm>> -> memref<80x128xf32, #tpu.memory_space<hbm>>
        %dma_start3A_146 = arith.constant 0 : i32
        %dma_start3A_147 = tpu.memref_slice %arg5[%add3A_143, %dma_start3A_146] : memref<320000x128xf32, #tpu.memory_space<hbm>> -> memref<80x128xf32, #tpu.memory_space<hbm>>
        tpu.enqueue_dma source(%dma_start3A_147 : memref<80x128xf32, #tpu.memory_space<hbm>>) target(%arg15 : memref<80x128xf32, #tpu.memory_space<vmem>>) target_semaphore(%arg18 : memref<!tpu.dma_semaphore, #tpu.memory_space<semaphore_mem>>)
      } else {
      }
      %mul3A_112 = arith.constant 2 : i32
      %mul3A_113 = arith.muli %mul3A_112, %scan3A_93 : i32
      %add3A_114 = arith.constant 1 : i32
      %add3A_115 = arith.addi %mul3A_113, %add3A_114 : i32
      %lt3A_116 = arith.constant 125 : i32
      %lt3A_117 = arith.cmpi slt, %add3A_115, %lt3A_116 : i32
      %convert_element_type3A_118 = arith.extui %lt3A_117 : i1 to i32
      %cond3A_119 = arith.constant 0 : i32
      %cond3A_120 = arith.cmpi ne, %convert_element_type3A_118, %cond3A_119 : i32
      scf.if %cond3A_120 {
        %dma_wait3A = arith.constant 0 : i32
        %dma_wait3A_131 = tpu.memref_slice %arg3[%dma_wait3A] : memref<320000xi32, #tpu.memory_space<hbm>> -> memref<80xi32, #tpu.memory_space<hbm>>
        %dma_wait3A_132 = arith.constant 0 : i32
        %dma_wait3A_133 = tpu.memref_slice %arg3[%dma_wait3A_132] : memref<320000xi32, #tpu.memory_space<hbm>> -> memref<80xi32, #tpu.memory_space<hbm>>
        tpu.wait_dma2 semaphore(%arg18 : memref<!tpu.dma_semaphore, #tpu.memory_space<semaphore_mem>>) src(%dma_wait3A_133 : memref<80xi32, #tpu.memory_space<hbm>>) dst(%arg9 : memref<80xi32, #tpu.memory_space<vmem>>)
        %dma_wait3A_134 = arith.constant 0 : i32
        %dma_wait3A_135 = tpu.memref_slice %arg4[%dma_wait3A_134] : memref<160000xi32, #tpu.memory_space<hbm>> -> memref<80xi32, #tpu.memory_space<hbm>>
        %dma_wait3A_136 = arith.constant 0 : i32
        %dma_wait3A_137 = tpu.memref_slice %arg4[%dma_wait3A_136] : memref<160000xi32, #tpu.memory_space<hbm>> -> memref<80xi32, #tpu.memory_space<hbm>>
        tpu.wait_dma2 semaphore(%arg18 : memref<!tpu.dma_semaphore, #tpu.memory_space<semaphore_mem>>) src(%dma_wait3A_137 : memref<80xi32, #tpu.memory_space<hbm>>) dst(%arg11 : memref<80xi32, #tpu.memory_space<vmem>>)
        %dma_wait3A_138 = arith.constant 0 : i32
        %dma_wait3A_139 = arith.constant 0 : i32
        %dma_wait3A_140 = tpu.memref_slice %arg5[%dma_wait3A_138, %dma_wait3A_139] : memref<320000x128xf32, #tpu.memory_space<hbm>> -> memref<80x128xf32, #tpu.memory_space<hbm>>
        %dma_wait3A_141 = arith.constant 0 : i32
        %dma_wait3A_142 = arith.constant 0 : i32
        %dma_wait3A_143 = tpu.memref_slice %arg5[%dma_wait3A_141, %dma_wait3A_142] : memref<320000x128xf32, #tpu.memory_space<hbm>> -> memref<80x128xf32, #tpu.memory_space<hbm>>
        tpu.wait_dma2 semaphore(%arg18 : memref<!tpu.dma_semaphore, #tpu.memory_space<semaphore_mem>>) src(%dma_wait3A_143 : memref<80x128xf32, #tpu.memory_space<hbm>>) dst(%arg15 : memref<80x128xf32, #tpu.memory_space<vmem>>)
        %dma_start3A_144 = arith.constant 0 : i32
        %dma_start3A_145 = arith.constant 0 : i32
        %dma_start3A_146 = tpu.memref_slice %arg2[%dma_start3A_144, %dma_start3A_145] : memref<20000x128xf32, #tpu.memory_space<hbm>> -> memref<20000x128xf32, #tpu.memory_space<hbm>>
        tpu.enqueue_indirect_dma source(%dma_start3A_146 : memref<20000x128xf32, #tpu.memory_space<hbm>>) target(%arg13 : memref<80x128xf32, #tpu.memory_space<vmem>>) offsets(%arg9 : memref<80xi32, #tpu.memory_space<vmem>>) semaphore(%arg20 : memref<!tpu.dma_semaphore, #tpu.memory_space<semaphore_mem>>)
      } else {
      }
      %ge3A_121 = arith.constant 1 : i32
      %ge3A_122 = arith.cmpi sge, %add3A_115, %ge3A_121 : i32
      %convert_element_type3A_123 = arith.extui %ge3A_122 : i1 to i32
      %cond3A_124 = arith.constant 0 : i32
      %cond3A_125 = arith.cmpi ne, %convert_element_type3A_123, %cond3A_124 : i32
      scf.if %cond3A_125 {
        %dma_wait3A = arith.constant 0 : i32
        %dma_wait3A_131 = arith.constant 0 : i32
        %dma_wait3A_132 = tpu.memref_slice %arg2[%dma_wait3A, %dma_wait3A_131] : memref<20000x128xf32, #tpu.memory_space<hbm>> -> memref<80x128xf32, #tpu.memory_space<hbm>>
        %dma_wait3A_133 = arith.constant 0 : i32
        %dma_wait3A_134 = arith.constant 0 : i32
        %dma_wait3A_135 = tpu.memref_slice %arg2[%dma_wait3A_133, %dma_wait3A_134] : memref<20000x128xf32, #tpu.memory_space<hbm>> -> memref<80x128xf32, #tpu.memory_space<hbm>>
        tpu.wait_dma2 semaphore(%arg19 : memref<!tpu.dma_semaphore, #tpu.memory_space<semaphore_mem>>) src(%dma_wait3A_135 : memref<80x128xf32, #tpu.memory_space<hbm>>) dst(%arg12 : memref<80x128xf32, #tpu.memory_space<vmem>>)
        %scan3A_136 = arith.constant 0 : i32
        %scan3A_137 = arith.constant 0 : i32
        %scan3A_138 = arith.constant 80 : i32
        %scan3A_139 = arith.addi %scan3A_137, %scan3A_138 : i32
        %scan3A_140 = arith.constant 1 : i32
        scf.for %scan3A_142 = %scan3A_137 to %scan3A_139 step %scan3A_140  : i32 {
          %get3A = arith.index_cast %scan3A_142 : i32 to index
          %get3A_143 = arith.constant 0 : index
          %get3A_144 = tpu.vector_load %arg12[%get3A, %get3A_143] {strides = array<i32>} : memref<80x128xf32, #tpu.memory_space<vmem>>, vector<1x16xf32>,
          %get3A_145 = vector.shape_cast %get3A_144 : vector<1x16xf32> to vector<16xf32>
          %get3A_146 = arith.index_cast %scan3A_142 : i32 to index
          %get3A_147 = arith.constant 0 : index
          %get3A_148 = tpu.vector_load %arg14[%get3A_146, %get3A_147] {strides = array<i32>} : memref<80x128xf32, #tpu.memory_space<vmem>>, vector<1x16xf32>,
          %get3A_149 = vector.shape_cast %get3A_148 : vector<1x16xf32> to vector<16xf32>
          %mul3A_150 = arith.mulf %get3A_145, %get3A_149 : vector<16xf32>
          %swap3A = arith.index_cast %scan3A_142 : i32 to index
          %swap3A_151 = arith.constant 0 : index
          %swap3A_152 = tpu.vector_load %arg12[%swap3A, %swap3A_151] {strides = array<i32>} : memref<80x128xf32, #tpu.memory_space<vmem>>, vector<1x16xf32>,
          %swap3A_153 = vector.shape_cast %swap3A_152 : vector<1x16xf32> to vector<16xf32>
          %swap3A_154 = vector.shape_cast %mul3A_150 : vector<16xf32> to vector<1x16xf32>
          tpu.vector_store %arg12[%swap3A, %swap3A_151], %swap3A_154 {strides = array<i32>} : memref<80x128xf32, #tpu.memory_space<vmem>>, vector<1x16xf32>,
          %get3A_155 = arith.index_cast %scan3A_142 : i32 to index
          %get3A_156 = arith.constant 16 : index
          %get3A_157 = tpu.vector_load %arg12[%get3A_155, %get3A_156] {strides = array<i32>} : memref<80x128xf32, #tpu.memory_space<vmem>>, vector<1x16xf32>,
          %get3A_158 = vector.shape_cast %get3A_157 : vector<1x16xf32> to vector<16xf32>
          %get3A_159 = arith.index_cast %scan3A_142 : i32 to index
          %get3A_160 = arith.constant 16 : index
          %get3A_161 = tpu.vector_load %arg14[%get3A_159, %get3A_160] {strides = array<i32>} : memref<80x128xf32, #tpu.memory_space<vmem>>, vector<1x16xf32>,
          %get3A_162 = vector.shape_cast %get3A_161 : vector<1x16xf32> to vector<16xf32>
          %mul3A_163 = arith.mulf %get3A_158, %get3A_162 : vector<16xf32>
          %swap3A_164 = arith.index_cast %scan3A_142 : i32 to index
          %swap3A_165 = arith.constant 16 : index
          %swap3A_166 = tpu.vector_load %arg12[%swap3A_164, %swap3A_165] {strides = array<i32>} : memref<80x128xf32, #tpu.memory_space<vmem>>, vector<1x16xf32>,
          %swap3A_167 = vector.shape_cast %swap3A_166 : vector<1x16xf32> to vector<16xf32>
          %swap3A_168 = vector.shape_cast %mul3A_163 : vector<16xf32> to vector<1x16xf32>
          tpu.vector_store %arg12[%swap3A_164, %swap3A_165], %swap3A_168 {strides = array<i32>} : memref<80x128xf32, #tpu.memory_space<vmem>>, vector<1x16xf32>,
          %get3A_169 = arith.index_cast %scan3A_142 : i32 to index
          %get3A_170 = arith.constant 32 : index
          %get3A_171 = tpu.vector_load %arg12[%get3A_169, %get3A_170] {strides = array<i32>} : memref<80x128xf32, #tpu.memory_space<vmem>>, vector<1x16xf32>,
          %get3A_172 = vector.shape_cast %get3A_171 : vector<1x16xf32> to vector<16xf32>
          %get3A_173 = arith.index_cast %scan3A_142 : i32 to index
          %get3A_174 = arith.constant 32 : index
          %get3A_175 = tpu.vector_load %arg14[%get3A_173, %get3A_174] {strides = array<i32>} : memref<80x128xf32, #tpu.memory_space<vmem>>, vector<1x16xf32>,
          %get3A_176 = vector.shape_cast %get3A_175 : vector<1x16xf32> to vector<16xf32>
          %mul3A_177 = arith.mulf %get3A_172, %get3A_176 : vector<16xf32>
          %swap3A_178 = arith.index_cast %scan3A_142 : i32 to index
          %swap3A_179 = arith.constant 32 : index
          %swap3A_180 = tpu.vector_load %arg12[%swap3A_178, %swap3A_179] {strides = array<i32>} : memref<80x128xf32, #tpu.memory_space<vmem>>, vector<1x16xf32>,
          %swap3A_181 = vector.shape_cast %swap3A_180 : vector<1x16xf32> to vector<16xf32>
          %swap3A_182 = vector.shape_cast %mul3A_177 : vector<16xf32> to vector<1x16xf32>
          tpu.vector_store %arg12[%swap3A_178, %swap3A_179], %swap3A_182 {strides = array<i32>} : memref<80x128xf32, #tpu.memory_space<vmem>>, vector<1x16xf32>,
          %get3A_183 = arith.index_cast %scan3A_142 : i32 to index
          %get3A_184 = arith.constant 48 : index
          %get3A_185 = tpu.vector_load %arg12[%get3A_183, %get3A_184] {strides = array<i32>} : memref<80x128xf32, #tpu.memory_space<vmem>>, vector<1x16xf32>,
          %get3A_186 = vector.shape_cast %get3A_185 : vector<1x16xf32> to vector<16xf32>
          %get3A_187 = arith.index_cast %scan3A_142 : i32 to index
          %get3A_188 = arith.constant 48 : index
          %get3A_189 = tpu.vector_load %arg14[%get3A_187, %get3A_188] {strides = array<i32>} : memref<80x128xf32, #tpu.memory_space<vmem>>, vector<1x16xf32>,
          %get3A_190 = vector.shape_cast %get3A_189 : vector<1x16xf32> to vector<16xf32>
          %mul3A_191 = arith.mulf %get3A_186, %get3A_190 : vector<16xf32>
          %swap3A_192 = arith.index_cast %scan3A_142 : i32 to index
          %swap3A_193 = arith.constant 48 : index
          %swap3A_194 = tpu.vector_load %arg12[%swap3A_192, %swap3A_193] {strides = array<i32>} : memref<80x128xf32, #tpu.memory_space<vmem>>, vector<1x16xf32>,
          %swap3A_195 = vector.shape_cast %swap3A_194 : vector<1x16xf32> to vector<16xf32>
          %swap3A_196 = vector.shape_cast %mul3A_191 : vector<16xf32> to vector<1x16xf32>
          tpu.vector_store %arg12[%swap3A_192, %swap3A_193], %swap3A_196 {strides = array<i32>} : memref<80x128xf32, #tpu.memory_space<vmem>>, vector<1x16xf32>,
          %get3A_197 = arith.index_cast %scan3A_142 : i32 to index
          %get3A_198 = arith.constant 64 : index
          %get3A_199 = tpu.vector_load %arg12[%get3A_197, %get3A_198] {strides = array<i32>} : memref<80x128xf32, #tpu.memory_space<vmem>>, vector<1x16xf32>,
          %get3A_200 = vector.shape_cast %get3A_199 : vector<1x16xf32> to vector<16xf32>
          %get3A_201 = arith.index_cast %scan3A_142 : i32 to index
          %get3A_202 = arith.constant 64 : index
          %get3A_203 = tpu.vector_load %arg14[%get3A_201, %get3A_202] {strides = array<i32>} : memref<80x128xf32, #tpu.memory_space<vmem>>, vector<1x16xf32>,
          %get3A_204 = vector.shape_cast %get3A_203 : vector<1x16xf32> to vector<16xf32>
          %mul3A_205 = arith.mulf %get3A_200, %get3A_204 : vector<16xf32>
          %swap3A_206 = arith.index_cast %scan3A_142 : i32 to index
          %swap3A_207 = arith.constant 64 : index
          %swap3A_208 = tpu.vector_load %arg12[%swap3A_206, %swap3A_207] {strides = array<i32>} : memref<80x128xf32, #tpu.memory_space<vmem>>, vector<1x16xf32>,
          %swap3A_209 = vector.shape_cast %swap3A_208 : vector<1x16xf32> to vector<16xf32>
          %swap3A_210 = vector.shape_cast %mul3A_205 : vector<16xf32> to vector<1x16xf32>
          tpu.vector_store %arg12[%swap3A_206, %swap3A_207], %swap3A_210 {strides = array<i32>} : memref<80x128xf32, #tpu.memory_space<vmem>>, vector<1x16xf32>,
          %get3A_211 = arith.index_cast %scan3A_142 : i32 to index
          %get3A_212 = arith.constant 80 : index
          %get3A_213 = tpu.vector_load %arg12[%get3A_211, %get3A_212] {strides = array<i32>} : memref<80x128xf32, #tpu.memory_space<vmem>>, vector<1x16xf32>,
          %get3A_214 = vector.shape_cast %get3A_213 : vector<1x16xf32> to vector<16xf32>
          %get3A_215 = arith.index_cast %scan3A_142 : i32 to index
          %get3A_216 = arith.constant 80 : index
          %get3A_217 = tpu.vector_load %arg14[%get3A_215, %get3A_216] {strides = array<i32>} : memref<80x128xf32, #tpu.memory_space<vmem>>, vector<1x16xf32>,
          %get3A_218 = vector.shape_cast %get3A_217 : vector<1x16xf32> to vector<16xf32>
          %mul3A_219 = arith.mulf %get3A_214, %get3A_218 : vector<16xf32>
          %swap3A_220 = arith.index_cast %scan3A_142 : i32 to index
          %swap3A_221 = arith.constant 80 : index
          %swap3A_222 = tpu.vector_load %arg12[%swap3A_220, %swap3A_221] {strides = array<i32>} : memref<80x128xf32, #tpu.memory_space<vmem>>, vector<1x16xf32>,
          %swap3A_223 = vector.shape_cast %swap3A_222 : vector<1x16xf32> to vector<16xf32>
          %swap3A_224 = vector.shape_cast %mul3A_219 : vector<16xf32> to vector<1x16xf32>
          tpu.vector_store %arg12[%swap3A_220, %swap3A_221], %swap3A_224 {strides = array<i32>} : memref<80x128xf32, #tpu.memory_space<vmem>>, vector<1x16xf32>,
          %get3A_225 = arith.index_cast %scan3A_142 : i32 to index
          %get3A_226 = arith.constant 96 : index
          %get3A_227 = tpu.vector_load %arg12[%get3A_225, %get3A_226] {strides = array<i32>} : memref<80x128xf32, #tpu.memory_space<vmem>>, vector<1x16xf32>,
          %get3A_228 = vector.shape_cast %get3A_227 : vector<1x16xf32> to vector<16xf32>
          %get3A_229 = arith.index_cast %scan3A_142 : i32 to index
          %get3A_230 = arith.constant 96 : index
          %get3A_231 = tpu.vector_load %arg14[%get3A_229, %get3A_230] {strides = array<i32>} : memref<80x128xf32, #tpu.memory_space<vmem>>, vector<1x16xf32>,
          %get3A_232 = vector.shape_cast %get3A_231 : vector<1x16xf32> to vector<16xf32>
          %mul3A_233 = arith.mulf %get3A_228, %get3A_232 : vector<16xf32>
          %swap3A_234 = arith.index_cast %scan3A_142 : i32 to index
          %swap3A_235 = arith.constant 96 : index
          %swap3A_236 = tpu.vector_load %arg12[%swap3A_234, %swap3A_235] {strides = array<i32>} : memref<80x128xf32, #tpu.memory_space<vmem>>, vector<1x16xf32>,
          %swap3A_237 = vector.shape_cast %swap3A_236 : vector<1x16xf32> to vector<16xf32>
          %swap3A_238 = vector.shape_cast %mul3A_233 : vector<16xf32> to vector<1x16xf32>
          tpu.vector_store %arg12[%swap3A_234, %swap3A_235], %swap3A_238 {strides = array<i32>} : memref<80x128xf32, #tpu.memory_space<vmem>>, vector<1x16xf32>,
          %get3A_239 = arith.index_cast %scan3A_142 : i32 to index
          %get3A_240 = arith.constant 112 : index
          %get3A_241 = tpu.vector_load %arg12[%get3A_239, %get3A_240] {strides = array<i32>} : memref<80x128xf32, #tpu.memory_space<vmem>>, vector<1x16xf32>,
          %get3A_242 = vector.shape_cast %get3A_241 : vector<1x16xf32> to vector<16xf32>
          %get3A_243 = arith.index_cast %scan3A_142 : i32 to index
          %get3A_244 = arith.constant 112 : index
          %get3A_245 = tpu.vector_load %arg14[%get3A_243, %get3A_244] {strides = array<i32>} : memref<80x128xf32, #tpu.memory_space<vmem>>, vector<1x16xf32>,
          %get3A_246 = vector.shape_cast %get3A_245 : vector<1x16xf32> to vector<16xf32>
          %mul3A_247 = arith.mulf %get3A_242, %get3A_246 : vector<16xf32>
          %swap3A_248 = arith.index_cast %scan3A_142 : i32 to index
          %swap3A_249 = arith.constant 112 : index
          %swap3A_250 = tpu.vector_load %arg12[%swap3A_248, %swap3A_249] {strides = array<i32>} : memref<80x128xf32, #tpu.memory_space<vmem>>, vector<1x16xf32>,
          %swap3A_251 = vector.shape_cast %swap3A_250 : vector<1x16xf32> to vector<16xf32>
          %swap3A_252 = vector.shape_cast %mul3A_247 : vector<16xf32> to vector<1x16xf32>
          tpu.vector_store %arg12[%swap3A_248, %swap3A_249], %swap3A_252 {strides = array<i32>} : memref<80x128xf32, #tpu.memory_space<vmem>>, vector<1x16xf32>,
        }
        %scan3A_141 = arith.constant 80 : i32
        "tpu.region"() ({
          %run_scoped3A = tpu.sem_alloc : memref<!tpu.dma_semaphore, #tpu.memory_space<semaphore_mem>>
          %dma_start3A_142 = arith.constant 0 : i32
          %dma_start3A_143 = arith.constant 0 : i32
          %dma_start3A_144 = tpu.memref_slice %arg16[%dma_start3A_142, %dma_start3A_143] : memref<10000x128xf32, #tpu.memory_space<vmem_shared>> -> memref<10000x128xf32, #tpu.memory_space<vmem_shared>>
          tpu.enqueue_indirect_dma source(%arg12 : memref<80x128xf32, #tpu.memory_space<vmem>>) target(%dma_start3A_144 : memref<10000x128xf32, #tpu.memory_space<vmem_shared>>) offsets(%arg10 : memref<80xi32, #tpu.memory_space<vmem>>) semaphore(%run_scoped3A : memref<!tpu.dma_semaphore, #tpu.memory_space<semaphore_mem>>) {add = true}
          %dma_wait3A_145 = arith.constant 0 : i32
          %dma_wait3A_146 = arith.constant 0 : i32
          %dma_wait3A_147 = tpu.memref_slice %arg16[%dma_wait3A_145, %dma_wait3A_146] : memref<10000x128xf32, #tpu.memory_space<vmem_shared>> -> memref<10000x128xf32, #tpu.memory_space<vmem_shared>>
          tpu.wait_indirect_dma semaphore(%run_scoped3A : memref<!tpu.dma_semaphore, #tpu.memory_space<semaphore_mem>>) src(%arg12 : memref<80x128xf32, #tpu.memory_space<vmem>>) dst(%dma_wait3A_147 : memref<10000x128xf32, #tpu.memory_space<vmem_shared>>)
          tpu.yield
        }) : () -> ()
      } else {
      }
      %lt3A_126 = arith.constant 124 : i32
      %lt3A_127 = arith.cmpi slt, %add3A_115, %lt3A_126 : i32
      %convert_element_type3A_128 = arith.extui %lt3A_127 : i1 to i32
      %cond3A_129 = arith.constant 0 : i32
      %cond3A_130 = arith.cmpi ne, %convert_element_type3A_128, %cond3A_129 : i32
      scf.if %cond3A_130 {
        %add3A_131 = arith.constant 1 : i32
        %add3A_132 = arith.addi %add3A_115, %add3A_131 : i32
        %mul3A_133 = arith.constant 10000 : i32
        %mul3A_134 = arith.muli %arg1, %mul3A_133 : i32
        %mul3A_135 = arith.constant 80 : i32
        %mul3A_136 = arith.muli %add3A_132, %mul3A_135 : i32
        %add3A_137 = arith.addi %mul3A_134, %mul3A_136 : i32
        %add3A_138 = arith.addi %mul3A_2, %add3A_137 : i32
        %dma_start3A_139 = tpu.memref_slice %arg3[%add3A_138] : memref<320000xi32, #tpu.memory_space<hbm>> -> memref<80xi32, #tpu.memory_space<hbm>>
        %dma_start3A_140 = tpu.memref_slice %arg3[%add3A_138] : memref<320000xi32, #tpu.memory_space<hbm>> -> memref<80xi32, #tpu.memory_space<hbm>>
        tpu.enqueue_dma source(%dma_start3A_140 : memref<80xi32, #tpu.memory_space<hbm>>) target(%arg8 : memref<80xi32, #tpu.memory_space<vmem>>) target_semaphore(%arg17 : memref<!tpu.dma_semaphore, #tpu.memory_space<semaphore_mem>>)
        %dma_start3A_141 = tpu.memref_slice %arg4[%add3A_137] : memref<160000xi32, #tpu.memory_space<hbm>> -> memref<80xi32, #tpu.memory_space<hbm>>
        %dma_start3A_142 = tpu.memref_slice %arg4[%add3A_137] : memref<160000xi32, #tpu.memory_space<hbm>> -> memref<80xi32, #tpu.memory_space<hbm>>
        tpu.enqueue_dma source(%dma_start3A_142 : memref<80xi32, #tpu.memory_space<hbm>>) target(%arg10 : memref<80xi32, #tpu.memory_space<vmem>>) target_semaphore(%arg17 : memref<!tpu.dma_semaphore, #tpu.memory_space<semaphore_mem>>)
        %add3A_143 = arith.addi %mul3A_2, %add3A_137 : i32
        %dma_start3A_144 = arith.constant 0 : i32
        %dma_start3A_145 = tpu.memref_slice %arg5[%add3A_143, %dma_start3A_144] : memref<320000x128xf32, #tpu.memory_space<hbm>> -> memref<80x128xf32, #tpu.memory_space<hbm>>
        %dma_start3A_146 = arith.constant 0 : i32
        %dma_start3A_147 = tpu.memref_slice %arg5[%add3A_143, %dma_start3A_146] : memref<320000x128xf32, #tpu.memory_space<hbm>> -> memref<80x128xf32, #tpu.memory_space<hbm>>
        tpu.enqueue_dma source(%dma_start3A_147 : memref<80x128xf32, #tpu.memory_space<hbm>>) target(%arg14 : memref<80x128xf32, #tpu.memory_space<vmem>>) target_semaphore(%arg17 : memref<!tpu.dma_semaphore, #tpu.memory_space<semaphore_mem>>)
      } else {
      }
    }
    %scan3A_32 = arith.constant 63 : i32
    %barrier3A_33 = arith.constant 0 : index
    tpu.barrier barrier_id(%barrier3A_33)
    %lt3A_34 = arith.constant 15 : i32
    %lt3A_35 = arith.cmpi slt, %arg1, %lt3A_34 : i32
    %convert_element_type3A_36 = arith.extui %lt3A_35 : i1 to i32
    %cond3A_37 = arith.constant 0 : i32
    %cond3A_38 = arith.cmpi ne, %convert_element_type3A_36, %cond3A_37 : i32
    scf.if %cond3A_38 {
      %mul3A_93 = arith.constant 640 : i32
      %mul3A_94 = arith.muli %arg1, %mul3A_93 : i32
      %add3A_95 = arith.constant 0 : i32
      %add3A_96 = arith.addi %mul3A_94, %add3A_95 : i32
      %mul3A_97 = arith.constant 640 : i32
      %mul3A_98 = arith.muli %arg1, %mul3A_97 : i32
      %add3A_99 = arith.addi %mul3A_0, %mul3A_98 : i32
      %add3A_100 = arith.constant 0 : i32
      %add3A_101 = arith.addi %add3A_99, %add3A_100 : i32
      "tpu.region"() ({
        %run_scoped3A = tpu.sem_alloc : memref<!tpu.dma_semaphore, #tpu.memory_space<semaphore_mem>>
        %dma_start3A_165 = arith.constant 0 : i32
        %dma_start3A_166 = tpu.memref_slice %arg16[%add3A_96, %dma_start3A_165] : memref<10000x128xf32, #tpu.memory_space<vmem_shared>> -> memref<80x128xf32, #tpu.memory_space<vmem_shared>>
        %dma_start3A_167 = arith.constant 0 : i32
        %dma_start3A_168 = tpu.memref_slice %arg16[%add3A_96, %dma_start3A_167] : memref<10000x128xf32, #tpu.memory_space<vmem_shared>> -> memref<80x128xf32, #tpu.memory_space<vmem_shared>>
        tpu.enqueue_dma source(%dma_start3A_168 : memref<80x128xf32, #tpu.memory_space<vmem_shared>>) target(%arg12 : memref<80x128xf32, #tpu.memory_space<vmem>>) target_semaphore(%run_scoped3A : memref<!tpu.dma_semaphore, #tpu.memory_space<semaphore_mem>>)
        %dma_wait3A = arith.constant 0 : i32
        %dma_wait3A_169 = tpu.memref_slice %arg16[%add3A_96, %dma_wait3A] : memref<10000x128xf32, #tpu.memory_space<vmem_shared>> -> memref<80x128xf32, #tpu.memory_space<vmem_shared>>
        %dma_wait3A_170 = arith.constant 0 : i32
        %dma_wait3A_171 = tpu.memref_slice %arg16[%add3A_96, %dma_wait3A_170] : memref<10000x128xf32, #tpu.memory_space<vmem_shared>> -> memref<80x128xf32, #tpu.memory_space<vmem_shared>>
        tpu.wait_dma2 semaphore(%run_scoped3A : memref<!tpu.dma_semaphore, #tpu.memory_space<semaphore_mem>>) src(%dma_wait3A_171 : memref<80x128xf32, #tpu.memory_space<vmem_shared>>) dst(%arg12 : memref<80x128xf32, #tpu.memory_space<vmem>>)
        tpu.yield
      }) : () -> ()
      "tpu.region"() ({
        %run_scoped3A = tpu.sem_alloc : memref<!tpu.dma_semaphore, #tpu.memory_space<semaphore_mem>>
        %dma_start3A_165 = arith.constant 0 : i32
        %dma_start3A_166 = tpu.memref_slice %arg6[%add3A_101, %dma_start3A_165] : memref<20000x128xf32, #tpu.memory_space<hbm>> -> memref<80x128xf32, #tpu.memory_space<hbm>>
        %dma_start3A_167 = arith.constant 0 : i32
        %dma_start3A_168 = tpu.memref_slice %arg6[%add3A_101, %dma_start3A_167] : memref<20000x128xf32, #tpu.memory_space<hbm>> -> memref<80x128xf32, #tpu.memory_space<hbm>>
        tpu.enqueue_dma source(%arg12 : memref<80x128xf32, #tpu.memory_space<vmem>>) target(%dma_start3A_168 : memref<80x128xf32, #tpu.memory_space<hbm>>) target_semaphore(%run_scoped3A : memref<!tpu.dma_semaphore, #tpu.memory_space<semaphore_mem>>)
        %dma_wait3A = arith.constant 0 : i32
        %dma_wait3A_169 = tpu.memref_slice %arg6[%add3A_101, %dma_wait3A] : memref<20000x128xf32, #tpu.memory_space<hbm>> -> memref<80x128xf32, #tpu.memory_space<hbm>>
        %dma_wait3A_170 = arith.constant 0 : i32
        %dma_wait3A_171 = tpu.memref_slice %arg6[%add3A_101, %dma_wait3A_170] : memref<20000x128xf32, #tpu.memory_space<hbm>> -> memref<80x128xf32, #tpu.memory_space<hbm>>
        tpu.wait_dma2 semaphore(%run_scoped3A : memref<!tpu.dma_semaphore, #tpu.memory_space<semaphore_mem>>) src(%arg12 : memref<80x128xf32, #tpu.memory_space<vmem>>) dst(%dma_wait3A_171 : memref<80x128xf32, #tpu.memory_space<hbm>>)
        tpu.yield
      }) : () -> ()
      %mul3A_102 = arith.constant 640 : i32
      %mul3A_103 = arith.muli %arg1, %mul3A_102 : i32
      %add3A_104 = arith.constant 80 : i32
      %add3A_105 = arith.addi %mul3A_103, %add3A_104 : i32
      %mul3A_106 = arith.constant 640 : i32
      %mul3A_107 = arith.muli %arg1, %mul3A_106 : i32
      %add3A_108 = arith.addi %mul3A_0, %mul3A_107 : i32
      %add3A_109 = arith.constant 80 : i32
      %add3A_110 = arith.addi %add3A_108, %add3A_109 : i32
      "tpu.region"() ({
        %run_scoped3A = tpu.sem_alloc : memref<!tpu.dma_semaphore, #tpu.memory_space<semaphore_mem>>
        %dma_start3A_165 = arith.constant 0 : i32
        %dma_start3A_166 = tpu.memref_slice %arg16[%add3A_105, %dma_start3A_165] : memref<10000x128xf32, #tpu.memory_space<vmem_shared>> -> memref<80x128xf32, #tpu.memory_space<vmem_shared>>
        %dma_start3A_167 = arith.constant 0 : i32
        %dma_start3A_168 = tpu.memref_slice %arg16[%add3A_105, %dma_start3A_167] : memref<10000x128xf32, #tpu.memory_space<vmem_shared>> -> memref<80x128xf32, #tpu.memory_space<vmem_shared>>
        tpu.enqueue_dma source(%dma_start3A_168 : memref<80x128xf32, #tpu.memory_space<vmem_shared>>) target(%arg12 : memref<80x128xf32, #tpu.memory_space<vmem>>) target_semaphore(%run_scoped3A : memref<!tpu.dma_semaphore, #tpu.memory_space<semaphore_mem>>)
        %dma_wait3A = arith.constant 0 : i32
        %dma_wait3A_169 = tpu.memref_slice %arg16[%add3A_105, %dma_wait3A] : memref<10000x128xf32, #tpu.memory_space<vmem_shared>> -> memref<80x128xf32, #tpu.memory_space<vmem_shared>>
        %dma_wait3A_170 = arith.constant 0 : i32
        %dma_wait3A_171 = tpu.memref_slice %arg16[%add3A_105, %dma_wait3A_170] : memref<10000x128xf32, #tpu.memory_space<vmem_shared>> -> memref<80x128xf32, #tpu.memory_space<vmem_shared>>
        tpu.wait_dma2 semaphore(%run_scoped3A : memref<!tpu.dma_semaphore, #tpu.memory_space<semaphore_mem>>) src(%dma_wait3A_171 : memref<80x128xf32, #tpu.memory_space<vmem_shared>>) dst(%arg12 : memref<80x128xf32, #tpu.memory_space<vmem>>)
        tpu.yield
      }) : () -> ()
      "tpu.region"() ({
        %run_scoped3A = tpu.sem_alloc : memref<!tpu.dma_semaphore, #tpu.memory_space<semaphore_mem>>
        %dma_start3A_165 = arith.constant 0 : i32
        %dma_start3A_166 = tpu.memref_slice %arg6[%add3A_110, %dma_start3A_165] : memref<20000x128xf32, #tpu.memory_space<hbm>> -> memref<80x128xf32, #tpu.memory_space<hbm>>
        %dma_start3A_167 = arith.constant 0 : i32
        %dma_start3A_168 = tpu.memref_slice %arg6[%add3A_110, %dma_start3A_167] : memref<20000x128xf32, #tpu.memory_space<hbm>> -> memref<80x128xf32, #tpu.memory_space<hbm>>
        tpu.enqueue_dma source(%arg12 : memref<80x128xf32, #tpu.memory_space<vmem>>) target(%dma_start3A_168 : memref<80x128xf32, #tpu.memory_space<hbm>>) target_semaphore(%run_scoped3A : memref<!tpu.dma_semaphore, #tpu.memory_space<semaphore_mem>>)
        %dma_wait3A = arith.constant 0 : i32
        %dma_wait3A_169 = tpu.memref_slice %arg6[%add3A_110, %dma_wait3A] : memref<20000x128xf32, #tpu.memory_space<hbm>> -> memref<80x128xf32, #tpu.memory_space<hbm>>
        %dma_wait3A_170 = arith.constant 0 : i32
        %dma_wait3A_171 = tpu.memref_slice %arg6[%add3A_110, %dma_wait3A_170] : memref<20000x128xf32, #tpu.memory_space<hbm>> -> memref<80x128xf32, #tpu.memory_space<hbm>>
        tpu.wait_dma2 semaphore(%run_scoped3A : memref<!tpu.dma_semaphore, #tpu.memory_space<semaphore_mem>>) src(%arg12 : memref<80x128xf32, #tpu.memory_space<vmem>>) dst(%dma_wait3A_171 : memref<80x128xf32, #tpu.memory_space<hbm>>)
        tpu.yield
      }) : () -> ()
      %mul3A_111 = arith.constant 640 : i32
      %mul3A_112 = arith.muli %arg1, %mul3A_111 : i32
      %add3A_113 = arith.constant 160 : i32
      %add3A_114 = arith.addi %mul3A_112, %add3A_113 : i32
      %mul3A_115 = arith.constant 640 : i32
      %mul3A_116 = arith.muli %arg1, %mul3A_115 : i32
      %add3A_117 = arith.addi %mul3A_0, %mul3A_116 : i32
      %add3A_118 = arith.constant 160 : i32
      %add3A_119 = arith.addi %add3A_117, %add3A_118 : i32
      "tpu.region"() ({
        %run_scoped3A = tpu.sem_alloc : memref<!tpu.dma_semaphore, #tpu.memory_space<semaphore_mem>>
        %dma_start3A_165 = arith.constant 0 : i32
        %dma_start3A_166 = tpu.memref_slice %arg16[%add3A_114, %dma_start3A_165] : memref<10000x128xf32, #tpu.memory_space<vmem_shared>> -> memref<80x128xf32, #tpu.memory_space<vmem_shared>>
        %dma_start3A_167 = arith.constant 0 : i32
        %dma_start3A_168 = tpu.memref_slice %arg16[%add3A_114, %dma_start3A_167] : memref<10000x128xf32, #tpu.memory_space<vmem_shared>> -> memref<80x128xf32, #tpu.memory_space<vmem_shared>>
        tpu.enqueue_dma source(%dma_start3A_168 : memref<80x128xf32, #tpu.memory_space<vmem_shared>>) target(%arg12 : memref<80x128xf32, #tpu.memory_space<vmem>>) target_semaphore(%run_scoped3A : memref<!tpu.dma_semaphore, #tpu.memory_space<semaphore_mem>>)
        %dma_wait3A = arith.constant 0 : i32
        %dma_wait3A_169 = tpu.memref_slice %arg16[%add3A_114, %dma_wait3A] : memref<10000x128xf32, #tpu.memory_space<vmem_shared>> -> memref<80x128xf32, #tpu.memory_space<vmem_shared>>
        %dma_wait3A_170 = arith.constant 0 : i32
        %dma_wait3A_171 = tpu.memref_slice %arg16[%add3A_114, %dma_wait3A_170] : memref<10000x128xf32, #tpu.memory_space<vmem_shared>> -> memref<80x128xf32, #tpu.memory_space<vmem_shared>>
        tpu.wait_dma2 semaphore(%run_scoped3A : memref<!tpu.dma_semaphore, #tpu.memory_space<semaphore_mem>>) src(%dma_wait3A_171 : memref<80x128xf32, #tpu.memory_space<vmem_shared>>) dst(%arg12 : memref<80x128xf32, #tpu.memory_space<vmem>>)
        tpu.yield
      }) : () -> ()
      "tpu.region"() ({
        %run_scoped3A = tpu.sem_alloc : memref<!tpu.dma_semaphore, #tpu.memory_space<semaphore_mem>>
        %dma_start3A_165 = arith.constant 0 : i32
        %dma_start3A_166 = tpu.memref_slice %arg6[%add3A_119, %dma_start3A_165] : memref<20000x128xf32, #tpu.memory_space<hbm>> -> memref<80x128xf32, #tpu.memory_space<hbm>>
        %dma_start3A_167 = arith.constant 0 : i32
        %dma_start3A_168 = tpu.memref_slice %arg6[%add3A_119, %dma_start3A_167] : memref<20000x128xf32, #tpu.memory_space<hbm>> -> memref<80x128xf32, #tpu.memory_space<hbm>>
        tpu.enqueue_dma source(%arg12 : memref<80x128xf32, #tpu.memory_space<vmem>>) target(%dma_start3A_168 : memref<80x128xf32, #tpu.memory_space<hbm>>) target_semaphore(%run_scoped3A : memref<!tpu.dma_semaphore, #tpu.memory_space<semaphore_mem>>)
        %dma_wait3A = arith.constant 0 : i32
        %dma_wait3A_169 = tpu.memref_slice %arg6[%add3A_119, %dma_wait3A] : memref<20000x128xf32, #tpu.memory_space<hbm>> -> memref<80x128xf32, #tpu.memory_space<hbm>>
        %dma_wait3A_170 = arith.constant 0 : i32
        %dma_wait3A_171 = tpu.memref_slice %arg6[%add3A_119, %dma_wait3A_170] : memref<20000x128xf32, #tpu.memory_space<hbm>> -> memref<80x128xf32, #tpu.memory_space<hbm>>
        tpu.wait_dma2 semaphore(%run_scoped3A : memref<!tpu.dma_semaphore, #tpu.memory_space<semaphore_mem>>) src(%arg12 : memref<80x128xf32, #tpu.memory_space<vmem>>) dst(%dma_wait3A_171 : memref<80x128xf32, #tpu.memory_space<hbm>>)
        tpu.yield
      }) : () -> ()
      %mul3A_120 = arith.constant 640 : i32
      %mul3A_121 = arith.muli %arg1, %mul3A_120 : i32
      %add3A_122 = arith.constant 240 : i32
      %add3A_123 = arith.addi %mul3A_121, %add3A_122 : i32
      %mul3A_124 = arith.constant 640 : i32
      %mul3A_125 = arith.muli %arg1, %mul3A_124 : i32
      %add3A_126 = arith.addi %mul3A_0, %mul3A_125 : i32
      %add3A_127 = arith.constant 240 : i32
      %add3A_128 = arith.addi %add3A_126, %add3A_127 : i32
      "tpu.region"() ({
        %run_scoped3A = tpu.sem_alloc : memref<!tpu.dma_semaphore, #tpu.memory_space<semaphore_mem>>
        %dma_start3A_165 = arith.constant 0 : i32
        %dma_start3A_166 = tpu.memref_slice %arg16[%add3A_123, %dma_start3A_165] : memref<10000x128xf32, #tpu.memory_space<vmem_shared>> -> memref<80x128xf32, #tpu.memory_space<vmem_shared>>
        %dma_start3A_167 = arith.constant 0 : i32
        %dma_start3A_168 = tpu.memref_slice %arg16[%add3A_123, %dma_start3A_167] : memref<10000x128xf32, #tpu.memory_space<vmem_shared>> -> memref<80x128xf32, #tpu.memory_space<vmem_shared>>
        tpu.enqueue_dma source(%dma_start3A_168 : memref<80x128xf32, #tpu.memory_space<vmem_shared>>) target(%arg12 : memref<80x128xf32, #tpu.memory_space<vmem>>) target_semaphore(%run_scoped3A : memref<!tpu.dma_semaphore, #tpu.memory_space<semaphore_mem>>)
        %dma_wait3A = arith.constant 0 : i32
        %dma_wait3A_169 = tpu.memref_slice %arg16[%add3A_123, %dma_wait3A] : memref<10000x128xf32, #tpu.memory_space<vmem_shared>> -> memref<80x128xf32, #tpu.memory_space<vmem_shared>>
        %dma_wait3A_170 = arith.constant 0 : i32
        %dma_wait3A_171 = tpu.memref_slice %arg16[%add3A_123, %dma_wait3A_170] : memref<10000x128xf32, #tpu.memory_space<vmem_shared>> -> memref<80x128xf32, #tpu.memory_space<vmem_shared>>
        tpu.wait_dma2 semaphore(%run_scoped3A : memref<!tpu.dma_semaphore, #tpu.memory_space<semaphore_mem>>) src(%dma_wait3A_171 : memref<80x128xf32, #tpu.memory_space<vmem_shared>>) dst(%arg12 : memref<80x128xf32, #tpu.memory_space<vmem>>)
        tpu.yield
      }) : () -> ()
      "tpu.region"() ({
        %run_scoped3A = tpu.sem_alloc : memref<!tpu.dma_semaphore, #tpu.memory_space<semaphore_mem>>
        %dma_start3A_165 = arith.constant 0 : i32
        %dma_start3A_166 = tpu.memref_slice %arg6[%add3A_128, %dma_start3A_165] : memref<20000x128xf32, #tpu.memory_space<hbm>> -> memref<80x128xf32, #tpu.memory_space<hbm>>
        %dma_start3A_167 = arith.constant 0 : i32
        %dma_start3A_168 = tpu.memref_slice %arg6[%add3A_128, %dma_start3A_167] : memref<20000x128xf32, #tpu.memory_space<hbm>> -> memref<80x128xf32, #tpu.memory_space<hbm>>
        tpu.enqueue_dma source(%arg12 : memref<80x128xf32, #tpu.memory_space<vmem>>) target(%dma_start3A_168 : memref<80x128xf32, #tpu.memory_space<hbm>>) target_semaphore(%run_scoped3A : memref<!tpu.dma_semaphore, #tpu.memory_space<semaphore_mem>>)
        %dma_wait3A = arith.constant 0 : i32
        %dma_wait3A_169 = tpu.memref_slice %arg6[%add3A_128, %dma_wait3A] : memref<20000x128xf32, #tpu.memory_space<hbm>> -> memref<80x128xf32, #tpu.memory_space<hbm>>
        %dma_wait3A_170 = arith.constant 0 : i32
        %dma_wait3A_171 = tpu.memref_slice %arg6[%add3A_128, %dma_wait3A_170] : memref<20000x128xf32, #tpu.memory_space<hbm>> -> memref<80x128xf32, #tpu.memory_space<hbm>>
        tpu.wait_dma2 semaphore(%run_scoped3A : memref<!tpu.dma_semaphore, #tpu.memory_space<semaphore_mem>>) src(%arg12 : memref<80x128xf32, #tpu.memory_space<vmem>>) dst(%dma_wait3A_171 : memref<80x128xf32, #tpu.memory_space<hbm>>)
        tpu.yield
      }) : () -> ()
      %mul3A_129 = arith.constant 640 : i32
      %mul3A_130 = arith.muli %arg1, %mul3A_129 : i32
      %add3A_131 = arith.constant 320 : i32
      %add3A_132 = arith.addi %mul3A_130, %add3A_131 : i32
      %mul3A_133 = arith.constant 640 : i32
      %mul3A_134 = arith.muli %arg1, %mul3A_133 : i32
      %add3A_135 = arith.addi %mul3A_0, %mul3A_134 : i32
      %add3A_136 = arith.constant 320 : i32
      %add3A_137 = arith.addi %add3A_135, %add3A_136 : i32
      "tpu.region"() ({
        %run_scoped3A = tpu.sem_alloc : memref<!tpu.dma_semaphore, #tpu.memory_space<semaphore_mem>>
        %dma_start3A_165 = arith.constant 0 : i32
        %dma_start3A_166 = tpu.memref_slice %arg16[%add3A_132, %dma_start3A_165] : memref<10000x128xf32, #tpu.memory_space<vmem_shared>> -> memref<80x128xf32, #tpu.memory_space<vmem_shared>>
        %dma_start3A_167 = arith.constant 0 : i32
        %dma_start3A_168 = tpu.memref_slice %arg16[%add3A_132, %dma_start3A_167] : memref<10000x128xf32, #tpu.memory_space<vmem_shared>> -> memref<80x128xf32, #tpu.memory_space<vmem_shared>>
        tpu.enqueue_dma source(%dma_start3A_168 : memref<80x128xf32, #tpu.memory_space<vmem_shared>>) target(%arg12 : memref<80x128xf32, #tpu.memory_space<vmem>>) target_semaphore(%run_scoped3A : memref<!tpu.dma_semaphore, #tpu.memory_space<semaphore_mem>>)
        %dma_wait3A = arith.constant 0 : i32
        %dma_wait3A_169 = tpu.memref_slice %arg16[%add3A_132, %dma_wait3A] : memref<10000x128xf32, #tpu.memory_space<vmem_shared>> -> memref<80x128xf32, #tpu.memory_space<vmem_shared>>
        %dma_wait3A_170 = arith.constant 0 : i32
        %dma_wait3A_171 = tpu.memref_slice %arg16[%add3A_132, %dma_wait3A_170] : memref<10000x128xf32, #tpu.memory_space<vmem_shared>> -> memref<80x128xf32, #tpu.memory_space<vmem_shared>>
        tpu.wait_dma2 semaphore(%run_scoped3A : memref<!tpu.dma_semaphore, #tpu.memory_space<semaphore_mem>>) src(%dma_wait3A_171 : memref<80x128xf32, #tpu.memory_space<vmem_shared>>) dst(%arg12 : memref<80x128xf32, #tpu.memory_space<vmem>>)
        tpu.yield
      }) : () -> ()
      "tpu.region"() ({
        %run_scoped3A = tpu.sem_alloc : memref<!tpu.dma_semaphore, #tpu.memory_space<semaphore_mem>>
        %dma_start3A_165 = arith.constant 0 : i32
        %dma_start3A_166 = tpu.memref_slice %arg6[%add3A_137, %dma_start3A_165] : memref<20000x128xf32, #tpu.memory_space<hbm>> -> memref<80x128xf32, #tpu.memory_space<hbm>>
        %dma_start3A_167 = arith.constant 0 : i32
        %dma_start3A_168 = tpu.memref_slice %arg6[%add3A_137, %dma_start3A_167] : memref<20000x128xf32, #tpu.memory_space<hbm>> -> memref<80x128xf32, #tpu.memory_space<hbm>>
        tpu.enqueue_dma source(%arg12 : memref<80x128xf32, #tpu.memory_space<vmem>>) target(%dma_start3A_168 : memref<80x128xf32, #tpu.memory_space<hbm>>) target_semaphore(%run_scoped3A : memref<!tpu.dma_semaphore, #tpu.memory_space<semaphore_mem>>)
        %dma_wait3A = arith.constant 0 : i32
        %dma_wait3A_169 = tpu.memref_slice %arg6[%add3A_137, %dma_wait3A] : memref<20000x128xf32, #tpu.memory_space<hbm>> -> memref<80x128xf32, #tpu.memory_space<hbm>>
        %dma_wait3A_170 = arith.constant 0 : i32
        %dma_wait3A_171 = tpu.memref_slice %arg6[%add3A_137, %dma_wait3A_170] : memref<20000x128xf32, #tpu.memory_space<hbm>> -> memref<80x128xf32, #tpu.memory_space<hbm>>
        tpu.wait_dma2 semaphore(%run_scoped3A : memref<!tpu.dma_semaphore, #tpu.memory_space<semaphore_mem>>) src(%arg12 : memref<80x128xf32, #tpu.memory_space<vmem>>) dst(%dma_wait3A_171 : memref<80x128xf32, #tpu.memory_space<hbm>>)
        tpu.yield
      }) : () -> ()
      %mul3A_138 = arith.constant 640 : i32
      %mul3A_139 = arith.muli %arg1, %mul3A_138 : i32
      %add3A_140 = arith.constant 400 : i32
      %add3A_141 = arith.addi %mul3A_139, %add3A_140 : i32
      %mul3A_142 = arith.constant 640 : i32
      %mul3A_143 = arith.muli %arg1, %mul3A_142 : i32
      %add3A_144 = arith.addi %mul3A_0, %mul3A_143 : i32
      %add3A_145 = arith.constant 400 : i32
      %add3A_146 = arith.addi %add3A_144, %add3A_145 : i32
      "tpu.region"() ({
        %run_scoped3A = tpu.sem_alloc : memref<!tpu.dma_semaphore, #tpu.memory_space<semaphore_mem>>
        %dma_start3A_165 = arith.constant 0 : i32
        %dma_start3A_166 = tpu.memref_slice %arg16[%add3A_141, %dma_start3A_165] : memref<10000x128xf32, #tpu.memory_space<vmem_shared>> -> memref<80x128xf32, #tpu.memory_space<vmem_shared>>
        %dma_start3A_167 = arith.constant 0 : i32
        %dma_start3A_168 = tpu.memref_slice %arg16[%add3A_141, %dma_start3A_167] : memref<10000x128xf32, #tpu.memory_space<vmem_shared>> -> memref<80x128xf32, #tpu.memory_space<vmem_shared>>
        tpu.enqueue_dma source(%dma_start3A_168 : memref<80x128xf32, #tpu.memory_space<vmem_shared>>) target(%arg12 : memref<80x128xf32, #tpu.memory_space<vmem>>) target_semaphore(%run_scoped3A : memref<!tpu.dma_semaphore, #tpu.memory_space<semaphore_mem>>)
        %dma_wait3A = arith.constant 0 : i32
        %dma_wait3A_169 = tpu.memref_slice %arg16[%add3A_141, %dma_wait3A] : memref<10000x128xf32, #tpu.memory_space<vmem_shared>> -> memref<80x128xf32, #tpu.memory_space<vmem_shared>>
        %dma_wait3A_170 = arith.constant 0 : i32
        %dma_wait3A_171 = tpu.memref_slice %arg16[%add3A_141, %dma_wait3A_170] : memref<10000x128xf32, #tpu.memory_space<vmem_shared>> -> memref<80x128xf32, #tpu.memory_space<vmem_shared>>
        tpu.wait_dma2 semaphore(%run_scoped3A : memref<!tpu.dma_semaphore, #tpu.memory_space<semaphore_mem>>) src(%dma_wait3A_171 : memref<80x128xf32, #tpu.memory_space<vmem_shared>>) dst(%arg12 : memref<80x128xf32, #tpu.memory_space<vmem>>)
        tpu.yield
      }) : () -> ()
      "tpu.region"() ({
        %run_scoped3A = tpu.sem_alloc : memref<!tpu.dma_semaphore, #tpu.memory_space<semaphore_mem>>
        %dma_start3A_165 = arith.constant 0 : i32
        %dma_start3A_166 = tpu.memref_slice %arg6[%add3A_146, %dma_start3A_165] : memref<20000x128xf32, #tpu.memory_space<hbm>> -> memref<80x128xf32, #tpu.memory_space<hbm>>
        %dma_start3A_167 = arith.constant 0 : i32
        %dma_start3A_168 = tpu.memref_slice %arg6[%add3A_146, %dma_start3A_167] : memref<20000x128xf32, #tpu.memory_space<hbm>> -> memref<80x128xf32, #tpu.memory_space<hbm>>
        tpu.enqueue_dma source(%arg12 : memref<80x128xf32, #tpu.memory_space<vmem>>) target(%dma_start3A_168 : memref<80x128xf32, #tpu.memory_space<hbm>>) target_semaphore(%run_scoped3A : memref<!tpu.dma_semaphore, #tpu.memory_space<semaphore_mem>>)
        %dma_wait3A = arith.constant 0 : i32
        %dma_wait3A_169 = tpu.memref_slice %arg6[%add3A_146, %dma_wait3A] : memref<20000x128xf32, #tpu.memory_space<hbm>> -> memref<80x128xf32, #tpu.memory_space<hbm>>
        %dma_wait3A_170 = arith.constant 0 : i32
        %dma_wait3A_171 = tpu.memref_slice %arg6[%add3A_146, %dma_wait3A_170] : memref<20000x128xf32, #tpu.memory_space<hbm>> -> memref<80x128xf32, #tpu.memory_space<hbm>>
        tpu.wait_dma2 semaphore(%run_scoped3A : memref<!tpu.dma_semaphore, #tpu.memory_space<semaphore_mem>>) src(%arg12 : memref<80x128xf32, #tpu.memory_space<vmem>>) dst(%dma_wait3A_171 : memref<80x128xf32, #tpu.memory_space<hbm>>)
        tpu.yield
      }) : () -> ()
      %mul3A_147 = arith.constant 640 : i32
      %mul3A_148 = arith.muli %arg1, %mul3A_147 : i32
      %add3A_149 = arith.constant 480 : i32
      %add3A_150 = arith.addi %mul3A_148, %add3A_149 : i32
      %mul3A_151 = arith.constant 640 : i32
      %mul3A_152 = arith.muli %arg1, %mul3A_151 : i32
      %add3A_153 = arith.addi %mul3A_0, %mul3A_152 : i32
      %add3A_154 = arith.constant 480 : i32
      %add3A_155 = arith.addi %add3A_153, %add3A_154 : i32
      "tpu.region"() ({
        %run_scoped3A = tpu.sem_alloc : memref<!tpu.dma_semaphore, #tpu.memory_space<semaphore_mem>>
        %dma_start3A_165 = arith.constant 0 : i32
        %dma_start3A_166 = tpu.memref_slice %arg16[%add3A_150, %dma_start3A_165] : memref<10000x128xf32, #tpu.memory_space<vmem_shared>> -> memref<80x128xf32, #tpu.memory_space<vmem_shared>>
        %dma_start3A_167 = arith.constant 0 : i32
        %dma_start3A_168 = tpu.memref_slice %arg16[%add3A_150, %dma_start3A_167] : memref<10000x128xf32, #tpu.memory_space<vmem_shared>> -> memref<80x128xf32, #tpu.memory_space<vmem_shared>>
        tpu.enqueue_dma source(%dma_start3A_168 : memref<80x128xf32, #tpu.memory_space<vmem_shared>>) target(%arg12 : memref<80x128xf32, #tpu.memory_space<vmem>>) target_semaphore(%run_scoped3A : memref<!tpu.dma_semaphore, #tpu.memory_space<semaphore_mem>>)
        %dma_wait3A = arith.constant 0 : i32
        %dma_wait3A_169 = tpu.memref_slice %arg16[%add3A_150, %dma_wait3A] : memref<10000x128xf32, #tpu.memory_space<vmem_shared>> -> memref<80x128xf32, #tpu.memory_space<vmem_shared>>
        %dma_wait3A_170 = arith.constant 0 : i32
        %dma_wait3A_171 = tpu.memref_slice %arg16[%add3A_150, %dma_wait3A_170] : memref<10000x128xf32, #tpu.memory_space<vmem_shared>> -> memref<80x128xf32, #tpu.memory_space<vmem_shared>>
        tpu.wait_dma2 semaphore(%run_scoped3A : memref<!tpu.dma_semaphore, #tpu.memory_space<semaphore_mem>>) src(%dma_wait3A_171 : memref<80x128xf32, #tpu.memory_space<vmem_shared>>) dst(%arg12 : memref<80x128xf32, #tpu.memory_space<vmem>>)
        tpu.yield
      }) : () -> ()
      "tpu.region"() ({
        %run_scoped3A = tpu.sem_alloc : memref<!tpu.dma_semaphore, #tpu.memory_space<semaphore_mem>>
        %dma_start3A_165 = arith.constant 0 : i32
        %dma_start3A_166 = tpu.memref_slice %arg6[%add3A_155, %dma_start3A_165] : memref<20000x128xf32, #tpu.memory_space<hbm>> -> memref<80x128xf32, #tpu.memory_space<hbm>>
        %dma_start3A_167 = arith.constant 0 : i32
        %dma_start3A_168 = tpu.memref_slice %arg6[%add3A_155, %dma_start3A_167] : memref<20000x128xf32, #tpu.memory_space<hbm>> -> memref<80x128xf32, #tpu.memory_space<hbm>>
        tpu.enqueue_dma source(%arg12 : memref<80x128xf32, #tpu.memory_space<vmem>>) target(%dma_start3A_168 : memref<80x128xf32, #tpu.memory_space<hbm>>) target_semaphore(%run_scoped3A : memref<!tpu.dma_semaphore, #tpu.memory_space<semaphore_mem>>)
        %dma_wait3A = arith.constant 0 : i32
        %dma_wait3A_169 = tpu.memref_slice %arg6[%add3A_155, %dma_wait3A] : memref<20000x128xf32, #tpu.memory_space<hbm>> -> memref<80x128xf32, #tpu.memory_space<hbm>>
        %dma_wait3A_170 = arith.constant 0 : i32
        %dma_wait3A_171 = tpu.memref_slice %arg6[%add3A_155, %dma_wait3A_170] : memref<20000x128xf32, #tpu.memory_space<hbm>> -> memref<80x128xf32, #tpu.memory_space<hbm>>
        tpu.wait_dma2 semaphore(%run_scoped3A : memref<!tpu.dma_semaphore, #tpu.memory_space<semaphore_mem>>) src(%arg12 : memref<80x128xf32, #tpu.memory_space<vmem>>) dst(%dma_wait3A_171 : memref<80x128xf32, #tpu.memory_space<hbm>>)
        tpu.yield
      }) : () -> ()
      %mul3A_156 = arith.constant 640 : i32
      %mul3A_157 = arith.muli %arg1, %mul3A_156 : i32
      %add3A_158 = arith.constant 560 : i32
      %add3A_159 = arith.addi %mul3A_157, %add3A_158 : i32
      %mul3A_160 = arith.constant 640 : i32
      %mul3A_161 = arith.muli %arg1, %mul3A_160 : i32
      %add3A_162 = arith.addi %mul3A_0, %mul3A_161 : i32
      %add3A_163 = arith.constant 560 : i32
      %add3A_164 = arith.addi %add3A_162, %add3A_163 : i32
      "tpu.region"() ({
        %run_scoped3A = tpu.sem_alloc : memref<!tpu.dma_semaphore, #tpu.memory_space<semaphore_mem>>
        %dma_start3A_165 = arith.constant 0 : i32
        %dma_start3A_166 = tpu.memref_slice %arg16[%add3A_159, %dma_start3A_165] : memref<10000x128xf32, #tpu.memory_space<vmem_shared>> -> memref<80x128xf32, #tpu.memory_space<vmem_shared>>
        %dma_start3A_167 = arith.constant 0 : i32
        %dma_start3A_168 = tpu.memref_slice %arg16[%add3A_159, %dma_start3A_167] : memref<10000x128xf32, #tpu.memory_space<vmem_shared>> -> memref<80x128xf32, #tpu.memory_space<vmem_shared>>
        tpu.enqueue_dma source(%dma_start3A_168 : memref<80x128xf32, #tpu.memory_space<vmem_shared>>) target(%arg12 : memref<80x128xf32, #tpu.memory_space<vmem>>) target_semaphore(%run_scoped3A : memref<!tpu.dma_semaphore, #tpu.memory_space<semaphore_mem>>)
        %dma_wait3A = arith.constant 0 : i32
        %dma_wait3A_169 = tpu.memref_slice %arg16[%add3A_159, %dma_wait3A] : memref<10000x128xf32, #tpu.memory_space<vmem_shared>> -> memref<80x128xf32, #tpu.memory_space<vmem_shared>>
        %dma_wait3A_170 = arith.constant 0 : i32
        %dma_wait3A_171 = tpu.memref_slice %arg16[%add3A_159, %dma_wait3A_170] : memref<10000x128xf32, #tpu.memory_space<vmem_shared>> -> memref<80x128xf32, #tpu.memory_space<vmem_shared>>
        tpu.wait_dma2 semaphore(%run_scoped3A : memref<!tpu.dma_semaphore, #tpu.memory_space<semaphore_mem>>) src(%dma_wait3A_171 : memref<80x128xf32, #tpu.memory_space<vmem_shared>>) dst(%arg12 : memref<80x128xf32, #tpu.memory_space<vmem>>)
        tpu.yield
      }) : () -> ()
      "tpu.region"() ({
        %run_scoped3A = tpu.sem_alloc : memref<!tpu.dma_semaphore, #tpu.memory_space<semaphore_mem>>
        %dma_start3A_165 = arith.constant 0 : i32
        %dma_start3A_166 = tpu.memref_slice %arg6[%add3A_164, %dma_start3A_165] : memref<20000x128xf32, #tpu.memory_space<hbm>> -> memref<80x128xf32, #tpu.memory_space<hbm>>
        %dma_start3A_167 = arith.constant 0 : i32
        %dma_start3A_168 = tpu.memref_slice %arg6[%add3A_164, %dma_start3A_167] : memref<20000x128xf32, #tpu.memory_space<hbm>> -> memref<80x128xf32, #tpu.memory_space<hbm>>
        tpu.enqueue_dma source(%arg12 : memref<80x128xf32, #tpu.memory_space<vmem>>) target(%dma_start3A_168 : memref<80x128xf32, #tpu.memory_space<hbm>>) target_semaphore(%run_scoped3A : memref<!tpu.dma_semaphore, #tpu.memory_space<semaphore_mem>>)
        %dma_wait3A = arith.constant 0 : i32
        %dma_wait3A_169 = tpu.memref_slice %arg6[%add3A_164, %dma_wait3A] : memref<20000x128xf32, #tpu.memory_space<hbm>> -> memref<80x128xf32, #tpu.memory_space<hbm>>
        %dma_wait3A_170 = arith.constant 0 : i32
        %dma_wait3A_171 = tpu.memref_slice %arg6[%add3A_164, %dma_wait3A_170] : memref<20000x128xf32, #tpu.memory_space<hbm>> -> memref<80x128xf32, #tpu.memory_space<hbm>>
        tpu.wait_dma2 semaphore(%run_scoped3A : memref<!tpu.dma_semaphore, #tpu.memory_space<semaphore_mem>>) src(%arg12 : memref<80x128xf32, #tpu.memory_space<vmem>>) dst(%dma_wait3A_171 : memref<80x128xf32, #tpu.memory_space<hbm>>)
        tpu.yield
      }) : () -> ()
    } else {
    }
    %eq3A_39 = arith.constant 15 : i32
    %eq3A_40 = arith.cmpi eq, %arg1, %eq3A_39 : i32
    %convert_element_type3A_41 = arith.extui %eq3A_40 : i1 to i32
    %cond3A_42 = arith.constant 0 : i32
    %cond3A_43 = arith.cmpi ne, %convert_element_type3A_41, %cond3A_42 : i32
    scf.if %cond3A_43 {
      %mul3A_93 = arith.constant 640 : i32
      %mul3A_94 = arith.muli %arg1, %mul3A_93 : i32
      %add3A_95 = arith.constant 0 : i32
      %add3A_96 = arith.addi %mul3A_94, %add3A_95 : i32
      %mul3A_97 = arith.constant 640 : i32
      %mul3A_98 = arith.muli %arg1, %mul3A_97 : i32
      %add3A_99 = arith.addi %mul3A_0, %mul3A_98 : i32
      %add3A_100 = arith.constant 0 : i32
      %add3A_101 = arith.addi %add3A_99, %add3A_100 : i32
      "tpu.region"() ({
        %run_scoped3A = tpu.sem_alloc : memref<!tpu.dma_semaphore, #tpu.memory_space<semaphore_mem>>
        %dma_start3A_138 = arith.constant 0 : i32
        %dma_start3A_139 = tpu.memref_slice %arg16[%add3A_96, %dma_start3A_138] : memref<10000x128xf32, #tpu.memory_space<vmem_shared>> -> memref<80x128xf32, #tpu.memory_space<vmem_shared>>
        %dma_start3A_140 = arith.constant 0 : i32
        %dma_start3A_141 = tpu.memref_slice %arg16[%add3A_96, %dma_start3A_140] : memref<10000x128xf32, #tpu.memory_space<vmem_shared>> -> memref<80x128xf32, #tpu.memory_space<vmem_shared>>
        tpu.enqueue_dma source(%dma_start3A_141 : memref<80x128xf32, #tpu.memory_space<vmem_shared>>) target(%arg12 : memref<80x128xf32, #tpu.memory_space<vmem>>) target_semaphore(%run_scoped3A : memref<!tpu.dma_semaphore, #tpu.memory_space<semaphore_mem>>)
        %dma_wait3A = arith.constant 0 : i32
        %dma_wait3A_142 = tpu.memref_slice %arg16[%add3A_96, %dma_wait3A] : memref<10000x128xf32, #tpu.memory_space<vmem_shared>> -> memref<80x128xf32, #tpu.memory_space<vmem_shared>>
        %dma_wait3A_143 = arith.constant 0 : i32
        %dma_wait3A_144 = tpu.memref_slice %arg16[%add3A_96, %dma_wait3A_143] : memref<10000x128xf32, #tpu.memory_space<vmem_shared>> -> memref<80x128xf32, #tpu.memory_space<vmem_shared>>
        tpu.wait_dma2 semaphore(%run_scoped3A : memref<!tpu.dma_semaphore, #tpu.memory_space<semaphore_mem>>) src(%dma_wait3A_144 : memref<80x128xf32, #tpu.memory_space<vmem_shared>>) dst(%arg12 : memref<80x128xf32, #tpu.memory_space<vmem>>)
        tpu.yield
      }) : () -> ()
      "tpu.region"() ({
        %run_scoped3A = tpu.sem_alloc : memref<!tpu.dma_semaphore, #tpu.memory_space<semaphore_mem>>
        %dma_start3A_138 = arith.constant 0 : i32
        %dma_start3A_139 = tpu.memref_slice %arg6[%add3A_101, %dma_start3A_138] : memref<20000x128xf32, #tpu.memory_space<hbm>> -> memref<80x128xf32, #tpu.memory_space<hbm>>
        %dma_start3A_140 = arith.constant 0 : i32
        %dma_start3A_141 = tpu.memref_slice %arg6[%add3A_101, %dma_start3A_140] : memref<20000x128xf32, #tpu.memory_space<hbm>> -> memref<80x128xf32, #tpu.memory_space<hbm>>
        tpu.enqueue_dma source(%arg12 : memref<80x128xf32, #tpu.memory_space<vmem>>) target(%dma_start3A_141 : memref<80x128xf32, #tpu.memory_space<hbm>>) target_semaphore(%run_scoped3A : memref<!tpu.dma_semaphore, #tpu.memory_space<semaphore_mem>>)
        %dma_wait3A = arith.constant 0 : i32
        %dma_wait3A_142 = tpu.memref_slice %arg6[%add3A_101, %dma_wait3A] : memref<20000x128xf32, #tpu.memory_space<hbm>> -> memref<80x128xf32, #tpu.memory_space<hbm>>
        %dma_wait3A_143 = arith.constant 0 : i32
        %dma_wait3A_144 = tpu.memref_slice %arg6[%add3A_101, %dma_wait3A_143] : memref<20000x128xf32, #tpu.memory_space<hbm>> -> memref<80x128xf32, #tpu.memory_space<hbm>>
        tpu.wait_dma2 semaphore(%run_scoped3A : memref<!tpu.dma_semaphore, #tpu.memory_space<semaphore_mem>>) src(%arg12 : memref<80x128xf32, #tpu.memory_space<vmem>>) dst(%dma_wait3A_144 : memref<80x128xf32, #tpu.memory_space<hbm>>)
        tpu.yield
      }) : () -> ()
      %mul3A_102 = arith.constant 640 : i32
      %mul3A_103 = arith.muli %arg1, %mul3A_102 : i32
      %add3A_104 = arith.constant 80 : i32
      %add3A_105 = arith.addi %mul3A_103, %add3A_104 : i32
      %mul3A_106 = arith.constant 640 : i32
      %mul3A_107 = arith.muli %arg1, %mul3A_106 : i32
      %add3A_108 = arith.addi %mul3A_0, %mul3A_107 : i32
      %add3A_109 = arith.constant 80 : i32
      %add3A_110 = arith.addi %add3A_108, %add3A_109 : i32
      "tpu.region"() ({
        %run_scoped3A = tpu.sem_alloc : memref<!tpu.dma_semaphore, #tpu.memory_space<semaphore_mem>>
        %dma_start3A_138 = arith.constant 0 : i32
        %dma_start3A_139 = tpu.memref_slice %arg16[%add3A_105, %dma_start3A_138] : memref<10000x128xf32, #tpu.memory_space<vmem_shared>> -> memref<80x128xf32, #tpu.memory_space<vmem_shared>>
        %dma_start3A_140 = arith.constant 0 : i32
        %dma_start3A_141 = tpu.memref_slice %arg16[%add3A_105, %dma_start3A_140] : memref<10000x128xf32, #tpu.memory_space<vmem_shared>> -> memref<80x128xf32, #tpu.memory_space<vmem_shared>>
        tpu.enqueue_dma source(%dma_start3A_141 : memref<80x128xf32, #tpu.memory_space<vmem_shared>>) target(%arg12 : memref<80x128xf32, #tpu.memory_space<vmem>>) target_semaphore(%run_scoped3A : memref<!tpu.dma_semaphore, #tpu.memory_space<semaphore_mem>>)
        %dma_wait3A = arith.constant 0 : i32
        %dma_wait3A_142 = tpu.memref_slice %arg16[%add3A_105, %dma_wait3A] : memref<10000x128xf32, #tpu.memory_space<vmem_shared>> -> memref<80x128xf32, #tpu.memory_space<vmem_shared>>
        %dma_wait3A_143 = arith.constant 0 : i32
        %dma_wait3A_144 = tpu.memref_slice %arg16[%add3A_105, %dma_wait3A_143] : memref<10000x128xf32, #tpu.memory_space<vmem_shared>> -> memref<80x128xf32, #tpu.memory_space<vmem_shared>>
        tpu.wait_dma2 semaphore(%run_scoped3A : memref<!tpu.dma_semaphore, #tpu.memory_space<semaphore_mem>>) src(%dma_wait3A_144 : memref<80x128xf32, #tpu.memory_space<vmem_shared>>) dst(%arg12 : memref<80x128xf32, #tpu.memory_space<vmem>>)
        tpu.yield
      }) : () -> ()
      "tpu.region"() ({
        %run_scoped3A = tpu.sem_alloc : memref<!tpu.dma_semaphore, #tpu.memory_space<semaphore_mem>>
        %dma_start3A_138 = arith.constant 0 : i32
        %dma_start3A_139 = tpu.memref_slice %arg6[%add3A_110, %dma_start3A_138] : memref<20000x128xf32, #tpu.memory_space<hbm>> -> memref<80x128xf32, #tpu.memory_space<hbm>>
        %dma_start3A_140 = arith.constant 0 : i32
        %dma_start3A_141 = tpu.memref_slice %arg6[%add3A_110, %dma_start3A_140] : memref<20000x128xf32, #tpu.memory_space<hbm>> -> memref<80x128xf32, #tpu.memory_space<hbm>>
        tpu.enqueue_dma source(%arg12 : memref<80x128xf32, #tpu.memory_space<vmem>>) target(%dma_start3A_141 : memref<80x128xf32, #tpu.memory_space<hbm>>) target_semaphore(%run_scoped3A : memref<!tpu.dma_semaphore, #tpu.memory_space<semaphore_mem>>)
        %dma_wait3A = arith.constant 0 : i32
        %dma_wait3A_142 = tpu.memref_slice %arg6[%add3A_110, %dma_wait3A] : memref<20000x128xf32, #tpu.memory_space<hbm>> -> memref<80x128xf32, #tpu.memory_space<hbm>>
        %dma_wait3A_143 = arith.constant 0 : i32
        %dma_wait3A_144 = tpu.memref_slice %arg6[%add3A_110, %dma_wait3A_143] : memref<20000x128xf32, #tpu.memory_space<hbm>> -> memref<80x128xf32, #tpu.memory_space<hbm>>
        tpu.wait_dma2 semaphore(%run_scoped3A : memref<!tpu.dma_semaphore, #tpu.memory_space<semaphore_mem>>) src(%arg12 : memref<80x128xf32, #tpu.memory_space<vmem>>) dst(%dma_wait3A_144 : memref<80x128xf32, #tpu.memory_space<hbm>>)
        tpu.yield
      }) : () -> ()
      %mul3A_111 = arith.constant 640 : i32
      %mul3A_112 = arith.muli %arg1, %mul3A_111 : i32
      %add3A_113 = arith.constant 160 : i32
      %add3A_114 = arith.addi %mul3A_112, %add3A_113 : i32
      %mul3A_115 = arith.constant 640 : i32
      %mul3A_116 = arith.muli %arg1, %mul3A_115 : i32
      %add3A_117 = arith.addi %mul3A_0, %mul3A_116 : i32
      %add3A_118 = arith.constant 160 : i32
      %add3A_119 = arith.addi %add3A_117, %add3A_118 : i32
      "tpu.region"() ({
        %run_scoped3A = tpu.sem_alloc : memref<!tpu.dma_semaphore, #tpu.memory_space<semaphore_mem>>
        %dma_start3A_138 = arith.constant 0 : i32
        %dma_start3A_139 = tpu.memref_slice %arg16[%add3A_114, %dma_start3A_138] : memref<10000x128xf32, #tpu.memory_space<vmem_shared>> -> memref<80x128xf32, #tpu.memory_space<vmem_shared>>
        %dma_start3A_140 = arith.constant 0 : i32
        %dma_start3A_141 = tpu.memref_slice %arg16[%add3A_114, %dma_start3A_140] : memref<10000x128xf32, #tpu.memory_space<vmem_shared>> -> memref<80x128xf32, #tpu.memory_space<vmem_shared>>
        tpu.enqueue_dma source(%dma_start3A_141 : memref<80x128xf32, #tpu.memory_space<vmem_shared>>) target(%arg12 : memref<80x128xf32, #tpu.memory_space<vmem>>) target_semaphore(%run_scoped3A : memref<!tpu.dma_semaphore, #tpu.memory_space<semaphore_mem>>)
        %dma_wait3A = arith.constant 0 : i32
        %dma_wait3A_142 = tpu.memref_slice %arg16[%add3A_114, %dma_wait3A] : memref<10000x128xf32, #tpu.memory_space<vmem_shared>> -> memref<80x128xf32, #tpu.memory_space<vmem_shared>>
        %dma_wait3A_143 = arith.constant 0 : i32
        %dma_wait3A_144 = tpu.memref_slice %arg16[%add3A_114, %dma_wait3A_143] : memref<10000x128xf32, #tpu.memory_space<vmem_shared>> -> memref<80x128xf32, #tpu.memory_space<vmem_shared>>
        tpu.wait_dma2 semaphore(%run_scoped3A : memref<!tpu.dma_semaphore, #tpu.memory_space<semaphore_mem>>) src(%dma_wait3A_144 : memref<80x128xf32, #tpu.memory_space<vmem_shared>>) dst(%arg12 : memref<80x128xf32, #tpu.memory_space<vmem>>)
        tpu.yield
      }) : () -> ()
      "tpu.region"() ({
        %run_scoped3A = tpu.sem_alloc : memref<!tpu.dma_semaphore, #tpu.memory_space<semaphore_mem>>
        %dma_start3A_138 = arith.constant 0 : i32
        %dma_start3A_139 = tpu.memref_slice %arg6[%add3A_119, %dma_start3A_138] : memref<20000x128xf32, #tpu.memory_space<hbm>> -> memref<80x128xf32, #tpu.memory_space<hbm>>
        %dma_start3A_140 = arith.constant 0 : i32
        %dma_start3A_141 = tpu.memref_slice %arg6[%add3A_119, %dma_start3A_140] : memref<20000x128xf32, #tpu.memory_space<hbm>> -> memref<80x128xf32, #tpu.memory_space<hbm>>
        tpu.enqueue_dma source(%arg12 : memref<80x128xf32, #tpu.memory_space<vmem>>) target(%dma_start3A_141 : memref<80x128xf32, #tpu.memory_space<hbm>>) target_semaphore(%run_scoped3A : memref<!tpu.dma_semaphore, #tpu.memory_space<semaphore_mem>>)
        %dma_wait3A = arith.constant 0 : i32
        %dma_wait3A_142 = tpu.memref_slice %arg6[%add3A_119, %dma_wait3A] : memref<20000x128xf32, #tpu.memory_space<hbm>> -> memref<80x128xf32, #tpu.memory_space<hbm>>
        %dma_wait3A_143 = arith.constant 0 : i32
        %dma_wait3A_144 = tpu.memref_slice %arg6[%add3A_119, %dma_wait3A_143] : memref<20000x128xf32, #tpu.memory_space<hbm>> -> memref<80x128xf32, #tpu.memory_space<hbm>>
        tpu.wait_dma2 semaphore(%run_scoped3A : memref<!tpu.dma_semaphore, #tpu.memory_space<semaphore_mem>>) src(%arg12 : memref<80x128xf32, #tpu.memory_space<vmem>>) dst(%dma_wait3A_144 : memref<80x128xf32, #tpu.memory_space<hbm>>)
        tpu.yield
      }) : () -> ()
      %mul3A_120 = arith.constant 640 : i32
      %mul3A_121 = arith.muli %arg1, %mul3A_120 : i32
      %add3A_122 = arith.constant 240 : i32
      %add3A_123 = arith.addi %mul3A_121, %add3A_122 : i32
      %mul3A_124 = arith.constant 640 : i32
      %mul3A_125 = arith.muli %arg1, %mul3A_124 : i32
      %add3A_126 = arith.addi %mul3A_0, %mul3A_125 : i32
      %add3A_127 = arith.constant 240 : i32
      %add3A_128 = arith.addi %add3A_126, %add3A_127 : i32
      "tpu.region"() ({
        %run_scoped3A = tpu.sem_alloc : memref<!tpu.dma_semaphore, #tpu.memory_space<semaphore_mem>>
        %dma_start3A_138 = arith.constant 0 : i32
        %dma_start3A_139 = tpu.memref_slice %arg16[%add3A_123, %dma_start3A_138] : memref<10000x128xf32, #tpu.memory_space<vmem_shared>> -> memref<80x128xf32, #tpu.memory_space<vmem_shared>>
        %dma_start3A_140 = arith.constant 0 : i32
        %dma_start3A_141 = tpu.memref_slice %arg16[%add3A_123, %dma_start3A_140] : memref<10000x128xf32, #tpu.memory_space<vmem_shared>> -> memref<80x128xf32, #tpu.memory_space<vmem_shared>>
        tpu.enqueue_dma source(%dma_start3A_141 : memref<80x128xf32, #tpu.memory_space<vmem_shared>>) target(%arg12 : memref<80x128xf32, #tpu.memory_space<vmem>>) target_semaphore(%run_scoped3A : memref<!tpu.dma_semaphore, #tpu.memory_space<semaphore_mem>>)
        %dma_wait3A = arith.constant 0 : i32
        %dma_wait3A_142 = tpu.memref_slice %arg16[%add3A_123, %dma_wait3A] : memref<10000x128xf32, #tpu.memory_space<vmem_shared>> -> memref<80x128xf32, #tpu.memory_space<vmem_shared>>
        %dma_wait3A_143 = arith.constant 0 : i32
        %dma_wait3A_144 = tpu.memref_slice %arg16[%add3A_123, %dma_wait3A_143] : memref<10000x128xf32, #tpu.memory_space<vmem_shared>> -> memref<80x128xf32, #tpu.memory_space<vmem_shared>>
        tpu.wait_dma2 semaphore(%run_scoped3A : memref<!tpu.dma_semaphore, #tpu.memory_space<semaphore_mem>>) src(%dma_wait3A_144 : memref<80x128xf32, #tpu.memory_space<vmem_shared>>) dst(%arg12 : memref<80x128xf32, #tpu.memory_space<vmem>>)
        tpu.yield
      }) : () -> ()
      "tpu.region"() ({
        %run_scoped3A = tpu.sem_alloc : memref<!tpu.dma_semaphore, #tpu.memory_space<semaphore_mem>>
        %dma_start3A_138 = arith.constant 0 : i32
        %dma_start3A_139 = tpu.memref_slice %arg6[%add3A_128, %dma_start3A_138] : memref<20000x128xf32, #tpu.memory_space<hbm>> -> memref<80x128xf32, #tpu.memory_space<hbm>>
        %dma_start3A_140 = arith.constant 0 : i32
        %dma_start3A_141 = tpu.memref_slice %arg6[%add3A_128, %dma_start3A_140] : memref<20000x128xf32, #tpu.memory_space<hbm>> -> memref<80x128xf32, #tpu.memory_space<hbm>>
        tpu.enqueue_dma source(%arg12 : memref<80x128xf32, #tpu.memory_space<vmem>>) target(%dma_start3A_141 : memref<80x128xf32, #tpu.memory_space<hbm>>) target_semaphore(%run_scoped3A : memref<!tpu.dma_semaphore, #tpu.memory_space<semaphore_mem>>)
        %dma_wait3A = arith.constant 0 : i32
        %dma_wait3A_142 = tpu.memref_slice %arg6[%add3A_128, %dma_wait3A] : memref<20000x128xf32, #tpu.memory_space<hbm>> -> memref<80x128xf32, #tpu.memory_space<hbm>>
        %dma_wait3A_143 = arith.constant 0 : i32
        %dma_wait3A_144 = tpu.memref_slice %arg6[%add3A_128, %dma_wait3A_143] : memref<20000x128xf32, #tpu.memory_space<hbm>> -> memref<80x128xf32, #tpu.memory_space<hbm>>
        tpu.wait_dma2 semaphore(%run_scoped3A : memref<!tpu.dma_semaphore, #tpu.memory_space<semaphore_mem>>) src(%arg12 : memref<80x128xf32, #tpu.memory_space<vmem>>) dst(%dma_wait3A_144 : memref<80x128xf32, #tpu.memory_space<hbm>>)
        tpu.yield
      }) : () -> ()
      %mul3A_129 = arith.constant 640 : i32
      %mul3A_130 = arith.muli %arg1, %mul3A_129 : i32
      %add3A_131 = arith.constant 320 : i32
      %add3A_132 = arith.addi %mul3A_130, %add3A_131 : i32
      %mul3A_133 = arith.constant 640 : i32
      %mul3A_134 = arith.muli %arg1, %mul3A_133 : i32
      %add3A_135 = arith.addi %mul3A_0, %mul3A_134 : i32
      %add3A_136 = arith.constant 320 : i32
      %add3A_137 = arith.addi %add3A_135, %add3A_136 : i32
      "tpu.region"() ({
        %run_scoped3A = tpu.sem_alloc : memref<!tpu.dma_semaphore, #tpu.memory_space<semaphore_mem>>
        %dma_start3A_138 = arith.constant 0 : i32
        %dma_start3A_139 = tpu.memref_slice %arg16[%add3A_132, %dma_start3A_138] : memref<10000x128xf32, #tpu.memory_space<vmem_shared>> -> memref<80x128xf32, #tpu.memory_space<vmem_shared>>
        %dma_start3A_140 = arith.constant 0 : i32
        %dma_start3A_141 = tpu.memref_slice %arg16[%add3A_132, %dma_start3A_140] : memref<10000x128xf32, #tpu.memory_space<vmem_shared>> -> memref<80x128xf32, #tpu.memory_space<vmem_shared>>
        tpu.enqueue_dma source(%dma_start3A_141 : memref<80x128xf32, #tpu.memory_space<vmem_shared>>) target(%arg12 : memref<80x128xf32, #tpu.memory_space<vmem>>) target_semaphore(%run_scoped3A : memref<!tpu.dma_semaphore, #tpu.memory_space<semaphore_mem>>)
        %dma_wait3A = arith.constant 0 : i32
        %dma_wait3A_142 = tpu.memref_slice %arg16[%add3A_132, %dma_wait3A] : memref<10000x128xf32, #tpu.memory_space<vmem_shared>> -> memref<80x128xf32, #tpu.memory_space<vmem_shared>>
        %dma_wait3A_143 = arith.constant 0 : i32
        %dma_wait3A_144 = tpu.memref_slice %arg16[%add3A_132, %dma_wait3A_143] : memref<10000x128xf32, #tpu.memory_space<vmem_shared>> -> memref<80x128xf32, #tpu.memory_space<vmem_shared>>
        tpu.wait_dma2 semaphore(%run_scoped3A : memref<!tpu.dma_semaphore, #tpu.memory_space<semaphore_mem>>) src(%dma_wait3A_144 : memref<80x128xf32, #tpu.memory_space<vmem_shared>>) dst(%arg12 : memref<80x128xf32, #tpu.memory_space<vmem>>)
        tpu.yield
      }) : () -> ()
      "tpu.region"() ({
        %run_scoped3A = tpu.sem_alloc : memref<!tpu.dma_semaphore, #tpu.memory_space<semaphore_mem>>
        %dma_start3A_138 = arith.constant 0 : i32
        %dma_start3A_139 = tpu.memref_slice %arg6[%add3A_137, %dma_start3A_138] : memref<20000x128xf32, #tpu.memory_space<hbm>> -> memref<80x128xf32, #tpu.memory_space<hbm>>
        %dma_start3A_140 = arith.constant 0 : i32
        %dma_start3A_141 = tpu.memref_slice %arg6[%add3A_137, %dma_start3A_140] : memref<20000x128xf32, #tpu.memory_space<hbm>> -> memref<80x128xf32, #tpu.memory_space<hbm>>
        tpu.enqueue_dma source(%arg12 : memref<80x128xf32, #tpu.memory_space<vmem>>) target(%dma_start3A_141 : memref<80x128xf32, #tpu.memory_space<hbm>>) target_semaphore(%run_scoped3A : memref<!tpu.dma_semaphore, #tpu.memory_space<semaphore_mem>>)
        %dma_wait3A = arith.constant 0 : i32
        %dma_wait3A_142 = tpu.memref_slice %arg6[%add3A_137, %dma_wait3A] : memref<20000x128xf32, #tpu.memory_space<hbm>> -> memref<80x128xf32, #tpu.memory_space<hbm>>
        %dma_wait3A_143 = arith.constant 0 : i32
        %dma_wait3A_144 = tpu.memref_slice %arg6[%add3A_137, %dma_wait3A_143] : memref<20000x128xf32, #tpu.memory_space<hbm>> -> memref<80x128xf32, #tpu.memory_space<hbm>>
        tpu.wait_dma2 semaphore(%run_scoped3A : memref<!tpu.dma_semaphore, #tpu.memory_space<semaphore_mem>>) src(%arg12 : memref<80x128xf32, #tpu.memory_space<vmem>>) dst(%dma_wait3A_144 : memref<80x128xf32, #tpu.memory_space<hbm>>)
        tpu.yield
      }) : () -> ()
    } else {
    }
    %barrier3A_44 = arith.constant 0 : index
    tpu.barrier barrier_id(%barrier3A_44)
    %scan3A_45 = arith.constant 0 : i32
    %scan3A_46 = arith.constant 0 : i32
    %scan3A_47 = arith.constant 80 : i32
    %scan3A_48 = arith.addi %scan3A_46, %scan3A_47 : i32
    %scan3A_49 = arith.constant 1 : i32
    scf.for %scan3A_93 = %scan3A_46 to %scan3A_48 step %scan3A_49  : i32 {
      %swap3A = arith.index_cast %scan3A_93 : i32 to index
      %swap3A_94 = arith.constant 0 : index
      %swap3A_95 = tpu.vector_load %arg12[%swap3A, %swap3A_94] {strides = array<i32>} : memref<80x128xf32, #tpu.memory_space<vmem>>, vector<1x16xf32>,
      %swap3A_96 = vector.shape_cast %swap3A_95 : vector<1x16xf32> to vector<16xf32>
      %swap3A_97 = vector.shape_cast %broadcast_in_dim3A_3 : vector<16xf32> to vector<1x16xf32>
      tpu.vector_store %arg12[%swap3A, %swap3A_94], %swap3A_97 {strides = array<i32>} : memref<80x128xf32, #tpu.memory_space<vmem>>, vector<1x16xf32>,
      %swap3A_98 = arith.index_cast %scan3A_93 : i32 to index
      %swap3A_99 = arith.constant 16 : index
      %swap3A_100 = tpu.vector_load %arg12[%swap3A_98, %swap3A_99] {strides = array<i32>} : memref<80x128xf32, #tpu.memory_space<vmem>>, vector<1x16xf32>,
      %swap3A_101 = vector.shape_cast %swap3A_100 : vector<1x16xf32> to vector<16xf32>
      %swap3A_102 = vector.shape_cast %broadcast_in_dim3A_3 : vector<16xf32> to vector<1x16xf32>
      tpu.vector_store %arg12[%swap3A_98, %swap3A_99], %swap3A_102 {strides = array<i32>} : memref<80x128xf32, #tpu.memory_space<vmem>>, vector<1x16xf32>,
      %swap3A_103 = arith.index_cast %scan3A_93 : i32 to index
      %swap3A_104 = arith.constant 32 : index
      %swap3A_105 = tpu.vector_load %arg12[%swap3A_103, %swap3A_104] {strides = array<i32>} : memref<80x128xf32, #tpu.memory_space<vmem>>, vector<1x16xf32>,
      %swap3A_106 = vector.shape_cast %swap3A_105 : vector<1x16xf32> to vector<16xf32>
      %swap3A_107 = vector.shape_cast %broadcast_in_dim3A_3 : vector<16xf32> to vector<1x16xf32>
      tpu.vector_store %arg12[%swap3A_103, %swap3A_104], %swap3A_107 {strides = array<i32>} : memref<80x128xf32, #tpu.memory_space<vmem>>, vector<1x16xf32>,
      %swap3A_108 = arith.index_cast %scan3A_93 : i32 to index
      %swap3A_109 = arith.constant 48 : index
      %swap3A_110 = tpu.vector_load %arg12[%swap3A_108, %swap3A_109] {strides = array<i32>} : memref<80x128xf32, #tpu.memory_space<vmem>>, vector<1x16xf32>,
      %swap3A_111 = vector.shape_cast %swap3A_110 : vector<1x16xf32> to vector<16xf32>
      %swap3A_112 = vector.shape_cast %broadcast_in_dim3A_3 : vector<16xf32> to vector<1x16xf32>
      tpu.vector_store %arg12[%swap3A_108, %swap3A_109], %swap3A_112 {strides = array<i32>} : memref<80x128xf32, #tpu.memory_space<vmem>>, vector<1x16xf32>,
      %swap3A_113 = arith.index_cast %scan3A_93 : i32 to index
      %swap3A_114 = arith.constant 64 : index
      %swap3A_115 = tpu.vector_load %arg12[%swap3A_113, %swap3A_114] {strides = array<i32>} : memref<80x128xf32, #tpu.memory_space<vmem>>, vector<1x16xf32>,
      %swap3A_116 = vector.shape_cast %swap3A_115 : vector<1x16xf32> to vector<16xf32>
      %swap3A_117 = vector.shape_cast %broadcast_in_dim3A_3 : vector<16xf32> to vector<1x16xf32>
      tpu.vector_store %arg12[%swap3A_113, %swap3A_114], %swap3A_117 {strides = array<i32>} : memref<80x128xf32, #tpu.memory_space<vmem>>, vector<1x16xf32>,
      %swap3A_118 = arith.index_cast %scan3A_93 : i32 to index
      %swap3A_119 = arith.constant 80 : index
      %swap3A_120 = tpu.vector_load %arg12[%swap3A_118, %swap3A_119] {strides = array<i32>} : memref<80x128xf32, #tpu.memory_space<vmem>>, vector<1x16xf32>,
      %swap3A_121 = vector.shape_cast %swap3A_120 : vector<1x16xf32> to vector<16xf32>
      %swap3A_122 = vector.shape_cast %broadcast_in_dim3A_3 : vector<16xf32> to vector<1x16xf32>
      tpu.vector_store %arg12[%swap3A_118, %swap3A_119], %swap3A_122 {strides = array<i32>} : memref<80x128xf32, #tpu.memory_space<vmem>>, vector<1x16xf32>,
      %swap3A_123 = arith.index_cast %scan3A_93 : i32 to index
      %swap3A_124 = arith.constant 96 : index
      %swap3A_125 = tpu.vector_load %arg12[%swap3A_123, %swap3A_124] {strides = array<i32>} : memref<80x128xf32, #tpu.memory_space<vmem>>, vector<1x16xf32>,
      %swap3A_126 = vector.shape_cast %swap3A_125 : vector<1x16xf32> to vector<16xf32>
      %swap3A_127 = vector.shape_cast %broadcast_in_dim3A_3 : vector<16xf32> to vector<1x16xf32>
      tpu.vector_store %arg12[%swap3A_123, %swap3A_124], %swap3A_127 {strides = array<i32>} : memref<80x128xf32, #tpu.memory_space<vmem>>, vector<1x16xf32>,
      %swap3A_128 = arith.index_cast %scan3A_93 : i32 to index
      %swap3A_129 = arith.constant 112 : index
      %swap3A_130 = tpu.vector_load %arg12[%swap3A_128, %swap3A_129] {strides = array<i32>} : memref<80x128xf32, #tpu.memory_space<vmem>>, vector<1x16xf32>,
      %swap3A_131 = vector.shape_cast %swap3A_130 : vector<1x16xf32> to vector<16xf32>
      %swap3A_132 = vector.shape_cast %broadcast_in_dim3A_3 : vector<16xf32> to vector<1x16xf32>
      tpu.vector_store %arg12[%swap3A_128, %swap3A_129], %swap3A_132 {strides = array<i32>} : memref<80x128xf32, #tpu.memory_space<vmem>>, vector<1x16xf32>,
    }
    %scan3A_50 = arith.constant 80 : i32
    %lt3A_51 = arith.constant 15 : i32
    %lt3A_52 = arith.cmpi slt, %arg1, %lt3A_51 : i32
    %convert_element_type3A_53 = arith.extui %lt3A_52 : i1 to i32
    %cond3A_54 = arith.constant 0 : i32
    %cond3A_55 = arith.cmpi ne, %convert_element_type3A_53, %cond3A_54 : i32
    scf.if %cond3A_55 {
      %mul3A_93 = arith.constant 640 : i32
      %mul3A_94 = arith.muli %arg1, %mul3A_93 : i32
      %add3A_95 = arith.constant 0 : i32
      %add3A_96 = arith.addi %mul3A_94, %add3A_95 : i32
      "tpu.region"() ({
        %run_scoped3A = tpu.sem_alloc : memref<!tpu.dma_semaphore, #tpu.memory_space<semaphore_mem>>
        %dma_start3A_125 = arith.constant 0 : i32
        %dma_start3A_126 = tpu.memref_slice %arg16[%add3A_96, %dma_start3A_125] : memref<10000x128xf32, #tpu.memory_space<vmem_shared>> -> memref<80x128xf32, #tpu.memory_space<vmem_shared>>
        %dma_start3A_127 = arith.constant 0 : i32
        %dma_start3A_128 = tpu.memref_slice %arg16[%add3A_96, %dma_start3A_127] : memref<10000x128xf32, #tpu.memory_space<vmem_shared>> -> memref<80x128xf32, #tpu.memory_space<vmem_shared>>
        tpu.enqueue_dma source(%arg12 : memref<80x128xf32, #tpu.memory_space<vmem>>) target(%dma_start3A_128 : memref<80x128xf32, #tpu.memory_space<vmem_shared>>) target_semaphore(%run_scoped3A : memref<!tpu.dma_semaphore, #tpu.memory_space<semaphore_mem>>)
        %dma_wait3A = arith.constant 0 : i32
        %dma_wait3A_129 = tpu.memref_slice %arg16[%add3A_96, %dma_wait3A] : memref<10000x128xf32, #tpu.memory_space<vmem_shared>> -> memref<80x128xf32, #tpu.memory_space<vmem_shared>>
        %dma_wait3A_130 = arith.constant 0 : i32
        %dma_wait3A_131 = tpu.memref_slice %arg16[%add3A_96, %dma_wait3A_130] : memref<10000x128xf32, #tpu.memory_space<vmem_shared>> -> memref<80x128xf32, #tpu.memory_space<vmem_shared>>
        tpu.wait_dma2 semaphore(%run_scoped3A : memref<!tpu.dma_semaphore, #tpu.memory_space<semaphore_mem>>) src(%arg12 : memref<80x128xf32, #tpu.memory_space<vmem>>) dst(%dma_wait3A_131 : memref<80x128xf32, #tpu.memory_space<vmem_shared>>)
        tpu.yield
      }) : () -> ()
      %mul3A_97 = arith.constant 640 : i32
      %mul3A_98 = arith.muli %arg1, %mul3A_97 : i32
      %add3A_99 = arith.constant 80 : i32
      %add3A_100 = arith.addi %mul3A_98, %add3A_99 : i32
      "tpu.region"() ({
        %run_scoped3A = tpu.sem_alloc : memref<!tpu.dma_semaphore, #tpu.memory_space<semaphore_mem>>
        %dma_start3A_125 = arith.constant 0 : i32
        %dma_start3A_126 = tpu.memref_slice %arg16[%add3A_100, %dma_start3A_125] : memref<10000x128xf32, #tpu.memory_space<vmem_shared>> -> memref<80x128xf32, #tpu.memory_space<vmem_shared>>
        %dma_start3A_127 = arith.constant 0 : i32
        %dma_start3A_128 = tpu.memref_slice %arg16[%add3A_100, %dma_start3A_127] : memref<10000x128xf32, #tpu.memory_space<vmem_shared>> -> memref<80x128xf32, #tpu.memory_space<vmem_shared>>
        tpu.enqueue_dma source(%arg12 : memref<80x128xf32, #tpu.memory_space<vmem>>) target(%dma_start3A_128 : memref<80x128xf32, #tpu.memory_space<vmem_shared>>) target_semaphore(%run_scoped3A : memref<!tpu.dma_semaphore, #tpu.memory_space<semaphore_mem>>)
        %dma_wait3A = arith.constant 0 : i32
        %dma_wait3A_129 = tpu.memref_slice %arg16[%add3A_100, %dma_wait3A] : memref<10000x128xf32, #tpu.memory_space<vmem_shared>> -> memref<80x128xf32, #tpu.memory_space<vmem_shared>>
        %dma_wait3A_130 = arith.constant 0 : i32
        %dma_wait3A_131 = tpu.memref_slice %arg16[%add3A_100, %dma_wait3A_130] : memref<10000x128xf32, #tpu.memory_space<vmem_shared>> -> memref<80x128xf32, #tpu.memory_space<vmem_shared>>
        tpu.wait_dma2 semaphore(%run_scoped3A : memref<!tpu.dma_semaphore, #tpu.memory_space<semaphore_mem>>) src(%arg12 : memref<80x128xf32, #tpu.memory_space<vmem>>) dst(%dma_wait3A_131 : memref<80x128xf32, #tpu.memory_space<vmem_shared>>)
        tpu.yield
      }) : () -> ()
      %mul3A_101 = arith.constant 640 : i32
      %mul3A_102 = arith.muli %arg1, %mul3A_101 : i32
      %add3A_103 = arith.constant 160 : i32
      %add3A_104 = arith.addi %mul3A_102, %add3A_103 : i32
      "tpu.region"() ({
        %run_scoped3A = tpu.sem_alloc : memref<!tpu.dma_semaphore, #tpu.memory_space<semaphore_mem>>
        %dma_start3A_125 = arith.constant 0 : i32
        %dma_start3A_126 = tpu.memref_slice %arg16[%add3A_104, %dma_start3A_125] : memref<10000x128xf32, #tpu.memory_space<vmem_shared>> -> memref<80x128xf32, #tpu.memory_space<vmem_shared>>
        %dma_start3A_127 = arith.constant 0 : i32
        %dma_start3A_128 = tpu.memref_slice %arg16[%add3A_104, %dma_start3A_127] : memref<10000x128xf32, #tpu.memory_space<vmem_shared>> -> memref<80x128xf32, #tpu.memory_space<vmem_shared>>
        tpu.enqueue_dma source(%arg12 : memref<80x128xf32, #tpu.memory_space<vmem>>) target(%dma_start3A_128 : memref<80x128xf32, #tpu.memory_space<vmem_shared>>) target_semaphore(%run_scoped3A : memref<!tpu.dma_semaphore, #tpu.memory_space<semaphore_mem>>)
        %dma_wait3A = arith.constant 0 : i32
        %dma_wait3A_129 = tpu.memref_slice %arg16[%add3A_104, %dma_wait3A] : memref<10000x128xf32, #tpu.memory_space<vmem_shared>> -> memref<80x128xf32, #tpu.memory_space<vmem_shared>>
        %dma_wait3A_130 = arith.constant 0 : i32
        %dma_wait3A_131 = tpu.memref_slice %arg16[%add3A_104, %dma_wait3A_130] : memref<10000x128xf32, #tpu.memory_space<vmem_shared>> -> memref<80x128xf32, #tpu.memory_space<vmem_shared>>
        tpu.wait_dma2 semaphore(%run_scoped3A : memref<!tpu.dma_semaphore, #tpu.memory_space<semaphore_mem>>) src(%arg12 : memref<80x128xf32, #tpu.memory_space<vmem>>) dst(%dma_wait3A_131 : memref<80x128xf32, #tpu.memory_space<vmem_shared>>)
        tpu.yield
      }) : () -> ()
      %mul3A_105 = arith.constant 640 : i32
      %mul3A_106 = arith.muli %arg1, %mul3A_105 : i32
      %add3A_107 = arith.constant 240 : i32
      %add3A_108 = arith.addi %mul3A_106, %add3A_107 : i32
      "tpu.region"() ({
        %run_scoped3A = tpu.sem_alloc : memref<!tpu.dma_semaphore, #tpu.memory_space<semaphore_mem>>
        %dma_start3A_125 = arith.constant 0 : i32
        %dma_start3A_126 = tpu.memref_slice %arg16[%add3A_108, %dma_start3A_125] : memref<10000x128xf32, #tpu.memory_space<vmem_shared>> -> memref<80x128xf32, #tpu.memory_space<vmem_shared>>
        %dma_start3A_127 = arith.constant 0 : i32
        %dma_start3A_128 = tpu.memref_slice %arg16[%add3A_108, %dma_start3A_127] : memref<10000x128xf32, #tpu.memory_space<vmem_shared>> -> memref<80x128xf32, #tpu.memory_space<vmem_shared>>
        tpu.enqueue_dma source(%arg12 : memref<80x128xf32, #tpu.memory_space<vmem>>) target(%dma_start3A_128 : memref<80x128xf32, #tpu.memory_space<vmem_shared>>) target_semaphore(%run_scoped3A : memref<!tpu.dma_semaphore, #tpu.memory_space<semaphore_mem>>)
        %dma_wait3A = arith.constant 0 : i32
        %dma_wait3A_129 = tpu.memref_slice %arg16[%add3A_108, %dma_wait3A] : memref<10000x128xf32, #tpu.memory_space<vmem_shared>> -> memref<80x128xf32, #tpu.memory_space<vmem_shared>>
        %dma_wait3A_130 = arith.constant 0 : i32
        %dma_wait3A_131 = tpu.memref_slice %arg16[%add3A_108, %dma_wait3A_130] : memref<10000x128xf32, #tpu.memory_space<vmem_shared>> -> memref<80x128xf32, #tpu.memory_space<vmem_shared>>
        tpu.wait_dma2 semaphore(%run_scoped3A : memref<!tpu.dma_semaphore, #tpu.memory_space<semaphore_mem>>) src(%arg12 : memref<80x128xf32, #tpu.memory_space<vmem>>) dst(%dma_wait3A_131 : memref<80x128xf32, #tpu.memory_space<vmem_shared>>)
        tpu.yield
      }) : () -> ()
      %mul3A_109 = arith.constant 640 : i32
      %mul3A_110 = arith.muli %arg1, %mul3A_109 : i32
      %add3A_111 = arith.constant 320 : i32
      %add3A_112 = arith.addi %mul3A_110, %add3A_111 : i32
      "tpu.region"() ({
        %run_scoped3A = tpu.sem_alloc : memref<!tpu.dma_semaphore, #tpu.memory_space<semaphore_mem>>
        %dma_start3A_125 = arith.constant 0 : i32
        %dma_start3A_126 = tpu.memref_slice %arg16[%add3A_112, %dma_start3A_125] : memref<10000x128xf32, #tpu.memory_space<vmem_shared>> -> memref<80x128xf32, #tpu.memory_space<vmem_shared>>
        %dma_start3A_127 = arith.constant 0 : i32
        %dma_start3A_128 = tpu.memref_slice %arg16[%add3A_112, %dma_start3A_127] : memref<10000x128xf32, #tpu.memory_space<vmem_shared>> -> memref<80x128xf32, #tpu.memory_space<vmem_shared>>
        tpu.enqueue_dma source(%arg12 : memref<80x128xf32, #tpu.memory_space<vmem>>) target(%dma_start3A_128 : memref<80x128xf32, #tpu.memory_space<vmem_shared>>) target_semaphore(%run_scoped3A : memref<!tpu.dma_semaphore, #tpu.memory_space<semaphore_mem>>)
        %dma_wait3A = arith.constant 0 : i32
        %dma_wait3A_129 = tpu.memref_slice %arg16[%add3A_112, %dma_wait3A] : memref<10000x128xf32, #tpu.memory_space<vmem_shared>> -> memref<80x128xf32, #tpu.memory_space<vmem_shared>>
        %dma_wait3A_130 = arith.constant 0 : i32
        %dma_wait3A_131 = tpu.memref_slice %arg16[%add3A_112, %dma_wait3A_130] : memref<10000x128xf32, #tpu.memory_space<vmem_shared>> -> memref<80x128xf32, #tpu.memory_space<vmem_shared>>
        tpu.wait_dma2 semaphore(%run_scoped3A : memref<!tpu.dma_semaphore, #tpu.memory_space<semaphore_mem>>) src(%arg12 : memref<80x128xf32, #tpu.memory_space<vmem>>) dst(%dma_wait3A_131 : memref<80x128xf32, #tpu.memory_space<vmem_shared>>)
        tpu.yield
      }) : () -> ()
      %mul3A_113 = arith.constant 640 : i32
      %mul3A_114 = arith.muli %arg1, %mul3A_113 : i32
      %add3A_115 = arith.constant 400 : i32
      %add3A_116 = arith.addi %mul3A_114, %add3A_115 : i32
      "tpu.region"() ({
        %run_scoped3A = tpu.sem_alloc : memref<!tpu.dma_semaphore, #tpu.memory_space<semaphore_mem>>
        %dma_start3A_125 = arith.constant 0 : i32
        %dma_start3A_126 = tpu.memref_slice %arg16[%add3A_116, %dma_start3A_125] : memref<10000x128xf32, #tpu.memory_space<vmem_shared>> -> memref<80x128xf32, #tpu.memory_space<vmem_shared>>
        %dma_start3A_127 = arith.constant 0 : i32
        %dma_start3A_128 = tpu.memref_slice %arg16[%add3A_116, %dma_start3A_127] : memref<10000x128xf32, #tpu.memory_space<vmem_shared>> -> memref<80x128xf32, #tpu.memory_space<vmem_shared>>
        tpu.enqueue_dma source(%arg12 : memref<80x128xf32, #tpu.memory_space<vmem>>) target(%dma_start3A_128 : memref<80x128xf32, #tpu.memory_space<vmem_shared>>) target_semaphore(%run_scoped3A : memref<!tpu.dma_semaphore, #tpu.memory_space<semaphore_mem>>)
        %dma_wait3A = arith.constant 0 : i32
        %dma_wait3A_129 = tpu.memref_slice %arg16[%add3A_116, %dma_wait3A] : memref<10000x128xf32, #tpu.memory_space<vmem_shared>> -> memref<80x128xf32, #tpu.memory_space<vmem_shared>>
        %dma_wait3A_130 = arith.constant 0 : i32
        %dma_wait3A_131 = tpu.memref_slice %arg16[%add3A_116, %dma_wait3A_130] : memref<10000x128xf32, #tpu.memory_space<vmem_shared>> -> memref<80x128xf32, #tpu.memory_space<vmem_shared>>
        tpu.wait_dma2 semaphore(%run_scoped3A : memref<!tpu.dma_semaphore, #tpu.memory_space<semaphore_mem>>) src(%arg12 : memref<80x128xf32, #tpu.memory_space<vmem>>) dst(%dma_wait3A_131 : memref<80x128xf32, #tpu.memory_space<vmem_shared>>)
        tpu.yield
      }) : () -> ()
      %mul3A_117 = arith.constant 640 : i32
      %mul3A_118 = arith.muli %arg1, %mul3A_117 : i32
      %add3A_119 = arith.constant 480 : i32
      %add3A_120 = arith.addi %mul3A_118, %add3A_119 : i32
      "tpu.region"() ({
        %run_scoped3A = tpu.sem_alloc : memref<!tpu.dma_semaphore, #tpu.memory_space<semaphore_mem>>
        %dma_start3A_125 = arith.constant 0 : i32
        %dma_start3A_126 = tpu.memref_slice %arg16[%add3A_120, %dma_start3A_125] : memref<10000x128xf32, #tpu.memory_space<vmem_shared>> -> memref<80x128xf32, #tpu.memory_space<vmem_shared>>
        %dma_start3A_127 = arith.constant 0 : i32
        %dma_start3A_128 = tpu.memref_slice %arg16[%add3A_120, %dma_start3A_127] : memref<10000x128xf32, #tpu.memory_space<vmem_shared>> -> memref<80x128xf32, #tpu.memory_space<vmem_shared>>
        tpu.enqueue_dma source(%arg12 : memref<80x128xf32, #tpu.memory_space<vmem>>) target(%dma_start3A_128 : memref<80x128xf32, #tpu.memory_space<vmem_shared>>) target_semaphore(%run_scoped3A : memref<!tpu.dma_semaphore, #tpu.memory_space<semaphore_mem>>)
        %dma_wait3A = arith.constant 0 : i32
        %dma_wait3A_129 = tpu.memref_slice %arg16[%add3A_120, %dma_wait3A] : memref<10000x128xf32, #tpu.memory_space<vmem_shared>> -> memref<80x128xf32, #tpu.memory_space<vmem_shared>>
        %dma_wait3A_130 = arith.constant 0 : i32
        %dma_wait3A_131 = tpu.memref_slice %arg16[%add3A_120, %dma_wait3A_130] : memref<10000x128xf32, #tpu.memory_space<vmem_shared>> -> memref<80x128xf32, #tpu.memory_space<vmem_shared>>
        tpu.wait_dma2 semaphore(%run_scoped3A : memref<!tpu.dma_semaphore, #tpu.memory_space<semaphore_mem>>) src(%arg12 : memref<80x128xf32, #tpu.memory_space<vmem>>) dst(%dma_wait3A_131 : memref<80x128xf32, #tpu.memory_space<vmem_shared>>)
        tpu.yield
      }) : () -> ()
      %mul3A_121 = arith.constant 640 : i32
      %mul3A_122 = arith.muli %arg1, %mul3A_121 : i32
      %add3A_123 = arith.constant 560 : i32
      %add3A_124 = arith.addi %mul3A_122, %add3A_123 : i32
      "tpu.region"() ({
        %run_scoped3A = tpu.sem_alloc : memref<!tpu.dma_semaphore, #tpu.memory_space<semaphore_mem>>
        %dma_start3A_125 = arith.constant 0 : i32
        %dma_start3A_126 = tpu.memref_slice %arg16[%add3A_124, %dma_start3A_125] : memref<10000x128xf32, #tpu.memory_space<vmem_shared>> -> memref<80x128xf32, #tpu.memory_space<vmem_shared>>
        %dma_start3A_127 = arith.constant 0 : i32
        %dma_start3A_128 = tpu.memref_slice %arg16[%add3A_124, %dma_start3A_127] : memref<10000x128xf32, #tpu.memory_space<vmem_shared>> -> memref<80x128xf32, #tpu.memory_space<vmem_shared>>
        tpu.enqueue_dma source(%arg12 : memref<80x128xf32, #tpu.memory_space<vmem>>) target(%dma_start3A_128 : memref<80x128xf32, #tpu.memory_space<vmem_shared>>) target_semaphore(%run_scoped3A : memref<!tpu.dma_semaphore, #tpu.memory_space<semaphore_mem>>)
        %dma_wait3A = arith.constant 0 : i32
        %dma_wait3A_129 = tpu.memref_slice %arg16[%add3A_124, %dma_wait3A] : memref<10000x128xf32, #tpu.memory_space<vmem_shared>> -> memref<80x128xf32, #tpu.memory_space<vmem_shared>>
        %dma_wait3A_130 = arith.constant 0 : i32
        %dma_wait3A_131 = tpu.memref_slice %arg16[%add3A_124, %dma_wait3A_130] : memref<10000x128xf32, #tpu.memory_space<vmem_shared>> -> memref<80x128xf32, #tpu.memory_space<vmem_shared>>
        tpu.wait_dma2 semaphore(%run_scoped3A : memref<!tpu.dma_semaphore, #tpu.memory_space<semaphore_mem>>) src(%arg12 : memref<80x128xf32, #tpu.memory_space<vmem>>) dst(%dma_wait3A_131 : memref<80x128xf32, #tpu.memory_space<vmem_shared>>)
        tpu.yield
      }) : () -> ()
    } else {
    }
    %eq3A_56 = arith.constant 15 : i32
    %eq3A_57 = arith.cmpi eq, %arg1, %eq3A_56 : i32
    %convert_element_type3A_58 = arith.extui %eq3A_57 : i1 to i32
    %cond3A_59 = arith.constant 0 : i32
    %cond3A_60 = arith.cmpi ne, %convert_element_type3A_58, %cond3A_59 : i32
    scf.if %cond3A_60 {
      %mul3A_93 = arith.constant 640 : i32
      %mul3A_94 = arith.muli %arg1, %mul3A_93 : i32
      %add3A_95 = arith.constant 0 : i32
      %add3A_96 = arith.addi %mul3A_94, %add3A_95 : i32
      "tpu.region"() ({
        %run_scoped3A = tpu.sem_alloc : memref<!tpu.dma_semaphore, #tpu.memory_space<semaphore_mem>>
        %dma_start3A_113 = arith.constant 0 : i32
        %dma_start3A_114 = tpu.memref_slice %arg16[%add3A_96, %dma_start3A_113] : memref<10000x128xf32, #tpu.memory_space<vmem_shared>> -> memref<80x128xf32, #tpu.memory_space<vmem_shared>>
        %dma_start3A_115 = arith.constant 0 : i32
        %dma_start3A_116 = tpu.memref_slice %arg16[%add3A_96, %dma_start3A_115] : memref<10000x128xf32, #tpu.memory_space<vmem_shared>> -> memref<80x128xf32, #tpu.memory_space<vmem_shared>>
        tpu.enqueue_dma source(%arg12 : memref<80x128xf32, #tpu.memory_space<vmem>>) target(%dma_start3A_116 : memref<80x128xf32, #tpu.memory_space<vmem_shared>>) target_semaphore(%run_scoped3A : memref<!tpu.dma_semaphore, #tpu.memory_space<semaphore_mem>>)
        %dma_wait3A = arith.constant 0 : i32
        %dma_wait3A_117 = tpu.memref_slice %arg16[%add3A_96, %dma_wait3A] : memref<10000x128xf32, #tpu.memory_space<vmem_shared>> -> memref<80x128xf32, #tpu.memory_space<vmem_shared>>
        %dma_wait3A_118 = arith.constant 0 : i32
        %dma_wait3A_119 = tpu.memref_slice %arg16[%add3A_96, %dma_wait3A_118] : memref<10000x128xf32, #tpu.memory_space<vmem_shared>> -> memref<80x128xf32, #tpu.memory_space<vmem_shared>>
        tpu.wait_dma2 semaphore(%run_scoped3A : memref<!tpu.dma_semaphore, #tpu.memory_space<semaphore_mem>>) src(%arg12 : memref<80x128xf32, #tpu.memory_space<vmem>>) dst(%dma_wait3A_119 : memref<80x128xf32, #tpu.memory_space<vmem_shared>>)
        tpu.yield
      }) : () -> ()
      %mul3A_97 = arith.constant 640 : i32
      %mul3A_98 = arith.muli %arg1, %mul3A_97 : i32
      %add3A_99 = arith.constant 80 : i32
      %add3A_100 = arith.addi %mul3A_98, %add3A_99 : i32
      "tpu.region"() ({
        %run_scoped3A = tpu.sem_alloc : memref<!tpu.dma_semaphore, #tpu.memory_space<semaphore_mem>>
        %dma_start3A_113 = arith.constant 0 : i32
        %dma_start3A_114 = tpu.memref_slice %arg16[%add3A_100, %dma_start3A_113] : memref<10000x128xf32, #tpu.memory_space<vmem_shared>> -> memref<80x128xf32, #tpu.memory_space<vmem_shared>>
        %dma_start3A_115 = arith.constant 0 : i32
        %dma_start3A_116 = tpu.memref_slice %arg16[%add3A_100, %dma_start3A_115] : memref<10000x128xf32, #tpu.memory_space<vmem_shared>> -> memref<80x128xf32, #tpu.memory_space<vmem_shared>>
        tpu.enqueue_dma source(%arg12 : memref<80x128xf32, #tpu.memory_space<vmem>>) target(%dma_start3A_116 : memref<80x128xf32, #tpu.memory_space<vmem_shared>>) target_semaphore(%run_scoped3A : memref<!tpu.dma_semaphore, #tpu.memory_space<semaphore_mem>>)
        %dma_wait3A = arith.constant 0 : i32
        %dma_wait3A_117 = tpu.memref_slice %arg16[%add3A_100, %dma_wait3A] : memref<10000x128xf32, #tpu.memory_space<vmem_shared>> -> memref<80x128xf32, #tpu.memory_space<vmem_shared>>
        %dma_wait3A_118 = arith.constant 0 : i32
        %dma_wait3A_119 = tpu.memref_slice %arg16[%add3A_100, %dma_wait3A_118] : memref<10000x128xf32, #tpu.memory_space<vmem_shared>> -> memref<80x128xf32, #tpu.memory_space<vmem_shared>>
        tpu.wait_dma2 semaphore(%run_scoped3A : memref<!tpu.dma_semaphore, #tpu.memory_space<semaphore_mem>>) src(%arg12 : memref<80x128xf32, #tpu.memory_space<vmem>>) dst(%dma_wait3A_119 : memref<80x128xf32, #tpu.memory_space<vmem_shared>>)
        tpu.yield
      }) : () -> ()
      %mul3A_101 = arith.constant 640 : i32
      %mul3A_102 = arith.muli %arg1, %mul3A_101 : i32
      %add3A_103 = arith.constant 160 : i32
      %add3A_104 = arith.addi %mul3A_102, %add3A_103 : i32
      "tpu.region"() ({
        %run_scoped3A = tpu.sem_alloc : memref<!tpu.dma_semaphore, #tpu.memory_space<semaphore_mem>>
        %dma_start3A_113 = arith.constant 0 : i32
        %dma_start3A_114 = tpu.memref_slice %arg16[%add3A_104, %dma_start3A_113] : memref<10000x128xf32, #tpu.memory_space<vmem_shared>> -> memref<80x128xf32, #tpu.memory_space<vmem_shared>>
        %dma_start3A_115 = arith.constant 0 : i32
        %dma_start3A_116 = tpu.memref_slice %arg16[%add3A_104, %dma_start3A_115] : memref<10000x128xf32, #tpu.memory_space<vmem_shared>> -> memref<80x128xf32, #tpu.memory_space<vmem_shared>>
        tpu.enqueue_dma source(%arg12 : memref<80x128xf32, #tpu.memory_space<vmem>>) target(%dma_start3A_116 : memref<80x128xf32, #tpu.memory_space<vmem_shared>>) target_semaphore(%run_scoped3A : memref<!tpu.dma_semaphore, #tpu.memory_space<semaphore_mem>>)
        %dma_wait3A = arith.constant 0 : i32
        %dma_wait3A_117 = tpu.memref_slice %arg16[%add3A_104, %dma_wait3A] : memref<10000x128xf32, #tpu.memory_space<vmem_shared>> -> memref<80x128xf32, #tpu.memory_space<vmem_shared>>
        %dma_wait3A_118 = arith.constant 0 : i32
        %dma_wait3A_119 = tpu.memref_slice %arg16[%add3A_104, %dma_wait3A_118] : memref<10000x128xf32, #tpu.memory_space<vmem_shared>> -> memref<80x128xf32, #tpu.memory_space<vmem_shared>>
        tpu.wait_dma2 semaphore(%run_scoped3A : memref<!tpu.dma_semaphore, #tpu.memory_space<semaphore_mem>>) src(%arg12 : memref<80x128xf32, #tpu.memory_space<vmem>>) dst(%dma_wait3A_119 : memref<80x128xf32, #tpu.memory_space<vmem_shared>>)
        tpu.yield
      }) : () -> ()
      %mul3A_105 = arith.constant 640 : i32
      %mul3A_106 = arith.muli %arg1, %mul3A_105 : i32
      %add3A_107 = arith.constant 240 : i32
      %add3A_108 = arith.addi %mul3A_106, %add3A_107 : i32
      "tpu.region"() ({
        %run_scoped3A = tpu.sem_alloc : memref<!tpu.dma_semaphore, #tpu.memory_space<semaphore_mem>>
        %dma_start3A_113 = arith.constant 0 : i32
        %dma_start3A_114 = tpu.memref_slice %arg16[%add3A_108, %dma_start3A_113] : memref<10000x128xf32, #tpu.memory_space<vmem_shared>> -> memref<80x128xf32, #tpu.memory_space<vmem_shared>>
        %dma_start3A_115 = arith.constant 0 : i32
        %dma_start3A_116 = tpu.memref_slice %arg16[%add3A_108, %dma_start3A_115] : memref<10000x128xf32, #tpu.memory_space<vmem_shared>> -> memref<80x128xf32, #tpu.memory_space<vmem_shared>>
        tpu.enqueue_dma source(%arg12 : memref<80x128xf32, #tpu.memory_space<vmem>>) target(%dma_start3A_116 : memref<80x128xf32, #tpu.memory_space<vmem_shared>>) target_semaphore(%run_scoped3A : memref<!tpu.dma_semaphore, #tpu.memory_space<semaphore_mem>>)
        %dma_wait3A = arith.constant 0 : i32
        %dma_wait3A_117 = tpu.memref_slice %arg16[%add3A_108, %dma_wait3A] : memref<10000x128xf32, #tpu.memory_space<vmem_shared>> -> memref<80x128xf32, #tpu.memory_space<vmem_shared>>
        %dma_wait3A_118 = arith.constant 0 : i32
        %dma_wait3A_119 = tpu.memref_slice %arg16[%add3A_108, %dma_wait3A_118] : memref<10000x128xf32, #tpu.memory_space<vmem_shared>> -> memref<80x128xf32, #tpu.memory_space<vmem_shared>>
        tpu.wait_dma2 semaphore(%run_scoped3A : memref<!tpu.dma_semaphore, #tpu.memory_space<semaphore_mem>>) src(%arg12 : memref<80x128xf32, #tpu.memory_space<vmem>>) dst(%dma_wait3A_119 : memref<80x128xf32, #tpu.memory_space<vmem_shared>>)
        tpu.yield
      }) : () -> ()
      %mul3A_109 = arith.constant 640 : i32
      %mul3A_110 = arith.muli %arg1, %mul3A_109 : i32
      %add3A_111 = arith.constant 320 : i32
      %add3A_112 = arith.addi %mul3A_110, %add3A_111 : i32
      "tpu.region"() ({
        %run_scoped3A = tpu.sem_alloc : memref<!tpu.dma_semaphore, #tpu.memory_space<semaphore_mem>>
        %dma_start3A_113 = arith.constant 0 : i32
        %dma_start3A_114 = tpu.memref_slice %arg16[%add3A_112, %dma_start3A_113] : memref<10000x128xf32, #tpu.memory_space<vmem_shared>> -> memref<80x128xf32, #tpu.memory_space<vmem_shared>>
        %dma_start3A_115 = arith.constant 0 : i32
        %dma_start3A_116 = tpu.memref_slice %arg16[%add3A_112, %dma_start3A_115] : memref<10000x128xf32, #tpu.memory_space<vmem_shared>> -> memref<80x128xf32, #tpu.memory_space<vmem_shared>>
        tpu.enqueue_dma source(%arg12 : memref<80x128xf32, #tpu.memory_space<vmem>>) target(%dma_start3A_116 : memref<80x128xf32, #tpu.memory_space<vmem_shared>>) target_semaphore(%run_scoped3A : memref<!tpu.dma_semaphore, #tpu.memory_space<semaphore_mem>>)
        %dma_wait3A = arith.constant 0 : i32
        %dma_wait3A_117 = tpu.memref_slice %arg16[%add3A_112, %dma_wait3A] : memref<10000x128xf32, #tpu.memory_space<vmem_shared>> -> memref<80x128xf32, #tpu.memory_space<vmem_shared>>
        %dma_wait3A_118 = arith.constant 0 : i32
        %dma_wait3A_119 = tpu.memref_slice %arg16[%add3A_112, %dma_wait3A_118] : memref<10000x128xf32, #tpu.memory_space<vmem_shared>> -> memref<80x128xf32, #tpu.memory_space<vmem_shared>>
        tpu.wait_dma2 semaphore(%run_scoped3A : memref<!tpu.dma_semaphore, #tpu.memory_space<semaphore_mem>>) src(%arg12 : memref<80x128xf32, #tpu.memory_space<vmem>>) dst(%dma_wait3A_119 : memref<80x128xf32, #tpu.memory_space<vmem_shared>>)
        tpu.yield
      }) : () -> ()
    } else {
    }
    %broadcast_in_dim3A_61 = arith.constant 1.000000e+00 : f32
    %broadcast_in_dim3A_62 = vector.broadcast %broadcast_in_dim3A_61 : f32 to vector<16xf32>
    %scan3A_63 = arith.constant 0 : i32
    %scan3A_64 = arith.constant 0 : i32
    %scan3A_65 = arith.constant 80 : i32
    %scan3A_66 = arith.addi %scan3A_64, %scan3A_65 : i32
    %scan3A_67 = arith.constant 1 : i32
    scf.for %scan3A_93 = %scan3A_64 to %scan3A_66 step %scan3A_67  : i32 {
      %swap3A = arith.index_cast %scan3A_93 : i32 to index
      %swap3A_94 = arith.constant 0 : index
      %swap3A_95 = tpu.vector_load %arg14[%swap3A, %swap3A_94] {strides = array<i32>} : memref<80x128xf32, #tpu.memory_space<vmem>>, vector<1x16xf32>,
      %swap3A_96 = vector.shape_cast %swap3A_95 : vector<1x16xf32> to vector<16xf32>
      %swap3A_97 = vector.shape_cast %broadcast_in_dim3A_62 : vector<16xf32> to vector<1x16xf32>
      tpu.vector_store %arg14[%swap3A, %swap3A_94], %swap3A_97 {strides = array<i32>} : memref<80x128xf32, #tpu.memory_space<vmem>>, vector<1x16xf32>,
      %swap3A_98 = arith.index_cast %scan3A_93 : i32 to index
      %swap3A_99 = arith.constant 16 : index
      %swap3A_100 = tpu.vector_load %arg14[%swap3A_98, %swap3A_99] {strides = array<i32>} : memref<80x128xf32, #tpu.memory_space<vmem>>, vector<1x16xf32>,
      %swap3A_101 = vector.shape_cast %swap3A_100 : vector<1x16xf32> to vector<16xf32>
      %swap3A_102 = vector.shape_cast %broadcast_in_dim3A_62 : vector<16xf32> to vector<1x16xf32>
      tpu.vector_store %arg14[%swap3A_98, %swap3A_99], %swap3A_102 {strides = array<i32>} : memref<80x128xf32, #tpu.memory_space<vmem>>, vector<1x16xf32>,
      %swap3A_103 = arith.index_cast %scan3A_93 : i32 to index
      %swap3A_104 = arith.constant 32 : index
      %swap3A_105 = tpu.vector_load %arg14[%swap3A_103, %swap3A_104] {strides = array<i32>} : memref<80x128xf32, #tpu.memory_space<vmem>>, vector<1x16xf32>,
      %swap3A_106 = vector.shape_cast %swap3A_105 : vector<1x16xf32> to vector<16xf32>
      %swap3A_107 = vector.shape_cast %broadcast_in_dim3A_62 : vector<16xf32> to vector<1x16xf32>
      tpu.vector_store %arg14[%swap3A_103, %swap3A_104], %swap3A_107 {strides = array<i32>} : memref<80x128xf32, #tpu.memory_space<vmem>>, vector<1x16xf32>,
      %swap3A_108 = arith.index_cast %scan3A_93 : i32 to index
      %swap3A_109 = arith.constant 48 : index
      %swap3A_110 = tpu.vector_load %arg14[%swap3A_108, %swap3A_109] {strides = array<i32>} : memref<80x128xf32, #tpu.memory_space<vmem>>, vector<1x16xf32>,
      %swap3A_111 = vector.shape_cast %swap3A_110 : vector<1x16xf32> to vector<16xf32>
      %swap3A_112 = vector.shape_cast %broadcast_in_dim3A_62 : vector<16xf32> to vector<1x16xf32>
      tpu.vector_store %arg14[%swap3A_108, %swap3A_109], %swap3A_112 {strides = array<i32>} : memref<80x128xf32, #tpu.memory_space<vmem>>, vector<1x16xf32>,
      %swap3A_113 = arith.index_cast %scan3A_93 : i32 to index
      %swap3A_114 = arith.constant 64 : index
      %swap3A_115 = tpu.vector_load %arg14[%swap3A_113, %swap3A_114] {strides = array<i32>} : memref<80x128xf32, #tpu.memory_space<vmem>>, vector<1x16xf32>,
      %swap3A_116 = vector.shape_cast %swap3A_115 : vector<1x16xf32> to vector<16xf32>
      %swap3A_117 = vector.shape_cast %broadcast_in_dim3A_62 : vector<16xf32> to vector<1x16xf32>
      tpu.vector_store %arg14[%swap3A_113, %swap3A_114], %swap3A_117 {strides = array<i32>} : memref<80x128xf32, #tpu.memory_space<vmem>>, vector<1x16xf32>,
      %swap3A_118 = arith.index_cast %scan3A_93 : i32 to index
      %swap3A_119 = arith.constant 80 : index
      %swap3A_120 = tpu.vector_load %arg14[%swap3A_118, %swap3A_119] {strides = array<i32>} : memref<80x128xf32, #tpu.memory_space<vmem>>, vector<1x16xf32>,
      %swap3A_121 = vector.shape_cast %swap3A_120 : vector<1x16xf32> to vector<16xf32>
      %swap3A_122 = vector.shape_cast %broadcast_in_dim3A_62 : vector<16xf32> to vector<1x16xf32>
      tpu.vector_store %arg14[%swap3A_118, %swap3A_119], %swap3A_122 {strides = array<i32>} : memref<80x128xf32, #tpu.memory_space<vmem>>, vector<1x16xf32>,
      %swap3A_123 = arith.index_cast %scan3A_93 : i32 to index
      %swap3A_124 = arith.constant 96 : index
      %swap3A_125 = tpu.vector_load %arg14[%swap3A_123, %swap3A_124] {strides = array<i32>} : memref<80x128xf32, #tpu.memory_space<vmem>>, vector<1x16xf32>,
      %swap3A_126 = vector.shape_cast %swap3A_125 : vector<1x16xf32> to vector<16xf32>
      %swap3A_127 = vector.shape_cast %broadcast_in_dim3A_62 : vector<16xf32> to vector<1x16xf32>
      tpu.vector_store %arg14[%swap3A_123, %swap3A_124], %swap3A_127 {strides = array<i32>} : memref<80x128xf32, #tpu.memory_space<vmem>>, vector<1x16xf32>,
      %swap3A_128 = arith.index_cast %scan3A_93 : i32 to index
      %swap3A_129 = arith.constant 112 : index
      %swap3A_130 = tpu.vector_load %arg14[%swap3A_128, %swap3A_129] {strides = array<i32>} : memref<80x128xf32, #tpu.memory_space<vmem>>, vector<1x16xf32>,
      %swap3A_131 = vector.shape_cast %swap3A_130 : vector<1x16xf32> to vector<16xf32>
      %swap3A_132 = vector.shape_cast %broadcast_in_dim3A_62 : vector<16xf32> to vector<1x16xf32>
      tpu.vector_store %arg14[%swap3A_128, %swap3A_129], %swap3A_132 {strides = array<i32>} : memref<80x128xf32, #tpu.memory_space<vmem>>, vector<1x16xf32>,
    }
    %scan3A_68 = arith.constant 80 : i32
    %barrier3A_69 = arith.constant 0 : index
    tpu.barrier barrier_id(%barrier3A_69)
    %mul3A_70 = arith.constant 10000 : i32
    %mul3A_71 = arith.muli %arg1, %mul3A_70 : i32
    %add3A_72 = arith.constant 0 : i32
    %add3A_73 = arith.addi %mul3A_71, %add3A_72 : i32
    %dma_start3A_74 = tpu.memref_slice %arg4[%add3A_73] : memref<160000xi32, #tpu.memory_space<hbm>> -> memref<80xi32, #tpu.memory_space<hbm>>
    %dma_start3A_75 = tpu.memref_slice %arg4[%add3A_73] : memref<160000xi32, #tpu.memory_space<hbm>> -> memref<80xi32, #tpu.memory_space<hbm>>
    tpu.enqueue_dma source(%dma_start3A_75 : memref<80xi32, #tpu.memory_space<hbm>>) target(%arg10 : memref<80xi32, #tpu.memory_space<vmem>>) target_semaphore(%arg17 : memref<!tpu.dma_semaphore, #tpu.memory_space<semaphore_mem>>)
    %scan3A_76 = arith.constant 0 : i32
    %scan3A_77 = arith.constant 0 : i32
    %scan3A_78 = arith.constant 63 : i32
    %scan3A_79 = arith.addi %scan3A_77, %scan3A_78 : i32
    %scan3A_80 = arith.constant 1 : i32
    scf.for %scan3A_93 = %scan3A_77 to %scan3A_79 step %scan3A_80  : i32 {
      %mul3A_94 = arith.constant 2 : i32
      %mul3A_95 = arith.muli %mul3A_94, %scan3A_93 : i32
      %add3A_96 = arith.constant 0 : i32
      %add3A_97 = arith.addi %mul3A_95, %add3A_96 : i32
      %lt3A_98 = arith.constant 125 : i32
      %lt3A_99 = arith.cmpi slt, %add3A_97, %lt3A_98 : i32
      %convert_element_type3A_100 = arith.extui %lt3A_99 : i1 to i32
      %cond3A_101 = arith.constant 0 : i32
      %cond3A_102 = arith.cmpi ne, %convert_element_type3A_100, %cond3A_101 : i32
      scf.if %cond3A_102 {
        %dma_wait3A = arith.constant 0 : i32
        %dma_wait3A_132 = tpu.memref_slice %arg4[%dma_wait3A] : memref<160000xi32, #tpu.memory_space<hbm>> -> memref<80xi32, #tpu.memory_space<hbm>>
        %dma_wait3A_133 = arith.constant 0 : i32
        %dma_wait3A_134 = tpu.memref_slice %arg4[%dma_wait3A_133] : memref<160000xi32, #tpu.memory_space<hbm>> -> memref<80xi32, #tpu.memory_space<hbm>>
        tpu.wait_dma2 semaphore(%arg17 : memref<!tpu.dma_semaphore, #tpu.memory_space<semaphore_mem>>) src(%dma_wait3A_134 : memref<80xi32, #tpu.memory_space<hbm>>) dst(%arg10 : memref<80xi32, #tpu.memory_space<vmem>>)
      } else {
      }
      %lt3A_103 = arith.constant 124 : i32
      %lt3A_104 = arith.cmpi slt, %add3A_97, %lt3A_103 : i32
      %convert_element_type3A_105 = arith.extui %lt3A_104 : i1 to i32
      %cond3A_106 = arith.constant 0 : i32
      %cond3A_107 = arith.cmpi ne, %convert_element_type3A_105, %cond3A_106 : i32
      scf.if %cond3A_107 {
        %add3A_132 = arith.constant 1 : i32
        %add3A_133 = arith.addi %add3A_97, %add3A_132 : i32
        %mul3A_134 = arith.constant 10000 : i32
        %mul3A_135 = arith.muli %arg1, %mul3A_134 : i32
        %mul3A_136 = arith.constant 80 : i32
        %mul3A_137 = arith.muli %add3A_133, %mul3A_136 : i32
        %add3A_138 = arith.addi %mul3A_135, %mul3A_137 : i32
        %dma_start3A_139 = tpu.memref_slice %arg4[%add3A_138] : memref<160000xi32, #tpu.memory_space<hbm>> -> memref<80xi32, #tpu.memory_space<hbm>>
        %dma_start3A_140 = tpu.memref_slice %arg4[%add3A_138] : memref<160000xi32, #tpu.memory_space<hbm>> -> memref<80xi32, #tpu.memory_space<hbm>>
        tpu.enqueue_dma source(%dma_start3A_140 : memref<80xi32, #tpu.memory_space<hbm>>) target(%arg11 : memref<80xi32, #tpu.memory_space<vmem>>) target_semaphore(%arg18 : memref<!tpu.dma_semaphore, #tpu.memory_space<semaphore_mem>>)
      } else {
      }
      %lt3A_108 = arith.constant 125 : i32
      %lt3A_109 = arith.cmpi slt, %add3A_97, %lt3A_108 : i32
      %convert_element_type3A_110 = arith.extui %lt3A_109 : i1 to i32
      %cond3A_111 = arith.constant 0 : i32
      %cond3A_112 = arith.cmpi ne, %convert_element_type3A_110, %cond3A_111 : i32
      scf.if %cond3A_112 {
        "tpu.region"() ({
          %run_scoped3A = tpu.sem_alloc : memref<!tpu.dma_semaphore, #tpu.memory_space<semaphore_mem>>
          %dma_start3A_132 = arith.constant 0 : i32
          %dma_start3A_133 = arith.constant 0 : i32
          %dma_start3A_134 = tpu.memref_slice %arg16[%dma_start3A_132, %dma_start3A_133] : memref<10000x128xf32, #tpu.memory_space<vmem_shared>> -> memref<10000x128xf32, #tpu.memory_space<vmem_shared>>
          tpu.enqueue_indirect_dma source(%arg14 : memref<80x128xf32, #tpu.memory_space<vmem>>) target(%dma_start3A_134 : memref<10000x128xf32, #tpu.memory_space<vmem_shared>>) offsets(%arg10 : memref<80xi32, #tpu.memory_space<vmem>>) semaphore(%run_scoped3A : memref<!tpu.dma_semaphore, #tpu.memory_space<semaphore_mem>>) {add = true}
          %dma_wait3A = arith.constant 0 : i32
          %dma_wait3A_135 = arith.constant 0 : i32
          %dma_wait3A_136 = tpu.memref_slice %arg16[%dma_wait3A, %dma_wait3A_135] : memref<10000x128xf32, #tpu.memory_space<vmem_shared>> -> memref<10000x128xf32, #tpu.memory_space<vmem_shared>>
          tpu.wait_indirect_dma semaphore(%run_scoped3A : memref<!tpu.dma_semaphore, #tpu.memory_space<semaphore_mem>>) src(%arg14 : memref<80x128xf32, #tpu.memory_space<vmem>>) dst(%dma_wait3A_136 : memref<10000x128xf32, #tpu.memory_space<vmem_shared>>)
          tpu.yield
        }) : () -> ()
      } else {
      }
      %mul3A_113 = arith.constant 2 : i32
      %mul3A_114 = arith.muli %mul3A_113, %scan3A_93 : i32
      %add3A_115 = arith.constant 1 : i32
      %add3A_116 = arith.addi %mul3A_114, %add3A_115 : i32
      %lt3A_117 = arith.constant 125 : i32
      %lt3A_118 = arith.cmpi slt, %add3A_116, %lt3A_117 : i32
      %convert_element_type3A_119 = arith.extui %lt3A_118 : i1 to i32
      %cond3A_120 = arith.constant 0 : i32
      %cond3A_121 = arith.cmpi ne, %convert_element_type3A_119, %cond3A_120 : i32
      scf.if %cond3A_121 {
        %dma_wait3A = arith.constant 0 : i32
        %dma_wait3A_132 = tpu.memref_slice %arg4[%dma_wait3A] : memref<160000xi32, #tpu.memory_space<hbm>> -> memref<80xi32, #tpu.memory_space<hbm>>
        %dma_wait3A_133 = arith.constant 0 : i32
        %dma_wait3A_134 = tpu.memref_slice %arg4[%dma_wait3A_133] : memref<160000xi32, #tpu.memory_space<hbm>> -> memref<80xi32, #tpu.memory_space<hbm>>
        tpu.wait_dma2 semaphore(%arg18 : memref<!tpu.dma_semaphore, #tpu.memory_space<semaphore_mem>>) src(%dma_wait3A_134 : memref<80xi32, #tpu.memory_space<hbm>>) dst(%arg11 : memref<80xi32, #tpu.memory_space<vmem>>)
      } else {
      }
      %lt3A_122 = arith.constant 124 : i32
      %lt3A_123 = arith.cmpi slt, %add3A_116, %lt3A_122 : i32
      %convert_element_type3A_124 = arith.extui %lt3A_123 : i1 to i32
      %cond3A_125 = arith.constant 0 : i32
      %cond3A_126 = arith.cmpi ne, %convert_element_type3A_124, %cond3A_125 : i32
      scf.if %cond3A_126 {
        %add3A_132 = arith.constant 1 : i32
        %add3A_133 = arith.addi %add3A_116, %add3A_132 : i32
        %mul3A_134 = arith.constant 10000 : i32
        %mul3A_135 = arith.muli %arg1, %mul3A_134 : i32
        %mul3A_136 = arith.constant 80 : i32
        %mul3A_137 = arith.muli %add3A_133, %mul3A_136 : i32
        %add3A_138 = arith.addi %mul3A_135, %mul3A_137 : i32
        %dma_start3A_139 = tpu.memref_slice %arg4[%add3A_138] : memref<160000xi32, #tpu.memory_space<hbm>> -> memref<80xi32, #tpu.memory_space<hbm>>
        %dma_start3A_140 = tpu.memref_slice %arg4[%add3A_138] : memref<160000xi32, #tpu.memory_space<hbm>> -> memref<80xi32, #tpu.memory_space<hbm>>
        tpu.enqueue_dma source(%dma_start3A_140 : memref<80xi32, #tpu.memory_space<hbm>>) target(%arg10 : memref<80xi32, #tpu.memory_space<vmem>>) target_semaphore(%arg17 : memref<!tpu.dma_semaphore, #tpu.memory_space<semaphore_mem>>)
      } else {
      }
      %lt3A_127 = arith.constant 125 : i32
      %lt3A_128 = arith.cmpi slt, %add3A_116, %lt3A_127 : i32
      %convert_element_type3A_129 = arith.extui %lt3A_128 : i1 to i32
      %cond3A_130 = arith.constant 0 : i32
      %cond3A_131 = arith.cmpi ne, %convert_element_type3A_129, %cond3A_130 : i32
      scf.if %cond3A_131 {
        "tpu.region"() ({
          %run_scoped3A = tpu.sem_alloc : memref<!tpu.dma_semaphore, #tpu.memory_space<semaphore_mem>>
          %dma_start3A_132 = arith.constant 0 : i32
          %dma_start3A_133 = arith.constant 0 : i32
          %dma_start3A_134 = tpu.memref_slice %arg16[%dma_start3A_132, %dma_start3A_133] : memref<10000x128xf32, #tpu.memory_space<vmem_shared>> -> memref<10000x128xf32, #tpu.memory_space<vmem_shared>>
          tpu.enqueue_indirect_dma source(%arg14 : memref<80x128xf32, #tpu.memory_space<vmem>>) target(%dma_start3A_134 : memref<10000x128xf32, #tpu.memory_space<vmem_shared>>) offsets(%arg11 : memref<80xi32, #tpu.memory_space<vmem>>) semaphore(%run_scoped3A : memref<!tpu.dma_semaphore, #tpu.memory_space<semaphore_mem>>) {add = true}
          %dma_wait3A = arith.constant 0 : i32
          %dma_wait3A_135 = arith.constant 0 : i32
          %dma_wait3A_136 = tpu.memref_slice %arg16[%dma_wait3A, %dma_wait3A_135] : memref<10000x128xf32, #tpu.memory_space<vmem_shared>> -> memref<10000x128xf32, #tpu.memory_space<vmem_shared>>
          tpu.wait_indirect_dma semaphore(%run_scoped3A : memref<!tpu.dma_semaphore, #tpu.memory_space<semaphore_mem>>) src(%arg14 : memref<80x128xf32, #tpu.memory_space<vmem>>) dst(%dma_wait3A_136 : memref<10000x128xf32, #tpu.memory_space<vmem_shared>>)
          tpu.yield
        }) : () -> ()
      } else {
      }
    }
    %scan3A_81 = arith.constant 63 : i32
    %barrier3A_82 = arith.constant 0 : index
    tpu.barrier barrier_id(%barrier3A_82)
    %lt3A_83 = arith.constant 15 : i32
    %lt3A_84 = arith.cmpi slt, %arg1, %lt3A_83 : i32
    %convert_element_type3A_85 = arith.extui %lt3A_84 : i1 to i32
    %cond3A_86 = arith.constant 0 : i32
    %cond3A_87 = arith.cmpi ne, %convert_element_type3A_85, %cond3A_86 : i32
    scf.if %cond3A_87 {
      %mul3A_93 = arith.constant 320 : i32
      %mul3A_94 = arith.muli %arg1, %mul3A_93 : i32
      %add3A_95 = arith.constant 0 : i32
      %add3A_96 = arith.addi %mul3A_94, %add3A_95 : i32
      %mul3A_97 = arith.constant 320 : i32
      %mul3A_98 = arith.muli %arg1, %mul3A_97 : i32
      %add3A_99 = arith.constant 80 : i32
      %add3A_100 = arith.addi %mul3A_98, %add3A_99 : i32
      %mul3A_101 = arith.constant 320 : i32
      %mul3A_102 = arith.muli %arg1, %mul3A_101 : i32
      %add3A_103 = arith.constant 160 : i32
      %add3A_104 = arith.addi %mul3A_102, %add3A_103 : i32
      %mul3A_105 = arith.constant 320 : i32
      %mul3A_106 = arith.muli %arg1, %mul3A_105 : i32
      %add3A_107 = arith.constant 240 : i32
      %add3A_108 = arith.addi %mul3A_106, %add3A_107 : i32
      %mul3A_109 = arith.constant 5000 : i32
      %mul3A_110 = arith.muli %arg0, %mul3A_109 : i32
      %add3A_111 = arith.addi %mul3A_110, %add3A_96 : i32
      "tpu.region"() ({
        %run_scoped3A = tpu.sem_alloc : memref<!tpu.dma_semaphore, #tpu.memory_space<semaphore_mem>>
        %dma_start3A_133 = arith.constant 0 : i32
        %dma_start3A_134 = arith.constant 0 : i32
        %dma_start3A_135 = tpu.memref_slice %arg12[%dma_start3A_133, %dma_start3A_134] : memref<80x128xf32, #tpu.memory_space<vmem>> -> memref<80x128xf32, #tpu.memory_space<vmem>>
        %dma_start3A_136 = arith.constant 0 : i32
        %dma_start3A_137 = tpu.memref_slice %arg16[%add3A_111, %dma_start3A_136] : memref<10000x128xf32, #tpu.memory_space<vmem_shared>> -> memref<80x128xf32, #tpu.memory_space<vmem_shared>>
        %dma_start3A_138 = arith.constant 0 : i32
        %dma_start3A_139 = arith.constant 0 : i32
        %dma_start3A_140 = tpu.memref_slice %arg12[%dma_start3A_138, %dma_start3A_139] : memref<80x128xf32, #tpu.memory_space<vmem>> -> memref<80x128xf32, #tpu.memory_space<vmem>>
        %dma_start3A_141 = arith.constant 0 : i32
        %dma_start3A_142 = tpu.memref_slice %arg16[%add3A_111, %dma_start3A_141] : memref<10000x128xf32, #tpu.memory_space<vmem_shared>> -> memref<80x128xf32, #tpu.memory_space<vmem_shared>>
        tpu.enqueue_dma source(%dma_start3A_142 : memref<80x128xf32, #tpu.memory_space<vmem_shared>>) target(%dma_start3A_140 : memref<80x128xf32, #tpu.memory_space<vmem>>) target_semaphore(%run_scoped3A : memref<!tpu.dma_semaphore, #tpu.memory_space<semaphore_mem>>)
        %dma_wait3A = arith.constant 0 : i32
        %dma_wait3A_143 = arith.constant 0 : i32
        %dma_wait3A_144 = tpu.memref_slice %arg12[%dma_wait3A, %dma_wait3A_143] : memref<80x128xf32, #tpu.memory_space<vmem>> -> memref<80x128xf32, #tpu.memory_space<vmem>>
        %dma_wait3A_145 = arith.constant 0 : i32
        %dma_wait3A_146 = tpu.memref_slice %arg16[%add3A_111, %dma_wait3A_145] : memref<10000x128xf32, #tpu.memory_space<vmem_shared>> -> memref<80x128xf32, #tpu.memory_space<vmem_shared>>
        %dma_wait3A_147 = arith.constant 0 : i32
        %dma_wait3A_148 = arith.constant 0 : i32
        %dma_wait3A_149 = tpu.memref_slice %arg12[%dma_wait3A_147, %dma_wait3A_148] : memref<80x128xf32, #tpu.memory_space<vmem>> -> memref<80x128xf32, #tpu.memory_space<vmem>>
        %dma_wait3A_150 = arith.constant 0 : i32
        %dma_wait3A_151 = tpu.memref_slice %arg16[%add3A_111, %dma_wait3A_150] : memref<10000x128xf32, #tpu.memory_space<vmem_shared>> -> memref<80x128xf32, #tpu.memory_space<vmem_shared>>
        tpu.wait_dma2 semaphore(%run_scoped3A : memref<!tpu.dma_semaphore, #tpu.memory_space<semaphore_mem>>) src(%dma_wait3A_151 : memref<80x128xf32, #tpu.memory_space<vmem_shared>>) dst(%dma_wait3A_149 : memref<80x128xf32, #tpu.memory_space<vmem>>)
        tpu.yield
      }) : () -> ()
      %mul3A_112 = arith.constant 5000 : i32
      %mul3A_113 = arith.muli %arg0, %mul3A_112 : i32
      %add3A_114 = arith.addi %mul3A_113, %add3A_96 : i32
      "tpu.region"() ({
        %run_scoped3A = tpu.sem_alloc : memref<!tpu.dma_semaphore, #tpu.memory_space<semaphore_mem>>
        %dma_start3A_133 = arith.constant 0 : i32
        %dma_start3A_134 = arith.constant 0 : i32
        %dma_start3A_135 = tpu.memref_slice %arg12[%dma_start3A_133, %dma_start3A_134] : memref<80x128xf32, #tpu.memory_space<vmem>> -> memref<80x128xf32, #tpu.memory_space<vmem>>
        %dma_start3A_136 = arith.constant 0 : i32
        %dma_start3A_137 = tpu.memref_slice %arg7[%add3A_114, %dma_start3A_136] : memref<10000x128xf32, #tpu.memory_space<hbm>> -> memref<80x128xf32, #tpu.memory_space<hbm>>
        %dma_start3A_138 = arith.constant 0 : i32
        %dma_start3A_139 = tpu.memref_slice %arg7[%add3A_114, %dma_start3A_138] : memref<10000x128xf32, #tpu.memory_space<hbm>> -> memref<80x128xf32, #tpu.memory_space<hbm>>
        %dma_start3A_140 = arith.constant 0 : i32
        %dma_start3A_141 = arith.constant 0 : i32
        %dma_start3A_142 = tpu.memref_slice %arg12[%dma_start3A_140, %dma_start3A_141] : memref<80x128xf32, #tpu.memory_space<vmem>> -> memref<80x128xf32, #tpu.memory_space<vmem>>
        tpu.enqueue_dma source(%dma_start3A_142 : memref<80x128xf32, #tpu.memory_space<vmem>>) target(%dma_start3A_139 : memref<80x128xf32, #tpu.memory_space<hbm>>) target_semaphore(%run_scoped3A : memref<!tpu.dma_semaphore, #tpu.memory_space<semaphore_mem>>)
        %dma_wait3A = arith.constant 0 : i32
        %dma_wait3A_143 = arith.constant 0 : i32
        %dma_wait3A_144 = tpu.memref_slice %arg12[%dma_wait3A, %dma_wait3A_143] : memref<80x128xf32, #tpu.memory_space<vmem>> -> memref<80x128xf32, #tpu.memory_space<vmem>>
        %dma_wait3A_145 = arith.constant 0 : i32
        %dma_wait3A_146 = tpu.memref_slice %arg7[%add3A_114, %dma_wait3A_145] : memref<10000x128xf32, #tpu.memory_space<hbm>> -> memref<80x128xf32, #tpu.memory_space<hbm>>
        %dma_wait3A_147 = arith.constant 0 : i32
        %dma_wait3A_148 = tpu.memref_slice %arg7[%add3A_114, %dma_wait3A_147] : memref<10000x128xf32, #tpu.memory_space<hbm>> -> memref<80x128xf32, #tpu.memory_space<hbm>>
        %dma_wait3A_149 = arith.constant 0 : i32
        %dma_wait3A_150 = arith.constant 0 : i32
        %dma_wait3A_151 = tpu.memref_slice %arg12[%dma_wait3A_149, %dma_wait3A_150] : memref<80x128xf32, #tpu.memory_space<vmem>> -> memref<80x128xf32, #tpu.memory_space<vmem>>
        tpu.wait_dma2 semaphore(%run_scoped3A : memref<!tpu.dma_semaphore, #tpu.memory_space<semaphore_mem>>) src(%dma_wait3A_151 : memref<80x128xf32, #tpu.memory_space<vmem>>) dst(%dma_wait3A_148 : memref<80x128xf32, #tpu.memory_space<hbm>>)
        tpu.yield
      }) : () -> ()
      %mul3A_115 = arith.constant 5000 : i32
      %mul3A_116 = arith.muli %arg0, %mul3A_115 : i32
      %add3A_117 = arith.addi %mul3A_116, %add3A_100 : i32
      "tpu.region"() ({
        %run_scoped3A = tpu.sem_alloc : memref<!tpu.dma_semaphore, #tpu.memory_space<semaphore_mem>>
        %dma_start3A_133 = arith.constant 0 : i32
        %dma_start3A_134 = arith.constant 0 : i32
        %dma_start3A_135 = tpu.memref_slice %arg12[%dma_start3A_133, %dma_start3A_134] : memref<80x128xf32, #tpu.memory_space<vmem>> -> memref<80x128xf32, #tpu.memory_space<vmem>>
        %dma_start3A_136 = arith.constant 0 : i32
        %dma_start3A_137 = tpu.memref_slice %arg16[%add3A_117, %dma_start3A_136] : memref<10000x128xf32, #tpu.memory_space<vmem_shared>> -> memref<80x128xf32, #tpu.memory_space<vmem_shared>>
        %dma_start3A_138 = arith.constant 0 : i32
        %dma_start3A_139 = arith.constant 0 : i32
        %dma_start3A_140 = tpu.memref_slice %arg12[%dma_start3A_138, %dma_start3A_139] : memref<80x128xf32, #tpu.memory_space<vmem>> -> memref<80x128xf32, #tpu.memory_space<vmem>>
        %dma_start3A_141 = arith.constant 0 : i32
        %dma_start3A_142 = tpu.memref_slice %arg16[%add3A_117, %dma_start3A_141] : memref<10000x128xf32, #tpu.memory_space<vmem_shared>> -> memref<80x128xf32, #tpu.memory_space<vmem_shared>>
        tpu.enqueue_dma source(%dma_start3A_142 : memref<80x128xf32, #tpu.memory_space<vmem_shared>>) target(%dma_start3A_140 : memref<80x128xf32, #tpu.memory_space<vmem>>) target_semaphore(%run_scoped3A : memref<!tpu.dma_semaphore, #tpu.memory_space<semaphore_mem>>)
        %dma_wait3A = arith.constant 0 : i32
        %dma_wait3A_143 = arith.constant 0 : i32
        %dma_wait3A_144 = tpu.memref_slice %arg12[%dma_wait3A, %dma_wait3A_143] : memref<80x128xf32, #tpu.memory_space<vmem>> -> memref<80x128xf32, #tpu.memory_space<vmem>>
        %dma_wait3A_145 = arith.constant 0 : i32
        %dma_wait3A_146 = tpu.memref_slice %arg16[%add3A_117, %dma_wait3A_145] : memref<10000x128xf32, #tpu.memory_space<vmem_shared>> -> memref<80x128xf32, #tpu.memory_space<vmem_shared>>
        %dma_wait3A_147 = arith.constant 0 : i32
        %dma_wait3A_148 = arith.constant 0 : i32
        %dma_wait3A_149 = tpu.memref_slice %arg12[%dma_wait3A_147, %dma_wait3A_148] : memref<80x128xf32, #tpu.memory_space<vmem>> -> memref<80x128xf32, #tpu.memory_space<vmem>>
        %dma_wait3A_150 = arith.constant 0 : i32
        %dma_wait3A_151 = tpu.memref_slice %arg16[%add3A_117, %dma_wait3A_150] : memref<10000x128xf32, #tpu.memory_space<vmem_shared>> -> memref<80x128xf32, #tpu.memory_space<vmem_shared>>
        tpu.wait_dma2 semaphore(%run_scoped3A : memref<!tpu.dma_semaphore, #tpu.memory_space<semaphore_mem>>) src(%dma_wait3A_151 : memref<80x128xf32, #tpu.memory_space<vmem_shared>>) dst(%dma_wait3A_149 : memref<80x128xf32, #tpu.memory_space<vmem>>)
        tpu.yield
      }) : () -> ()
      %mul3A_118 = arith.constant 5000 : i32
      %mul3A_119 = arith.muli %arg0, %mul3A_118 : i32
      %add3A_120 = arith.addi %mul3A_119, %add3A_100 : i32
      "tpu.region"() ({
        %run_scoped3A = tpu.sem_alloc : memref<!tpu.dma_semaphore, #tpu.memory_space<semaphore_mem>>
        %dma_start3A_133 = arith.constant 0 : i32
        %dma_start3A_134 = arith.constant 0 : i32
        %dma_start3A_135 = tpu.memref_slice %arg12[%dma_start3A_133, %dma_start3A_134] : memref<80x128xf32, #tpu.memory_space<vmem>> -> memref<80x128xf32, #tpu.memory_space<vmem>>
        %dma_start3A_136 = arith.constant 0 : i32
        %dma_start3A_137 = tpu.memref_slice %arg7[%add3A_120, %dma_start3A_136] : memref<10000x128xf32, #tpu.memory_space<hbm>> -> memref<80x128xf32, #tpu.memory_space<hbm>>
        %dma_start3A_138 = arith.constant 0 : i32
        %dma_start3A_139 = tpu.memref_slice %arg7[%add3A_120, %dma_start3A_138] : memref<10000x128xf32, #tpu.memory_space<hbm>> -> memref<80x128xf32, #tpu.memory_space<hbm>>
        %dma_start3A_140 = arith.constant 0 : i32
        %dma_start3A_141 = arith.constant 0 : i32
        %dma_start3A_142 = tpu.memref_slice %arg12[%dma_start3A_140, %dma_start3A_141] : memref<80x128xf32, #tpu.memory_space<vmem>> -> memref<80x128xf32, #tpu.memory_space<vmem>>
        tpu.enqueue_dma source(%dma_start3A_142 : memref<80x128xf32, #tpu.memory_space<vmem>>) target(%dma_start3A_139 : memref<80x128xf32, #tpu.memory_space<hbm>>) target_semaphore(%run_scoped3A : memref<!tpu.dma_semaphore, #tpu.memory_space<semaphore_mem>>)
        %dma_wait3A = arith.constant 0 : i32
        %dma_wait3A_143 = arith.constant 0 : i32
        %dma_wait3A_144 = tpu.memref_slice %arg12[%dma_wait3A, %dma_wait3A_143] : memref<80x128xf32, #tpu.memory_space<vmem>> -> memref<80x128xf32, #tpu.memory_space<vmem>>
        %dma_wait3A_145 = arith.constant 0 : i32
        %dma_wait3A_146 = tpu.memref_slice %arg7[%add3A_120, %dma_wait3A_145] : memref<10000x128xf32, #tpu.memory_space<hbm>> -> memref<80x128xf32, #tpu.memory_space<hbm>>
        %dma_wait3A_147 = arith.constant 0 : i32
        %dma_wait3A_148 = tpu.memref_slice %arg7[%add3A_120, %dma_wait3A_147] : memref<10000x128xf32, #tpu.memory_space<hbm>> -> memref<80x128xf32, #tpu.memory_space<hbm>>
        %dma_wait3A_149 = arith.constant 0 : i32
        %dma_wait3A_150 = arith.constant 0 : i32
        %dma_wait3A_151 = tpu.memref_slice %arg12[%dma_wait3A_149, %dma_wait3A_150] : memref<80x128xf32, #tpu.memory_space<vmem>> -> memref<80x128xf32, #tpu.memory_space<vmem>>
        tpu.wait_dma2 semaphore(%run_scoped3A : memref<!tpu.dma_semaphore, #tpu.memory_space<semaphore_mem>>) src(%dma_wait3A_151 : memref<80x128xf32, #tpu.memory_space<vmem>>) dst(%dma_wait3A_148 : memref<80x128xf32, #tpu.memory_space<hbm>>)
        tpu.yield
      }) : () -> ()
      %mul3A_121 = arith.constant 5000 : i32
      %mul3A_122 = arith.muli %arg0, %mul3A_121 : i32
      %add3A_123 = arith.addi %mul3A_122, %add3A_104 : i32
      "tpu.region"() ({
        %run_scoped3A = tpu.sem_alloc : memref<!tpu.dma_semaphore, #tpu.memory_space<semaphore_mem>>
        %dma_start3A_133 = arith.constant 0 : i32
        %dma_start3A_134 = arith.constant 0 : i32
        %dma_start3A_135 = tpu.memref_slice %arg12[%dma_start3A_133, %dma_start3A_134] : memref<80x128xf32, #tpu.memory_space<vmem>> -> memref<80x128xf32, #tpu.memory_space<vmem>>
        %dma_start3A_136 = arith.constant 0 : i32
        %dma_start3A_137 = tpu.memref_slice %arg16[%add3A_123, %dma_start3A_136] : memref<10000x128xf32, #tpu.memory_space<vmem_shared>> -> memref<80x128xf32, #tpu.memory_space<vmem_shared>>
        %dma_start3A_138 = arith.constant 0 : i32
        %dma_start3A_139 = arith.constant 0 : i32
        %dma_start3A_140 = tpu.memref_slice %arg12[%dma_start3A_138, %dma_start3A_139] : memref<80x128xf32, #tpu.memory_space<vmem>> -> memref<80x128xf32, #tpu.memory_space<vmem>>
        %dma_start3A_141 = arith.constant 0 : i32
        %dma_start3A_142 = tpu.memref_slice %arg16[%add3A_123, %dma_start3A_141] : memref<10000x128xf32, #tpu.memory_space<vmem_shared>> -> memref<80x128xf32, #tpu.memory_space<vmem_shared>>
        tpu.enqueue_dma source(%dma_start3A_142 : memref<80x128xf32, #tpu.memory_space<vmem_shared>>) target(%dma_start3A_140 : memref<80x128xf32, #tpu.memory_space<vmem>>) target_semaphore(%run_scoped3A : memref<!tpu.dma_semaphore, #tpu.memory_space<semaphore_mem>>)
        %dma_wait3A = arith.constant 0 : i32
        %dma_wait3A_143 = arith.constant 0 : i32
        %dma_wait3A_144 = tpu.memref_slice %arg12[%dma_wait3A, %dma_wait3A_143] : memref<80x128xf32, #tpu.memory_space<vmem>> -> memref<80x128xf32, #tpu.memory_space<vmem>>
        %dma_wait3A_145 = arith.constant 0 : i32
        %dma_wait3A_146 = tpu.memref_slice %arg16[%add3A_123, %dma_wait3A_145] : memref<10000x128xf32, #tpu.memory_space<vmem_shared>> -> memref<80x128xf32, #tpu.memory_space<vmem_shared>>
        %dma_wait3A_147 = arith.constant 0 : i32
        %dma_wait3A_148 = arith.constant 0 : i32
        %dma_wait3A_149 = tpu.memref_slice %arg12[%dma_wait3A_147, %dma_wait3A_148] : memref<80x128xf32, #tpu.memory_space<vmem>> -> memref<80x128xf32, #tpu.memory_space<vmem>>
        %dma_wait3A_150 = arith.constant 0 : i32
        %dma_wait3A_151 = tpu.memref_slice %arg16[%add3A_123, %dma_wait3A_150] : memref<10000x128xf32, #tpu.memory_space<vmem_shared>> -> memref<80x128xf32, #tpu.memory_space<vmem_shared>>
        tpu.wait_dma2 semaphore(%run_scoped3A : memref<!tpu.dma_semaphore, #tpu.memory_space<semaphore_mem>>) src(%dma_wait3A_151 : memref<80x128xf32, #tpu.memory_space<vmem_shared>>) dst(%dma_wait3A_149 : memref<80x128xf32, #tpu.memory_space<vmem>>)
        tpu.yield
      }) : () -> ()
      %mul3A_124 = arith.constant 5000 : i32
      %mul3A_125 = arith.muli %arg0, %mul3A_124 : i32
      %add3A_126 = arith.addi %mul3A_125, %add3A_104 : i32
      "tpu.region"() ({
        %run_scoped3A = tpu.sem_alloc : memref<!tpu.dma_semaphore, #tpu.memory_space<semaphore_mem>>
        %dma_start3A_133 = arith.constant 0 : i32
        %dma_start3A_134 = arith.constant 0 : i32
        %dma_start3A_135 = tpu.memref_slice %arg12[%dma_start3A_133, %dma_start3A_134] : memref<80x128xf32, #tpu.memory_space<vmem>> -> memref<80x128xf32, #tpu.memory_space<vmem>>
        %dma_start3A_136 = arith.constant 0 : i32
        %dma_start3A_137 = tpu.memref_slice %arg7[%add3A_126, %dma_start3A_136] : memref<10000x128xf32, #tpu.memory_space<hbm>> -> memref<80x128xf32, #tpu.memory_space<hbm>>
        %dma_start3A_138 = arith.constant 0 : i32
        %dma_start3A_139 = tpu.memref_slice %arg7[%add3A_126, %dma_start3A_138] : memref<10000x128xf32, #tpu.memory_space<hbm>> -> memref<80x128xf32, #tpu.memory_space<hbm>>
        %dma_start3A_140 = arith.constant 0 : i32
        %dma_start3A_141 = arith.constant 0 : i32
        %dma_start3A_142 = tpu.memref_slice %arg12[%dma_start3A_140, %dma_start3A_141] : memref<80x128xf32, #tpu.memory_space<vmem>> -> memref<80x128xf32, #tpu.memory_space<vmem>>
        tpu.enqueue_dma source(%dma_start3A_142 : memref<80x128xf32, #tpu.memory_space<vmem>>) target(%dma_start3A_139 : memref<80x128xf32, #tpu.memory_space<hbm>>) target_semaphore(%run_scoped3A : memref<!tpu.dma_semaphore, #tpu.memory_space<semaphore_mem>>)
        %dma_wait3A = arith.constant 0 : i32
        %dma_wait3A_143 = arith.constant 0 : i32
        %dma_wait3A_144 = tpu.memref_slice %arg12[%dma_wait3A, %dma_wait3A_143] : memref<80x128xf32, #tpu.memory_space<vmem>> -> memref<80x128xf32, #tpu.memory_space<vmem>>
        %dma_wait3A_145 = arith.constant 0 : i32
        %dma_wait3A_146 = tpu.memref_slice %arg7[%add3A_126, %dma_wait3A_145] : memref<10000x128xf32, #tpu.memory_space<hbm>> -> memref<80x128xf32, #tpu.memory_space<hbm>>
        %dma_wait3A_147 = arith.constant 0 : i32
        %dma_wait3A_148 = tpu.memref_slice %arg7[%add3A_126, %dma_wait3A_147] : memref<10000x128xf32, #tpu.memory_space<hbm>> -> memref<80x128xf32, #tpu.memory_space<hbm>>
        %dma_wait3A_149 = arith.constant 0 : i32
        %dma_wait3A_150 = arith.constant 0 : i32
        %dma_wait3A_151 = tpu.memref_slice %arg12[%dma_wait3A_149, %dma_wait3A_150] : memref<80x128xf32, #tpu.memory_space<vmem>> -> memref<80x128xf32, #tpu.memory_space<vmem>>
        tpu.wait_dma2 semaphore(%run_scoped3A : memref<!tpu.dma_semaphore, #tpu.memory_space<semaphore_mem>>) src(%dma_wait3A_151 : memref<80x128xf32, #tpu.memory_space<vmem>>) dst(%dma_wait3A_148 : memref<80x128xf32, #tpu.memory_space<hbm>>)
        tpu.yield
      }) : () -> ()
      %mul3A_127 = arith.constant 5000 : i32
      %mul3A_128 = arith.muli %arg0, %mul3A_127 : i32
      %add3A_129 = arith.addi %mul3A_128, %add3A_108 : i32
      "tpu.region"() ({
        %run_scoped3A = tpu.sem_alloc : memref<!tpu.dma_semaphore, #tpu.memory_space<semaphore_mem>>
        %dma_start3A_133 = arith.constant 0 : i32
        %dma_start3A_134 = arith.constant 0 : i32
        %dma_start3A_135 = tpu.memref_slice %arg12[%dma_start3A_133, %dma_start3A_134] : memref<80x128xf32, #tpu.memory_space<vmem>> -> memref<80x128xf32, #tpu.memory_space<vmem>>
        %dma_start3A_136 = arith.constant 0 : i32
        %dma_start3A_137 = tpu.memref_slice %arg16[%add3A_129, %dma_start3A_136] : memref<10000x128xf32, #tpu.memory_space<vmem_shared>> -> memref<80x128xf32, #tpu.memory_space<vmem_shared>>
        %dma_start3A_138 = arith.constant 0 : i32
        %dma_start3A_139 = arith.constant 0 : i32
        %dma_start3A_140 = tpu.memref_slice %arg12[%dma_start3A_138, %dma_start3A_139] : memref<80x128xf32, #tpu.memory_space<vmem>> -> memref<80x128xf32, #tpu.memory_space<vmem>>
        %dma_start3A_141 = arith.constant 0 : i32
        %dma_start3A_142 = tpu.memref_slice %arg16[%add3A_129, %dma_start3A_141] : memref<10000x128xf32, #tpu.memory_space<vmem_shared>> -> memref<80x128xf32, #tpu.memory_space<vmem_shared>>
        tpu.enqueue_dma source(%dma_start3A_142 : memref<80x128xf32, #tpu.memory_space<vmem_shared>>) target(%dma_start3A_140 : memref<80x128xf32, #tpu.memory_space<vmem>>) target_semaphore(%run_scoped3A : memref<!tpu.dma_semaphore, #tpu.memory_space<semaphore_mem>>)
        %dma_wait3A = arith.constant 0 : i32
        %dma_wait3A_143 = arith.constant 0 : i32
        %dma_wait3A_144 = tpu.memref_slice %arg12[%dma_wait3A, %dma_wait3A_143] : memref<80x128xf32, #tpu.memory_space<vmem>> -> memref<80x128xf32, #tpu.memory_space<vmem>>
        %dma_wait3A_145 = arith.constant 0 : i32
        %dma_wait3A_146 = tpu.memref_slice %arg16[%add3A_129, %dma_wait3A_145] : memref<10000x128xf32, #tpu.memory_space<vmem_shared>> -> memref<80x128xf32, #tpu.memory_space<vmem_shared>>
        %dma_wait3A_147 = arith.constant 0 : i32
        %dma_wait3A_148 = arith.constant 0 : i32
        %dma_wait3A_149 = tpu.memref_slice %arg12[%dma_wait3A_147, %dma_wait3A_148] : memref<80x128xf32, #tpu.memory_space<vmem>> -> memref<80x128xf32, #tpu.memory_space<vmem>>
        %dma_wait3A_150 = arith.constant 0 : i32
        %dma_wait3A_151 = tpu.memref_slice %arg16[%add3A_129, %dma_wait3A_150] : memref<10000x128xf32, #tpu.memory_space<vmem_shared>> -> memref<80x128xf32, #tpu.memory_space<vmem_shared>>
        tpu.wait_dma2 semaphore(%run_scoped3A : memref<!tpu.dma_semaphore, #tpu.memory_space<semaphore_mem>>) src(%dma_wait3A_151 : memref<80x128xf32, #tpu.memory_space<vmem_shared>>) dst(%dma_wait3A_149 : memref<80x128xf32, #tpu.memory_space<vmem>>)
        tpu.yield
      }) : () -> ()
      %mul3A_130 = arith.constant 5000 : i32
      %mul3A_131 = arith.muli %arg0, %mul3A_130 : i32
      %add3A_132 = arith.addi %mul3A_131, %add3A_108 : i32
      "tpu.region"() ({
        %run_scoped3A = tpu.sem_alloc : memref<!tpu.dma_semaphore, #tpu.memory_space<semaphore_mem>>
        %dma_start3A_133 = arith.constant 0 : i32
        %dma_start3A_134 = arith.constant 0 : i32
        %dma_start3A_135 = tpu.memref_slice %arg12[%dma_start3A_133, %dma_start3A_134] : memref<80x128xf32, #tpu.memory_space<vmem>> -> memref<80x128xf32, #tpu.memory_space<vmem>>
        %dma_start3A_136 = arith.constant 0 : i32
        %dma_start3A_137 = tpu.memref_slice %arg7[%add3A_132, %dma_start3A_136] : memref<10000x128xf32, #tpu.memory_space<hbm>> -> memref<80x128xf32, #tpu.memory_space<hbm>>
        %dma_start3A_138 = arith.constant 0 : i32
        %dma_start3A_139 = tpu.memref_slice %arg7[%add3A_132, %dma_start3A_138] : memref<10000x128xf32, #tpu.memory_space<hbm>> -> memref<80x128xf32, #tpu.memory_space<hbm>>
        %dma_start3A_140 = arith.constant 0 : i32
        %dma_start3A_141 = arith.constant 0 : i32
        %dma_start3A_142 = tpu.memref_slice %arg12[%dma_start3A_140, %dma_start3A_141] : memref<80x128xf32, #tpu.memory_space<vmem>> -> memref<80x128xf32, #tpu.memory_space<vmem>>
        tpu.enqueue_dma source(%dma_start3A_142 : memref<80x128xf32, #tpu.memory_space<vmem>>) target(%dma_start3A_139 : memref<80x128xf32, #tpu.memory_space<hbm>>) target_semaphore(%run_scoped3A : memref<!tpu.dma_semaphore, #tpu.memory_space<semaphore_mem>>)
        %dma_wait3A = arith.constant 0 : i32
        %dma_wait3A_143 = arith.constant 0 : i32
        %dma_wait3A_144 = tpu.memref_slice %arg12[%dma_wait3A, %dma_wait3A_143] : memref<80x128xf32, #tpu.memory_space<vmem>> -> memref<80x128xf32, #tpu.memory_space<vmem>>
        %dma_wait3A_145 = arith.constant 0 : i32
        %dma_wait3A_146 = tpu.memref_slice %arg7[%add3A_132, %dma_wait3A_145] : memref<10000x128xf32, #tpu.memory_space<hbm>> -> memref<80x128xf32, #tpu.memory_space<hbm>>
        %dma_wait3A_147 = arith.constant 0 : i32
        %dma_wait3A_148 = tpu.memref_slice %arg7[%add3A_132, %dma_wait3A_147] : memref<10000x128xf32, #tpu.memory_space<hbm>> -> memref<80x128xf32, #tpu.memory_space<hbm>>
        %dma_wait3A_149 = arith.constant 0 : i32
        %dma_wait3A_150 = arith.constant 0 : i32
        %dma_wait3A_151 = tpu.memref_slice %arg12[%dma_wait3A_149, %dma_wait3A_150] : memref<80x128xf32, #tpu.memory_space<vmem>> -> memref<80x128xf32, #tpu.memory_space<vmem>>
        tpu.wait_dma2 semaphore(%run_scoped3A : memref<!tpu.dma_semaphore, #tpu.memory_space<semaphore_mem>>) src(%dma_wait3A_151 : memref<80x128xf32, #tpu.memory_space<vmem>>) dst(%dma_wait3A_148 : memref<80x128xf32, #tpu.memory_space<hbm>>)
        tpu.yield
      }) : () -> ()
    } else {
    }
    %eq3A_88 = arith.constant 15 : i32
    %eq3A_89 = arith.cmpi eq, %arg1, %eq3A_88 : i32
    %convert_element_type3A_90 = arith.extui %eq3A_89 : i1 to i32
    %cond3A_91 = arith.constant 0 : i32
    %cond3A_92 = arith.cmpi ne, %convert_element_type3A_90, %cond3A_91 : i32
    scf.if %cond3A_92 {
      %mul3A_93 = arith.constant 5000 : i32
      %mul3A_94 = arith.muli %arg0, %mul3A_93 : i32
      %add3A_95 = arith.constant 4800 : i32
      %add3A_96 = arith.addi %mul3A_94, %add3A_95 : i32
      "tpu.region"() ({
        %run_scoped3A = tpu.sem_alloc : memref<!tpu.dma_semaphore, #tpu.memory_space<semaphore_mem>>
        %dma_start3A_117 = arith.constant 0 : i32
        %dma_start3A_118 = arith.constant 0 : i32
        %dma_start3A_119 = tpu.memref_slice %arg12[%dma_start3A_117, %dma_start3A_118] : memref<80x128xf32, #tpu.memory_space<vmem>> -> memref<80x128xf32, #tpu.memory_space<vmem>>
        %dma_start3A_120 = arith.constant 0 : i32
        %dma_start3A_121 = tpu.memref_slice %arg16[%add3A_96, %dma_start3A_120] : memref<10000x128xf32, #tpu.memory_space<vmem_shared>> -> memref<80x128xf32, #tpu.memory_space<vmem_shared>>
        %dma_start3A_122 = arith.constant 0 : i32
        %dma_start3A_123 = arith.constant 0 : i32
        %dma_start3A_124 = tpu.memref_slice %arg12[%dma_start3A_122, %dma_start3A_123] : memref<80x128xf32, #tpu.memory_space<vmem>> -> memref<80x128xf32, #tpu.memory_space<vmem>>
        %dma_start3A_125 = arith.constant 0 : i32
        %dma_start3A_126 = tpu.memref_slice %arg16[%add3A_96, %dma_start3A_125] : memref<10000x128xf32, #tpu.memory_space<vmem_shared>> -> memref<80x128xf32, #tpu.memory_space<vmem_shared>>
        tpu.enqueue_dma source(%dma_start3A_126 : memref<80x128xf32, #tpu.memory_space<vmem_shared>>) target(%dma_start3A_124 : memref<80x128xf32, #tpu.memory_space<vmem>>) target_semaphore(%run_scoped3A : memref<!tpu.dma_semaphore, #tpu.memory_space<semaphore_mem>>)
        %dma_wait3A = arith.constant 0 : i32
        %dma_wait3A_127 = arith.constant 0 : i32
        %dma_wait3A_128 = tpu.memref_slice %arg12[%dma_wait3A, %dma_wait3A_127] : memref<80x128xf32, #tpu.memory_space<vmem>> -> memref<80x128xf32, #tpu.memory_space<vmem>>
        %dma_wait3A_129 = arith.constant 0 : i32
        %dma_wait3A_130 = tpu.memref_slice %arg16[%add3A_96, %dma_wait3A_129] : memref<10000x128xf32, #tpu.memory_space<vmem_shared>> -> memref<80x128xf32, #tpu.memory_space<vmem_shared>>
        %dma_wait3A_131 = arith.constant 0 : i32
        %dma_wait3A_132 = arith.constant 0 : i32
        %dma_wait3A_133 = tpu.memref_slice %arg12[%dma_wait3A_131, %dma_wait3A_132] : memref<80x128xf32, #tpu.memory_space<vmem>> -> memref<80x128xf32, #tpu.memory_space<vmem>>
        %dma_wait3A_134 = arith.constant 0 : i32
        %dma_wait3A_135 = tpu.memref_slice %arg16[%add3A_96, %dma_wait3A_134] : memref<10000x128xf32, #tpu.memory_space<vmem_shared>> -> memref<80x128xf32, #tpu.memory_space<vmem_shared>>
        tpu.wait_dma2 semaphore(%run_scoped3A : memref<!tpu.dma_semaphore, #tpu.memory_space<semaphore_mem>>) src(%dma_wait3A_135 : memref<80x128xf32, #tpu.memory_space<vmem_shared>>) dst(%dma_wait3A_133 : memref<80x128xf32, #tpu.memory_space<vmem>>)
        tpu.yield
      }) : () -> ()
      %mul3A_97 = arith.constant 5000 : i32
      %mul3A_98 = arith.muli %arg0, %mul3A_97 : i32
      %add3A_99 = arith.constant 4800 : i32
      %add3A_100 = arith.addi %mul3A_98, %add3A_99 : i32
      "tpu.region"() ({
        %run_scoped3A = tpu.sem_alloc : memref<!tpu.dma_semaphore, #tpu.memory_space<semaphore_mem>>
        %dma_start3A_117 = arith.constant 0 : i32
        %dma_start3A_118 = arith.constant 0 : i32
        %dma_start3A_119 = tpu.memref_slice %arg12[%dma_start3A_117, %dma_start3A_118] : memref<80x128xf32, #tpu.memory_space<vmem>> -> memref<80x128xf32, #tpu.memory_space<vmem>>
        %dma_start3A_120 = arith.constant 0 : i32
        %dma_start3A_121 = tpu.memref_slice %arg7[%add3A_100, %dma_start3A_120] : memref<10000x128xf32, #tpu.memory_space<hbm>> -> memref<80x128xf32, #tpu.memory_space<hbm>>
        %dma_start3A_122 = arith.constant 0 : i32
        %dma_start3A_123 = tpu.memref_slice %arg7[%add3A_100, %dma_start3A_122] : memref<10000x128xf32, #tpu.memory_space<hbm>> -> memref<80x128xf32, #tpu.memory_space<hbm>>
        %dma_start3A_124 = arith.constant 0 : i32
        %dma_start3A_125 = arith.constant 0 : i32
        %dma_start3A_126 = tpu.memref_slice %arg12[%dma_start3A_124, %dma_start3A_125] : memref<80x128xf32, #tpu.memory_space<vmem>> -> memref<80x128xf32, #tpu.memory_space<vmem>>
        tpu.enqueue_dma source(%dma_start3A_126 : memref<80x128xf32, #tpu.memory_space<vmem>>) target(%dma_start3A_123 : memref<80x128xf32, #tpu.memory_space<hbm>>) target_semaphore(%run_scoped3A : memref<!tpu.dma_semaphore, #tpu.memory_space<semaphore_mem>>)
        %dma_wait3A = arith.constant 0 : i32
        %dma_wait3A_127 = arith.constant 0 : i32
        %dma_wait3A_128 = tpu.memref_slice %arg12[%dma_wait3A, %dma_wait3A_127] : memref<80x128xf32, #tpu.memory_space<vmem>> -> memref<80x128xf32, #tpu.memory_space<vmem>>
        %dma_wait3A_129 = arith.constant 0 : i32
        %dma_wait3A_130 = tpu.memref_slice %arg7[%add3A_100, %dma_wait3A_129] : memref<10000x128xf32, #tpu.memory_space<hbm>> -> memref<80x128xf32, #tpu.memory_space<hbm>>
        %dma_wait3A_131 = arith.constant 0 : i32
        %dma_wait3A_132 = tpu.memref_slice %arg7[%add3A_100, %dma_wait3A_131] : memref<10000x128xf32, #tpu.memory_space<hbm>> -> memref<80x128xf32, #tpu.memory_space<hbm>>
        %dma_wait3A_133 = arith.constant 0 : i32
        %dma_wait3A_134 = arith.constant 0 : i32
        %dma_wait3A_135 = tpu.memref_slice %arg12[%dma_wait3A_133, %dma_wait3A_134] : memref<80x128xf32, #tpu.memory_space<vmem>> -> memref<80x128xf32, #tpu.memory_space<vmem>>
        tpu.wait_dma2 semaphore(%run_scoped3A : memref<!tpu.dma_semaphore, #tpu.memory_space<semaphore_mem>>) src(%dma_wait3A_135 : memref<80x128xf32, #tpu.memory_space<vmem>>) dst(%dma_wait3A_132 : memref<80x128xf32, #tpu.memory_space<hbm>>)
        tpu.yield
      }) : () -> ()
      %mul3A_101 = arith.constant 5000 : i32
      %mul3A_102 = arith.muli %arg0, %mul3A_101 : i32
      %add3A_103 = arith.constant 4880 : i32
      %add3A_104 = arith.addi %mul3A_102, %add3A_103 : i32
      "tpu.region"() ({
        %run_scoped3A = tpu.sem_alloc : memref<!tpu.dma_semaphore, #tpu.memory_space<semaphore_mem>>
        %dma_start3A_117 = arith.constant 0 : i32
        %dma_start3A_118 = arith.constant 0 : i32
        %dma_start3A_119 = tpu.memref_slice %arg12[%dma_start3A_117, %dma_start3A_118] : memref<80x128xf32, #tpu.memory_space<vmem>> -> memref<80x128xf32, #tpu.memory_space<vmem>>
        %dma_start3A_120 = arith.constant 0 : i32
        %dma_start3A_121 = tpu.memref_slice %arg16[%add3A_104, %dma_start3A_120] : memref<10000x128xf32, #tpu.memory_space<vmem_shared>> -> memref<80x128xf32, #tpu.memory_space<vmem_shared>>
        %dma_start3A_122 = arith.constant 0 : i32
        %dma_start3A_123 = arith.constant 0 : i32
        %dma_start3A_124 = tpu.memref_slice %arg12[%dma_start3A_122, %dma_start3A_123] : memref<80x128xf32, #tpu.memory_space<vmem>> -> memref<80x128xf32, #tpu.memory_space<vmem>>
        %dma_start3A_125 = arith.constant 0 : i32
        %dma_start3A_126 = tpu.memref_slice %arg16[%add3A_104, %dma_start3A_125] : memref<10000x128xf32, #tpu.memory_space<vmem_shared>> -> memref<80x128xf32, #tpu.memory_space<vmem_shared>>
        tpu.enqueue_dma source(%dma_start3A_126 : memref<80x128xf32, #tpu.memory_space<vmem_shared>>) target(%dma_start3A_124 : memref<80x128xf32, #tpu.memory_space<vmem>>) target_semaphore(%run_scoped3A : memref<!tpu.dma_semaphore, #tpu.memory_space<semaphore_mem>>)
        %dma_wait3A = arith.constant 0 : i32
        %dma_wait3A_127 = arith.constant 0 : i32
        %dma_wait3A_128 = tpu.memref_slice %arg12[%dma_wait3A, %dma_wait3A_127] : memref<80x128xf32, #tpu.memory_space<vmem>> -> memref<80x128xf32, #tpu.memory_space<vmem>>
        %dma_wait3A_129 = arith.constant 0 : i32
        %dma_wait3A_130 = tpu.memref_slice %arg16[%add3A_104, %dma_wait3A_129] : memref<10000x128xf32, #tpu.memory_space<vmem_shared>> -> memref<80x128xf32, #tpu.memory_space<vmem_shared>>
        %dma_wait3A_131 = arith.constant 0 : i32
        %dma_wait3A_132 = arith.constant 0 : i32
        %dma_wait3A_133 = tpu.memref_slice %arg12[%dma_wait3A_131, %dma_wait3A_132] : memref<80x128xf32, #tpu.memory_space<vmem>> -> memref<80x128xf32, #tpu.memory_space<vmem>>
        %dma_wait3A_134 = arith.constant 0 : i32
        %dma_wait3A_135 = tpu.memref_slice %arg16[%add3A_104, %dma_wait3A_134] : memref<10000x128xf32, #tpu.memory_space<vmem_shared>> -> memref<80x128xf32, #tpu.memory_space<vmem_shared>>
        tpu.wait_dma2 semaphore(%run_scoped3A : memref<!tpu.dma_semaphore, #tpu.memory_space<semaphore_mem>>) src(%dma_wait3A_135 : memref<80x128xf32, #tpu.memory_space<vmem_shared>>) dst(%dma_wait3A_133 : memref<80x128xf32, #tpu.memory_space<vmem>>)
        tpu.yield
      }) : () -> ()
      %mul3A_105 = arith.constant 5000 : i32
      %mul3A_106 = arith.muli %arg0, %mul3A_105 : i32
      %add3A_107 = arith.constant 4880 : i32
      %add3A_108 = arith.addi %mul3A_106, %add3A_107 : i32
      "tpu.region"() ({
        %run_scoped3A = tpu.sem_alloc : memref<!tpu.dma_semaphore, #tpu.memory_space<semaphore_mem>>
        %dma_start3A_117 = arith.constant 0 : i32
        %dma_start3A_118 = arith.constant 0 : i32
        %dma_start3A_119 = tpu.memref_slice %arg12[%dma_start3A_117, %dma_start3A_118] : memref<80x128xf32, #tpu.memory_space<vmem>> -> memref<80x128xf32, #tpu.memory_space<vmem>>
        %dma_start3A_120 = arith.constant 0 : i32
        %dma_start3A_121 = tpu.memref_slice %arg7[%add3A_108, %dma_start3A_120] : memref<10000x128xf32, #tpu.memory_space<hbm>> -> memref<80x128xf32, #tpu.memory_space<hbm>>
        %dma_start3A_122 = arith.constant 0 : i32
        %dma_start3A_123 = tpu.memref_slice %arg7[%add3A_108, %dma_start3A_122] : memref<10000x128xf32, #tpu.memory_space<hbm>> -> memref<80x128xf32, #tpu.memory_space<hbm>>
        %dma_start3A_124 = arith.constant 0 : i32
        %dma_start3A_125 = arith.constant 0 : i32
        %dma_start3A_126 = tpu.memref_slice %arg12[%dma_start3A_124, %dma_start3A_125] : memref<80x128xf32, #tpu.memory_space<vmem>> -> memref<80x128xf32, #tpu.memory_space<vmem>>
        tpu.enqueue_dma source(%dma_start3A_126 : memref<80x128xf32, #tpu.memory_space<vmem>>) target(%dma_start3A_123 : memref<80x128xf32, #tpu.memory_space<hbm>>) target_semaphore(%run_scoped3A : memref<!tpu.dma_semaphore, #tpu.memory_space<semaphore_mem>>)
        %dma_wait3A = arith.constant 0 : i32
        %dma_wait3A_127 = arith.constant 0 : i32
        %dma_wait3A_128 = tpu.memref_slice %arg12[%dma_wait3A, %dma_wait3A_127] : memref<80x128xf32, #tpu.memory_space<vmem>> -> memref<80x128xf32, #tpu.memory_space<vmem>>
        %dma_wait3A_129 = arith.constant 0 : i32
        %dma_wait3A_130 = tpu.memref_slice %arg7[%add3A_108, %dma_wait3A_129] : memref<10000x128xf32, #tpu.memory_space<hbm>> -> memref<80x128xf32, #tpu.memory_space<hbm>>
        %dma_wait3A_131 = arith.constant 0 : i32
        %dma_wait3A_132 = tpu.memref_slice %arg7[%add3A_108, %dma_wait3A_131] : memref<10000x128xf32, #tpu.memory_space<hbm>> -> memref<80x128xf32, #tpu.memory_space<hbm>>
        %dma_wait3A_133 = arith.constant 0 : i32
        %dma_wait3A_134 = arith.constant 0 : i32
        %dma_wait3A_135 = tpu.memref_slice %arg12[%dma_wait3A_133, %dma_wait3A_134] : memref<80x128xf32, #tpu.memory_space<vmem>> -> memref<80x128xf32, #tpu.memory_space<vmem>>
        tpu.wait_dma2 semaphore(%run_scoped3A : memref<!tpu.dma_semaphore, #tpu.memory_space<semaphore_mem>>) src(%dma_wait3A_135 : memref<80x128xf32, #tpu.memory_space<vmem>>) dst(%dma_wait3A_132 : memref<80x128xf32, #tpu.memory_space<hbm>>)
        tpu.yield
      }) : () -> ()
      %mul3A_109 = arith.constant 5000 : i32
      %mul3A_110 = arith.muli %arg0, %mul3A_109 : i32
      %add3A_111 = arith.constant 4960 : i32
      %add3A_112 = arith.addi %mul3A_110, %add3A_111 : i32
      "tpu.region"() ({
        %run_scoped3A = tpu.sem_alloc : memref<!tpu.dma_semaphore, #tpu.memory_space<semaphore_mem>>
        %dma_start3A_117 = arith.constant 0 : i32
        %dma_start3A_118 = arith.constant 0 : i32
        %dma_start3A_119 = tpu.memref_slice %arg12[%dma_start3A_117, %dma_start3A_118] : memref<80x128xf32, #tpu.memory_space<vmem>> -> memref<40x128xf32, #tpu.memory_space<vmem>>
        %dma_start3A_120 = arith.constant 0 : i32
        %dma_start3A_121 = tpu.memref_slice %arg16[%add3A_112, %dma_start3A_120] : memref<10000x128xf32, #tpu.memory_space<vmem_shared>> -> memref<40x128xf32, #tpu.memory_space<vmem_shared>>
        %dma_start3A_122 = arith.constant 0 : i32
        %dma_start3A_123 = arith.constant 0 : i32
        %dma_start3A_124 = tpu.memref_slice %arg12[%dma_start3A_122, %dma_start3A_123] : memref<80x128xf32, #tpu.memory_space<vmem>> -> memref<40x128xf32, #tpu.memory_space<vmem>>
        %dma_start3A_125 = arith.constant 0 : i32
        %dma_start3A_126 = tpu.memref_slice %arg16[%add3A_112, %dma_start3A_125] : memref<10000x128xf32, #tpu.memory_space<vmem_shared>> -> memref<40x128xf32, #tpu.memory_space<vmem_shared>>
        tpu.enqueue_dma source(%dma_start3A_126 : memref<40x128xf32, #tpu.memory_space<vmem_shared>>) target(%dma_start3A_124 : memref<40x128xf32, #tpu.memory_space<vmem>>) target_semaphore(%run_scoped3A : memref<!tpu.dma_semaphore, #tpu.memory_space<semaphore_mem>>)
        %dma_wait3A = arith.constant 0 : i32
        %dma_wait3A_127 = arith.constant 0 : i32
        %dma_wait3A_128 = tpu.memref_slice %arg12[%dma_wait3A, %dma_wait3A_127] : memref<80x128xf32, #tpu.memory_space<vmem>> -> memref<40x128xf32, #tpu.memory_space<vmem>>
        %dma_wait3A_129 = arith.constant 0 : i32
        %dma_wait3A_130 = tpu.memref_slice %arg16[%add3A_112, %dma_wait3A_129] : memref<10000x128xf32, #tpu.memory_space<vmem_shared>> -> memref<40x128xf32, #tpu.memory_space<vmem_shared>>
        %dma_wait3A_131 = arith.constant 0 : i32
        %dma_wait3A_132 = arith.constant 0 : i32
        %dma_wait3A_133 = tpu.memref_slice %arg12[%dma_wait3A_131, %dma_wait3A_132] : memref<80x128xf32, #tpu.memory_space<vmem>> -> memref<40x128xf32, #tpu.memory_space<vmem>>
        %dma_wait3A_134 = arith.constant 0 : i32
        %dma_wait3A_135 = tpu.memref_slice %arg16[%add3A_112, %dma_wait3A_134] : memref<10000x128xf32, #tpu.memory_space<vmem_shared>> -> memref<40x128xf32, #tpu.memory_space<vmem_shared>>
        tpu.wait_dma2 semaphore(%run_scoped3A : memref<!tpu.dma_semaphore, #tpu.memory_space<semaphore_mem>>) src(%dma_wait3A_135 : memref<40x128xf32, #tpu.memory_space<vmem_shared>>) dst(%dma_wait3A_133 : memref<40x128xf32, #tpu.memory_space<vmem>>)
        tpu.yield
      }) : () -> ()
      %mul3A_113 = arith.constant 5000 : i32
      %mul3A_114 = arith.muli %arg0, %mul3A_113 : i32
      %add3A_115 = arith.constant 4960 : i32
      %add3A_116 = arith.addi %mul3A_114, %add3A_115 : i32
      "tpu.region"() ({
        %run_scoped3A = tpu.sem_alloc : memref<!tpu.dma_semaphore, #tpu.memory_space<semaphore_mem>>
        %dma_start3A_117 = arith.constant 0 : i32
        %dma_start3A_118 = arith.constant 0 : i32
        %dma_start3A_119 = tpu.memref_slice %arg12[%dma_start3A_117, %dma_start3A_118] : memref<80x128xf32, #tpu.memory_space<vmem>> -> memref<40x128xf32, #tpu.memory_space<vmem>>
        %dma_start3A_120 = arith.constant 0 : i32
        %dma_start3A_121 = tpu.memref_slice %arg7[%add3A_116, %dma_start3A_120] : memref<10000x128xf32, #tpu.memory_space<hbm>> -> memref<40x128xf32, #tpu.memory_space<hbm>>
        %dma_start3A_122 = arith.constant 0 : i32
        %dma_start3A_123 = tpu.memref_slice %arg7[%add3A_116, %dma_start3A_122] : memref<10000x128xf32, #tpu.memory_space<hbm>> -> memref<40x128xf32, #tpu.memory_space<hbm>>
        %dma_start3A_124 = arith.constant 0 : i32
        %dma_start3A_125 = arith.constant 0 : i32
        %dma_start3A_126 = tpu.memref_slice %arg12[%dma_start3A_124, %dma_start3A_125] : memref<80x128xf32, #tpu.memory_space<vmem>> -> memref<40x128xf32, #tpu.memory_space<vmem>>
        tpu.enqueue_dma source(%dma_start3A_126 : memref<40x128xf32, #tpu.memory_space<vmem>>) target(%dma_start3A_123 : memref<40x128xf32, #tpu.memory_space<hbm>>) target_semaphore(%run_scoped3A : memref<!tpu.dma_semaphore, #tpu.memory_space<semaphore_mem>>)
        %dma_wait3A = arith.constant 0 : i32
        %dma_wait3A_127 = arith.constant 0 : i32
        %dma_wait3A_128 = tpu.memref_slice %arg12[%dma_wait3A, %dma_wait3A_127] : memref<80x128xf32, #tpu.memory_space<vmem>> -> memref<40x128xf32, #tpu.memory_space<vmem>>
        %dma_wait3A_129 = arith.constant 0 : i32
        %dma_wait3A_130 = tpu.memref_slice %arg7[%add3A_116, %dma_wait3A_129] : memref<10000x128xf32, #tpu.memory_space<hbm>> -> memref<40x128xf32, #tpu.memory_space<hbm>>
        %dma_wait3A_131 = arith.constant 0 : i32
        %dma_wait3A_132 = tpu.memref_slice %arg7[%add3A_116, %dma_wait3A_131] : memref<10000x128xf32, #tpu.memory_space<hbm>> -> memref<40x128xf32, #tpu.memory_space<hbm>>
        %dma_wait3A_133 = arith.constant 0 : i32
        %dma_wait3A_134 = arith.constant 0 : i32
        %dma_wait3A_135 = tpu.memref_slice %arg12[%dma_wait3A_133, %dma_wait3A_134] : memref<80x128xf32, #tpu.memory_space<vmem>> -> memref<40x128xf32, #tpu.memory_space<vmem>>
        tpu.wait_dma2 semaphore(%run_scoped3A : memref<!tpu.dma_semaphore, #tpu.memory_space<semaphore_mem>>) src(%dma_wait3A_135 : memref<40x128xf32, #tpu.memory_space<vmem>>) dst(%dma_wait3A_132 : memref<40x128xf32, #tpu.memory_space<hbm>>)
        tpu.yield
      }) : () -> ()
    } else {
    }
    return
  }
}

module attributes {stable_mosaic.version = 14 : i64} {
  func.func @_prompt_body(%arg0: i32, %arg1: memref<1280x16xf32, #tpu.memory_space<vmem>>, %arg2: memref<1x16xf32, #tpu.memory_space<vmem>>, %arg3: memref<1x16xf32, #tpu.memory_space<vmem>>, %arg4: memref<16x128xf32, #tpu.memory_space<vmem>>, %arg5: memref<1x128xf32, #tpu.memory_space<vmem>>, %arg6: memref<128x256xf32, #tpu.memory_space<vmem>>, %arg7: memref<1x256xf32, #tpu.memory_space<vmem>>, %arg8: memref<1x256xf32, #tpu.memory_space<vmem>>, %arg9: memref<2x1280x128xf32, #tpu.memory_space<vmem>>) attributes {dimension_semantics = [#tpu.dimension_semantics<arbitrary>], iteration_bounds = array<i64: 125>, scalar_prefetch = 0 : i64, scratch_operands = 0 : i64, tpu.core_type = #tpu.core_type<tc>, window_params = [{transform_indices = @transform_0, window_bounds = array<i64: 1280, 16>}, {pipeline_mode = #tpu.pipeline_mode<synchronous>, transform_indices = @transform_1, window_bounds = array<i64: 1, 16>}, {pipeline_mode = #tpu.pipeline_mode<synchronous>, transform_indices = @transform_2, window_bounds = array<i64: 1, 16>}, {pipeline_mode = #tpu.pipeline_mode<synchronous>, transform_indices = @transform_3, window_bounds = array<i64: 16, 128>}, {pipeline_mode = #tpu.pipeline_mode<synchronous>, transform_indices = @transform_4, window_bounds = array<i64: 1, 128>}, {pipeline_mode = #tpu.pipeline_mode<synchronous>, transform_indices = @transform_5, window_bounds = array<i64: 128, 256>}, {pipeline_mode = #tpu.pipeline_mode<synchronous>, transform_indices = @transform_6, window_bounds = array<i64: 1, 256>}, {pipeline_mode = #tpu.pipeline_mode<synchronous>, transform_indices = @transform_7, window_bounds = array<i64: 1, 256>}, {transform_indices = @transform_8, window_bounds = array<i64: 2, 1280, 128>}]} {
    %get3A = arith.constant 0 : index
    %get3A_0 = arith.constant 0 : index
    %get3A_1 = vector.load %arg1[%get3A, %get3A_0] : memref<1280x16xf32, #tpu.memory_space<vmem>>, vector<1280x16xf32>
    %reduce_sum3A = arith.constant dense<0.000000e+00> : vector<1280xf32>
    %reduce_sum3A_2 = vector.multi_reduction <add>, %get3A_1, %reduce_sum3A [1] : vector<1280x16xf32> to vector<1280xf32>
    %broadcast_in_dim3A = vector.shape_cast %reduce_sum3A_2 : vector<1280xf32> to vector<1280x1xf32>
    %div3A = arith.constant 1.600000e+01 : f32
    %div3A_3 = vector.broadcast %div3A : f32 to vector<1280x1xf32>
    %div3A_4 = arith.divf %broadcast_in_dim3A, %div3A_3 : vector<1280x1xf32>
    %sub3A = vector.broadcast %div3A_4 : vector<1280x1xf32> to vector<1280x16xf32>
    %sub3A_5 = arith.subf %get3A_1, %sub3A : vector<1280x16xf32>
    %mul3A = arith.mulf %sub3A_5, %sub3A_5 : vector<1280x16xf32>
    %reduce_sum3A_6 = arith.constant dense<0.000000e+00> : vector<1280xf32>
    %reduce_sum3A_7 = vector.multi_reduction <add>, %mul3A, %reduce_sum3A_6 [1] : vector<1280x16xf32> to vector<1280xf32>
    %broadcast_in_dim3A_8 = vector.shape_cast %reduce_sum3A_7 : vector<1280xf32> to vector<1280x1xf32>
    %div3A_9 = arith.constant 1.600000e+01 : f32
    %div3A_10 = vector.broadcast %div3A_9 : f32 to vector<1280x1xf32>
    %div3A_11 = arith.divf %broadcast_in_dim3A_8, %div3A_10 : vector<1280x1xf32>
    %add3A = arith.constant 9.99999974E-6 : f32
    %add3A_12 = vector.broadcast %add3A : f32 to vector<1280x1xf32>
    %add3A_13 = arith.addf %div3A_11, %add3A_12 : vector<1280x1xf32>
    %rsqrt3A = math.rsqrt %add3A_13 : vector<1280x1xf32>
    %mul3A_14 = vector.broadcast %rsqrt3A : vector<1280x1xf32> to vector<1280x16xf32>
    %mul3A_15 = arith.mulf %sub3A_5, %mul3A_14 : vector<1280x16xf32>
    %get3A_16 = arith.constant 0 : index
    %get3A_17 = arith.constant 0 : index
    %get3A_18 = vector.load %arg2[%get3A_16, %get3A_17] : memref<1x16xf32, #tpu.memory_space<vmem>>, vector<1x16xf32>
    %mul3A_19 = vector.broadcast %get3A_18 : vector<1x16xf32> to vector<1280x16xf32>
    %mul3A_20 = arith.mulf %mul3A_15, %mul3A_19 : vector<1280x16xf32>
    %get3A_21 = arith.constant 0 : index
    %get3A_22 = arith.constant 0 : index
    %get3A_23 = vector.load %arg3[%get3A_21, %get3A_22] : memref<1x16xf32, #tpu.memory_space<vmem>>, vector<1x16xf32>
    %add3A_24 = vector.broadcast %get3A_23 : vector<1x16xf32> to vector<1280x16xf32>
    %add3A_25 = arith.addf %mul3A_20, %add3A_24 : vector<1280x16xf32>
    %get3A_26 = arith.constant 0 : index
    %get3A_27 = arith.constant 0 : index
    %get3A_28 = vector.load %arg4[%get3A_26, %get3A_27] : memref<16x128xf32, #tpu.memory_space<vmem>>, vector<16x128xf32>
    %dot_general3A = arith.constant dense<0.000000e+00> : vector<1280x128xf32>
    %dot_general3A_29 = tpu.matmul %add3A_25, %get3A_28, %dot_general3A {dimension_numbers = #tpu.dot_dimension_numbers<[1], [0], [0], [1], [0, 0, 1, 1], [], []>, transpose_lhs_hint = false} : vector<1280x16xf32>, vector<16x128xf32>, vector<1280x128xf32> -> vector<1280x128xf32>
    %get3A_30 = arith.constant 0 : index
    %get3A_31 = arith.constant 0 : index
    %get3A_32 = vector.load %arg5[%get3A_30, %get3A_31] : memref<1x128xf32, #tpu.memory_space<vmem>>, vector<1x128xf32>
    %add3A_33 = vector.broadcast %get3A_32 : vector<1x128xf32> to vector<1280x128xf32>
    %add3A_34 = arith.addf %dot_general3A_29, %add3A_33 : vector<1280x128xf32>
    %max3A = arith.constant 0.000000e+00 : f32
    %max3A_35 = vector.broadcast %max3A : f32 to vector<1280x128xf32>
    %max3A_36 = arith.maximumf %add3A_34, %max3A_35 : vector<1280x128xf32>
    %get3A_37 = arith.constant 0 : index
    %get3A_38 = arith.constant 0 : index
    %get3A_39 = vector.load %arg8[%get3A_37, %get3A_38] : memref<1x256xf32, #tpu.memory_space<vmem>>, vector<1x256xf32>
    %get3A_40 = arith.constant 0 : index
    %get3A_41 = arith.constant 0 : index
    %get3A_42 = vector.load %arg6[%get3A_40, %get3A_41] : memref<128x256xf32, #tpu.memory_space<vmem>>, vector<128x256xf32>
    %dot_general3A_43 = arith.constant dense<0.000000e+00> : vector<1280x256xf32>
    %dot_general3A_44 = tpu.matmul %max3A_36, %get3A_42, %dot_general3A_43 {dimension_numbers = #tpu.dot_dimension_numbers<[1], [0], [0], [1], [0, 0, 1, 1], [], []>, transpose_lhs_hint = false} : vector<1280x128xf32>, vector<128x256xf32>, vector<1280x256xf32> -> vector<1280x256xf32>
    %get3A_45 = arith.constant 0 : index
    %get3A_46 = arith.constant 0 : index
    %get3A_47 = vector.load %arg7[%get3A_45, %get3A_46] : memref<1x256xf32, #tpu.memory_space<vmem>>, vector<1x256xf32>
    %add3A_48 = vector.broadcast %get3A_47 : vector<1x256xf32> to vector<1280x256xf32>
    %add3A_49 = arith.addf %dot_general3A_44, %add3A_48 : vector<1280x256xf32>
    %mul3A_50 = arith.constant 5.000000e-01 : f32
    %mul3A_51 = vector.broadcast %mul3A_50 : f32 to vector<1280x256xf32>
    %mul3A_52 = arith.mulf %mul3A_51, %add3A_49 : vector<1280x256xf32>
    %add3A_53 = vector.broadcast %get3A_39 : vector<1x256xf32> to vector<1280x256xf32>
    %add3A_54 = arith.addf %add3A_53, %mul3A_52 : vector<1280x256xf32>
    %slice3A = vector.extract_strided_slice %add3A_54 {offsets = [0, 0], sizes = [1280, 128], strides = [1, 1]} : vector<1280x256xf32> to vector<1280x128xf32>
    %swap3A = arith.constant 0 : index
    %swap3A_55 = arith.constant 0 : index
    %swap3A_56 = arith.constant 0 : index
    %swap3A_57 = vector.load %arg9[%swap3A, %swap3A_55, %swap3A_56] : memref<2x1280x128xf32, #tpu.memory_space<vmem>>, vector<1x1280x128xf32>
    %swap3A_58 = vector.shape_cast %swap3A_57 : vector<1x1280x128xf32> to vector<1280x128xf32>
    %swap3A_59 = vector.shape_cast %slice3A : vector<1280x128xf32> to vector<1x1280x128xf32>
    tpu.vector_store %arg9[%swap3A, %swap3A_55, %swap3A_56], %swap3A_59 {strides = array<i32>} : memref<2x1280x128xf32, #tpu.memory_space<vmem>>, vector<1x1280x128xf32>,
    %slice3A_60 = vector.extract_strided_slice %add3A_54 {offsets = [0, 128], sizes = [1280, 128], strides = [1, 1]} : vector<1280x256xf32> to vector<1280x128xf32>
    %swap3A_61 = arith.constant 1 : index
    %swap3A_62 = arith.constant 0 : index
    %swap3A_63 = arith.constant 0 : index
    %swap3A_64 = vector.load %arg9[%swap3A_61, %swap3A_62, %swap3A_63] : memref<2x1280x128xf32, #tpu.memory_space<vmem>>, vector<1x1280x128xf32>
    %swap3A_65 = vector.shape_cast %swap3A_64 : vector<1x1280x128xf32> to vector<1280x128xf32>
    %swap3A_66 = vector.shape_cast %slice3A_60 : vector<1280x128xf32> to vector<1x1280x128xf32>
    tpu.vector_store %arg9[%swap3A_61, %swap3A_62, %swap3A_63], %swap3A_66 {strides = array<i32>} : memref<2x1280x128xf32, #tpu.memory_space<vmem>>, vector<1x1280x128xf32>,
    return
  }
  func.func @transform_0(%arg0: i32) -> (i32, i32) {
    %c0_i32 = arith.constant 0 : i32
    %c0_i32_0 = arith.constant 0 : i32
    return %arg0, %c0_i32 : i32, i32
  }
  func.func @transform_1(%arg0: i32) -> (i32, i32) {
    %c0_i32 = arith.constant 0 : i32
    %c0_i32_0 = arith.constant 0 : i32
    %c0_i32_1 = arith.constant 0 : i32
    return %c0_i32, %c0_i32_0 : i32, i32
  }
  func.func @transform_2(%arg0: i32) -> (i32, i32) {
    %c0_i32 = arith.constant 0 : i32
    %c0_i32_0 = arith.constant 0 : i32
    %c0_i32_1 = arith.constant 0 : i32
    return %c0_i32, %c0_i32_0 : i32, i32
  }
  func.func @transform_3(%arg0: i32) -> (i32, i32) {
    %c0_i32 = arith.constant 0 : i32
    %c0_i32_0 = arith.constant 0 : i32
    %c0_i32_1 = arith.constant 0 : i32
    return %c0_i32, %c0_i32_0 : i32, i32
  }
  func.func @transform_4(%arg0: i32) -> (i32, i32) {
    %c0_i32 = arith.constant 0 : i32
    %c0_i32_0 = arith.constant 0 : i32
    %c0_i32_1 = arith.constant 0 : i32
    return %c0_i32, %c0_i32_0 : i32, i32
  }
  func.func @transform_5(%arg0: i32) -> (i32, i32) {
    %c0_i32 = arith.constant 0 : i32
    %c0_i32_0 = arith.constant 0 : i32
    %c0_i32_1 = arith.constant 0 : i32
    return %c0_i32, %c0_i32_0 : i32, i32
  }
  func.func @transform_6(%arg0: i32) -> (i32, i32) {
    %c0_i32 = arith.constant 0 : i32
    %c0_i32_0 = arith.constant 0 : i32
    %c0_i32_1 = arith.constant 0 : i32
    return %c0_i32, %c0_i32_0 : i32, i32
  }
  func.func @transform_7(%arg0: i32) -> (i32, i32) {
    %c0_i32 = arith.constant 0 : i32
    %c0_i32_0 = arith.constant 0 : i32
    %c0_i32_1 = arith.constant 0 : i32
    return %c0_i32, %c0_i32_0 : i32, i32
  }
  func.func @transform_8(%arg0: i32) -> (i32, i32, i32) {
    %c0_i32 = arith.constant 0 : i32
    %c0_i32_0 = arith.constant 0 : i32
    %c0_i32_1 = arith.constant 0 : i32
    return %c0_i32, %arg0, %c0_i32_0 : i32, i32, i32
  }
}

module attributes {stable_mosaic.version = 14 : i64} {
  func.func @_fin_body(%arg0: i32, %arg1: memref<1000x256xf32, #tpu.memory_space<vmem>>, %arg2: memref<1000x128xf32, #tpu.memory_space<vmem>>, %arg3: memref<1000x128xf32, #tpu.memory_space<vmem>>, %arg4: memref<1000x128xf32, #tpu.memory_space<vmem>>, %arg5: memref<1x256xf32, #tpu.memory_space<vmem>>, %arg6: memref<1x256xf32, #tpu.memory_space<vmem>>, %arg7: memref<1000x256xf32, #tpu.memory_space<vmem>>) attributes {dimension_semantics = [#tpu.dimension_semantics<arbitrary>], iteration_bounds = array<i64: 10>, scalar_prefetch = 0 : i64, scratch_operands = 0 : i64, tpu.core_type = #tpu.core_type<tc>, window_params = [{transform_indices = @transform_0, window_bounds = array<i64: 1000, 256>}, {transform_indices = @transform_1, window_bounds = array<i64: 1000, 128>}, {transform_indices = @transform_2, window_bounds = array<i64: 1000, 128>}, {transform_indices = @transform_3, window_bounds = array<i64: 1000, 128>}, {pipeline_mode = #tpu.pipeline_mode<synchronous>, transform_indices = @transform_4, window_bounds = array<i64: 1, 256>}, {pipeline_mode = #tpu.pipeline_mode<synchronous>, transform_indices = @transform_5, window_bounds = array<i64: 1, 256>}, {transform_indices = @transform_6, window_bounds = array<i64: 1000, 256>}]} {
    %get3A = arith.constant 0 : index
    %get3A_0 = arith.constant 0 : index
    %get3A_1 = vector.load %arg1[%get3A, %get3A_0] : memref<1000x256xf32, #tpu.memory_space<vmem>>, vector<1000x256xf32>
    %get3A_2 = arith.constant 0 : index
    %get3A_3 = arith.constant 0 : index
    %get3A_4 = vector.load %arg2[%get3A_2, %get3A_3] : memref<1000x128xf32, #tpu.memory_space<vmem>>, vector<1000x128xf32>
    %get3A_5 = arith.constant 0 : index
    %get3A_6 = arith.constant 0 : index
    %get3A_7 = vector.load %arg3[%get3A_5, %get3A_6] : memref<1000x128xf32, #tpu.memory_space<vmem>>, vector<1000x128xf32>
    %concatenate3A = tpu.concatenate %get3A_4, %get3A_7 in 1 : vector<1000x128xf32>, vector<1000x128xf32> -> vector<1000x256xf32>
    %get3A_8 = arith.constant 0 : index
    %get3A_9 = arith.constant 0 : index
    %get3A_10 = vector.load %arg4[%get3A_8, %get3A_9] : memref<1000x128xf32, #tpu.memory_space<vmem>>, vector<1000x1xf32>
    %max3A = arith.constant 1.000000e+00 : f32
    %max3A_11 = vector.broadcast %max3A : f32 to vector<1000x1xf32>
    %max3A_12 = arith.maximumf %get3A_10, %max3A_11 : vector<1000x1xf32>
    %mul3A = arith.constant 5.000000e-01 : f32
    %mul3A_13 = vector.broadcast %mul3A : f32 to vector<1000x256xf32>
    %mul3A_14 = arith.mulf %mul3A_13, %concatenate3A : vector<1000x256xf32>
    %div3A = vector.broadcast %max3A_12 : vector<1000x1xf32> to vector<1000x256xf32>
    %div3A_15 = arith.divf %mul3A_14, %div3A : vector<1000x256xf32>
    %add3A = arith.addf %get3A_1, %div3A_15 : vector<1000x256xf32>
    %reduce_sum3A = arith.constant dense<0.000000e+00> : vector<1000xf32>
    %reduce_sum3A_16 = vector.multi_reduction <add>, %add3A, %reduce_sum3A [1] : vector<1000x256xf32> to vector<1000xf32>
    %broadcast_in_dim3A = vector.shape_cast %reduce_sum3A_16 : vector<1000xf32> to vector<1000x1xf32>
    %div3A_17 = arith.constant 2.560000e+02 : f32
    %div3A_18 = vector.broadcast %div3A_17 : f32 to vector<1000x1xf32>
    %div3A_19 = arith.divf %broadcast_in_dim3A, %div3A_18 : vector<1000x1xf32>
    %sub3A = vector.broadcast %div3A_19 : vector<1000x1xf32> to vector<1000x256xf32>
    %sub3A_20 = arith.subf %add3A, %sub3A : vector<1000x256xf32>
    %mul3A_21 = arith.mulf %sub3A_20, %sub3A_20 : vector<1000x256xf32>
    %reduce_sum3A_22 = arith.constant dense<0.000000e+00> : vector<1000xf32>
    %reduce_sum3A_23 = vector.multi_reduction <add>, %mul3A_21, %reduce_sum3A_22 [1] : vector<1000x256xf32> to vector<1000xf32>
    %broadcast_in_dim3A_24 = vector.shape_cast %reduce_sum3A_23 : vector<1000xf32> to vector<1000x1xf32>
    %div3A_25 = arith.constant 2.560000e+02 : f32
    %div3A_26 = vector.broadcast %div3A_25 : f32 to vector<1000x1xf32>
    %div3A_27 = arith.divf %broadcast_in_dim3A_24, %div3A_26 : vector<1000x1xf32>
    %add3A_28 = arith.constant 9.99999974E-6 : f32
    %add3A_29 = vector.broadcast %add3A_28 : f32 to vector<1000x1xf32>
    %add3A_30 = arith.addf %div3A_27, %add3A_29 : vector<1000x1xf32>
    %rsqrt3A = math.rsqrt %add3A_30 : vector<1000x1xf32>
    %mul3A_31 = vector.broadcast %rsqrt3A : vector<1000x1xf32> to vector<1000x256xf32>
    %mul3A_32 = arith.mulf %sub3A_20, %mul3A_31 : vector<1000x256xf32>
    %get3A_33 = arith.constant 0 : index
    %get3A_34 = arith.constant 0 : index
    %get3A_35 = vector.load %arg5[%get3A_33, %get3A_34] : memref<1x256xf32, #tpu.memory_space<vmem>>, vector<1x256xf32>
    %mul3A_36 = vector.broadcast %get3A_35 : vector<1x256xf32> to vector<1000x256xf32>
    %mul3A_37 = arith.mulf %mul3A_32, %mul3A_36 : vector<1000x256xf32>
    %get3A_38 = arith.constant 0 : index
    %get3A_39 = arith.constant 0 : index
    %get3A_40 = vector.load %arg6[%get3A_38, %get3A_39] : memref<1x256xf32, #tpu.memory_space<vmem>>, vector<1x256xf32>
    %add3A_41 = vector.broadcast %get3A_40 : vector<1x256xf32> to vector<1000x256xf32>
    %add3A_42 = arith.addf %mul3A_37, %add3A_41 : vector<1000x256xf32>
    %swap3A = arith.constant 0 : index
    %swap3A_43 = arith.constant 0 : index
    %swap3A_44 = vector.load %arg7[%swap3A, %swap3A_43] : memref<1000x256xf32, #tpu.memory_space<vmem>>, vector<1000x256xf32>
    tpu.vector_store %arg7[%swap3A, %swap3A_43], %add3A_42 {strides = array<i32>} : memref<1000x256xf32, #tpu.memory_space<vmem>>, vector<1000x256xf32>,
    return
  }
  func.func @transform_0(%arg0: i32) -> (i32, i32) {
    %c0_i32 = arith.constant 0 : i32
    %c0_i32_0 = arith.constant 0 : i32
    return %arg0, %c0_i32 : i32, i32
  }
  func.func @transform_1(%arg0: i32) -> (i32, i32) {
    %c0_i32 = arith.constant 0 : i32
    %c0_i32_0 = arith.constant 0 : i32
    return %arg0, %c0_i32 : i32, i32
  }
  func.func @transform_2(%arg0: i32) -> (i32, i32) {
    %add3A = arith.constant 10 : i32
    %add3A_0 = arith.addi %add3A, %arg0 : i32
    %c0_i32 = arith.constant 0 : i32
    %c0_i32_1 = arith.constant 0 : i32
    return %add3A_0, %c0_i32 : i32, i32
  }
  func.func @transform_3(%arg0: i32) -> (i32, i32) {
    %c0_i32 = arith.constant 0 : i32
    %c0_i32_0 = arith.constant 0 : i32
    return %arg0, %c0_i32 : i32, i32
  }
  func.func @transform_4(%arg0: i32) -> (i32, i32) {
    %c0_i32 = arith.constant 0 : i32
    %c0_i32_0 = arith.constant 0 : i32
    %c0_i32_1 = arith.constant 0 : i32
    return %c0_i32, %c0_i32_0 : i32, i32
  }
  func.func @transform_5(%arg0: i32) -> (i32, i32) {
    %c0_i32 = arith.constant 0 : i32
    %c0_i32_0 = arith.constant 0 : i32
    %c0_i32_1 = arith.constant 0 : i32
    return %c0_i32, %c0_i32_0 : i32, i32
  }
  func.func @transform_6(%arg0: i32) -> (i32, i32) {
    %c0_i32 = arith.constant 0 : i32
    %c0_i32_0 = arith.constant 0 : i32
    return %arg0, %c0_i32 : i32, i32
  }
}

</mosaic_0001>

<sc_bundles>
// kernel: kernel.11.cloned.1.call-start
scs
__scs_entry_jumppad:
0x0: {  	(pc) =	sbr.rel $0x88, $3  }
0x1: {  	(tag) =	ssettag $0x0;
	lr =	simm.s32 $0x1  }
0x2: {  	[smem:$0x3F8F] =	sst lr;
	_ =	strace $0xD0000000  }
0x3: {  	_ = 	snop  }
0x4: {  	_ = 	snop  }
0x5: {  	_ = 	snop  }
0x6: {  	_ = 	snop  }
0x7: {  	_ = 	snop  }
__scs_overlays_trampoline_lowered:
0x8: {  	[smem:$0x3F9E] =	sst s0  }
0x9: {  	[smem:$0x3F9F] =	sst s1  }
0xa: {  	[smem:$0x3FA0] =	sst s2  }
0xb: {  	[smem:$0x3FA1] =	sst s3  }
0xc: {  	[smem:$0x3FA2] =	sst s4  }
0xd: {  	[smem:$0x3FA3] =	sst s5  }
0xe: {  	[smem:$0x3FA4] =	sst s6  }
0xf: {  	[smem:$0x3FA5] =	sst s7  }
0x10: {  	[smem:$0x3FA6] =	sst s8  }
0x11: {  	[smem:$0x3FA7] =	sst s9;
	s0 =	simm.s32 @!p0 $0x0  }
0x12: {  	s1 =	sld [smem:$0x3F8D];
	s0 =	simm.s32 @p0 $0x1  }
0x13: {  	[smem:$0x3FA8] =	sst s0;
	s0 =	simm.s32 @!p1 $0x0  }
0x14: {  	s2 =	sld [smem:$0x3F8C];
	s0 =	simm.s32 @p1 $0x1  }
0x15: {  	[smem:$0x3FA9] =	sst s0;
	s0 =	simm.s32 @!p2 $0x0  }
0x16: {  	s3 =	sld [smem:$0x3FDB];
	s0 =	simm.s32 @p2 $0x1  }
0x17: {  	s4 =	simm.s32 $0x1BF5;
	[smem:$0x3FAB] =	sst s0  }
0x18: {  	s0 =	sld [smem:$0x3F8E];
	_ =	swait.ge [sflag:s4], $0x0  }
0x19: {  	s7 =	sld [smem:$0x3F8F]  }
0x1a: {  	s8 =	sadd.s32 $0xFFFFE003, lr  }
0x1b: {  	s9 =	sadd.s32 $0xFFFFFEF7, lr;
	s5 =	simm.s32 $0xFFFFFFFF;
	p2 =	slt.u32 s8, $0xFFFFF086  }
0x1c: {  	p1 =	slt.u32 s9, $0xF7A;
	s5 =	simm.s32 @!p2 $0x0  }
0x1d: {  	s5 =	simm.s32 @p1 $0x1;
	p0 =	seq.s32 s7, s2  }
0x1e: {  	s7 =	smul.u32 @!p0 $0xF7A, s2;
	p2 =	seq.s32 @!p0 s5, $0x0  }
0x1f: {  	s9 =	smul.u32 $0xF7A, s1;
	s8 =	simm.s32 @!p0 $0x1BF5;
	p2 =	por !p2, p0  }
0x20: {  	[sflag:s8] =	ssyncset.s32 @!p0 $0xFFFFF086;
	s6 =	sadd.s32 @!p0 s3, s7;
	s7 =	simm.s32 @!p0 $0x108  }
0x21: {  	s3 =	sadd.s32 s3, s9;
	s6 =	sadd.s32 @!p0 $0x88, s6;
	s7 =	simm.s32 @p2 $0x1082  }
0x22: {  	[simem:s7], [sflag:s8] =	dma.local @!p0 [hbm:s6], $0xF7A  }
0x23: {  	s9 =	sor.u32 $0xD0000000, s2;
	s6 =	simm.s32 $0x108;
	_ =	swait.ge @!p0 [sflag:s8], $0x0  }
0x24: {  	s3 =	sadd.s32 $0x88, s3;
	s6 =	simm.s32 @!p1 $0x1082;
	[sflag:s4] =	ssyncset.s32 $0xFFFFF086  }
0x25: {  	[simem:s6], [sflag:s4] =	dma.local [hbm:s3], $0xF7A  }
0x26: {  	[smem:$0x3F8F] =	sst s1;
	(tag) =	ssettag s2;
	_ =	strace s9  }
0x27: {  	s1 =	sld [smem:$0x3F9F]  }
0x28: {  	s2 =	sld [smem:$0x3FA0]  }
0x29: {  	s4 =	sld [smem:$0x3FA2]  }
0x2a: {  	p0 =	seq.s32 s5, $0x0;
	s5 =	sld [smem:$0x3FA3]  }
0x2b: {  	s6 =	sld [smem:$0x3FA4]  }
0x2c: {  	s7 =	sld [smem:$0x3FA5]  }
0x2d: {  	s3 =	simm.s32 $0x108;
	s8 =	sld [smem:$0x3FA6]  }
0x2e: {  	s3 =	simm.s32 @!p0 $0x1082;
	s9 =	sld [smem:$0x3FA7]  }
0x2f: {  	lr =	sadd.s32 s0, s3;
	s0 =	sld [smem:$0x3F9E]  }
0x30: {  	s3 =	sld [smem:$0x3FA1]  }
0x31: {  	[smem:$0x3FAA] =	sst s10  }
0x32: {  	s10 =	sld [smem:$0x3FA8];
	_ =	sdelay $0x3  }
0x33: {  	p0 =	seq.s32 s10, $0x1;
	s10 =	sld [smem:$0x3FAA];
	_ =	sdelay $0x3  }
0x34: {  	[smem:$0x3FAA] =	sst s10  }
0x35: {  	s10 =	sld [smem:$0x3FA9];
	_ =	sdelay $0x3  }
0x36: {  	p1 =	seq.s32 s10, $0x1;
	s10 =	sld [smem:$0x3FAA];
	_ =	sdelay $0x3  }
0x37: {  	[smem:$0x3FAA] =	sst s10  }
0x38: {  	s10 =	sld [smem:$0x3FAB]  }
0x39: {  	_ = 	snop;
	(pc) =	sbr.ind lr, $3  }
0x3a: {  	_ = 	snop  }
0x3b: {  	_ = 	snop  }
0x3c: {  	p2 =	seq.s32 s10, $0x1;
	s10 =	sld [smem:$0x3FAA]  }
0x3d: {  	_ =	shalt  }
0x3e: {  	_ =	shalt  }
0x3f: {  	_ =	shalt  }
0x40: {  	_ =	shalt  }
0x41: {  	_ =	shalt  }
0x42: {  	_ =	shalt  }
0x43: {  	_ =	shalt  }
0x44: {  	_ =	shalt  }
0x45: {  	_ =	shalt  }
0x46: {  	_ =	shalt  }
0x47: {  	_ =	shalt  }
0x48: {  	_ =	shalt  }
0x49: {  	_ =	shalt  }
0x4a: {  	_ =	shalt  }
0x4b: {  	_ =	shalt  }
0x4c: {  	_ =	shalt  }
0x4d: {  	_ =	shalt  }
0x4e: {  	_ =	shalt  }
0x4f: {  	_ =	shalt  }
0x50: {  	_ =	shalt  }
0x51: {  	_ =	shalt  }
0x52: {  	_ =	shalt  }
0x53: {  	_ =	shalt  }
0x54: {  	_ =	shalt  }
0x55: {  	_ =	shalt  }
0x56: {  	_ =	shalt  }
0x57: {  	_ =	shalt  }
0x58: {  	_ =	shalt  }
0x59: {  	_ =	shalt  }
0x5a: {  	_ =	shalt  }
0x5b: {  	_ =	shalt  }
0x5c: {  	_ =	shalt  }
0x5d: {  	_ =	shalt  }
0x5e: {  	_ =	shalt  }
0x5f: {  	_ =	shalt  }
0x60: {  	_ =	shalt  }
0x61: {  	_ =	shalt  }
0x62: {  	_ =	shalt  }
0x63: {  	_ =	shalt  }
0x64: {  	_ =	shalt  }
0x65: {  	_ =	shalt  }
0x66: {  	_ =	shalt  }
0x67: {  	_ =	shalt  }
0x68: {  	_ =	shalt  }
0x69: {  	_ =	shalt  }
0x6a: {  	_ =	shalt  }
0x6b: {  	_ =	shalt  }
0x6c: {  	_ =	shalt  }
0x6d: {  	_ =	shalt  }
0x6e: {  	_ =	shalt  }
0x6f: {  	_ =	shalt  }
0x70: {  	_ =	shalt  }
0x71: {  	_ =	shalt  }
0x72: {  	_ =	shalt  }
0x73: {  	_ =	shalt  }
0x74: {  	_ =	shalt  }
0x75: {  	_ =	shalt  }
0x76: {  	_ =	shalt  }
0x77: {  	_ =	shalt  }
0x78: {  	_ =	shalt  }
0x79: {  	_ =	shalt  }
0x7a: {  	_ =	shalt  }
0x7b: {  	_ =	shalt  }
0x7c: {  	_ =	shalt  }
0x7d: {  	_ =	shalt  }
0x7e: {  	_ =	shalt  }
0x7f: {  	_ =	shalt  }
0x80: {  	_ =	shalt  }
0x81: {  	_ =	shalt  }
0x82: {  	_ =	shalt  }
0x83: {  	_ =	shalt  }
0x84: {  	_ =	shalt  }
0x85: {  	_ =	shalt  }
0x86: {  	_ =	shalt  }
0x87: {  	_ =	shalt  }
.Lfunc_end0:
.L_simem_size_0:
called_computation.1_lowered:
.L_overlay_start_0:
0x88: {  	s2 =	sld [smem:$0x3FD9]  }
0x89: {  	s3 =	sld [smem:$0x3FFE];
	_ =	sdelay $0x1  }
0x8a: {  	s1 =	srdreg.scid  }
0x8b: {  	s0 =	sand.u32 $0x1, s1  }
0x8c: {  	s15 =	sshll.u32 s0, $0xA;
	s2 =	sadd.s32 s3, s2  }
0x8d: {  	s2 =	sadd.s32 s2, s15  }
0x8e: {  	[smem:$0x3FB6] =	sst s2  }
0x8f: {  	_ = 	snop  }
0x90: {  	s2 =	sld [smem:$0x3FD0];
	_ =	sdelay $0x2  }
0x91: {  	s16 =	simm.s32 $0xB;
	s4 =	simm.s32 $0x10  }
0x92: {  	[smem:s4], [sflag:s16] =	dma.local [hbm:s2], $0x1  }
0x93: {  	_ =	swait.eq [sflag:s16], $0x1  }
0x94: {  	[sflag:s16] =	ssyncset.done $0x0  }
0x95: {  	[sflag:s16] =	ssyncadd.s32 $0xFFFFFFFF  }
0x96: {  	s17 =	sld [smem:$0x10];
	(tm) =	ssettm $0x1  }
0x97: {  	s18 =	sld [smem:$0x3FFB];
	_ =	sdelay $0x3  }
0x98: {  	_ =	strace s18  }
0x99: {  	s2 =	sld [smem:$0x3FFC];
	_ =	sdelay $0x3  }
0x9a: {  	_ =	strace s2  }
0x9b: {  	s2 =	sld [smem:$0x3FFD];
	_ =	sdelay $0x3  }
0x9c: {  	_ =	strace s2  }
0x9d: {  	_ =	strace $0x8FFFFFFF  }
0x9e: {  	s19 =	sld [smem:$0x3FDB];
	_ =	sdelay $0x1  }
0x9f: {  	s20 =	simm.s32 $_scs_section_size  }
0xa0: {  	s5 =	simm.s32 $_size__tile_overlayer_lowered;
	s6 =	simm.s32 $_tile_overlayer_lowered  }
0xa1: {  	s7 =	simm.s32 $0x1BFF;
	s21 =	sshll.u32 s6, $0x1;
	s4 =	sadd.s32 s20, s19  }
0xa2: {  	s22 =	simm.s32 $0x0;
	s5 =	sshll.u32 s5, $0x1;
	s6 =	sadd.s32 s21, s4  }
0xa3: {  	[timem:s22], [sflag:s7] =	dma.local [hbm:s6], s5  }
0xa4: {  	_ =	swait.ge [sflag:s7], s5  }
0xa5: {  	s5 =	ssub.s32 $0x0, s5;
	[sflag:s7] =	ssyncset.done $0x0  }
0xa6: {  	[sflag:s7] =	ssyncadd.s32 s5;
	_ =	sdelay $0x1  }
0xa7: {  	s23 =	simm.s32 $0x1B8B  }
0xa8: {  	_ =	swait.ge [sflag:s23], $0x1  }
0xa9: {  	[sflag:s23] =	ssyncset.done $0x0  }
0xaa: {  	[sflag:s23] =	ssyncadd.s32 $0xFFFFFFFF  }
0xab: {  	s5 =	sld [smem:$0x0]  }
0xac: {  	s6 =	sand.u32 $0xFFFFFFFE, s1  }
0xad: {  	p0 =	sne.s32 s1, s6  }
0xae: {  	s6 =	sshll.u32 @p0 s6, $0xE  }
0xaf: {  	s6 =	sadd.s32 @p0 $0x11B8D, s6;
	s7 =	sshll.u32 @p0 s5, $0x11  }
0xb0: {  	s6 =	sor.u32 @p0 s7, s6  }
0xb1: {  	[sflag:s6] =	ssyncadd.remote.s32 @p0 $0x1;
	_ =	sdelay $0x1  }
0xb2: {  	s6 =	simm.s32 @p0 $0x1B8D  }
0xb3: {  	_ =	swait.eq @p0 [sflag:s6], $0x1  }
0xb4: {  	[sflag:s6] =	ssyncadd.s32 @p0 $0xFFFFFFFF  }
0xb5: {  	s7 =	sshll.u32 @!p0 s1, $0xE  }
0xb6: {  	s7 =	sor.u32 @!p0 $0x4000, s7;
	s6 =	simm.s32 @!p0 $0x1B8D  }
0xb7: {  	s5 =	sshll.u32 @!p0 s5, $0x11;
	s7 =	sadd.s32 @!p0 $0x11B8D, s7;
	_ =	swait.eq @!p0 [sflag:s6], $0x1  }
0xb8: {  	s5 =	sor.u32 @!p0 s5, s7;
	[sflag:s6] =	ssyncadd.s32 @!p0 $0xFFFFFFFF  }
0xb9: {  	s25 =	simm.s32 $0x1B8E;
	s24 =	sld [smem:$0x3FFE];
	[sflag:s5] =	ssyncadd.remote.s32 @!p0 $0x1  }
0xba: {  	s26 =	simm.s32 $execute0_lowered;
	[smem:$0x3FD2] =	sst s25  }
0xbb: {  	s6 =	sshll.u32 s26, $0x1;
	_ =	strace $0x80000049;
	[dreg:$0x1] =	wrdreg $0xFFFFFFFF  }
0xbc: {  	s28 =	simm.s32 $_size_execute0_lowered;
	s4 =	sadd.s32 s4, s6;
	[dreg:$0x0] =	wrdreg $0x0  }
0xbd: {  	s6 =	sshll.u32 s28, $0x1;
	[dreg:$0x2] =	wrdreg s4  }
0xbe: {  	[dreg:$0x3] =	wrdreg s6  }
0xbf: {  	[dreg:$0x4] =	wrdreg $0xC0  }
0xc0: {  	_ =	task [dreg:s22], $0x5FFFF  }
0xc1: {  	[dreg:$0x1] =	wrdreg $0xFFFFFFFF  }
0xc2: {  	[dreg:$0x0] =	wrdreg $0x60  }
0xc3: {  	[dreg:$0x2] =	wrdreg s17  }
0xc4: {  	[dreg:$0x3] =	wrdreg s24  }
0xc5: {  	[dreg:$0x4] =	wrdreg $0xA2000  }
0xc6: {  	[dreg:$0x5] =	wrdreg $0xA  }
0xc7: {  	_ =	task.clear_ibuf [dreg:s22], $0x6FFFF;
	_ =	strace $0x90000049  }
0xc8: {  	s29 =	simm.s32 $0xA;
	_ =	strace $0x8000004B  }
0xc9: {  	_ =	swait.ge [sflag:s29], $0x1  }
0xca: {  	[sflag:s29] =	ssyncadd.s32 $0xFFFFFFFF  }
0xcb: {  	_ =	strace $0x9000004B  }
0xcc: {  	_ =	sfence  }
0xcd: {  	s30 =	sld [smem:$0x0];
	_ =	sdelay $0x2  }
0xce: {  	s31 =	sshll.u32 s1, $0xD;
	s1 =	sshrl.u32 s1, $0x2  }
0xcf: {  	s4 =	sand.u32 $0x4000, s31;
	s1 =	sadd.s32 s1, s30  }
0xd0: {  	s0 =	sor.u32 s4, s0;
	s1 =	sshll.u32 s1, $0x11  }
0xd1: {  	s0 =	sor.u32 s1, s0  }
0xd2: {  	s0 =	sadd.s32 $0x8F2B, s0  }
0xd3: {  	[sflag:s0] =	ssyncadd.remote.s32 $0x1  }
0xd4: {  	_ =	sfence.sel $0xFFFF  }
0xd5: {  	[dreg:$0x0] =	wrdreg $0xFFFFFFFF;
	(pc) =	sbr.abs _section_cstart, $3  }
0xd6: {  	[dreg:$0x1] =	wrdreg $0xFFFFFFFF  }
0xd7: {  	_ =	task.clear_ibuf [dreg:s22], $0x2FFFF;
	_ =	strace $0x9FFFFFFF  }
0xd8: {  	(tm) =	ssettm $0x7FFFFFFF  }
0xd9: {  	_ =	shalt  }
tec
execute0_lowered:
.L_overlay_start_1:
0x0: {  	(tag) =	ssettag $0x1  }
0x1: {  	s22 =	stileid.u32  }
0x2: {  	s0 =	srdreg.scid;
	s16 =	smul.u32 $0x280, s22  }
0x3: {  	s2 =	rddreg [dreg:$0x1];
	s9 =	sand.u32 $0x1, s0;
	s1 =	smul.u32 $0x140, s22  }
0x4: {  	s8 =	sadd.s32 $0x8A200, s2;
	s3 =	smul.u32 $0x2710, s9  }
0x5: {  	p0 =	seq.s32 s22, $0xF;
	s4 =	ssub.s32 $0x2, s9;
	s6 =	smul.u32 $0x1388, s9  }
0x6: {  	s25 =	sadd.s32 $0xB1400, s2;
	s9 =	smul.u32 $0x27100, s9;
	s17 =	sshrl.u32 s4, $0x1  }
0x7: {  	s11 =	sadd.s32 s16, s3;
	s0 =	ssub.s32 s4, s17;
	s1 =	sadd.s32 s1, s6  }
0x8: {  	s17 =	sadd.s32 $0x2580, s3;
	s12 =	sshll.u32 s11, $0x7;
	s18 =	sshll.u32 s1, $0x4  }
0x9: {  	s3 =	sadd.s32 $0x50, s1;
	s4 =	sadd.s32 $0xA0, s1;
	s5 =	sadd.s32 $0xF0, s1  }
0xa: {  	s11 =	sshll.u32 s11, $0x4;
	s1 =	sshll.u32 s1, $0x7;
	s0 =	smax.u32 s0, $0x1  }
0xb: {  	s13 =	sshrl.u32 s12, $0x3;
	s16 =	sadd.s32 $0xA000, s12;
	s19 =	sadd.s32 s8, s18  }
0xc: {  	s7 =	sshll.u32 s3, $0x4;
	s11 =	sadd.s32 s25, s11;
	[dreg:$0x4] =	wrdreg s19  }
0xd: {  	s10 =	sshll.u32 s4, $0x4;
	s7 =	sadd.s32 s8, s7;
	[dreg:$0xb] =	wrdreg s11  }
0xe: {  	s18 =	sshll.u32 s5, $0x4;
	s20 =	sadd.s32 s8, s10;
	[dreg:$0x5] =	wrdreg s7  }
0xf: {  	s14 =	sadd.s32 $0xC800, s12;
	s21 =	sadd.s32 s8, s18;
	[dreg:$0x6] =	wrdreg s20  }
0x10: {  	s10 =	sadd.s32 $0x1310, s6;
	[dreg:$0x7] =	wrdreg s21;
	s7 =	sadd.s32 $0x12C0, s6  }
0x11: {  	s6 =	sadd.s32 $0x1360, s6;
	s19 =	sshll.u32 s10, $0x4;
	s23 =	sshll.u32 s7, $0x4  }
0x12: {  	s20 =	sshll.u32 s6, $0x4;
	s24 =	sadd.s32 s8, s19;
	s18 =	sadd.s32 s8, s23  }
0x13: {  	[dreg:$0x9] =	wrdreg s24;
	s8 =	sadd.s32 s8, s20;
	s20 =	smul.u32 $0x50000, s22  }
0x14: {  	s15 =	sadd.s32 $0xF00, s13;
	s23 =	smul.u32 $0x2710, s22;
	[dreg:$0x8] =	wrdreg s18  }
0x15: {  	[dreg:$0xa] =	wrdreg s8;
	s8 =	sshll.u32 s17, $0x4;
	s17 =	sshll.u32 s17, $0x7  }
0x16: {  	s15 =	smov.u32 @p0 s8;
	s8 =	sadd.s32 $0x2800, s17;
	s18 =	sadd.s32 $0x5000, s17  }
0x17: {  	s24 =	sadd.s32 s23, s9;
	s28 =	sadd.s32 $0xA0, s23;
	s16 =	smov.u32 @p0 s8  }
0x18: {  	s14 =	smov.u32 @p0 s18;
	s18 =	sadd.s32 $0xF000, s12;
	s12 =	sadd.s32 $0x11800, s12  }
0x19: {  	s8 =	sadd.s32 $0x7800, s17;
	s17 =	sadd.s32 $0xA000, s17;
	s21 =	sadd.s32 s25, s15  }
0x1a: {  	s18 =	smov.u32 @p0 s8;
	s19 =	sshrl.u32 s16, $0x3;
	s16 =	rddreg [dreg:$0x2]  }
0x1b: {  	s12 =	smov.u32 @p0 s17;
	s8 =	simm.s32 $0x0;
	[dreg:$0x10] =	wrdreg s21  }
0x1c: {  	s21 =	sadd.s32 $0x9D8E00, s2;
	[smem:$0x7FF] =	sst s8;
	s26 =	sshrl.u32 s12, $0x3  }
0x1d: {  	s12 =	sadd.s32 s25, s13;
	s13 =	sshrl.u32 s18, $0x3;
	s18 =	sshrl.u32 s14, $0x3  }
0x1e: {  	s14 =	rddreg [dreg:$0x0];
	s1 =	sadd.s32 s1, s16;
	s11 =	sadd.s32 s25, s26  }
0x1f: {  	[dreg:$0xc] =	wrdreg s11;
	s11 =	sadd.s32 s25, s13;
	s13 =	sadd.s32 $0xA00, s12  }
0x20: {  	[dreg:$0xd] =	wrdreg s11;
	s11 =	sadd.s32 s25, s18;
	s18 =	sshll.u32 s4, $0x7  }
0x21: {  	[dreg:$0xe] =	wrdreg s11;
	s11 =	sadd.s32 s25, s19;
	s19 =	sadd.s32 $0x80400, s2  }
0x22: {  	s25 =	sshrl.u32 s24, $0x3;
	[dreg:$0xf] =	wrdreg s11;
	s11 =	sshrl.u32 s20, $0x2  }
0x23: {  	s20 =	sadd.s32 $0x7B400, s2;
	_ =	strace $0x8000004A;
	[dreg:$0x16] =	wrdreg s13  }
0x24: {  	s2 =	sshll.u32 s24, $0x4;
	s24 =	sadd.s32 s18, s16;
	[dreg:$0x17] =	wrdreg s1  }
0x25: {  	s15 =	sshll.u32 s3, $0x7;
	s3 =	sshll.u32 s10, $0x7;
	[dreg:$0x19] =	wrdreg s24  }
0x26: {  	s26 =	sshrl.u32 s23, $0x3;
	s18 =	sadd.s32 $0x12C000, s16;
	[dreg:$0x1e] =	wrdreg s0  }
0x27: {  	s4 =	smul.u32 $0x4E2, s22;
	s22 =	sadd.s32 $0x12E800, s16;
	[smem:$0x7F9] =	sst s18  }
0x28: {  	s17 =	sadd.s32 s11, s16;
	s11 =	sadd.s32 s19, s25;
	[smem:$0x7FA] =	sst s22  }
0x29: {  	s31 =	sadd.s32 s20, s26;
	s2 =	sadd.s32 s21, s2;
	[dreg:$0x12] =	wrdreg s11  }
0x2a: {  	s26 =	sadd.s32 $0x50, s23;
	s1 =	sadd.s32 s15, s16;
	[dreg:$0x14] =	wrdreg s2  }
0x2b: {  	s23 =	sshll.u32 s5, $0x7;
	s5 =	sadd.s32 s3, s16;
	[dreg:$0x18] =	wrdreg s1  }
0x2c: {  	[dreg:$0x1c] =	wrdreg s5  }
0x2d: {  	s24 =	sadd.s32 $0x133800, s16;
	[dreg:$0x11] =	wrdreg s17  }
0x2e: {  	[smem:$0x7FC] =	sst s24  }
0x2f: {  	s29 =	simm.s32 $0x6;
	s11 =	sadd.s32 $0x500, s12;
	[dreg:$0x13] =	wrdreg s31  }
0x30: {  	s30 =	simm.s32 $0x4;
	s25 =	sadd.s32 s23, s16;
	[dreg:$0x15] =	wrdreg s11  }
0x31: {  	s2 =	sshll.u32 s7, $0x7;
	s7 =	sadd.s32 $0x2800, s17;
	[dreg:$0x1a] =	wrdreg s25  }
0x32: {  	s6 =	sshll.u32 s6, $0x7;
	s10 =	sadd.s32 $0x5000, s17;
	[dreg:$0x1f] =	wrdreg s7  }
0x33: {  	s0 =	simm.s32 $0x5;
	s12 =	sadd.s32 $0xA000, s17;
	[smem:$0x7F3] =	sst s10  }
0x34: {  	s3 =	simm.s32 $0x1;
	s13 =	sadd.s32 $0xC800, s17;
	[smem:$0x7F5] =	sst s12  }
0x35: {  	s15 =	sadd.s32 $0xF000, s17;
	s23 =	sadd.s32 $0x131000, s16;
	[smem:$0x7F6] =	sst s13  }
0x36: {  	s5 =	simm.s32 $0x80;
	s1 =	sadd.s32 s2, s16;
	[smem:$0x7F7] =	sst s15  }
0x37: {  	s11 =	sadd.s32 $0x7800, s17;
	s17 =	sadd.s32 $0x11800, s17;
	[smem:$0x7FB] =	sst s23  }
0x38: {  	s25 =	sadd.s32 $0x136000, s16;
	s13 =	simm.s32 $0x200;
	[dreg:$0x1b] =	wrdreg s1  }
0x39: {  	s2 =	simm.s32 $0x5200;
	s23 =	simm.s32 $0x180;
	[smem:$0x7F4] =	sst s11  }
0x3a: {  	s12 =	simm.s32 $0x2;
	s15 =	simm.s32 $0x2A00;
	[smem:$0x7F8] =	sst s17  }
0x3b: {  	s1 =	sadd.s32 s6, s16;
	s6 =	sadd.s32 s4, s20;
	[smem:$0x7FD] =	sst s25  }
0x3c: {  	s4 =	simm.s32 $0x50;
	s25 =	simm.s32 $0x7A00;
	s11 =	simm.s32 $0x3  }
0x3d: {  	v0 =	vimm.f32 $0.0e+00;
	v1 =	vimm.f32 $1.000000000e+00;
	s17 =	simm.s32 $0x0;
	[dreg:$0x1d] =	wrdreg s1;
	s1 =	simm.s32 $0x100  }
.LBB2_1:
0x3e: {  	[smem:$0x7F2] =	sst s17;
	s7 =	simm.s32 $0x0;
	s10 =	simm.s32 $0x200  }
.LBB2_2:
0x3f: {  	p1 =	sne.s32 s10, $0x9E00;
	[tilespmem:s7+$0x270] =	vst v0  }
0x40: {  	[tilespmem:s7+$0x200] =	vst v0  }
0x41: {  	[tilespmem:s7+$0x210] =	vst v0  }
.Ltmp0:
0x42: {  	[tilespmem:s7+$0x220] =	vst v0;
	(pc) =	sbr.rel @p1 .LBB2_2-.Ltmp0, $4  }
0x43: {  	[tilespmem:s7+$0x230] =	vst v0  }
0x44: {  	[tilespmem:s7+$0x240] =	vst v0  }
0x45: {  	[tilespmem:s7+$0x250] =	vst v0  }
0x46: {  	[tilespmem:s7+$0x260] =	vst v0;
	s7 =	sshra.s32 s10, $0x2;
	s10 =	sadd.s32 $0x200, s10  }
0x47: {  	[tilespmem:s7+$0x270] =	vst v0  }
0x48: {  	[tilespmem:s7+$0x200] =	vst v0  }
0x49: {  	[tilespmem:s7+$0x210] =	vst v0  }
0x4a: {  	[tilespmem:s7+$0x220] =	vst v0  }
0x4b: {  	[tilespmem:s7+$0x230] =	vst v0  }
0x4c: {  	[tilespmem:s7+$0x240] =	vst v0  }
0x4d: {  	[tilespmem:s7+$0x250] =	vst v0  }
0x4e: {  	[tilespmem:s7+$0x260] =	vst v0;
	s7 =	simm.s32 @!p0 $0x200;
	s10 =	rddreg [dreg:$0x11]  }
0x4f: {  	[spmem:s10] =	stream.linear.scatter @!p0 [tilespmem:s7], [sflag:$0x5], $0x2800, $0x38;
	[tilespmem:$0x1DA80] =	vst v63  }
0x50: {  	s10 =	simm.s32 @!p0 $0x5  }
0x51: {  	_ =	swait.ge @!p0 [sflag:s10], $0x2800  }
0x52: {  	[sflag:s10] =	ssyncset.done @!p0 $0x0  }
0x53: {  	s17 =	rddreg [dreg:$0x1f];
	[sflag:s10] =	ssyncadd.s32 @!p0 $0xFFFFD800  }
0x54: {  	[spmem:s17] =	stream.linear.scatter @!p0 [tilespmem:s7], [sflag:$0x5], $0x2800, $0x38;
	[tilespmem:$0x1DA80] =	vst v63  }
0x55: {  	_ =	swait.ge @!p0 [sflag:s10], $0x2800  }
0x56: {  	s17 =	sld [smem:$0x7F3]  }
0x57: {  	[sflag:s10] =	ssyncset.done @!p0 $0x0  }
0x58: {  	[sflag:s10] =	ssyncadd.s32 @!p0 $0xFFFFD800  }
0x59: {  	[spmem:s17] =	stream.linear.scatter @!p0 [tilespmem:s7], [sflag:$0x5], $0x2800, $0x38;
	[tilespmem:$0x1DA80] =	vst v63  }
0x5a: {  	_ =	swait.ge @!p0 [sflag:s10], $0x2800  }
0x5b: {  	s17 =	sld [smem:$0x7F4]  }
0x5c: {  	s7 =	sld [smem:$0x7F9];
	_ =	sdelay $0x2  }
0x5d: {  	[sflag:s10] =	ssyncset.done @!p0 $0x0;
	s17 =	smov.u32 @p0 s7  }
0x5e: {  	[sflag:s10] =	ssyncadd.s32 @!p0 $0xFFFFD800;
	[smem:$0x7F0] =	sst s17  }
0x5f: {  	[spmem:s17] =	stream.linear.scatter [tilespmem:s13], [sflag:$0x5], $0x2800, $0x38;
	[tilespmem:$0x1DA80] =	vst v63  }
0x60: {  	_ =	swait.ge [sflag:s0], $0x2800  }
0x61: {  	s10 =	sld [smem:$0x7F5]  }
0x62: {  	s7 =	sld [smem:$0x7FA];
	_ =	sdelay $0x2  }
0x63: {  	[sflag:s0] =	ssyncset.done $0x0;
	s10 =	smov.u32 @p0 s7  }
0x64: {  	[sflag:s0] =	ssyncadd.s32 $0xFFFFD800;
	[smem:$0x7F1] =	sst s10  }
0x65: {  	[spmem:s10] =	stream.linear.scatter [tilespmem:s13], [sflag:$0x5], $0x2800, $0x38;
	[tilespmem:$0x1DA80] =	vst v63  }
0x66: {  	_ =	swait.ge [sflag:s0], $0x2800  }
0x67: {  	s24 =	sld [smem:$0x7F6]  }
0x68: {  	s7 =	sld [smem:$0x7FB];
	_ =	sdelay $0x1  }
0x69: {  	[sflag:s0] =	ssyncset.done $0x0  }
0x6a: {  	[sflag:s0] =	ssyncadd.s32 $0xFFFFD800;
	s24 =	smov.u32 @p0 s7  }
0x6b: {  	[spmem:s24] =	stream.linear.scatter [tilespmem:s13], [sflag:$0x5], $0x2800, $0x38;
	[tilespmem:$0x1DA80] =	vst v63  }
0x6c: {  	_ =	swait.ge [sflag:s0], $0x2800  }
0x6d: {  	s7 =	sld [smem:$0x7F7]  }
0x6e: {  	s10 =	sld [smem:$0x7FC];
	_ =	sdelay $0x1  }
0x6f: {  	[sflag:s0] =	ssyncset.done $0x0  }
0x70: {  	[sflag:s0] =	ssyncadd.s32 $0xFFFFD800;
	s7 =	smov.u32 @p0 s10  }
0x71: {  	[spmem:s7] =	stream.linear.scatter [tilespmem:s13], [sflag:$0x5], $0x2800, $0x38;
	[tilespmem:$0x1DA80] =	vst v63  }
0x72: {  	_ =	swait.ge [sflag:s0], $0x2800  }
0x73: {  	s10 =	sld [smem:$0x7F8]  }
0x74: {  	s17 =	sld [smem:$0x7FD];
	_ =	sdelay $0x1  }
0x75: {  	[sflag:s0] =	ssyncset.done $0x0  }
0x76: {  	[sflag:s0] =	ssyncadd.s32 $0xFFFFD800;
	s10 =	smov.u32 @p0 s17  }
0x77: {  	[spmem:s10] =	stream.linear.scatter [tilespmem:s13], [sflag:$0x5], $0x2800, $0x38;
	[tilespmem:$0x1DA80] =	vst v63  }
0x78: {  	_ =	swait.ge [sflag:s0], $0x2800  }
0x79: {  	[sflag:s0] =	ssyncset.done $0x0  }
0x7a: {  	[sflag:s0] =	ssyncadd.s32 $0xFFFFD800  }
0x7b: {  	[bflag:$0x0] =	sbarrier.arrive $0xFFFF  }
0x7c: {  	s22 =	simm.s32 $0x0;
	s18 =	rddreg [dreg:$0x12]  }
0x7d: {  	[tilespmem:s22], [sflag:$0x1] =	stream.linear.gather [hbm4b:s18+s22], $0x50, $0x38;
	[tilespmem:$0x1DA80] =	vst v63  }
0x7e: {  	_ = 	snop  }
0x7f: {  	[tilespmem:s1], [sflag:$0x1] =	stream.linear.gather [hbm4b:s31+s22], $0x50, $0x38;
	[tilespmem:$0x1DA80] =	vst v63  }
0x80: {  	s31 =	rddreg [dreg:$0x14]  }
0x81: {  	[tilespmem:s2], [sflag:$0x1] =	stream.linear.gather [hbm4b:s31+s22], $0x2800, $0x38;
	[tilespmem:$0x1DA80] =	vst v63  }
.LBB2_4:
0x82: {  	_ =	swait.ge [sflag:s3], $0x50  }
0x83: {  	[sflag:s3] =	ssyncset.done $0x0  }
0x84: {  	[sflag:s3] =	ssyncadd.s32 $0xFFFFFFB0  }
0x85: {  	_ =	swait.ge [sflag:s3], $0x50  }
0x86: {  	p1 =	seq.s32 s22, $0x0;
	[sflag:s3] =	ssyncset.done $0x0  }
.Ltmp1:
0x87: {  	[sflag:s3] =	ssyncadd.s32 $0xFFFFFFB0;
	(pc) =	sbr.rel @p1 .LBB2_8-.Ltmp1, $4  }
0x88: {  	_ =	swait.ge [sflag:s3], $0x2800  }
0x89: {  	[sflag:s3] =	ssyncset.done $0x0  }
0x8a: {  	[sflag:s3] =	ssyncadd.s32 $0xFFFFD800  }
0x8b: {  	[tilespmem:s13], [sflag:$0x3] =	stream.indirect.gather [hbm4b:s14+s4], $0x80, s8, s4, $0xb8;
	[tilespmem:$0x1DA80] =	vst v63  }
0x8c: {  	_ =	swait.ge [sflag:s30], $0x2800  }
0x8d: {  	[sflag:s30] =	ssyncset.done $0x0  }
0x8e: {  	s31 =	simm.s32 $0x0;
	[sflag:s30] =	ssyncadd.s32 $0xFFFFD800  }
0x8f: {  	v9 =	vld [tilespmem:s31+$0x7A00]  }
0x90: {  	v13 =	vld [tilespmem:s31+$0x7A10]  }
0x91: {  	v7 =	vld [tilespmem:s31+$0x7A20]  }
0x92: {  	v6 =	vld [tilespmem:s31+$0x7A30]  }
0x93: {  	v5 =	vld [tilespmem:s31+$0x7A40]  }
0x94: {  	v4 =	vld [tilespmem:s31+$0x7A50]  }
0x95: {  	v3 =	vld [tilespmem:s31+$0x7A60]  }
0x96: {  	v2 =	vld [tilespmem:s31+$0x7A70]  }
0x97: {  	v14 =	vld [tilespmem:s31+$0x2A00]  }
0x98: {  	v15 =	vld [tilespmem:s31+$0x2A10]  }
0x99: {  	v12 =	vld [tilespmem:s31+$0x2A20]  }
0x9a: {  	v11 =	vld [tilespmem:s31+$0x2A30]  }
0x9b: {  	v10 =	vld [tilespmem:s31+$0x2A40]  }
0x9c: {  	v8 =	vld [tilespmem:s31+$0x2A50];
	v14 =	vmul.f32 v9, v14  }
0x9d: {  	s17 =	simm.s32 $0x200;
	v13 =	vmul.f32 v13, v15;
	v9 =	vld [tilespmem:s31+$0x2A60]  }
.LBB2_6:
0x9e: {  	s18 =	sshra.s32 s17, $0x2;
	p1 =	sne.s32 s17, $0x9E00;
	[tilespmem:s31+$0x2A00] =	vst v14;
	v7 =	vmul.f32 v7, v12;
	v12 =	vld [tilespmem:s31+$0x2A70]  }
0x9f: {  	v14 =	vld [tilespmem:s18+$0x7A00];
	[tilespmem:s31+$0x2A10] =	vst v13;
	v6 =	vmul.f32 v6, v11  }
0xa0: {  	v13 =	vld [tilespmem:s18+$0x7A10];
	[tilespmem:s31+$0x2A20] =	vst v7;
	v5 =	vmul.f32 v5, v10  }
0xa1: {  	v7 =	vld [tilespmem:s18+$0x7A20];
	[tilespmem:s31+$0x2A30] =	vst v6;
	v4 =	vmul.f32 v4, v8  }
0xa2: {  	v6 =	vld [tilespmem:s18+$0x7A30];
	[tilespmem:s31+$0x2A40] =	vst v5;
	v3 =	vmul.f32 v3, v9  }
0xa3: {  	v5 =	vld [tilespmem:s18+$0x7A40];
	[tilespmem:s31+$0x2A50] =	vst v4;
	v2 =	vmul.f32 v2, v12  }
0xa4: {  	v4 =	vld [tilespmem:s18+$0x7A50];
	[tilespmem:s31+$0x2A60] =	vst v3  }
0xa5: {  	v3 =	vld [tilespmem:s18+$0x7A60];
	[tilespmem:s31+$0x2A70] =	vst v2;
	s31 =	smov.u32 s18  }
0xa6: {  	v2 =	vld [tilespmem:s31+$0x7A70]  }
0xa7: {  	v8 =	vld [tilespmem:s31+$0x2A00]  }
0xa8: {  	v9 =	vld [tilespmem:s31+$0x2A10]  }
.Ltmp2:
0xa9: {  	v12 =	vld [tilespmem:s31+$0x2A20];
	(pc) =	sbr.rel @p1 .LBB2_6-.Ltmp2, $4  }
0xaa: {  	v11 =	vld [tilespmem:s31+$0x2A30]  }
0xab: {  	v10 =	vld [tilespmem:s31+$0x2A40]  }
0xac: {  	v14 =	vmul.f32 v14, v8;
	v8 =	vld [tilespmem:s31+$0x2A50]  }
0xad: {  	s17 =	sadd.s32 $0x200, s17;
	v13 =	vmul.f32 v13, v9;
	v9 =	vld [tilespmem:s31+$0x2A60]  }
0xae: {  	[tilespmem:s31+$0x2A00] =	vst v14;
	v7 =	vmul.f32 v7, v12;
	v63 =	vld [tilespmem:s31+$0x2A70]  }
0xaf: {  	[tilespmem:s31+$0x2A10] =	vst v13;
	v6 =	vmul.f32 v6, v11  }
0xb0: {  	[tilespmem:s31+$0x2A20] =	vst v7;
	v5 =	vmul.f32 v5, v10  }
0xb1: {  	[tilespmem:s31+$0x2A30] =	vst v6;
	v4 =	vmul.f32 v4, v8  }
0xb2: {  	[tilespmem:s31+$0x2A40] =	vst v5;
	v3 =	vmul.f32 v3, v9  }
0xb3: {  	[tilespmem:s31+$0x2A50] =	vst v4;
	v2 =	vmul.f32 v2, v63  }
0xb4: {  	p1 =	seq.s32 s22, $0x3E;
	[tilespmem:s31+$0x2A60] =	vst v3  }
.Ltmp3:
0xb5: {  	[tilespmem:s31+$0x2A70] =	vst v2;
	(pc) =	sbr.rel @p1 .LBB2_9-.Ltmp3, $4  }
0xb6: {  	[spmem:s16] =	stream.indirect.scatter.add.f32 [tilespmem:s15], [sflag:$0x5], $0x80, s23, s4, $0xb8;
	[tilespmem:$0x1DA80] =	vst v63  }
0xb7: {  	_ =	swait.ge [sflag:s0], $0x2800  }
0xb8: {  	[sflag:s0] =	ssyncset.done $0x0  }
0xb9: {  	[sflag:s0] =	ssyncadd.s32 $0xFFFFD800  }
.LBB2_8:
0xba: {  	s17 =	smul.u32 $0xA0, s22;
	_ =	sdelay $0x1  }
0xbb: {  	s17 =	sadd.s32 s17, s26  }
0xbc: {  	s18 =	sadd.s32 s9, s17  }
0xbd: {  	s31 =	sshrl.u32 s18, $0x3  }
0xbe: {  	s17 =	sshrl.u32 s17, $0x3;
	s31 =	sadd.s32 s19, s31  }
0xbf: {  	[tilespmem:s5], [sflag:$0x2] =	stream.linear.gather [hbm4b:s31+s8], $0x50, $0x38;
	[tilespmem:$0x1DA80] =	vst v63  }
0xc0: {  	s17 =	sadd.s32 s20, s17;
	s31 =	sshll.u32 s18, $0x4  }
0xc1: {  	[tilespmem:s23], [sflag:$0x2] =	stream.linear.gather [hbm4b:s17+s8], $0x50, $0x38;
	[tilespmem:$0x1DA80] =	vst v63  }
0xc2: {  	p1 =	sgt.u32 s22, $0x3D;
	s17 =	sadd.s32 s21, s31  }
0xc3: {  	[tilespmem:s25], [sflag:$0x2] =	stream.linear.gather [hbm4b:s17+s8], $0x2800, $0x38;
	[tilespmem:$0x1DA80] =	vst v63  }
0xc4: {  	s17 =	simm.s32 @!p1 $0x2  }
0xc5: {  	_ =	swait.ge @!p1 [sflag:s17], $0x50  }
0xc6: {  	[sflag:s17] =	ssyncset.done @!p1 $0x0  }
0xc7: {  	[sflag:s17] =	ssyncadd.s32 @!p1 $0xFFFFFFB0  }
0xc8: {  	_ =	swait.ge @!p1 [sflag:s17], $0x50  }
0xc9: {  	[sflag:s17] =	ssyncset.done @!p1 $0x0  }
0xca: {  	[sflag:s17] =	ssyncadd.s32 @!p1 $0xFFFFFFB0  }
0xcb: {  	_ =	swait.ge @!p1 [sflag:s17], $0x2800  }
0xcc: {  	s18 =	simm.s32 @!p1 $0x80;
	[sflag:s17] =	ssyncset.done @!p1 $0x0  }
0xcd: {  	s31 =	simm.s32 @!p1 $0x2A00;
	[sflag:s17] =	ssyncadd.s32 @!p1 $0xFFFFD800;
	s17 =	simm.s32 @!p1 $0x50  }
0xce: {  	[tilespmem:s31], [sflag:$0x4] =	stream.indirect.gather @!p1 [hbm4b:s14+s17], $0x80, s18, s17, $0xb8;
	[tilespmem:$0x1DA80] =	vst v63  }
.LBB2_9:
0xcf: {  	_ =	swait.ge [sflag:s11], $0x2800  }
0xd0: {  	[sflag:s11] =	ssyncset.done $0x0  }
0xd1: {  	s31 =	simm.s32 $0x0;
	[sflag:s11] =	ssyncadd.s32 $0xFFFFD800  }
0xd2: {  	v9 =	vld [tilespmem:s31+$0x5200]  }
0xd3: {  	v13 =	vld [tilespmem:s31+$0x5210]  }
0xd4: {  	v7 =	vld [tilespmem:s31+$0x5220]  }
0xd5: {  	v6 =	vld [tilespmem:s31+$0x5230]  }
0xd6: {  	v5 =	vld [tilespmem:s31+$0x5240]  }
0xd7: {  	v4 =	vld [tilespmem:s31+$0x5250]  }
0xd8: {  	v3 =	vld [tilespmem:s31+$0x5260]  }
0xd9: {  	v2 =	vld [tilespmem:s31+$0x5270]  }
0xda: {  	v14 =	vld [tilespmem:s31+$0x200]  }
0xdb: {  	v15 =	vld [tilespmem:s31+$0x210]  }
0xdc: {  	v12 =	vld [tilespmem:s31+$0x220]  }
0xdd: {  	v11 =	vld [tilespmem:s31+$0x230]  }
0xde: {  	v10 =	vld [tilespmem:s31+$0x240]  }
0xdf: {  	v8 =	vld [tilespmem:s31+$0x250];
	v14 =	vmul.f32 v9, v14  }
0xe0: {  	s17 =	simm.s32 $0x200;
	v13 =	vmul.f32 v13, v15;
	v9 =	vld [tilespmem:s31+$0x260]  }
.LBB2_10:
0xe1: {  	s18 =	sshra.s32 s17, $0x2;
	p1 =	sne.s32 s17, $0x9E00;
	[tilespmem:s31+$0x200] =	vst v14;
	v7 =	vmul.f32 v7, v12;
	v12 =	vld [tilespmem:s31+$0x270]  }
0xe2: {  	v14 =	vld [tilespmem:s18+$0x5200];
	[tilespmem:s31+$0x210] =	vst v13;
	v6 =	vmul.f32 v6, v11  }
0xe3: {  	v13 =	vld [tilespmem:s18+$0x5210];
	[tilespmem:s31+$0x220] =	vst v7;
	v5 =	vmul.f32 v5, v10  }
0xe4: {  	v7 =	vld [tilespmem:s18+$0x5220];
	[tilespmem:s31+$0x230] =	vst v6;
	v4 =	vmul.f32 v4, v8  }
0xe5: {  	v6 =	vld [tilespmem:s18+$0x5230];
	[tilespmem:s31+$0x240] =	vst v5;
	v3 =	vmul.f32 v3, v9  }
0xe6: {  	v5 =	vld [tilespmem:s18+$0x5240];
	[tilespmem:s31+$0x250] =	vst v4;
	v2 =	vmul.f32 v2, v12  }
0xe7: {  	v4 =	vld [tilespmem:s18+$0x5250];
	[tilespmem:s31+$0x260] =	vst v3  }
0xe8: {  	v3 =	vld [tilespmem:s18+$0x5260];
	[tilespmem:s31+$0x270] =	vst v2;
	s31 =	smov.u32 s18  }
0xe9: {  	v2 =	vld [tilespmem:s31+$0x5270]  }
0xea: {  	v8 =	vld [tilespmem:s31+$0x200]  }
0xeb: {  	v9 =	vld [tilespmem:s31+$0x210]  }
.Ltmp4:
0xec: {  	v12 =	vld [tilespmem:s31+$0x220];
	(pc) =	sbr.rel @p1 .LBB2_10-.Ltmp4, $4  }
0xed: {  	v11 =	vld [tilespmem:s31+$0x230]  }
0xee: {  	v10 =	vld [tilespmem:s31+$0x240]  }
0xef: {  	v14 =	vmul.f32 v14, v8;
	v8 =	vld [tilespmem:s31+$0x250]  }
0xf0: {  	s17 =	sadd.s32 $0x200, s17;
	v13 =	vmul.f32 v13, v9;
	v9 =	vld [tilespmem:s31+$0x260]  }
0xf1: {  	[tilespmem:s31+$0x200] =	vst v14;
	v7 =	vmul.f32 v7, v12;
	v63 =	vld [tilespmem:s31+$0x270]  }
0xf2: {  	[tilespmem:s31+$0x210] =	vst v13;
	v6 =	vmul.f32 v6, v11  }
0xf3: {  	[tilespmem:s31+$0x220] =	vst v7;
	v5 =	vmul.f32 v5, v10  }
0xf4: {  	[tilespmem:s31+$0x230] =	vst v6;
	v4 =	vmul.f32 v4, v8  }
0xf5: {  	[tilespmem:s31+$0x240] =	vst v5;
	v3 =	vmul.f32 v3, v9  }
0xf6: {  	[tilespmem:s31+$0x250] =	vst v4;
	v2 =	vmul.f32 v2, v63  }
0xf7: {  	p1 =	seq.s32 s22, $0x3E;
	[tilespmem:s31+$0x260] =	vst v3  }
.Ltmp5:
0xf8: {  	[tilespmem:s31+$0x270] =	vst v2;
	(pc) =	sbr.rel @p1 .LBB2_13-.Ltmp5, $4  }
0xf9: {  	[spmem:s16] =	stream.indirect.scatter.add.f32 [tilespmem:s13], [sflag:$0x5], $0x80, s1, s4, $0xb8;
	[tilespmem:$0x1DA80] =	vst v63  }
0xfa: {  	_ =	swait.ge [sflag:s0], $0x2800  }
0xfb: {  	[sflag:s0] =	ssyncset.done $0x0  }
0xfc: {  	[sflag:s0] =	ssyncadd.s32 $0xFFFFD800  }
0xfd: {  	s17 =	smul.u32 $0xA0, s22;
	_ =	sdelay $0x1  }
0xfe: {  	s17 =	sadd.s32 s17, s28  }
0xff: {  	s18 =	sadd.s32 s9, s17  }
0x100: {  	s31 =	sshrl.u32 s18, $0x3  }
0x101: {  	s31 =	sadd.s32 s19, s31  }
0x102: {  	[tilespmem:s8], [sflag:$0x1] =	stream.linear.gather [hbm4b:s31+s8], $0x50, $0x38;
	[tilespmem:$0x1DA80] =	vst v63  }
.Ltmp6:
0x103: {  	s17 =	sshrl.u32 s17, $0x3;
	(pc) =	sbr.rel .LBB2_4-.Ltmp6, $4  }
0x104: {  	s17 =	sadd.s32 s20, s17;
	s31 =	sshll.u32 s18, $0x4  }
0x105: {  	[tilespmem:s1], [sflag:$0x1] =	stream.linear.gather [hbm4b:s17+s8], $0x50, $0x38;
	[tilespmem:$0x1DA80] =	vst v63  }
0x106: {  	s22 =	sadd.s32 $0x1, s22;
	s17 =	sadd.s32 s21, s31  }
0x107: {  	[tilespmem:s2], [sflag:$0x1] =	stream.linear.gather [hbm4b:s17+s8], $0x2800, $0x38;
	[tilespmem:$0x1DA80] =	vst v63  }
.LBB2_13:
0x108: {  	[bflag:$0x0] =	sbarrier.arrive $0xFFFF  }
0x109: {  	s17 =	simm.s32 @!p0 $0x200;
	s18 =	rddreg [dreg:$0x11]  }
0x10a: {  	[tilespmem:s17], [sflag:$0x5] =	stream.linear.gather @!p0 [spmem:s18], $0x2800, $0x38;
	[tilespmem:$0x1DA80] =	vst v63  }
0x10b: {  	s18 =	simm.s32 @!p0 $0x5  }
0x10c: {  	_ =	swait.ge @!p0 [sflag:s18], $0x2800  }
0x10d: {  	[sflag:s18] =	ssyncset.done @!p0 $0x0  }
0x10e: {  	s22 =	simm.s32 @!p0 $0x0;
	s31 =	rddreg [dreg:$0xb];
	[sflag:s18] =	ssyncadd.s32 @!p0 $0xFFFFD800  }
0x10f: {  	[hbm4b:s31+s22] =	stream.linear.scatter @!p0 [tilespmem:s17], [sflag:$0x5], $0x2800, $0x38;
	[tilespmem:$0x1DA80] =	vst v63  }
0x110: {  	_ =	swait.ge @!p0 [sflag:s18], $0x2800  }
0x111: {  	[sflag:s18] =	ssyncset.done @!p0 $0x0  }
0x112: {  	s31 =	rddreg [dreg:$0x1f];
	[sflag:s18] =	ssyncadd.s32 @!p0 $0xFFFFD800  }
0x113: {  	[tilespmem:s17], [sflag:$0x5] =	stream.linear.gather @!p0 [spmem:s31], $0x2800, $0x38;
	[tilespmem:$0x1DA80] =	vst v63  }
0x114: {  	_ =	swait.ge @!p0 [sflag:s18], $0x2800  }
0x115: {  	[sflag:s18] =	ssyncset.done @!p0 $0x0  }
0x116: {  	s31 =	rddreg [dreg:$0x15];
	[sflag:s18] =	ssyncadd.s32 @!p0 $0xFFFFD800  }
0x117: {  	[hbm4b:s31+s22] =	stream.linear.scatter @!p0 [tilespmem:s17], [sflag:$0x5], $0x2800, $0x38;
	[tilespmem:$0x1DA80] =	vst v63  }
0x118: {  	_ =	swait.ge @!p0 [sflag:s18], $0x2800  }
0x119: {  	s31 =	sld [smem:$0x7F3]  }
0x11a: {  	[sflag:s18] =	ssyncset.done @!p0 $0x0  }
0x11b: {  	[sflag:s18] =	ssyncadd.s32 @!p0 $0xFFFFD800  }
0x11c: {  	[tilespmem:s17], [sflag:$0x5] =	stream.linear.gather @!p0 [spmem:s31], $0x2800, $0x38;
	[tilespmem:$0x1DA80] =	vst v63  }
0x11d: {  	_ =	swait.ge @!p0 [sflag:s18], $0x2800  }
0x11e: {  	[sflag:s18] =	ssyncset.done @!p0 $0x0  }
0x11f: {  	s31 =	rddreg [dreg:$0x16];
	[sflag:s18] =	ssyncadd.s32 @!p0 $0xFFFFD800  }
0x120: {  	[hbm4b:s31+s22] =	stream.linear.scatter @!p0 [tilespmem:s17], [sflag:$0x5], $0x2800, $0x38;
	[tilespmem:$0x1DA80] =	vst v63  }
0x121: {  	_ =	swait.ge @!p0 [sflag:s18], $0x2800  }
0x122: {  	s31 =	sld [smem:$0x7F0]  }
0x123: {  	[sflag:s18] =	ssyncset.done @!p0 $0x0  }
0x124: {  	[sflag:s18] =	ssyncadd.s32 @!p0 $0xFFFFD800  }
0x125: {  	[tilespmem:s13], [sflag:$0x5] =	stream.linear.gather [spmem:s31], $0x2800, $0x38;
	[tilespmem:$0x1DA80] =	vst v63  }
0x126: {  	_ =	swait.ge [sflag:s0], $0x2800  }
0x127: {  	[sflag:s0] =	ssyncset.done $0x0  }
0x128: {  	s17 =	simm.s32 $0x0;
	s22 =	rddreg [dreg:$0x10];
	[sflag:s0] =	ssyncadd.s32 $0xFFFFD800  }
0x129: {  	[hbm4b:s22+s17] =	stream.linear.scatter [tilespmem:s13], [sflag:$0x5], $0x2800, $0x38;
	[tilespmem:$0x1DA80] =	vst v63  }
0x12a: {  	_ =	swait.ge [sflag:s0], $0x2800  }
0x12b: {  	s22 =	sld [smem:$0x7F1]  }
0x12c: {  	[sflag:s0] =	ssyncset.done $0x0  }
0x12d: {  	[sflag:s0] =	ssyncadd.s32 $0xFFFFD800  }
0x12e: {  	[tilespmem:s13], [sflag:$0x5] =	stream.linear.gather [spmem:s22], $0x2800, $0x38;
	[tilespmem:$0x1DA80] =	vst v63  }
0x12f: {  	_ =	swait.ge [sflag:s0], $0x2800  }
0x130: {  	[sflag:s0] =	ssyncset.done $0x0  }
0x131: {  	s22 =	rddreg [dreg:$0xf];
	[sflag:s0] =	ssyncadd.s32 $0xFFFFD800  }
0x132: {  	[hbm4b:s22+s17] =	stream.linear.scatter [tilespmem:s13], [sflag:$0x5], $0x2800, $0x38;
	[tilespmem:$0x1DA80] =	vst v63  }
0x133: {  	_ =	swait.ge [sflag:s0], $0x2800  }
0x134: {  	[sflag:s0] =	ssyncset.done $0x0  }
0x135: {  	[sflag:s0] =	ssyncadd.s32 $0xFFFFD800  }
0x136: {  	[tilespmem:s13], [sflag:$0x5] =	stream.linear.gather [spmem:s24], $0x2800, $0x38;
	[tilespmem:$0x1DA80] =	vst v63  }
0x137: {  	_ =	swait.ge [sflag:s0], $0x2800  }
0x138: {  	[sflag:s0] =	ssyncset.done $0x0  }
0x139: {  	s22 =	rddreg [dreg:$0xe];
	[sflag:s0] =	ssyncadd.s32 $0xFFFFD800  }
0x13a: {  	[hbm4b:s22+s17] =	stream.linear.scatter [tilespmem:s13], [sflag:$0x5], $0x2800, $0x38;
	[tilespmem:$0x1DA80] =	vst v63  }
0x13b: {  	_ =	swait.ge [sflag:s0], $0x2800  }
0x13c: {  	[sflag:s0] =	ssyncset.done $0x0  }
0x13d: {  	[sflag:s0] =	ssyncadd.s32 $0xFFFFD800  }
0x13e: {  	[tilespmem:s13], [sflag:$0x5] =	stream.linear.gather [spmem:s7], $0x2800, $0x38;
	[tilespmem:$0x1DA80] =	vst v63  }
0x13f: {  	_ =	swait.ge [sflag:s0], $0x2800  }
0x140: {  	[sflag:s0] =	ssyncset.done $0x0  }
0x141: {  	s22 =	rddreg [dreg:$0xd];
	[sflag:s0] =	ssyncadd.s32 $0xFFFFD800  }
0x142: {  	[hbm4b:s22+s17] =	stream.linear.scatter [tilespmem:s13], [sflag:$0x5], $0x2800, $0x38;
	[tilespmem:$0x1DA80] =	vst v63  }
0x143: {  	_ =	swait.ge [sflag:s0], $0x2800  }
0x144: {  	[sflag:s0] =	ssyncset.done $0x0  }
0x145: {  	[sflag:s0] =	ssyncadd.s32 $0xFFFFD800  }
0x146: {  	[tilespmem:s13], [sflag:$0x5] =	stream.linear.gather [spmem:s10], $0x2800, $0x38;
	[tilespmem:$0x1DA80] =	vst v63  }
0x147: {  	_ =	swait.ge [sflag:s0], $0x2800  }
0x148: {  	[sflag:s0] =	ssyncset.done $0x0  }
0x149: {  	s22 =	rddreg [dreg:$0xc];
	[sflag:s0] =	ssyncadd.s32 $0xFFFFD800  }
0x14a: {  	[hbm4b:s22+s17] =	stream.linear.scatter [tilespmem:s13], [sflag:$0x5], $0x2800, $0x38;
	[tilespmem:$0x1DA80] =	vst v63  }
0x14b: {  	_ =	swait.ge [sflag:s0], $0x2800  }
0x14c: {  	[sflag:s0] =	ssyncset.done $0x0  }
0x14d: {  	[sflag:s0] =	ssyncadd.s32 $0xFFFFD800  }
0x14e: {  	s17 =	simm.s32 $0x0;
	s22 =	simm.s32 $0x200;
	[bflag:$0x0] =	sbarrier.arrive $0xFFFF  }
.LBB2_14:
0x14f: {  	p1 =	sne.s32 s22, $0x9E00;
	[tilespmem:s17+$0x270] =	vst v0  }
0x150: {  	[tilespmem:s17+$0x200] =	vst v0  }
0x151: {  	[tilespmem:s17+$0x210] =	vst v0  }
.Ltmp7:
0x152: {  	[tilespmem:s17+$0x220] =	vst v0;
	(pc) =	sbr.rel @p1 .LBB2_14-.Ltmp7, $4  }
0x153: {  	[tilespmem:s17+$0x230] =	vst v0  }
0x154: {  	[tilespmem:s17+$0x240] =	vst v0  }
0x155: {  	[tilespmem:s17+$0x250] =	vst v0  }
0x156: {  	[tilespmem:s17+$0x260] =	vst v0;
	s17 =	sshra.s32 s22, $0x2;
	s22 =	sadd.s32 $0x200, s22  }
0x157: {  	[tilespmem:s17+$0x270] =	vst v0  }
0x158: {  	[tilespmem:s17+$0x200] =	vst v0  }
0x159: {  	[tilespmem:s17+$0x210] =	vst v0  }
0x15a: {  	[tilespmem:s17+$0x220] =	vst v0  }
0x15b: {  	[tilespmem:s17+$0x230] =	vst v0  }
0x15c: {  	[tilespmem:s17+$0x240] =	vst v0  }
0x15d: {  	[tilespmem:s17+$0x250] =	vst v0  }
0x15e: {  	[tilespmem:s17+$0x260] =	vst v0;
	s17 =	simm.s32 @!p0 $0x200;
	s18 =	rddreg [dreg:$0x11]  }
0x15f: {  	[spmem:s18] =	stream.linear.scatter @!p0 [tilespmem:s17], [sflag:$0x5], $0x2800, $0x38;
	[tilespmem:$0x1DA80] =	vst v63  }
0x160: {  	s18 =	simm.s32 @!p0 $0x5  }
0x161: {  	_ =	swait.ge @!p0 [sflag:s18], $0x2800  }
0x162: {  	[sflag:s18] =	ssyncset.done @!p0 $0x0  }
0x163: {  	s22 =	rddreg [dreg:$0x1f];
	[sflag:s18] =	ssyncadd.s32 @!p0 $0xFFFFD800  }
0x164: {  	[spmem:s22] =	stream.linear.scatter @!p0 [tilespmem:s17], [sflag:$0x5], $0x2800, $0x38;
	[tilespmem:$0x1DA80] =	vst v63  }
0x165: {  	_ =	swait.ge @!p0 [sflag:s18], $0x2800  }
0x166: {  	s22 =	sld [smem:$0x7F3]  }
0x167: {  	[sflag:s18] =	ssyncset.done @!p0 $0x0  }
0x168: {  	[sflag:s18] =	ssyncadd.s32 @!p0 $0xFFFFD800  }
0x169: {  	[spmem:s22] =	stream.linear.scatter @!p0 [tilespmem:s17], [sflag:$0x5], $0x2800, $0x38;
	[tilespmem:$0x1DA80] =	vst v63  }
0x16a: {  	_ =	swait.ge @!p0 [sflag:s18], $0x2800  }
0x16b: {  	[sflag:s18] =	ssyncset.done @!p0 $0x0  }
0x16c: {  	[sflag:s18] =	ssyncadd.s32 @!p0 $0xFFFFD800  }
0x16d: {  	[spmem:s31] =	stream.linear.scatter [tilespmem:s13], [sflag:$0x5], $0x2800, $0x38;
	[tilespmem:$0x1DA80] =	vst v63  }
0x16e: {  	_ =	swait.ge [sflag:s0], $0x2800  }
0x16f: {  	s22 =	sld [smem:$0x7F1]  }
0x170: {  	[sflag:s0] =	ssyncset.done $0x0  }
0x171: {  	[sflag:s0] =	ssyncadd.s32 $0xFFFFD800  }
0x172: {  	[spmem:s22] =	stream.linear.scatter [tilespmem:s13], [sflag:$0x5], $0x2800, $0x38;
	[tilespmem:$0x1DA80] =	vst v63  }
0x173: {  	_ =	swait.ge [sflag:s0], $0x2800  }
0x174: {  	[sflag:s0] =	ssyncset.done $0x0  }
0x175: {  	[sflag:s0] =	ssyncadd.s32 $0xFFFFD800  }
0x176: {  	[spmem:s24] =	stream.linear.scatter [tilespmem:s13], [sflag:$0x5], $0x2800, $0x38;
	[tilespmem:$0x1DA80] =	vst v63  }
0x177: {  	_ =	swait.ge [sflag:s0], $0x2800  }
0x178: {  	[sflag:s0] =	ssyncset.done $0x0  }
0x179: {  	[sflag:s0] =	ssyncadd.s32 $0xFFFFD800  }
0x17a: {  	[spmem:s7] =	stream.linear.scatter [tilespmem:s13], [sflag:$0x5], $0x2800, $0x38;
	[tilespmem:$0x1DA80] =	vst v63  }
0x17b: {  	_ =	swait.ge [sflag:s0], $0x2800  }
0x17c: {  	[sflag:s0] =	ssyncset.done $0x0  }
0x17d: {  	[sflag:s0] =	ssyncadd.s32 $0xFFFFD800  }
0x17e: {  	[spmem:s10] =	stream.linear.scatter [tilespmem:s13], [sflag:$0x5], $0x2800, $0x38;
	[tilespmem:$0x1DA80] =	vst v63  }
0x17f: {  	_ =	swait.ge [sflag:s0], $0x2800  }
0x180: {  	s7 =	simm.s32 $0x0;
	[sflag:s0] =	ssyncset.done $0x0  }
0x181: {  	s10 =	simm.s32 $0x200;
	s31 =	rddreg [dreg:$0x13];
	[sflag:s0] =	ssyncadd.s32 $0xFFFFD800  }
.LBB2_16:
0x182: {  	p1 =	sne.s32 s10, $0x9E00;
	[tilespmem:s7+$0x5270] =	vst v1  }
0x183: {  	[tilespmem:s7+$0x5200] =	vst v1  }
0x184: {  	[tilespmem:s7+$0x5210] =	vst v1  }
.Ltmp8:
0x185: {  	[tilespmem:s7+$0x5220] =	vst v1;
	(pc) =	sbr.rel @p1 .LBB2_16-.Ltmp8, $4  }
0x186: {  	[tilespmem:s7+$0x5230] =	vst v1  }
0x187: {  	[tilespmem:s7+$0x5240] =	vst v1  }
0x188: {  	[tilespmem:s7+$0x5250] =	vst v1  }
0x189: {  	[tilespmem:s7+$0x5260] =	vst v1;
	s7 =	sshra.s32 s10, $0x2;
	s10 =	sadd.s32 $0x200, s10  }
0x18a: {  	[tilespmem:s7+$0x5270] =	vst v1  }
0x18b: {  	[tilespmem:s7+$0x5200] =	vst v1  }
0x18c: {  	[tilespmem:s7+$0x5210] =	vst v1  }
0x18d: {  	[tilespmem:s7+$0x5220] =	vst v1  }
0x18e: {  	[tilespmem:s7+$0x5230] =	vst v1  }
0x18f: {  	[tilespmem:s7+$0x5240] =	vst v1  }
0x190: {  	[tilespmem:s7+$0x5250] =	vst v1  }
0x191: {  	[tilespmem:s7+$0x5260] =	vst v1  }
0x192: {  	[bflag:$0x0] =	sbarrier.arrive $0xFFFF  }
0x193: {  	[tilespmem:s1], [sflag:$0x1] =	stream.linear.gather [hbm4b:s31+s8], $0x50, $0x38;
	[tilespmem:$0x1DA80] =	vst v63  }
0x194: {  	_ =	swait.ge [sflag:s3], $0x50  }
0x195: {  	s24 =	sadd.s32 $0xFFFFFB28, s6;
	[sflag:s3] =	ssyncset.done $0x0  }
0x196: {  	s10 =	sadd.s32 $0x4E2, s24;
	[sflag:s3] =	ssyncadd.s32 $0xFFFFFFB0  }
0x197: {  	[tilespmem:s23], [sflag:$0x2] =	stream.linear.gather [hbm4b:s10+s8], $0x50, $0x38;
	[tilespmem:$0x1DA80] =	vst v63  }
0x198: {  	_ = 	snop  }
0x199: {  	[spmem:s16] =	stream.indirect.scatter.add.f32 [tilespmem:s2], [sflag:$0x6], $0x80, s1, s4, $0xb8;
	[tilespmem:$0x1DA80] =	vst v63  }
0x19a: {  	_ =	swait.ge [sflag:s29], $0x2800  }
0x19b: {  	[sflag:s29] =	ssyncset.done $0x0  }
0x19c: {  	[sflag:s29] =	ssyncadd.s32 $0xFFFFD800  }
0x19d: {  	_ =	swait.ge [sflag:s12], $0x50  }
0x19e: {  	[sflag:s12] =	ssyncset.done $0x0  }
0x19f: {  	s7 =	sadd.s32 $0x4EC, s24;
	[sflag:s12] =	ssyncadd.s32 $0xFFFFFFB0  }
0x1a0: {  	[tilespmem:s1], [sflag:$0x1] =	stream.linear.gather [hbm4b:s7+s8], $0x50, $0x38;
	[tilespmem:$0x1DA80] =	vst v63  }
0x1a1: {  	_ = 	snop  }
0x1a2: {  	[spmem:s16] =	stream.indirect.scatter.add.f32 [tilespmem:s2], [sflag:$0x5], $0x80, s23, s4, $0xb8;
	[tilespmem:$0x1DA80] =	vst v63  }
0x1a3: {  	_ =	swait.ge [sflag:s0], $0x2800  }
0x1a4: {  	s7 =	simm.s32 $0xFFFFFB3C;
	[sflag:s0] =	ssyncset.done $0x0  }
.LBB2_18:
0x1a5: {  	p1 =	sne.s32 s7, $0xFFFFFFEC  }
0x1a6: {  	[sflag:s0] =	ssyncadd.s32 $0xFFFFD800;
	s10 =	smov.u32 s7;
	s7 =	sadd.s32 $0x14, s7  }
0x1a7: {  	_ = 	snop  }
0x1a8: {  	_ =	swait.ge [sflag:s3], $0x50  }
0x1a9: {  	s10 =	sadd.s32 s10, s6;
	[sflag:s3] =	ssyncset.done $0x0  }
0x1aa: {  	s17 =	sadd.s32 $0x4E2, s10;
	[sflag:s3] =	ssyncadd.s32 $0xFFFFFFB0  }
0x1ab: {  	[tilespmem:s23], [sflag:$0x2] =	stream.linear.gather [hbm4b:s17+s8], $0x50, $0x38;
	[tilespmem:$0x1DA80] =	vst v63  }
0x1ac: {  	_ = 	snop  }
0x1ad: {  	[spmem:s16] =	stream.indirect.scatter.add.f32 [tilespmem:s2], [sflag:$0x6], $0x80, s1, s4, $0xb8;
	[tilespmem:$0x1DA80] =	vst v63  }
0x1ae: {  	_ =	swait.ge [sflag:s29], $0x2800  }
0x1af: {  	[sflag:s29] =	ssyncset.done $0x0  }
0x1b0: {  	[sflag:s29] =	ssyncadd.s32 $0xFFFFD800  }
0x1b1: {  	_ =	swait.ge [sflag:s12], $0x50  }
0x1b2: {  	[sflag:s12] =	ssyncset.done $0x0  }
0x1b3: {  	s10 =	sadd.s32 $0x4EC, s10;
	[sflag:s12] =	ssyncadd.s32 $0xFFFFFFB0  }
0x1b4: {  	[tilespmem:s1], [sflag:$0x1] =	stream.linear.gather [hbm4b:s10+s8], $0x50, $0x38;
	[tilespmem:$0x1DA80] =	vst v63  }
.Ltmp9:
0x1b5: {  	_ = 	snop;
	(pc) =	sbr.rel @p1 .LBB2_18-.Ltmp9, $4  }
0x1b6: {  	_ = 	snop  }
0x1b7: {  	[spmem:s16] =	stream.indirect.scatter.add.f32 [tilespmem:s2], [sflag:$0x5], $0x80, s23, s4, $0xb8;
	[tilespmem:$0x1DA80] =	vst v63  }
0x1b8: {  	_ =	swait.ge [sflag:s0], $0x2800  }
0x1b9: {  	[sflag:s0] =	ssyncset.done $0x0  }
0x1ba: {  	[sflag:s0] =	ssyncadd.s32 $0xFFFFD800  }
0x1bb: {  	_ =	swait.ge [sflag:s3], $0x50  }
0x1bc: {  	[sflag:s3] =	ssyncset.done $0x0  }
0x1bd: {  	[sflag:s3] =	ssyncadd.s32 $0xFFFFFFB0  }
0x1be: {  	[spmem:s16] =	stream.indirect.scatter.add.f32 [tilespmem:s2], [sflag:$0x6], $0x80, s1, s4, $0xb8;
	[tilespmem:$0x1DA80] =	vst v63  }
0x1bf: {  	_ =	swait.ge [sflag:s29], $0x2800  }
0x1c0: {  	[sflag:s29] =	ssyncset.done $0x0  }
0x1c1: {  	[sflag:s29] =	ssyncadd.s32 $0xFFFFD800  }
0x1c2: {  	[bflag:$0x0] =	sbarrier.arrive $0xFFFF  }
0x1c3: {  	s7 =	simm.s32 @p0 $0x200;
	s10 =	rddreg [dreg:$0x1b]  }
0x1c4: {  	[tilespmem:s7], [sflag:$0x5] =	stream.linear.gather @p0 [spmem:s10], $0x2800, $0x38;
	[tilespmem:$0x1DA80] =	vst v63  }
0x1c5: {  	s10 =	simm.s32 @p0 $0x5  }
0x1c6: {  	_ =	swait.ge @p0 [sflag:s10], $0x2800  }
0x1c7: {  	[sflag:s10] =	ssyncset.done @p0 $0x0  }
0x1c8: {  	s17 =	simm.s32 @p0 $0x0;
	s18 =	rddreg [dreg:$0x8];
	[sflag:s10] =	ssyncadd.s32 @p0 $0xFFFFD800  }
0x1c9: {  	[hbm4b:s18+s17] =	stream.linear.scatter @p0 [tilespmem:s7], [sflag:$0x5], $0x2800, $0x38;
	[tilespmem:$0x1DA80] =	vst v63  }
0x1ca: {  	_ =	swait.ge @p0 [sflag:s10], $0x2800  }
0x1cb: {  	[sflag:s10] =	ssyncset.done @p0 $0x0  }
0x1cc: {  	s18 =	rddreg [dreg:$0x1c];
	[sflag:s10] =	ssyncadd.s32 @p0 $0xFFFFD800  }
0x1cd: {  	[tilespmem:s7], [sflag:$0x5] =	stream.linear.gather @p0 [spmem:s18], $0x2800, $0x38;
	[tilespmem:$0x1DA80] =	vst v63  }
0x1ce: {  	_ =	swait.ge @p0 [sflag:s10], $0x2800  }
0x1cf: {  	[sflag:s10] =	ssyncset.done @p0 $0x0  }
0x1d0: {  	s18 =	rddreg [dreg:$0x9];
	[sflag:s10] =	ssyncadd.s32 @p0 $0xFFFFD800  }
0x1d1: {  	[hbm4b:s18+s17] =	stream.linear.scatter @p0 [tilespmem:s7], [sflag:$0x5], $0x2800, $0x38;
	[tilespmem:$0x1DA80] =	vst v63  }
0x1d2: {  	_ =	swait.ge @p0 [sflag:s10], $0x2800  }
0x1d3: {  	[sflag:s10] =	ssyncset.done @p0 $0x0  }
0x1d4: {  	s18 =	rddreg [dreg:$0x1d];
	[sflag:s10] =	ssyncadd.s32 @p0 $0xFFFFD800  }
0x1d5: {  	[tilespmem:s7], [sflag:$0x5] =	stream.linear.gather @p0 [spmem:s18], $0x1400, $0x38;
	[tilespmem:$0x1DA80] =	vst v63  }
0x1d6: {  	_ =	swait.ge @p0 [sflag:s10], $0x1400  }
0x1d7: {  	[sflag:s10] =	ssyncset.done @p0 $0x0  }
0x1d8: {  	s18 =	rddreg [dreg:$0xa];
	[sflag:s10] =	ssyncadd.s32 @p0 $0xFFFFEC00  }
0x1d9: {  	[hbm4b:s18+s17] =	stream.linear.scatter @p0 [tilespmem:s7], [sflag:$0x5], $0x1400, $0x38;
	[tilespmem:$0x1DA80] =	vst v63  }
0x1da: {  	_ =	swait.ge @p0 [sflag:s10], $0x1400  }
0x1db: {  	[sflag:s10] =	ssyncset.done @p0 $0x0  }
0x1dc: {  	s7 =	simm.s32 @!p0 $0x200;
	[sflag:s10] =	ssyncadd.s32 @p0 $0xFFFFEC00;
	s10 =	rddreg [dreg:$0x17]  }
0x1dd: {  	[tilespmem:s7], [sflag:$0x5] =	stream.linear.gather @!p0 [spmem:s10], $0x2800, $0x38;
	[tilespmem:$0x1DA80] =	vst v63  }
0x1de: {  	s10 =	simm.s32 @!p0 $0x5  }
0x1df: {  	_ =	swait.ge @!p0 [sflag:s10], $0x2800  }
0x1e0: {  	[sflag:s10] =	ssyncset.done @!p0 $0x0  }
0x1e1: {  	s17 =	simm.s32 @!p0 $0x0;
	s18 =	rddreg [dreg:$0x4];
	[sflag:s10] =	ssyncadd.s32 @!p0 $0xFFFFD800  }
0x1e2: {  	[hbm4b:s18+s17] =	stream.linear.scatter @!p0 [tilespmem:s7], [sflag:$0x5], $0x2800, $0x38;
	[tilespmem:$0x1DA80] =	vst v63  }
0x1e3: {  	_ =	swait.ge @!p0 [sflag:s10], $0x2800  }
0x1e4: {  	[sflag:s10] =	ssyncset.done @!p0 $0x0  }
0x1e5: {  	s18 =	rddreg [dreg:$0x18];
	[sflag:s10] =	ssyncadd.s32 @!p0 $0xFFFFD800  }
0x1e6: {  	[tilespmem:s7], [sflag:$0x5] =	stream.linear.gather @!p0 [spmem:s18], $0x2800, $0x38;
	[tilespmem:$0x1DA80] =	vst v63  }
0x1e7: {  	_ =	swait.ge @!p0 [sflag:s10], $0x2800  }
0x1e8: {  	[sflag:s10] =	ssyncset.done @!p0 $0x0  }
0x1e9: {  	s18 =	rddreg [dreg:$0x5];
	[sflag:s10] =	ssyncadd.s32 @!p0 $0xFFFFD800  }
0x1ea: {  	[hbm4b:s18+s17] =	stream.linear.scatter @!p0 [tilespmem:s7], [sflag:$0x5], $0x2800, $0x38;
	[tilespmem:$0x1DA80] =	vst v63  }
0x1eb: {  	_ =	swait.ge @!p0 [sflag:s10], $0x2800  }
0x1ec: {  	[sflag:s10] =	ssyncset.done @!p0 $0x0  }
0x1ed: {  	s18 =	rddreg [dreg:$0x19];
	[sflag:s10] =	ssyncadd.s32 @!p0 $0xFFFFD800  }
0x1ee: {  	[tilespmem:s7], [sflag:$0x5] =	stream.linear.gather @!p0 [spmem:s18], $0x2800, $0x38;
	[tilespmem:$0x1DA80] =	vst v63  }
0x1ef: {  	_ =	swait.ge @!p0 [sflag:s10], $0x2800  }
0x1f0: {  	[sflag:s10] =	ssyncset.done @!p0 $0x0  }
0x1f1: {  	s18 =	rddreg [dreg:$0x6];
	[sflag:s10] =	ssyncadd.s32 @!p0 $0xFFFFD800  }
0x1f2: {  	[hbm4b:s18+s17] =	stream.linear.scatter @!p0 [tilespmem:s7], [sflag:$0x5], $0x2800, $0x38;
	[tilespmem:$0x1DA80] =	vst v63  }
0x1f3: {  	_ =	swait.ge @!p0 [sflag:s10], $0x2800  }
0x1f4: {  	[sflag:s10] =	ssyncset.done @!p0 $0x0  }
0x1f5: {  	s18 =	rddreg [dreg:$0x1a];
	[sflag:s10] =	ssyncadd.s32 @!p0 $0xFFFFD800  }
0x1f6: {  	[tilespmem:s7], [sflag:$0x5] =	stream.linear.gather @!p0 [spmem:s18], $0x2800, $0x38;
	[tilespmem:$0x1DA80] =	vst v63  }
0x1f7: {  	_ =	swait.ge @!p0 [sflag:s10], $0x2800  }
0x1f8: {  	[sflag:s10] =	ssyncset.done @!p0 $0x0  }
0x1f9: {  	s18 =	rddreg [dreg:$0x7];
	[sflag:s10] =	ssyncadd.s32 @!p0 $0xFFFFD800  }
0x1fa: {  	[hbm4b:s18+s17] =	stream.linear.scatter @!p0 [tilespmem:s7], [sflag:$0x5], $0x2800, $0x38;
	[tilespmem:$0x1DA80] =	vst v63  }
0x1fb: {  	_ =	swait.ge @!p0 [sflag:s10], $0x2800  }
0x1fc: {  	s22 =	sld [smem:$0x7F2];
	_ =	sdelay $0x2  }
0x1fd: {  	s24 =	rddreg [dreg:$0x1e];
	s17 =	sadd.s32 $0x1, s22  }
0x1fe: {  	p1 =	sne.s32 s17, s24  }
.Ltmp10:
0x1ff: {  	_ = 	snop;
	(pc) =	sbr.rel @p1 .LBB2_1-.Ltmp10, $3  }
0x200: {  	_ =	sdelay $0x1  }
0x201: {  	[sflag:s10] =	ssyncset.done @!p0 $0x0  }
0x202: {  	[sflag:s10] =	ssyncadd.s32 @!p0 $0xFFFFD800  }
0x203: {  	_ =	sfence.sel $0x180000  }
0x204: {  	[bflag:$0x0] =	sbarrier.arrive $0xFFFF  }
0x205: {  	_ =	strace $0x9000004A  }
0x206: {  	s0 =	stileid.u32;
	[bflag:$0x2] =	sbarrier.arrive $0xFFFF  }
0x207: {  	p0 =	sne.s32 s0, $0x0;
	s0 =	rddreg [dreg:$0x3]  }
0x208: {  	s0 =	sadd.s32 @!p0 $0x100000, s0  }
0x209: {  	[sflag:s0] =	ssyncadd.tile.s32 @!p0 $0x1;
	_ =	shalt  }
.Lfunc_end2:
_tile_overlayer_lowered:
.L_overlay_start_2:
0x20a: {  	(tag) =	ssettag $0x2  }
0x20b: {  	s0 =	rddreg [dreg:$0x0];
	s2 =	stileid.u32  }
0x20c: {  	s1 =	rddreg [dreg:$0x1];
	p0 =	sne.s32 s2, $0x0  }
0x20d: {  	s3 =	rddreg [dreg:$0x2];
	[bflag:$0x3] =	sbarrier.arrive $0xFFFF;
	s2 =	simm.s32 @!p0 $0x1C05  }
0x20e: {  	[timem:s3], [sflag:s2] =	dma.local @!p0 [hbm:s0], s1  }
0x20f: {  	s0 =	simm.s32 @!p0 $0x5  }
0x210: {  	_ =	swait.ge @!p0 [sflag:s0], s1  }
0x211: {  	s1 =	ssub.s32 @!p0 $0x0, s1;
	[sflag:s0] =	ssyncset.done @!p0 $0x0  }
0x212: {  	[sflag:s0] =	ssyncadd.s32 @!p0 s1  }
0x213: {  	[bflag:$0x3] =	sbarrier.arrive $0xFFFF  }
0x214: {  	_ =	shalt  }

// kernel: kernel.8.cloned.1.call-start
scs
__scs_entry_jumppad:
0x0: {  	(pc) =	sbr.rel $0x88, $3  }
0x1: {  	(tag) =	ssettag $0x0;
	lr =	simm.s32 $0x1  }
0x2: {  	[smem:$0x3F8F] =	sst lr;
	_ =	strace $0xD0000000  }
0x3: {  	_ = 	snop  }
0x4: {  	_ = 	snop  }
0x5: {  	_ = 	snop  }
0x6: {  	_ = 	snop  }
0x7: {  	_ = 	snop  }
__scs_overlays_trampoline_lowered:
0x8: {  	[smem:$0x3F9E] =	sst s0  }
0x9: {  	[smem:$0x3F9F] =	sst s1  }
0xa: {  	[smem:$0x3FA0] =	sst s2  }
0xb: {  	[smem:$0x3FA1] =	sst s3  }
0xc: {  	[smem:$0x3FA2] =	sst s4  }
0xd: {  	[smem:$0x3FA3] =	sst s5  }
0xe: {  	[smem:$0x3FA4] =	sst s6  }
0xf: {  	[smem:$0x3FA5] =	sst s7  }
0x10: {  	[smem:$0x3FA6] =	sst s8  }
0x11: {  	[smem:$0x3FA7] =	sst s9;
	s0 =	simm.s32 @!p0 $0x0  }
0x12: {  	s1 =	sld [smem:$0x3F8D];
	s0 =	simm.s32 @p0 $0x1  }
0x13: {  	[smem:$0x3FA8] =	sst s0;
	s0 =	simm.s32 @!p1 $0x0  }
0x14: {  	s2 =	sld [smem:$0x3F8C];
	s0 =	simm.s32 @p1 $0x1  }
0x15: {  	[smem:$0x3FA9] =	sst s0;
	s0 =	simm.s32 @!p2 $0x0  }
0x16: {  	s3 =	sld [smem:$0x3FDB];
	s0 =	simm.s32 @p2 $0x1  }
0x17: {  	s4 =	simm.s32 $0x1BF5;
	[smem:$0x3FAB] =	sst s0  }
0x18: {  	s0 =	sld [smem:$0x3F8E];
	_ =	swait.ge [sflag:s4], $0x0  }
0x19: {  	s7 =	sld [smem:$0x3F8F]  }
0x1a: {  	s8 =	sadd.s32 $0xFFFFE003, lr  }
0x1b: {  	s9 =	sadd.s32 $0xFFFFFEF7, lr;
	s5 =	simm.s32 $0xFFFFFFFF;
	p2 =	slt.u32 s8, $0xFFFFF086  }
0x1c: {  	p1 =	slt.u32 s9, $0xF7A;
	s5 =	simm.s32 @!p2 $0x0  }
0x1d: {  	s5 =	simm.s32 @p1 $0x1;
	p0 =	seq.s32 s7, s2  }
0x1e: {  	s7 =	smul.u32 @!p0 $0xF7A, s2;
	p2 =	seq.s32 @!p0 s5, $0x0  }
0x1f: {  	s9 =	smul.u32 $0xF7A, s1;
	s8 =	simm.s32 @!p0 $0x1BF5;
	p2 =	por !p2, p0  }
0x20: {  	[sflag:s8] =	ssyncset.s32 @!p0 $0xFFFFF086;
	s6 =	sadd.s32 @!p0 s3, s7;
	s7 =	simm.s32 @!p0 $0x108  }
0x21: {  	s3 =	sadd.s32 s3, s9;
	s6 =	sadd.s32 @!p0 $0x88, s6;
	s7 =	simm.s32 @p2 $0x1082  }
0x22: {  	[simem:s7], [sflag:s8] =	dma.local @!p0 [hbm:s6], $0xF7A  }
0x23: {  	s9 =	sor.u32 $0xD0000000, s2;
	s6 =	simm.s32 $0x108;
	_ =	swait.ge @!p0 [sflag:s8], $0x0  }
0x24: {  	s3 =	sadd.s32 $0x88, s3;
	s6 =	simm.s32 @!p1 $0x1082;
	[sflag:s4] =	ssyncset.s32 $0xFFFFF086  }
0x25: {  	[simem:s6], [sflag:s4] =	dma.local [hbm:s3], $0xF7A  }
0x26: {  	[smem:$0x3F8F] =	sst s1;
	(tag) =	ssettag s2;
	_ =	strace s9  }
0x27: {  	s1 =	sld [smem:$0x3F9F]  }
0x28: {  	s2 =	sld [smem:$0x3FA0]  }
0x29: {  	s4 =	sld [smem:$0x3FA2]  }
0x2a: {  	p0 =	seq.s32 s5, $0x0;
	s5 =	sld [smem:$0x3FA3]  }
0x2b: {  	s6 =	sld [smem:$0x3FA4]  }
0x2c: {  	s7 =	sld [smem:$0x3FA5]  }
0x2d: {  	s3 =	simm.s32 $0x108;
	s8 =	sld [smem:$0x3FA6]  }
0x2e: {  	s3 =	simm.s32 @!p0 $0x1082;
	s9 =	sld [smem:$0x3FA7]  }
0x2f: {  	lr =	sadd.s32 s0, s3;
	s0 =	sld [smem:$0x3F9E]  }
0x30: {  	s3 =	sld [smem:$0x3FA1]  }
0x31: {  	[smem:$0x3FAA] =	sst s10  }
0x32: {  	s10 =	sld [smem:$0x3FA8];
	_ =	sdelay $0x3  }
0x33: {  	p0 =	seq.s32 s10, $0x1;
	s10 =	sld [smem:$0x3FAA];
	_ =	sdelay $0x3  }
0x34: {  	[smem:$0x3FAA] =	sst s10  }
0x35: {  	s10 =	sld [smem:$0x3FA9];
	_ =	sdelay $0x3  }
0x36: {  	p1 =	seq.s32 s10, $0x1;
	s10 =	sld [smem:$0x3FAA];
	_ =	sdelay $0x3  }
0x37: {  	[smem:$0x3FAA] =	sst s10  }
0x38: {  	s10 =	sld [smem:$0x3FAB]  }
0x39: {  	_ = 	snop;
	(pc) =	sbr.ind lr, $3  }
0x3a: {  	_ = 	snop  }
0x3b: {  	_ = 	snop  }
0x3c: {  	p2 =	seq.s32 s10, $0x1;
	s10 =	sld [smem:$0x3FAA]  }
0x3d: {  	_ =	shalt  }
0x3e: {  	_ =	shalt  }
0x3f: {  	_ =	shalt  }
0x40: {  	_ =	shalt  }
0x41: {  	_ =	shalt  }
0x42: {  	_ =	shalt  }
0x43: {  	_ =	shalt  }
0x44: {  	_ =	shalt  }
0x45: {  	_ =	shalt  }
0x46: {  	_ =	shalt  }
0x47: {  	_ =	shalt  }
0x48: {  	_ =	shalt  }
0x49: {  	_ =	shalt  }
0x4a: {  	_ =	shalt  }
0x4b: {  	_ =	shalt  }
0x4c: {  	_ =	shalt  }
0x4d: {  	_ =	shalt  }
0x4e: {  	_ =	shalt  }
0x4f: {  	_ =	shalt  }
0x50: {  	_ =	shalt  }
0x51: {  	_ =	shalt  }
0x52: {  	_ =	shalt  }
0x53: {  	_ =	shalt  }
0x54: {  	_ =	shalt  }
0x55: {  	_ =	shalt  }
0x56: {  	_ =	shalt  }
0x57: {  	_ =	shalt  }
0x58: {  	_ =	shalt  }
0x59: {  	_ =	shalt  }
0x5a: {  	_ =	shalt  }
0x5b: {  	_ =	shalt  }
0x5c: {  	_ =	shalt  }
0x5d: {  	_ =	shalt  }
0x5e: {  	_ =	shalt  }
0x5f: {  	_ =	shalt  }
0x60: {  	_ =	shalt  }
0x61: {  	_ =	shalt  }
0x62: {  	_ =	shalt  }
0x63: {  	_ =	shalt  }
0x64: {  	_ =	shalt  }
0x65: {  	_ =	shalt  }
0x66: {  	_ =	shalt  }
0x67: {  	_ =	shalt  }
0x68: {  	_ =	shalt  }
0x69: {  	_ =	shalt  }
0x6a: {  	_ =	shalt  }
0x6b: {  	_ =	shalt  }
0x6c: {  	_ =	shalt  }
0x6d: {  	_ =	shalt  }
0x6e: {  	_ =	shalt  }
0x6f: {  	_ =	shalt  }
0x70: {  	_ =	shalt  }
0x71: {  	_ =	shalt  }
0x72: {  	_ =	shalt  }
0x73: {  	_ =	shalt  }
0x74: {  	_ =	shalt  }
0x75: {  	_ =	shalt  }
0x76: {  	_ =	shalt  }
0x77: {  	_ =	shalt  }
0x78: {  	_ =	shalt  }
0x79: {  	_ =	shalt  }
0x7a: {  	_ =	shalt  }
0x7b: {  	_ =	shalt  }
0x7c: {  	_ =	shalt  }
0x7d: {  	_ =	shalt  }
0x7e: {  	_ =	shalt  }
0x7f: {  	_ =	shalt  }
0x80: {  	_ =	shalt  }
0x81: {  	_ =	shalt  }
0x82: {  	_ =	shalt  }
0x83: {  	_ =	shalt  }
0x84: {  	_ =	shalt  }
0x85: {  	_ =	shalt  }
0x86: {  	_ =	shalt  }
0x87: {  	_ =	shalt  }
.Lfunc_end0:
.L_simem_size_0:
called_computation_lowered:
.L_overlay_start_0:
0x88: {  	s2 =	sld [smem:$0x3FD9]  }
0x89: {  	s3 =	sld [smem:$0x3FFE];
	_ =	sdelay $0x1  }
0x8a: {  	s1 =	srdreg.scid  }
0x8b: {  	s0 =	sand.u32 $0x1, s1  }
0x8c: {  	s14 =	sshll.u32 s0, $0xA;
	s2 =	sadd.s32 s3, s2  }
0x8d: {  	s2 =	sadd.s32 s2, s14  }
0x8e: {  	[smem:$0x3FB6] =	sst s2  }
0x8f: {  	_ = 	snop  }
0x90: {  	s2 =	sld [smem:$0x3FD0];
	_ =	sdelay $0x2  }
0x91: {  	s15 =	simm.s32 $0xB;
	s4 =	simm.s32 $0x10  }
0x92: {  	[smem:s4], [sflag:s15] =	dma.local [hbm:s2], $0x1  }
0x93: {  	_ =	swait.eq [sflag:s15], $0x1  }
0x94: {  	[sflag:s15] =	ssyncset.done $0x0  }
0x95: {  	[sflag:s15] =	ssyncadd.s32 $0xFFFFFFFF  }
0x96: {  	s16 =	sld [smem:$0x11];
	(tm) =	ssettm $0x1  }
0x97: {  	s17 =	sld [smem:$0x3FFB];
	_ =	sdelay $0x3  }
0x98: {  	_ =	strace s17  }
0x99: {  	s3 =	sld [smem:$0x3FFC];
	_ =	sdelay $0x3  }
0x9a: {  	_ =	strace s3  }
0x9b: {  	s3 =	sld [smem:$0x3FFD];
	_ =	sdelay $0x3  }
0x9c: {  	_ =	strace s3  }
0x9d: {  	_ =	strace $0x8FFFFFFF  }
0x9e: {  	s18 =	sld [smem:$0x3FDB];
	_ =	sdelay $0x1  }
0x9f: {  	s19 =	simm.s32 $_scs_section_size  }
0xa0: {  	s5 =	simm.s32 $_size__tile_overlayer_lowered;
	s6 =	simm.s32 $_tile_overlayer_lowered  }
0xa1: {  	s22 =	simm.s32 $0x1BFF;
	s21 =	sshll.u32 s6, $0x1;
	s3 =	sadd.s32 s19, s18  }
0xa2: {  	s7 =	simm.s32 $0x0;
	s20 =	sshll.u32 s5, $0x1;
	s5 =	sadd.s32 s21, s3  }
0xa3: {  	[timem:s7], [sflag:s22] =	dma.local [hbm:s5], s20  }
0xa4: {  	_ =	swait.ge [sflag:s22], s20  }
0xa5: {  	s4 =	ssub.s32 $0x0, s20;
	[sflag:s22] =	ssyncset.done $0x0  }
0xa6: {  	[sflag:s22] =	ssyncadd.s32 s4;
	_ =	sdelay $0x1  }
0xa7: {  	s23 =	simm.s32 $0x1B8B  }
0xa8: {  	_ =	swait.ge [sflag:s23], $0x1  }
0xa9: {  	[sflag:s23] =	ssyncset.done $0x0  }
0xaa: {  	s25 =	simm.s32 $0x1B8E;
	s24 =	sld [smem:$0x3FFE];
	[sflag:s23] =	ssyncadd.s32 $0xFFFFFFFF  }
0xab: {  	s26 =	simm.s32 $execute0_lowered;
	[smem:$0x3FD2] =	sst s25  }
0xac: {  	s5 =	sshll.u32 s26, $0x1;
	_ =	strace $0x80000046;
	[dreg:$0x1] =	wrdreg $0xFFFFFFFF  }
0xad: {  	s28 =	simm.s32 $_size_execute0_lowered;
	s3 =	sadd.s32 s3, s5;
	[dreg:$0x0] =	wrdreg $0x0  }
0xae: {  	s5 =	sshll.u32 s28, $0x1;
	[dreg:$0x2] =	wrdreg s3  }
0xaf: {  	[dreg:$0x3] =	wrdreg s5  }
0xb0: {  	[dreg:$0x4] =	wrdreg $0xC0  }
0xb1: {  	_ =	task [dreg:s7], $0x5FFFF  }
0xb2: {  	[dreg:$0x1] =	wrdreg $0xFFFFFFFF  }
0xb3: {  	[dreg:$0x0] =	wrdreg $0x60  }
0xb4: {  	[dreg:$0x2] =	wrdreg s16  }
0xb5: {  	[dreg:$0x3] =	wrdreg s24  }
0xb6: {  	[dreg:$0x4] =	wrdreg $0xA2000  }
0xb7: {  	[dreg:$0x5] =	wrdreg $0x9  }
0xb8: {  	_ =	task.clear_ibuf [dreg:s7], $0x6FFFF;
	_ =	strace $0x90000046  }
0xb9: {  	s29 =	simm.s32 $0x9;
	_ =	strace $0x80000048  }
0xba: {  	_ =	swait.ge [sflag:s29], $0x1  }
0xbb: {  	[sflag:s29] =	ssyncadd.s32 $0xFFFFFFFF  }
0xbc: {  	_ =	strace $0x90000048  }
0xbd: {  	_ =	sfence  }
0xbe: {  	s30 =	sld [smem:$0x0];
	_ =	sdelay $0x2  }
0xbf: {  	s31 =	sshll.u32 s1, $0xD;
	s1 =	sshrl.u32 s1, $0x2  }
0xc0: {  	s3 =	sand.u32 $0x4000, s31;
	s1 =	sadd.s32 s1, s30  }
0xc1: {  	s0 =	sor.u32 s3, s0;
	s1 =	sshll.u32 s1, $0x11  }
0xc2: {  	s0 =	sor.u32 s1, s0  }
0xc3: {  	s0 =	sadd.s32 $0x8F2B, s0  }
0xc4: {  	[sflag:s0] =	ssyncadd.remote.s32 $0x1  }
0xc5: {  	_ =	sfence.sel $0xFFFF  }
0xc6: {  	[dreg:$0x0] =	wrdreg $0xFFFFFFFF;
	(pc) =	sbr.abs _section_cstart, $3  }
0xc7: {  	[dreg:$0x1] =	wrdreg $0xFFFFFFFF  }
0xc8: {  	_ =	task.clear_ibuf [dreg:s7], $0x2FFFF;
	_ =	strace $0x9FFFFFFF  }
0xc9: {  	(tm) =	ssettm $0x7FFFFFFF  }
tec
execute0_lowered:
.L_overlay_start_1:
0x0: {  	(tag) =	ssettag $0x1  }
0x1: {  	s22 =	stileid.u32  }
0x2: {  	s0 =	srdreg.scid;
	s16 =	smul.u32 $0x280, s22  }
0x3: {  	s2 =	rddreg [dreg:$0x1];
	s9 =	sand.u32 $0x1, s0;
	s1 =	smul.u32 $0x140, s22  }
0x4: {  	s8 =	sadd.s32 $0x6000, s2;
	s3 =	smul.u32 $0x2710, s9  }
0x5: {  	p0 =	seq.s32 s22, $0xF;
	s4 =	ssub.s32 $0x2, s9;
	s6 =	smul.u32 $0x1388, s9  }
0x6: {  	s25 =	sadd.s32 $0x2D200, s2;
	s9 =	smul.u32 $0x27100, s9;
	s17 =	sshrl.u32 s4, $0x1  }
0x7: {  	s11 =	sadd.s32 s16, s3;
	s0 =	ssub.s32 s4, s17;
	s1 =	sadd.s32 s1, s6  }
0x8: {  	s17 =	sadd.s32 $0x2580, s3;
	s12 =	sshll.u32 s11, $0x7;
	s18 =	sshll.u32 s1, $0x4  }
0x9: {  	s3 =	sadd.s32 $0x50, s1;
	s4 =	sadd.s32 $0xA0, s1;
	s5 =	sadd.s32 $0xF0, s1  }
0xa: {  	s11 =	sshll.u32 s11, $0x4;
	s1 =	sshll.u32 s1, $0x7;
	s0 =	smax.u32 s0, $0x1  }
0xb: {  	s13 =	sshrl.u32 s12, $0x3;
	s16 =	sadd.s32 $0xA000, s12;
	s19 =	sadd.s32 s8, s18  }
0xc: {  	s7 =	sshll.u32 s3, $0x4;
	s11 =	sadd.s32 s25, s11;
	[dreg:$0x4] =	wrdreg s19  }
0xd: {  	s10 =	sshll.u32 s4, $0x4;
	s7 =	sadd.s32 s8, s7;
	[dreg:$0xb] =	wrdreg s11  }
0xe: {  	s18 =	sshll.u32 s5, $0x4;
	s20 =	sadd.s32 s8, s10;
	[dreg:$0x5] =	wrdreg s7  }
0xf: {  	s14 =	sadd.s32 $0xC800, s12;
	s21 =	sadd.s32 s8, s18;
	[dreg:$0x6] =	wrdreg s20  }
0x10: {  	s10 =	sadd.s32 $0x1310, s6;
	[dreg:$0x7] =	wrdreg s21;
	s7 =	sadd.s32 $0x12C0, s6  }
0x11: {  	s6 =	sadd.s32 $0x1360, s6;
	s19 =	sshll.u32 s10, $0x4;
	s23 =	sshll.u32 s7, $0x4  }
0x12: {  	s20 =	sshll.u32 s6, $0x4;
	s24 =	sadd.s32 s8, s19;
	s18 =	sadd.s32 s8, s23  }
0x13: {  	[dreg:$0x9] =	wrdreg s24;
	s8 =	sadd.s32 s8, s20;
	s20 =	smul.u32 $0x50000, s22  }
0x14: {  	s15 =	sadd.s32 $0xF00, s13;
	s23 =	smul.u32 $0x2710, s22;
	[dreg:$0x8] =	wrdreg s18  }
0x15: {  	[dreg:$0xa] =	wrdreg s8;
	s8 =	sshll.u32 s17, $0x4;
	s17 =	sshll.u32 s17, $0x7  }
0x16: {  	s15 =	smov.u32 @p0 s8;
	s8 =	sadd.s32 $0x2800, s17;
	s18 =	sadd.s32 $0x5000, s17  }
0x17: {  	s24 =	sadd.s32 s23, s9;
	s28 =	sadd.s32 $0xA0, s23;
	s16 =	smov.u32 @p0 s8  }
0x18: {  	s14 =	smov.u32 @p0 s18;
	s18 =	sadd.s32 $0xF000, s12;
	s12 =	sadd.s32 $0x11800, s12  }
0x19: {  	s8 =	sadd.s32 $0x7800, s17;
	s17 =	sadd.s32 $0xA000, s17;
	s21 =	sadd.s32 s25, s15  }
0x1a: {  	s18 =	smov.u32 @p0 s8;
	s19 =	sshrl.u32 s16, $0x3;
	s16 =	rddreg [dreg:$0x2]  }
0x1b: {  	s12 =	smov.u32 @p0 s17;
	s8 =	simm.s32 $0x0;
	[dreg:$0x10] =	wrdreg s21  }
0x1c: {  	s21 =	sadd.s32 $0x285E00, s2;
	[smem:$0x7FF] =	sst s8;
	s26 =	sshrl.u32 s12, $0x3  }
0x1d: {  	s12 =	sadd.s32 s25, s13;
	s13 =	sshrl.u32 s18, $0x3;
	s18 =	sshrl.u32 s14, $0x3  }
0x1e: {  	s14 =	rddreg [dreg:$0x0];
	s1 =	sadd.s32 s1, s16;
	s11 =	sadd.s32 s25, s26  }
0x1f: {  	[dreg:$0xc] =	wrdreg s11;
	s11 =	sadd.s32 s25, s13;
	s13 =	sadd.s32 $0xA00, s12  }
0x20: {  	[dreg:$0xd] =	wrdreg s11;
	s11 =	sadd.s32 s25, s18;
	s18 =	sshll.u32 s4, $0x7  }
0x21: {  	[dreg:$0xe] =	wrdreg s11;
	s11 =	sadd.s32 s25, s19;
	s19 =	sadd.s32 $0x27C000, s2  }
0x22: {  	s25 =	sshrl.u32 s24, $0x3;
	[dreg:$0xf] =	wrdreg s11;
	s11 =	sshrl.u32 s20, $0x2  }
0x23: {  	s20 =	sadd.s32 $0x277000, s2;
	_ =	strace $0x80000047;
	[dreg:$0x16] =	wrdreg s13  }
0x24: {  	s2 =	sshll.u32 s24, $0x4;
	s24 =	sadd.s32 s18, s16;
	[dreg:$0x17] =	wrdreg s1  }
0x25: {  	s15 =	sshll.u32 s3, $0x7;
	s3 =	sshll.u32 s10, $0x7;
	[dreg:$0x19] =	wrdreg s24  }
0x26: {  	s26 =	sshrl.u32 s23, $0x3;
	s18 =	sadd.s32 $0x12C000, s16;
	[dreg:$0x1e] =	wrdreg s0  }
0x27: {  	s4 =	smul.u32 $0x4E2, s22;
	s22 =	sadd.s32 $0x12E800, s16;
	[smem:$0x7F9] =	sst s18  }
0x28: {  	s17 =	sadd.s32 s11, s16;
	s11 =	sadd.s32 s19, s25;
	[smem:$0x7FA] =	sst s22  }
0x29: {  	s31 =	sadd.s32 s20, s26;
	s2 =	sadd.s32 s21, s2;
	[dreg:$0x12] =	wrdreg s11  }
0x2a: {  	s26 =	sadd.s32 $0x50, s23;
	s1 =	sadd.s32 s15, s16;
	[dreg:$0x14] =	wrdreg s2  }
0x2b: {  	s23 =	sshll.u32 s5, $0x7;
	s5 =	sadd.s32 s3, s16;
	[dreg:$0x18] =	wrdreg s1  }
0x2c: {  	[dreg:$0x1c] =	wrdreg s5  }
0x2d: {  	s24 =	sadd.s32 $0x133800, s16;
	[dreg:$0x11] =	wrdreg s17  }
0x2e: {  	[smem:$0x7FC] =	sst s24  }
0x2f: {  	s29 =	simm.s32 $0x6;
	s11 =	sadd.s32 $0x500, s12;
	[dreg:$0x13] =	wrdreg s31  }
0x30: {  	s30 =	simm.s32 $0x4;
	s25 =	sadd.s32 s23, s16;
	[dreg:$0x15] =	wrdreg s11  }
0x31: {  	s2 =	sshll.u32 s7, $0x7;
	s7 =	sadd.s32 $0x2800, s17;
	[dreg:$0x1a] =	wrdreg s25  }
0x32: {  	s6 =	sshll.u32 s6, $0x7;
	s10 =	sadd.s32 $0x5000, s17;
	[dreg:$0x1f] =	wrdreg s7  }
0x33: {  	s0 =	simm.s32 $0x5;
	s12 =	sadd.s32 $0xA000, s17;
	[smem:$0x7F3] =	sst s10  }
0x34: {  	s3 =	simm.s32 $0x1;
	s13 =	sadd.s32 $0xC800, s17;
	[smem:$0x7F5] =	sst s12  }
0x35: {  	s15 =	sadd.s32 $0xF000, s17;
	s23 =	sadd.s32 $0x131000, s16;
	[smem:$0x7F6] =	sst s13  }
0x36: {  	s5 =	simm.s32 $0x80;
	s1 =	sadd.s32 s2, s16;
	[smem:$0x7F7] =	sst s15  }
0x37: {  	s11 =	sadd.s32 $0x7800, s17;
	s17 =	sadd.s32 $0x11800, s17;
	[smem:$0x7FB] =	sst s23  }
0x38: {  	s25 =	sadd.s32 $0x136000, s16;
	s13 =	simm.s32 $0x200;
	[dreg:$0x1b] =	wrdreg s1  }
0x39: {  	s2 =	simm.s32 $0x5200;
	s23 =	simm.s32 $0x180;
	[smem:$0x7F4] =	sst s11  }
0x3a: {  	s12 =	simm.s32 $0x2;
	s15 =	simm.s32 $0x2A00;
	[smem:$0x7F8] =	sst s17  }
0x3b: {  	s1 =	sadd.s32 s6, s16;
	s6 =	sadd.s32 s4, s20;
	[smem:$0x7FD] =	sst s25  }
0x3c: {  	s4 =	simm.s32 $0x50;
	s25 =	simm.s32 $0x7A00;
	s11 =	simm.s32 $0x3  }
0x3d: {  	v0 =	vimm.f32 $0.0e+00;
	v1 =	vimm.f32 $1.000000000e+00;
	s17 =	simm.s32 $0x0;
	[dreg:$0x1d] =	wrdreg s1;
	s1 =	simm.s32 $0x100  }
.LBB2_1:
0x3e: {  	[smem:$0x7F2] =	sst s17;
	s7 =	simm.s32 $0x0;
	s10 =	simm.s32 $0x200  }
.LBB2_2:
0x3f: {  	p1 =	sne.s32 s10, $0x9E00;
	[tilespmem:s7+$0x270] =	vst v0  }
0x40: {  	[tilespmem:s7+$0x200] =	vst v0  }
0x41: {  	[tilespmem:s7+$0x210] =	vst v0  }
.Ltmp0:
0x42: {  	[tilespmem:s7+$0x220] =	vst v0;
	(pc) =	sbr.rel @p1 .LBB2_2-.Ltmp0, $4  }
0x43: {  	[tilespmem:s7+$0x230] =	vst v0  }
0x44: {  	[tilespmem:s7+$0x240] =	vst v0  }
0x45: {  	[tilespmem:s7+$0x250] =	vst v0  }
0x46: {  	[tilespmem:s7+$0x260] =	vst v0;
	s7 =	sshra.s32 s10, $0x2;
	s10 =	sadd.s32 $0x200, s10  }
0x47: {  	[tilespmem:s7+$0x270] =	vst v0  }
0x48: {  	[tilespmem:s7+$0x200] =	vst v0  }
0x49: {  	[tilespmem:s7+$0x210] =	vst v0  }
0x4a: {  	[tilespmem:s7+$0x220] =	vst v0  }
0x4b: {  	[tilespmem:s7+$0x230] =	vst v0  }
0x4c: {  	[tilespmem:s7+$0x240] =	vst v0  }
0x4d: {  	[tilespmem:s7+$0x250] =	vst v0  }
0x4e: {  	[tilespmem:s7+$0x260] =	vst v0;
	s7 =	simm.s32 @!p0 $0x200;
	s10 =	rddreg [dreg:$0x11]  }
0x4f: {  	[spmem:s10] =	stream.linear.scatter @!p0 [tilespmem:s7], [sflag:$0x5], $0x2800, $0x38;
	[tilespmem:$0x1DA80] =	vst v63  }
0x50: {  	s10 =	simm.s32 @!p0 $0x5  }
0x51: {  	_ =	swait.ge @!p0 [sflag:s10], $0x2800  }
0x52: {  	[sflag:s10] =	ssyncset.done @!p0 $0x0  }
0x53: {  	s17 =	rddreg [dreg:$0x1f];
	[sflag:s10] =	ssyncadd.s32 @!p0 $0xFFFFD800  }
0x54: {  	[spmem:s17] =	stream.linear.scatter @!p0 [tilespmem:s7], [sflag:$0x5], $0x2800, $0x38;
	[tilespmem:$0x1DA80] =	vst v63  }
0x55: {  	_ =	swait.ge @!p0 [sflag:s10], $0x2800  }
0x56: {  	s17 =	sld [smem:$0x7F3]  }
0x57: {  	[sflag:s10] =	ssyncset.done @!p0 $0x0  }
0x58: {  	[sflag:s10] =	ssyncadd.s32 @!p0 $0xFFFFD800  }
0x59: {  	[spmem:s17] =	stream.linear.scatter @!p0 [tilespmem:s7], [sflag:$0x5], $0x2800, $0x38;
	[tilespmem:$0x1DA80] =	vst v63  }
0x5a: {  	_ =	swait.ge @!p0 [sflag:s10], $0x2800  }
0x5b: {  	s17 =	sld [smem:$0x7F4]  }
0x5c: {  	s7 =	sld [smem:$0x7F9];
	_ =	sdelay $0x2  }
0x5d: {  	[sflag:s10] =	ssyncset.done @!p0 $0x0;
	s17 =	smov.u32 @p0 s7  }
0x5e: {  	[sflag:s10] =	ssyncadd.s32 @!p0 $0xFFFFD800;
	[smem:$0x7F0] =	sst s17  }
0x5f: {  	[spmem:s17] =	stream.linear.scatter [tilespmem:s13], [sflag:$0x5], $0x2800, $0x38;
	[tilespmem:$0x1DA80] =	vst v63  }
0x60: {  	_ =	swait.ge [sflag:s0], $0x2800  }
0x61: {  	s10 =	sld [smem:$0x7F5]  }
0x62: {  	s7 =	sld [smem:$0x7FA];
	_ =	sdelay $0x2  }
0x63: {  	[sflag:s0] =	ssyncset.done $0x0;
	s10 =	smov.u32 @p0 s7  }
0x64: {  	[sflag:s0] =	ssyncadd.s32 $0xFFFFD800;
	[smem:$0x7F1] =	sst s10  }
0x65: {  	[spmem:s10] =	stream.linear.scatter [tilespmem:s13], [sflag:$0x5], $0x2800, $0x38;
	[tilespmem:$0x1DA80] =	vst v63  }
0x66: {  	_ =	swait.ge [sflag:s0], $0x2800  }
0x67: {  	s24 =	sld [smem:$0x7F6]  }
0x68: {  	s7 =	sld [smem:$0x7FB];
	_ =	sdelay $0x1  }
0x69: {  	[sflag:s0] =	ssyncset.done $0x0  }
0x6a: {  	[sflag:s0] =	ssyncadd.s32 $0xFFFFD800;
	s24 =	smov.u32 @p0 s7  }
0x6b: {  	[spmem:s24] =	stream.linear.scatter [tilespmem:s13], [sflag:$0x5], $0x2800, $0x38;
	[tilespmem:$0x1DA80] =	vst v63  }
0x6c: {  	_ =	swait.ge [sflag:s0], $0x2800  }
0x6d: {  	s7 =	sld [smem:$0x7F7]  }
0x6e: {  	s10 =	sld [smem:$0x7FC];
	_ =	sdelay $0x1  }
0x6f: {  	[sflag:s0] =	ssyncset.done $0x0  }
0x70: {  	[sflag:s0] =	ssyncadd.s32 $0xFFFFD800;
	s7 =	smov.u32 @p0 s10  }
0x71: {  	[spmem:s7] =	stream.linear.scatter [tilespmem:s13], [sflag:$0x5], $0x2800, $0x38;
	[tilespmem:$0x1DA80] =	vst v63  }
0x72: {  	_ =	swait.ge [sflag:s0], $0x2800  }
0x73: {  	s10 =	sld [smem:$0x7F8]  }
0x74: {  	s17 =	sld [smem:$0x7FD];
	_ =	sdelay $0x1  }
0x75: {  	[sflag:s0] =	ssyncset.done $0x0  }
0x76: {  	[sflag:s0] =	ssyncadd.s32 $0xFFFFD800;
	s10 =	smov.u32 @p0 s17  }
0x77: {  	[spmem:s10] =	stream.linear.scatter [tilespmem:s13], [sflag:$0x5], $0x2800, $0x38;
	[tilespmem:$0x1DA80] =	vst v63  }
0x78: {  	_ =	swait.ge [sflag:s0], $0x2800  }
0x79: {  	[sflag:s0] =	ssyncset.done $0x0  }
0x7a: {  	[sflag:s0] =	ssyncadd.s32 $0xFFFFD800  }
0x7b: {  	[bflag:$0x0] =	sbarrier.arrive $0xFFFF  }
0x7c: {  	s22 =	simm.s32 $0x0;
	s18 =	rddreg [dreg:$0x12]  }
0x7d: {  	[tilespmem:s22], [sflag:$0x1] =	stream.linear.gather [hbm4b:s18+s22], $0x50, $0x38;
	[tilespmem:$0x1DA80] =	vst v63  }
0x7e: {  	_ = 	snop  }
0x7f: {  	[tilespmem:s1], [sflag:$0x1] =	stream.linear.gather [hbm4b:s31+s22], $0x50, $0x38;
	[tilespmem:$0x1DA80] =	vst v63  }
0x80: {  	s31 =	rddreg [dreg:$0x14]  }
0x81: {  	[tilespmem:s2], [sflag:$0x1] =	stream.linear.gather [hbm4b:s31+s22], $0x2800, $0x38;
	[tilespmem:$0x1DA80] =	vst v63  }
.LBB2_4:
0x82: {  	_ =	swait.ge [sflag:s3], $0x50  }
0x83: {  	[sflag:s3] =	ssyncset.done $0x0  }
0x84: {  	[sflag:s3] =	ssyncadd.s32 $0xFFFFFFB0  }
0x85: {  	_ =	swait.ge [sflag:s3], $0x50  }
0x86: {  	p1 =	seq.s32 s22, $0x0;
	[sflag:s3] =	ssyncset.done $0x0  }
.Ltmp1:
0x87: {  	[sflag:s3] =	ssyncadd.s32 $0xFFFFFFB0;
	(pc) =	sbr.rel @p1 .LBB2_8-.Ltmp1, $4  }
0x88: {  	_ =	swait.ge [sflag:s3], $0x2800  }
0x89: {  	[sflag:s3] =	ssyncset.done $0x0  }
0x8a: {  	[sflag:s3] =	ssyncadd.s32 $0xFFFFD800  }
0x8b: {  	[tilespmem:s13], [sflag:$0x3] =	stream.indirect.gather [hbm4b:s14+s4], $0x80, s8, s4, $0xb8;
	[tilespmem:$0x1DA80] =	vst v63  }
0x8c: {  	_ =	swait.ge [sflag:s30], $0x2800  }
0x8d: {  	[sflag:s30] =	ssyncset.done $0x0  }
0x8e: {  	s31 =	simm.s32 $0x0;
	[sflag:s30] =	ssyncadd.s32 $0xFFFFD800  }
0x8f: {  	v9 =	vld [tilespmem:s31+$0x7A00]  }
0x90: {  	v13 =	vld [tilespmem:s31+$0x7A10]  }
0x91: {  	v7 =	vld [tilespmem:s31+$0x7A20]  }
0x92: {  	v6 =	vld [tilespmem:s31+$0x7A30]  }
0x93: {  	v5 =	vld [tilespmem:s31+$0x7A40]  }
0x94: {  	v4 =	vld [tilespmem:s31+$0x7A50]  }
0x95: {  	v3 =	vld [tilespmem:s31+$0x7A60]  }
0x96: {  	v2 =	vld [tilespmem:s31+$0x7A70]  }
0x97: {  	v14 =	vld [tilespmem:s31+$0x2A00]  }
0x98: {  	v15 =	vld [tilespmem:s31+$0x2A10]  }
0x99: {  	v12 =	vld [tilespmem:s31+$0x2A20]  }
0x9a: {  	v11 =	vld [tilespmem:s31+$0x2A30]  }
0x9b: {  	v10 =	vld [tilespmem:s31+$0x2A40]  }
0x9c: {  	v8 =	vld [tilespmem:s31+$0x2A50];
	v14 =	vmul.f32 v9, v14  }
0x9d: {  	s17 =	simm.s32 $0x200;
	v13 =	vmul.f32 v13, v15;
	v9 =	vld [tilespmem:s31+$0x2A60]  }
.LBB2_6:
0x9e: {  	s18 =	sshra.s32 s17, $0x2;
	p1 =	sne.s32 s17, $0x9E00;
	[tilespmem:s31+$0x2A00] =	vst v14;
	v7 =	vmul.f32 v7, v12;
	v12 =	vld [tilespmem:s31+$0x2A70]  }
0x9f: {  	v14 =	vld [tilespmem:s18+$0x7A00];
	[tilespmem:s31+$0x2A10] =	vst v13;
	v6 =	vmul.f32 v6, v11  }
0xa0: {  	v13 =	vld [tilespmem:s18+$0x7A10];
	[tilespmem:s31+$0x2A20] =	vst v7;
	v5 =	vmul.f32 v5, v10  }
0xa1: {  	v7 =	vld [tilespmem:s18+$0x7A20];
	[tilespmem:s31+$0x2A30] =	vst v6;
	v4 =	vmul.f32 v4, v8  }
0xa2: {  	v6 =	vld [tilespmem:s18+$0x7A30];
	[tilespmem:s31+$0x2A40] =	vst v5;
	v3 =	vmul.f32 v3, v9  }
0xa3: {  	v5 =	vld [tilespmem:s18+$0x7A40];
	[tilespmem:s31+$0x2A50] =	vst v4;
	v2 =	vmul.f32 v2, v12  }
0xa4: {  	v4 =	vld [tilespmem:s18+$0x7A50];
	[tilespmem:s31+$0x2A60] =	vst v3  }
0xa5: {  	v3 =	vld [tilespmem:s18+$0x7A60];
	[tilespmem:s31+$0x2A70] =	vst v2;
	s31 =	smov.u32 s18  }
0xa6: {  	v2 =	vld [tilespmem:s31+$0x7A70]  }
0xa7: {  	v8 =	vld [tilespmem:s31+$0x2A00]  }
0xa8: {  	v9 =	vld [tilespmem:s31+$0x2A10]  }
.Ltmp2:
0xa9: {  	v12 =	vld [tilespmem:s31+$0x2A20];
	(pc) =	sbr.rel @p1 .LBB2_6-.Ltmp2, $4  }
0xaa: {  	v11 =	vld [tilespmem:s31+$0x2A30]  }
0xab: {  	v10 =	vld [tilespmem:s31+$0x2A40]  }
0xac: {  	v14 =	vmul.f32 v14, v8;
	v8 =	vld [tilespmem:s31+$0x2A50]  }
0xad: {  	s17 =	sadd.s32 $0x200, s17;
	v13 =	vmul.f32 v13, v9;
	v9 =	vld [tilespmem:s31+$0x2A60]  }
0xae: {  	[tilespmem:s31+$0x2A00] =	vst v14;
	v7 =	vmul.f32 v7, v12;
	v63 =	vld [tilespmem:s31+$0x2A70]  }
0xaf: {  	[tilespmem:s31+$0x2A10] =	vst v13;
	v6 =	vmul.f32 v6, v11  }
0xb0: {  	[tilespmem:s31+$0x2A20] =	vst v7;
	v5 =	vmul.f32 v5, v10  }
0xb1: {  	[tilespmem:s31+$0x2A30] =	vst v6;
	v4 =	vmul.f32 v4, v8  }
0xb2: {  	[tilespmem:s31+$0x2A40] =	vst v5;
	v3 =	vmul.f32 v3, v9  }
0xb3: {  	[tilespmem:s31+$0x2A50] =	vst v4;
	v2 =	vmul.f32 v2, v63  }
0xb4: {  	p1 =	seq.s32 s22, $0x3E;
	[tilespmem:s31+$0x2A60] =	vst v3  }
.Ltmp3:
0xb5: {  	[tilespmem:s31+$0x2A70] =	vst v2;
	(pc) =	sbr.rel @p1 .LBB2_9-.Ltmp3, $4  }
0xb6: {  	[spmem:s16] =	stream.indirect.scatter.add.f32 [tilespmem:s15], [sflag:$0x5], $0x80, s23, s4, $0xb8;
	[tilespmem:$0x1DA80] =	vst v63  }
0xb7: {  	_ =	swait.ge [sflag:s0], $0x2800  }
0xb8: {  	[sflag:s0] =	ssyncset.done $0x0  }
0xb9: {  	[sflag:s0] =	ssyncadd.s32 $0xFFFFD800  }
.LBB2_8:
0xba: {  	s17 =	smul.u32 $0xA0, s22;
	_ =	sdelay $0x1  }
0xbb: {  	s17 =	sadd.s32 s17, s26  }
0xbc: {  	s18 =	sadd.s32 s9, s17  }
0xbd: {  	s31 =	sshrl.u32 s18, $0x3  }
0xbe: {  	s17 =	sshrl.u32 s17, $0x3;
	s31 =	sadd.s32 s19, s31  }
0xbf: {  	[tilespmem:s5], [sflag:$0x2] =	stream.linear.gather [hbm4b:s31+s8], $0x50, $0x38;
	[tilespmem:$0x1DA80] =	vst v63  }
0xc0: {  	s17 =	sadd.s32 s20, s17;
	s31 =	sshll.u32 s18, $0x4  }
0xc1: {  	[tilespmem:s23], [sflag:$0x2] =	stream.linear.gather [hbm4b:s17+s8], $0x50, $0x38;
	[tilespmem:$0x1DA80] =	vst v63  }
0xc2: {  	p1 =	sgt.u32 s22, $0x3D;
	s17 =	sadd.s32 s21, s31  }
0xc3: {  	[tilespmem:s25], [sflag:$0x2] =	stream.linear.gather [hbm4b:s17+s8], $0x2800, $0x38;
	[tilespmem:$0x1DA80] =	vst v63  }
0xc4: {  	s17 =	simm.s32 @!p1 $0x2  }
0xc5: {  	_ =	swait.ge @!p1 [sflag:s17], $0x50  }
0xc6: {  	[sflag:s17] =	ssyncset.done @!p1 $0x0  }
0xc7: {  	[sflag:s17] =	ssyncadd.s32 @!p1 $0xFFFFFFB0  }
0xc8: {  	_ =	swait.ge @!p1 [sflag:s17], $0x50  }
0xc9: {  	[sflag:s17] =	ssyncset.done @!p1 $0x0  }
0xca: {  	[sflag:s17] =	ssyncadd.s32 @!p1 $0xFFFFFFB0  }
0xcb: {  	_ =	swait.ge @!p1 [sflag:s17], $0x2800  }
0xcc: {  	s18 =	simm.s32 @!p1 $0x80;
	[sflag:s17] =	ssyncset.done @!p1 $0x0  }
0xcd: {  	s31 =	simm.s32 @!p1 $0x2A00;
	[sflag:s17] =	ssyncadd.s32 @!p1 $0xFFFFD800;
	s17 =	simm.s32 @!p1 $0x50  }
0xce: {  	[tilespmem:s31], [sflag:$0x4] =	stream.indirect.gather @!p1 [hbm4b:s14+s17], $0x80, s18, s17, $0xb8;
	[tilespmem:$0x1DA80] =	vst v63  }
.LBB2_9:
0xcf: {  	_ =	swait.ge [sflag:s11], $0x2800  }
0xd0: {  	[sflag:s11] =	ssyncset.done $0x0  }
0xd1: {  	s31 =	simm.s32 $0x0;
	[sflag:s11] =	ssyncadd.s32 $0xFFFFD800  }
0xd2: {  	v9 =	vld [tilespmem:s31+$0x5200]  }
0xd3: {  	v13 =	vld [tilespmem:s31+$0x5210]  }
0xd4: {  	v7 =	vld [tilespmem:s31+$0x5220]  }
0xd5: {  	v6 =	vld [tilespmem:s31+$0x5230]  }
0xd6: {  	v5 =	vld [tilespmem:s31+$0x5240]  }
0xd7: {  	v4 =	vld [tilespmem:s31+$0x5250]  }
0xd8: {  	v3 =	vld [tilespmem:s31+$0x5260]  }
0xd9: {  	v2 =	vld [tilespmem:s31+$0x5270]  }
0xda: {  	v14 =	vld [tilespmem:s31+$0x200]  }
0xdb: {  	v15 =	vld [tilespmem:s31+$0x210]  }
0xdc: {  	v12 =	vld [tilespmem:s31+$0x220]  }
0xdd: {  	v11 =	vld [tilespmem:s31+$0x230]  }
0xde: {  	v10 =	vld [tilespmem:s31+$0x240]  }
0xdf: {  	v8 =	vld [tilespmem:s31+$0x250];
	v14 =	vmul.f32 v9, v14  }
0xe0: {  	s17 =	simm.s32 $0x200;
	v13 =	vmul.f32 v13, v15;
	v9 =	vld [tilespmem:s31+$0x260]  }
.LBB2_10:
0xe1: {  	s18 =	sshra.s32 s17, $0x2;
	p1 =	sne.s32 s17, $0x9E00;
	[tilespmem:s31+$0x200] =	vst v14;
	v7 =	vmul.f32 v7, v12;
	v12 =	vld [tilespmem:s31+$0x270]  }
0xe2: {  	v14 =	vld [tilespmem:s18+$0x5200];
	[tilespmem:s31+$0x210] =	vst v13;
	v6 =	vmul.f32 v6, v11  }
0xe3: {  	v13 =	vld [tilespmem:s18+$0x5210];
	[tilespmem:s31+$0x220] =	vst v7;
	v5 =	vmul.f32 v5, v10  }
0xe4: {  	v7 =	vld [tilespmem:s18+$0x5220];
	[tilespmem:s31+$0x230] =	vst v6;
	v4 =	vmul.f32 v4, v8  }
0xe5: {  	v6 =	vld [tilespmem:s18+$0x5230];
	[tilespmem:s31+$0x240] =	vst v5;
	v3 =	vmul.f32 v3, v9  }
0xe6: {  	v5 =	vld [tilespmem:s18+$0x5240];
	[tilespmem:s31+$0x250] =	vst v4;
	v2 =	vmul.f32 v2, v12  }
0xe7: {  	v4 =	vld [tilespmem:s18+$0x5250];
	[tilespmem:s31+$0x260] =	vst v3  }
0xe8: {  	v3 =	vld [tilespmem:s18+$0x5260];
	[tilespmem:s31+$0x270] =	vst v2;
	s31 =	smov.u32 s18  }
0xe9: {  	v2 =	vld [tilespmem:s31+$0x5270]  }
0xea: {  	v8 =	vld [tilespmem:s31+$0x200]  }
0xeb: {  	v9 =	vld [tilespmem:s31+$0x210]  }
.Ltmp4:
0xec: {  	v12 =	vld [tilespmem:s31+$0x220];
	(pc) =	sbr.rel @p1 .LBB2_10-.Ltmp4, $4  }
0xed: {  	v11 =	vld [tilespmem:s31+$0x230]  }
0xee: {  	v10 =	vld [tilespmem:s31+$0x240]  }
0xef: {  	v14 =	vmul.f32 v14, v8;
	v8 =	vld [tilespmem:s31+$0x250]  }
0xf0: {  	s17 =	sadd.s32 $0x200, s17;
	v13 =	vmul.f32 v13, v9;
	v9 =	vld [tilespmem:s31+$0x260]  }
0xf1: {  	[tilespmem:s31+$0x200] =	vst v14;
	v7 =	vmul.f32 v7, v12;
	v63 =	vld [tilespmem:s31+$0x270]  }
0xf2: {  	[tilespmem:s31+$0x210] =	vst v13;
	v6 =	vmul.f32 v6, v11  }
0xf3: {  	[tilespmem:s31+$0x220] =	vst v7;
	v5 =	vmul.f32 v5, v10  }
0xf4: {  	[tilespmem:s31+$0x230] =	vst v6;
	v4 =	vmul.f32 v4, v8  }
0xf5: {  	[tilespmem:s31+$0x240] =	vst v5;
	v3 =	vmul.f32 v3, v9  }
0xf6: {  	[tilespmem:s31+$0x250] =	vst v4;
	v2 =	vmul.f32 v2, v63  }
0xf7: {  	p1 =	seq.s32 s22, $0x3E;
	[tilespmem:s31+$0x260] =	vst v3  }
.Ltmp5:
0xf8: {  	[tilespmem:s31+$0x270] =	vst v2;
	(pc) =	sbr.rel @p1 .LBB2_13-.Ltmp5, $4  }
0xf9: {  	[spmem:s16] =	stream.indirect.scatter.add.f32 [tilespmem:s13], [sflag:$0x5], $0x80, s1, s4, $0xb8;
	[tilespmem:$0x1DA80] =	vst v63  }
0xfa: {  	_ =	swait.ge [sflag:s0], $0x2800  }
0xfb: {  	[sflag:s0] =	ssyncset.done $0x0  }
0xfc: {  	[sflag:s0] =	ssyncadd.s32 $0xFFFFD800  }
0xfd: {  	s17 =	smul.u32 $0xA0, s22;
	_ =	sdelay $0x1  }
0xfe: {  	s17 =	sadd.s32 s17, s28  }
0xff: {  	s18 =	sadd.s32 s9, s17  }
0x100: {  	s31 =	sshrl.u32 s18, $0x3  }
0x101: {  	s31 =	sadd.s32 s19, s31  }
0x102: {  	[tilespmem:s8], [sflag:$0x1] =	stream.linear.gather [hbm4b:s31+s8], $0x50, $0x38;
	[tilespmem:$0x1DA80] =	vst v63  }
.Ltmp6:
0x103: {  	s17 =	sshrl.u32 s17, $0x3;
	(pc) =	sbr.rel .LBB2_4-.Ltmp6, $4  }
0x104: {  	s17 =	sadd.s32 s20, s17;
	s31 =	sshll.u32 s18, $0x4  }
0x105: {  	[tilespmem:s1], [sflag:$0x1] =	stream.linear.gather [hbm4b:s17+s8], $0x50, $0x38;
	[tilespmem:$0x1DA80] =	vst v63  }
0x106: {  	s22 =	sadd.s32 $0x1, s22;
	s17 =	sadd.s32 s21, s31  }
0x107: {  	[tilespmem:s2], [sflag:$0x1] =	stream.linear.gather [hbm4b:s17+s8], $0x2800, $0x38;
	[tilespmem:$0x1DA80] =	vst v63  }
.LBB2_13:
0x108: {  	[bflag:$0x0] =	sbarrier.arrive $0xFFFF  }
0x109: {  	s17 =	simm.s32 @!p0 $0x200;
	s18 =	rddreg [dreg:$0x11]  }
0x10a: {  	[tilespmem:s17], [sflag:$0x5] =	stream.linear.gather @!p0 [spmem:s18], $0x2800, $0x38;
	[tilespmem:$0x1DA80] =	vst v63  }
0x10b: {  	s18 =	simm.s32 @!p0 $0x5  }
0x10c: {  	_ =	swait.ge @!p0 [sflag:s18], $0x2800  }
0x10d: {  	[sflag:s18] =	ssyncset.done @!p0 $0x0  }
0x10e: {  	s22 =	simm.s32 @!p0 $0x0;
	s31 =	rddreg [dreg:$0xb];
	[sflag:s18] =	ssyncadd.s32 @!p0 $0xFFFFD800  }
0x10f: {  	[hbm4b:s31+s22] =	stream.linear.scatter @!p0 [tilespmem:s17], [sflag:$0x5], $0x2800, $0x38;
	[tilespmem:$0x1DA80] =	vst v63  }
0x110: {  	_ =	swait.ge @!p0 [sflag:s18], $0x2800  }
0x111: {  	[sflag:s18] =	ssyncset.done @!p0 $0x0  }
0x112: {  	s31 =	rddreg [dreg:$0x1f];
	[sflag:s18] =	ssyncadd.s32 @!p0 $0xFFFFD800  }
0x113: {  	[tilespmem:s17], [sflag:$0x5] =	stream.linear.gather @!p0 [spmem:s31], $0x2800, $0x38;
	[tilespmem:$0x1DA80] =	vst v63  }
0x114: {  	_ =	swait.ge @!p0 [sflag:s18], $0x2800  }
0x115: {  	[sflag:s18] =	ssyncset.done @!p0 $0x0  }
0x116: {  	s31 =	rddreg [dreg:$0x15];
	[sflag:s18] =	ssyncadd.s32 @!p0 $0xFFFFD800  }
0x117: {  	[hbm4b:s31+s22] =	stream.linear.scatter @!p0 [tilespmem:s17], [sflag:$0x5], $0x2800, $0x38;
	[tilespmem:$0x1DA80] =	vst v63  }
0x118: {  	_ =	swait.ge @!p0 [sflag:s18], $0x2800  }
0x119: {  	s31 =	sld [smem:$0x7F3]  }
0x11a: {  	[sflag:s18] =	ssyncset.done @!p0 $0x0  }
0x11b: {  	[sflag:s18] =	ssyncadd.s32 @!p0 $0xFFFFD800  }
0x11c: {  	[tilespmem:s17], [sflag:$0x5] =	stream.linear.gather @!p0 [spmem:s31], $0x2800, $0x38;
	[tilespmem:$0x1DA80] =	vst v63  }
0x11d: {  	_ =	swait.ge @!p0 [sflag:s18], $0x2800  }
0x11e: {  	[sflag:s18] =	ssyncset.done @!p0 $0x0  }
0x11f: {  	s31 =	rddreg [dreg:$0x16];
	[sflag:s18] =	ssyncadd.s32 @!p0 $0xFFFFD800  }
0x120: {  	[hbm4b:s31+s22] =	stream.linear.scatter @!p0 [tilespmem:s17], [sflag:$0x5], $0x2800, $0x38;
	[tilespmem:$0x1DA80] =	vst v63  }
0x121: {  	_ =	swait.ge @!p0 [sflag:s18], $0x2800  }
0x122: {  	s31 =	sld [smem:$0x7F0]  }
0x123: {  	[sflag:s18] =	ssyncset.done @!p0 $0x0  }
0x124: {  	[sflag:s18] =	ssyncadd.s32 @!p0 $0xFFFFD800  }
0x125: {  	[tilespmem:s13], [sflag:$0x5] =	stream.linear.gather [spmem:s31], $0x2800, $0x38;
	[tilespmem:$0x1DA80] =	vst v63  }
0x126: {  	_ =	swait.ge [sflag:s0], $0x2800  }
0x127: {  	[sflag:s0] =	ssyncset.done $0x0  }
0x128: {  	s17 =	simm.s32 $0x0;
	s22 =	rddreg [dreg:$0x10];
	[sflag:s0] =	ssyncadd.s32 $0xFFFFD800  }
0x129: {  	[hbm4b:s22+s17] =	stream.linear.scatter [tilespmem:s13], [sflag:$0x5], $0x2800, $0x38;
	[tilespmem:$0x1DA80] =	vst v63  }
0x12a: {  	_ =	swait.ge [sflag:s0], $0x2800  }
0x12b: {  	s22 =	sld [smem:$0x7F1]  }
0x12c: {  	[sflag:s0] =	ssyncset.done $0x0  }
0x12d: {  	[sflag:s0] =	ssyncadd.s32 $0xFFFFD800  }
0x12e: {  	[tilespmem:s13], [sflag:$0x5] =	stream.linear.gather [spmem:s22], $0x2800, $0x38;
	[tilespmem:$0x1DA80] =	vst v63  }
0x12f: {  	_ =	swait.ge [sflag:s0], $0x2800  }
0x130: {  	[sflag:s0] =	ssyncset.done $0x0  }
0x131: {  	s22 =	rddreg [dreg:$0xf];
	[sflag:s0] =	ssyncadd.s32 $0xFFFFD800  }
0x132: {  	[hbm4b:s22+s17] =	stream.linear.scatter [tilespmem:s13], [sflag:$0x5], $0x2800, $0x38;
	[tilespmem:$0x1DA80] =	vst v63  }
0x133: {  	_ =	swait.ge [sflag:s0], $0x2800  }
0x134: {  	[sflag:s0] =	ssyncset.done $0x0  }
0x135: {  	[sflag:s0] =	ssyncadd.s32 $0xFFFFD800  }
0x136: {  	[tilespmem:s13], [sflag:$0x5] =	stream.linear.gather [spmem:s24], $0x2800, $0x38;
	[tilespmem:$0x1DA80] =	vst v63  }
0x137: {  	_ =	swait.ge [sflag:s0], $0x2800  }
0x138: {  	[sflag:s0] =	ssyncset.done $0x0  }
0x139: {  	s22 =	rddreg [dreg:$0xe];
	[sflag:s0] =	ssyncadd.s32 $0xFFFFD800  }
0x13a: {  	[hbm4b:s22+s17] =	stream.linear.scatter [tilespmem:s13], [sflag:$0x5], $0x2800, $0x38;
	[tilespmem:$0x1DA80] =	vst v63  }
0x13b: {  	_ =	swait.ge [sflag:s0], $0x2800  }
0x13c: {  	[sflag:s0] =	ssyncset.done $0x0  }
0x13d: {  	[sflag:s0] =	ssyncadd.s32 $0xFFFFD800  }
0x13e: {  	[tilespmem:s13], [sflag:$0x5] =	stream.linear.gather [spmem:s7], $0x2800, $0x38;
	[tilespmem:$0x1DA80] =	vst v63  }
0x13f: {  	_ =	swait.ge [sflag:s0], $0x2800  }
0x140: {  	[sflag:s0] =	ssyncset.done $0x0  }
0x141: {  	s22 =	rddreg [dreg:$0xd];
	[sflag:s0] =	ssyncadd.s32 $0xFFFFD800  }
0x142: {  	[hbm4b:s22+s17] =	stream.linear.scatter [tilespmem:s13], [sflag:$0x5], $0x2800, $0x38;
	[tilespmem:$0x1DA80] =	vst v63  }
0x143: {  	_ =	swait.ge [sflag:s0], $0x2800  }
0x144: {  	[sflag:s0] =	ssyncset.done $0x0  }
0x145: {  	[sflag:s0] =	ssyncadd.s32 $0xFFFFD800  }
0x146: {  	[tilespmem:s13], [sflag:$0x5] =	stream.linear.gather [spmem:s10], $0x2800, $0x38;
	[tilespmem:$0x1DA80] =	vst v63  }
0x147: {  	_ =	swait.ge [sflag:s0], $0x2800  }
0x148: {  	[sflag:s0] =	ssyncset.done $0x0  }
0x149: {  	s22 =	rddreg [dreg:$0xc];
	[sflag:s0] =	ssyncadd.s32 $0xFFFFD800  }
0x14a: {  	[hbm4b:s22+s17] =	stream.linear.scatter [tilespmem:s13], [sflag:$0x5], $0x2800, $0x38;
	[tilespmem:$0x1DA80] =	vst v63  }
0x14b: {  	_ =	swait.ge [sflag:s0], $0x2800  }
0x14c: {  	[sflag:s0] =	ssyncset.done $0x0  }
0x14d: {  	[sflag:s0] =	ssyncadd.s32 $0xFFFFD800  }
0x14e: {  	s17 =	simm.s32 $0x0;
	s22 =	simm.s32 $0x200;
	[bflag:$0x0] =	sbarrier.arrive $0xFFFF  }
.LBB2_14:
0x14f: {  	p1 =	sne.s32 s22, $0x9E00;
	[tilespmem:s17+$0x270] =	vst v0  }
0x150: {  	[tilespmem:s17+$0x200] =	vst v0  }
0x151: {  	[tilespmem:s17+$0x210] =	vst v0  }
.Ltmp7:
0x152: {  	[tilespmem:s17+$0x220] =	vst v0;
	(pc) =	sbr.rel @p1 .LBB2_14-.Ltmp7, $4  }
0x153: {  	[tilespmem:s17+$0x230] =	vst v0  }
0x154: {  	[tilespmem:s17+$0x240] =	vst v0  }
0x155: {  	[tilespmem:s17+$0x250] =	vst v0  }
0x156: {  	[tilespmem:s17+$0x260] =	vst v0;
	s17 =	sshra.s32 s22, $0x2;
	s22 =	sadd.s32 $0x200, s22  }
0x157: {  	[tilespmem:s17+$0x270] =	vst v0  }
0x158: {  	[tilespmem:s17+$0x200] =	vst v0  }
0x159: {  	[tilespmem:s17+$0x210] =	vst v0  }
0x15a: {  	[tilespmem:s17+$0x220] =	vst v0  }
0x15b: {  	[tilespmem:s17+$0x230] =	vst v0  }
0x15c: {  	[tilespmem:s17+$0x240] =	vst v0  }
0x15d: {  	[tilespmem:s17+$0x250] =	vst v0  }
0x15e: {  	[tilespmem:s17+$0x260] =	vst v0;
	s17 =	simm.s32 @!p0 $0x200;
	s18 =	rddreg [dreg:$0x11]  }
0x15f: {  	[spmem:s18] =	stream.linear.scatter @!p0 [tilespmem:s17], [sflag:$0x5], $0x2800, $0x38;
	[tilespmem:$0x1DA80] =	vst v63  }
0x160: {  	s18 =	simm.s32 @!p0 $0x5  }
0x161: {  	_ =	swait.ge @!p0 [sflag:s18], $0x2800  }
0x162: {  	[sflag:s18] =	ssyncset.done @!p0 $0x0  }
0x163: {  	s22 =	rddreg [dreg:$0x1f];
	[sflag:s18] =	ssyncadd.s32 @!p0 $0xFFFFD800  }
0x164: {  	[spmem:s22] =	stream.linear.scatter @!p0 [tilespmem:s17], [sflag:$0x5], $0x2800, $0x38;
	[tilespmem:$0x1DA80] =	vst v63  }
0x165: {  	_ =	swait.ge @!p0 [sflag:s18], $0x2800  }
0x166: {  	s22 =	sld [smem:$0x7F3]  }
0x167: {  	[sflag:s18] =	ssyncset.done @!p0 $0x0  }
0x168: {  	[sflag:s18] =	ssyncadd.s32 @!p0 $0xFFFFD800  }
0x169: {  	[spmem:s22] =	stream.linear.scatter @!p0 [tilespmem:s17], [sflag:$0x5], $0x2800, $0x38;
	[tilespmem:$0x1DA80] =	vst v63  }
0x16a: {  	_ =	swait.ge @!p0 [sflag:s18], $0x2800  }
0x16b: {  	[sflag:s18] =	ssyncset.done @!p0 $0x0  }
0x16c: {  	[sflag:s18] =	ssyncadd.s32 @!p0 $0xFFFFD800  }
0x16d: {  	[spmem:s31] =	stream.linear.scatter [tilespmem:s13], [sflag:$0x5], $0x2800, $0x38;
	[tilespmem:$0x1DA80] =	vst v63  }
0x16e: {  	_ =	swait.ge [sflag:s0], $0x2800  }
0x16f: {  	s22 =	sld [smem:$0x7F1]  }
0x170: {  	[sflag:s0] =	ssyncset.done $0x0  }
0x171: {  	[sflag:s0] =	ssyncadd.s32 $0xFFFFD800  }
0x172: {  	[spmem:s22] =	stream.linear.scatter [tilespmem:s13], [sflag:$0x5], $0x2800, $0x38;
	[tilespmem:$0x1DA80] =	vst v63  }
0x173: {  	_ =	swait.ge [sflag:s0], $0x2800  }
0x174: {  	[sflag:s0] =	ssyncset.done $0x0  }
0x175: {  	[sflag:s0] =	ssyncadd.s32 $0xFFFFD800  }
0x176: {  	[spmem:s24] =	stream.linear.scatter [tilespmem:s13], [sflag:$0x5], $0x2800, $0x38;
	[tilespmem:$0x1DA80] =	vst v63  }
0x177: {  	_ =	swait.ge [sflag:s0], $0x2800  }
0x178: {  	[sflag:s0] =	ssyncset.done $0x0  }
0x179: {  	[sflag:s0] =	ssyncadd.s32 $0xFFFFD800  }
0x17a: {  	[spmem:s7] =	stream.linear.scatter [tilespmem:s13], [sflag:$0x5], $0x2800, $0x38;
	[tilespmem:$0x1DA80] =	vst v63  }
0x17b: {  	_ =	swait.ge [sflag:s0], $0x2800  }
0x17c: {  	[sflag:s0] =	ssyncset.done $0x0  }
0x17d: {  	[sflag:s0] =	ssyncadd.s32 $0xFFFFD800  }
0x17e: {  	[spmem:s10] =	stream.linear.scatter [tilespmem:s13], [sflag:$0x5], $0x2800, $0x38;
	[tilespmem:$0x1DA80] =	vst v63  }
0x17f: {  	_ =	swait.ge [sflag:s0], $0x2800  }
0x180: {  	s7 =	simm.s32 $0x0;
	[sflag:s0] =	ssyncset.done $0x0  }
0x181: {  	s10 =	simm.s32 $0x200;
	s31 =	rddreg [dreg:$0x13];
	[sflag:s0] =	ssyncadd.s32 $0xFFFFD800  }
.LBB2_16:
0x182: {  	p1 =	sne.s32 s10, $0x9E00;
	[tilespmem:s7+$0x5270] =	vst v1  }
0x183: {  	[tilespmem:s7+$0x5200] =	vst v1  }
0x184: {  	[tilespmem:s7+$0x5210] =	vst v1  }
.Ltmp8:
0x185: {  	[tilespmem:s7+$0x5220] =	vst v1;
	(pc) =	sbr.rel @p1 .LBB2_16-.Ltmp8, $4  }
0x186: {  	[tilespmem:s7+$0x5230] =	vst v1  }
0x187: {  	[tilespmem:s7+$0x5240] =	vst v1  }
0x188: {  	[tilespmem:s7+$0x5250] =	vst v1  }
0x189: {  	[tilespmem:s7+$0x5260] =	vst v1;
	s7 =	sshra.s32 s10, $0x2;
	s10 =	sadd.s32 $0x200, s10  }
0x18a: {  	[tilespmem:s7+$0x5270] =	vst v1  }
0x18b: {  	[tilespmem:s7+$0x5200] =	vst v1  }
0x18c: {  	[tilespmem:s7+$0x5210] =	vst v1  }
0x18d: {  	[tilespmem:s7+$0x5220] =	vst v1  }
0x18e: {  	[tilespmem:s7+$0x5230] =	vst v1  }
0x18f: {  	[tilespmem:s7+$0x5240] =	vst v1  }
0x190: {  	[tilespmem:s7+$0x5250] =	vst v1  }
0x191: {  	[tilespmem:s7+$0x5260] =	vst v1  }
0x192: {  	[bflag:$0x0] =	sbarrier.arrive $0xFFFF  }
0x193: {  	[tilespmem:s1], [sflag:$0x1] =	stream.linear.gather [hbm4b:s31+s8], $0x50, $0x38;
	[tilespmem:$0x1DA80] =	vst v63  }
0x194: {  	_ =	swait.ge [sflag:s3], $0x50  }
0x195: {  	s24 =	sadd.s32 $0xFFFFFB28, s6;
	[sflag:s3] =	ssyncset.done $0x0  }
0x196: {  	s10 =	sadd.s32 $0x4E2, s24;
	[sflag:s3] =	ssyncadd.s32 $0xFFFFFFB0  }
0x197: {  	[tilespmem:s23], [sflag:$0x2] =	stream.linear.gather [hbm4b:s10+s8], $0x50, $0x38;
	[tilespmem:$0x1DA80] =	vst v63  }
0x198: {  	_ = 	snop  }
0x199: {  	[spmem:s16] =	stream.indirect.scatter.add.f32 [tilespmem:s2], [sflag:$0x6], $0x80, s1, s4, $0xb8;
	[tilespmem:$0x1DA80] =	vst v63  }
0x19a: {  	_ =	swait.ge [sflag:s29], $0x2800  }
0x19b: {  	[sflag:s29] =	ssyncset.done $0x0  }
0x19c: {  	[sflag:s29] =	ssyncadd.s32 $0xFFFFD800  }
0x19d: {  	_ =	swait.ge [sflag:s12], $0x50  }
0x19e: {  	[sflag:s12] =	ssyncset.done $0x0  }
0x19f: {  	s7 =	sadd.s32 $0x4EC, s24;
	[sflag:s12] =	ssyncadd.s32 $0xFFFFFFB0  }
0x1a0: {  	[tilespmem:s1], [sflag:$0x1] =	stream.linear.gather [hbm4b:s7+s8], $0x50, $0x38;
	[tilespmem:$0x1DA80] =	vst v63  }
0x1a1: {  	_ = 	snop  }
0x1a2: {  	[spmem:s16] =	stream.indirect.scatter.add.f32 [tilespmem:s2], [sflag:$0x5], $0x80, s23, s4, $0xb8;
	[tilespmem:$0x1DA80] =	vst v63  }
0x1a3: {  	_ =	swait.ge [sflag:s0], $0x2800  }
0x1a4: {  	s7 =	simm.s32 $0xFFFFFB3C;
	[sflag:s0] =	ssyncset.done $0x0  }
.LBB2_18:
0x1a5: {  	p1 =	sne.s32 s7, $0xFFFFFFEC  }
0x1a6: {  	[sflag:s0] =	ssyncadd.s32 $0xFFFFD800;
	s10 =	smov.u32 s7;
	s7 =	sadd.s32 $0x14, s7  }
0x1a7: {  	_ = 	snop  }
0x1a8: {  	_ =	swait.ge [sflag:s3], $0x50  }
0x1a9: {  	s10 =	sadd.s32 s10, s6;
	[sflag:s3] =	ssyncset.done $0x0  }
0x1aa: {  	s17 =	sadd.s32 $0x4E2, s10;
	[sflag:s3] =	ssyncadd.s32 $0xFFFFFFB0  }
0x1ab: {  	[tilespmem:s23], [sflag:$0x2] =	stream.linear.gather [hbm4b:s17+s8], $0x50, $0x38;
	[tilespmem:$0x1DA80] =	vst v63  }
0x1ac: {  	_ = 	snop  }
0x1ad: {  	[spmem:s16] =	stream.indirect.scatter.add.f32 [tilespmem:s2], [sflag:$0x6], $0x80, s1, s4, $0xb8;
	[tilespmem:$0x1DA80] =	vst v63  }
0x1ae: {  	_ =	swait.ge [sflag:s29], $0x2800  }
0x1af: {  	[sflag:s29] =	ssyncset.done $0x0  }
0x1b0: {  	[sflag:s29] =	ssyncadd.s32 $0xFFFFD800  }
0x1b1: {  	_ =	swait.ge [sflag:s12], $0x50  }
0x1b2: {  	[sflag:s12] =	ssyncset.done $0x0  }
0x1b3: {  	s10 =	sadd.s32 $0x4EC, s10;
	[sflag:s12] =	ssyncadd.s32 $0xFFFFFFB0  }
0x1b4: {  	[tilespmem:s1], [sflag:$0x1] =	stream.linear.gather [hbm4b:s10+s8], $0x50, $0x38;
	[tilespmem:$0x1DA80] =	vst v63  }
.Ltmp9:
0x1b5: {  	_ = 	snop;
	(pc) =	sbr.rel @p1 .LBB2_18-.Ltmp9, $4  }
0x1b6: {  	_ = 	snop  }
0x1b7: {  	[spmem:s16] =	stream.indirect.scatter.add.f32 [tilespmem:s2], [sflag:$0x5], $0x80, s23, s4, $0xb8;
	[tilespmem:$0x1DA80] =	vst v63  }
0x1b8: {  	_ =	swait.ge [sflag:s0], $0x2800  }
0x1b9: {  	[sflag:s0] =	ssyncset.done $0x0  }
0x1ba: {  	[sflag:s0] =	ssyncadd.s32 $0xFFFFD800  }
0x1bb: {  	_ =	swait.ge [sflag:s3], $0x50  }
0x1bc: {  	[sflag:s3] =	ssyncset.done $0x0  }
0x1bd: {  	[sflag:s3] =	ssyncadd.s32 $0xFFFFFFB0  }
0x1be: {  	[spmem:s16] =	stream.indirect.scatter.add.f32 [tilespmem:s2], [sflag:$0x6], $0x80, s1, s4, $0xb8;
	[tilespmem:$0x1DA80] =	vst v63  }
0x1bf: {  	_ =	swait.ge [sflag:s29], $0x2800  }
0x1c0: {  	[sflag:s29] =	ssyncset.done $0x0  }
0x1c1: {  	[sflag:s29] =	ssyncadd.s32 $0xFFFFD800  }
0x1c2: {  	[bflag:$0x0] =	sbarrier.arrive $0xFFFF  }
0x1c3: {  	s7 =	simm.s32 @p0 $0x200;
	s10 =	rddreg [dreg:$0x1b]  }
0x1c4: {  	[tilespmem:s7], [sflag:$0x5] =	stream.linear.gather @p0 [spmem:s10], $0x2800, $0x38;
	[tilespmem:$0x1DA80] =	vst v63  }
0x1c5: {  	s10 =	simm.s32 @p0 $0x5  }
0x1c6: {  	_ =	swait.ge @p0 [sflag:s10], $0x2800  }
0x1c7: {  	[sflag:s10] =	ssyncset.done @p0 $0x0  }
0x1c8: {  	s17 =	simm.s32 @p0 $0x0;
	s18 =	rddreg [dreg:$0x8];
	[sflag:s10] =	ssyncadd.s32 @p0 $0xFFFFD800  }
0x1c9: {  	[hbm4b:s18+s17] =	stream.linear.scatter @p0 [tilespmem:s7], [sflag:$0x5], $0x2800, $0x38;
	[tilespmem:$0x1DA80] =	vst v63  }
0x1ca: {  	_ =	swait.ge @p0 [sflag:s10], $0x2800  }
0x1cb: {  	[sflag:s10] =	ssyncset.done @p0 $0x0  }
0x1cc: {  	s18 =	rddreg [dreg:$0x1c];
	[sflag:s10] =	ssyncadd.s32 @p0 $0xFFFFD800  }
0x1cd: {  	[tilespmem:s7], [sflag:$0x5] =	stream.linear.gather @p0 [spmem:s18], $0x2800, $0x38;
	[tilespmem:$0x1DA80] =	vst v63  }
0x1ce: {  	_ =	swait.ge @p0 [sflag:s10], $0x2800  }
0x1cf: {  	[sflag:s10] =	ssyncset.done @p0 $0x0  }
0x1d0: {  	s18 =	rddreg [dreg:$0x9];
	[sflag:s10] =	ssyncadd.s32 @p0 $0xFFFFD800  }
0x1d1: {  	[hbm4b:s18+s17] =	stream.linear.scatter @p0 [tilespmem:s7], [sflag:$0x5], $0x2800, $0x38;
	[tilespmem:$0x1DA80] =	vst v63  }
0x1d2: {  	_ =	swait.ge @p0 [sflag:s10], $0x2800  }
0x1d3: {  	[sflag:s10] =	ssyncset.done @p0 $0x0  }
0x1d4: {  	s18 =	rddreg [dreg:$0x1d];
	[sflag:s10] =	ssyncadd.s32 @p0 $0xFFFFD800  }
0x1d5: {  	[tilespmem:s7], [sflag:$0x5] =	stream.linear.gather @p0 [spmem:s18], $0x1400, $0x38;
	[tilespmem:$0x1DA80] =	vst v63  }
0x1d6: {  	_ =	swait.ge @p0 [sflag:s10], $0x1400  }
0x1d7: {  	[sflag:s10] =	ssyncset.done @p0 $0x0  }
0x1d8: {  	s18 =	rddreg [dreg:$0xa];
	[sflag:s10] =	ssyncadd.s32 @p0 $0xFFFFEC00  }
0x1d9: {  	[hbm4b:s18+s17] =	stream.linear.scatter @p0 [tilespmem:s7], [sflag:$0x5], $0x1400, $0x38;
	[tilespmem:$0x1DA80] =	vst v63  }
0x1da: {  	_ =	swait.ge @p0 [sflag:s10], $0x1400  }
0x1db: {  	[sflag:s10] =	ssyncset.done @p0 $0x0  }
0x1dc: {  	s7 =	simm.s32 @!p0 $0x200;
	[sflag:s10] =	ssyncadd.s32 @p0 $0xFFFFEC00;
	s10 =	rddreg [dreg:$0x17]  }
0x1dd: {  	[tilespmem:s7], [sflag:$0x5] =	stream.linear.gather @!p0 [spmem:s10], $0x2800, $0x38;
	[tilespmem:$0x1DA80] =	vst v63  }
0x1de: {  	s10 =	simm.s32 @!p0 $0x5  }
0x1df: {  	_ =	swait.ge @!p0 [sflag:s10], $0x2800  }
0x1e0: {  	[sflag:s10] =	ssyncset.done @!p0 $0x0  }
0x1e1: {  	s17 =	simm.s32 @!p0 $0x0;
	s18 =	rddreg [dreg:$0x4];
	[sflag:s10] =	ssyncadd.s32 @!p0 $0xFFFFD800  }
0x1e2: {  	[hbm4b:s18+s17] =	stream.linear.scatter @!p0 [tilespmem:s7], [sflag:$0x5], $0x2800, $0x38;
	[tilespmem:$0x1DA80] =	vst v63  }
0x1e3: {  	_ =	swait.ge @!p0 [sflag:s10], $0x2800  }
0x1e4: {  	[sflag:s10] =	ssyncset.done @!p0 $0x0  }
0x1e5: {  	s18 =	rddreg [dreg:$0x18];
	[sflag:s10] =	ssyncadd.s32 @!p0 $0xFFFFD800  }
0x1e6: {  	[tilespmem:s7], [sflag:$0x5] =	stream.linear.gather @!p0 [spmem:s18], $0x2800, $0x38;
	[tilespmem:$0x1DA80] =	vst v63  }
0x1e7: {  	_ =	swait.ge @!p0 [sflag:s10], $0x2800  }
0x1e8: {  	[sflag:s10] =	ssyncset.done @!p0 $0x0  }
0x1e9: {  	s18 =	rddreg [dreg:$0x5];
	[sflag:s10] =	ssyncadd.s32 @!p0 $0xFFFFD800  }
0x1ea: {  	[hbm4b:s18+s17] =	stream.linear.scatter @!p0 [tilespmem:s7], [sflag:$0x5], $0x2800, $0x38;
	[tilespmem:$0x1DA80] =	vst v63  }
0x1eb: {  	_ =	swait.ge @!p0 [sflag:s10], $0x2800  }
0x1ec: {  	[sflag:s10] =	ssyncset.done @!p0 $0x0  }
0x1ed: {  	s18 =	rddreg [dreg:$0x19];
	[sflag:s10] =	ssyncadd.s32 @!p0 $0xFFFFD800  }
0x1ee: {  	[tilespmem:s7], [sflag:$0x5] =	stream.linear.gather @!p0 [spmem:s18], $0x2800, $0x38;
	[tilespmem:$0x1DA80] =	vst v63  }
0x1ef: {  	_ =	swait.ge @!p0 [sflag:s10], $0x2800  }
0x1f0: {  	[sflag:s10] =	ssyncset.done @!p0 $0x0  }
0x1f1: {  	s18 =	rddreg [dreg:$0x6];
	[sflag:s10] =	ssyncadd.s32 @!p0 $0xFFFFD800  }
0x1f2: {  	[hbm4b:s18+s17] =	stream.linear.scatter @!p0 [tilespmem:s7], [sflag:$0x5], $0x2800, $0x38;
	[tilespmem:$0x1DA80] =	vst v63  }
0x1f3: {  	_ =	swait.ge @!p0 [sflag:s10], $0x2800  }
0x1f4: {  	[sflag:s10] =	ssyncset.done @!p0 $0x0  }
0x1f5: {  	s18 =	rddreg [dreg:$0x1a];
	[sflag:s10] =	ssyncadd.s32 @!p0 $0xFFFFD800  }
0x1f6: {  	[tilespmem:s7], [sflag:$0x5] =	stream.linear.gather @!p0 [spmem:s18], $0x2800, $0x38;
	[tilespmem:$0x1DA80] =	vst v63  }
0x1f7: {  	_ =	swait.ge @!p0 [sflag:s10], $0x2800  }
0x1f8: {  	[sflag:s10] =	ssyncset.done @!p0 $0x0  }
0x1f9: {  	s18 =	rddreg [dreg:$0x7];
	[sflag:s10] =	ssyncadd.s32 @!p0 $0xFFFFD800  }
0x1fa: {  	[hbm4b:s18+s17] =	stream.linear.scatter @!p0 [tilespmem:s7], [sflag:$0x5], $0x2800, $0x38;
	[tilespmem:$0x1DA80] =	vst v63  }
0x1fb: {  	_ =	swait.ge @!p0 [sflag:s10], $0x2800  }
0x1fc: {  	s22 =	sld [smem:$0x7F2];
	_ =	sdelay $0x2  }
0x1fd: {  	s24 =	rddreg [dreg:$0x1e];
	s17 =	sadd.s32 $0x1, s22  }
0x1fe: {  	p1 =	sne.s32 s17, s24  }
.Ltmp10:
0x1ff: {  	_ = 	snop;
	(pc) =	sbr.rel @p1 .LBB2_1-.Ltmp10, $3  }
0x200: {  	_ =	sdelay $0x1  }
0x201: {  	[sflag:s10] =	ssyncset.done @!p0 $0x0  }
0x202: {  	[sflag:s10] =	ssyncadd.s32 @!p0 $0xFFFFD800  }
0x203: {  	_ =	sfence.sel $0x180000  }
0x204: {  	[bflag:$0x0] =	sbarrier.arrive $0xFFFF  }
0x205: {  	_ =	strace $0x90000047  }
0x206: {  	s0 =	stileid.u32;
	[bflag:$0x2] =	sbarrier.arrive $0xFFFF  }
0x207: {  	p0 =	sne.s32 s0, $0x0;
	s0 =	rddreg [dreg:$0x3]  }
0x208: {  	s0 =	sadd.s32 @!p0 $0x100000, s0  }
0x209: {  	[sflag:s0] =	ssyncadd.tile.s32 @!p0 $0x1;
	_ =	shalt  }
.Lfunc_end2:
_tile_overlayer_lowered:
.L_overlay_start_2:
0x20a: {  	(tag) =	ssettag $0x2  }
0x20b: {  	s0 =	rddreg [dreg:$0x0];
	s2 =	stileid.u32  }
0x20c: {  	s1 =	rddreg [dreg:$0x1];
	p0 =	sne.s32 s2, $0x0  }
0x20d: {  	s3 =	rddreg [dreg:$0x2];
	[bflag:$0x3] =	sbarrier.arrive $0xFFFF;
	s2 =	simm.s32 @!p0 $0x1C05  }
0x20e: {  	[timem:s3], [sflag:s2] =	dma.local @!p0 [hbm:s0], s1  }
0x20f: {  	s0 =	simm.s32 @!p0 $0x5  }
0x210: {  	_ =	swait.ge @!p0 [sflag:s0], s1  }
0x211: {  	s1 =	ssub.s32 @!p0 $0x0, s1;
	[sflag:s0] =	ssyncset.done @!p0 $0x0  }
0x212: {  	[sflag:s0] =	ssyncadd.s32 @!p0 s1  }
0x213: {  	[bflag:$0x3] =	sbarrier.arrive $0xFFFF  }
0x214: {  	_ =	shalt  }

</sc_bundles>
